<compile_context>
chip_gen: v7x
topology: tpu7x:2x2x1
jax: 0.10.2.dev20260603
libtpu: 0.0.44.dev20260713+nightly
codegen_flags: <defaults>
</compile_context>

<pallas_src>
import functools

import jax
import jax.numpy as jnp
from jax import lax
from jax.experimental import pallas as pl
from jax.experimental.pallas import tpu as pltpu
import jax.experimental.pallas.tpu_sc as plsc

N = 10000
E = 320000
NUM_REL = 2
COMMON = 64
EMB = 128
HALF = EMB // 2

NC = 2
NS = 16
CH = 128
OUTER = 16
EPAD = 327680
NCHUNK = EPAD // (NS * CH)
NOUTER = NCHUNK // OUTER
AROWS = 20480
ACC = 40960
PAROFF = 20000
NPAD = 10240
XROWS = NPAD // NS
ZROWS = ACC // NS
CROWS = AROWS // NS
HROWS = AROWS // 128
RBLK = 2000


def _lrelu(z):
    return jnp.where(z >= 0, z, 0.01 * z)



def _make_sc_agg(do_counts):
    a_type = jax.ShapeDtypeStruct((NC, AROWS, HALF), jnp.float32)
    if do_counts:
        out_types = [a_type,
                     jax.ShapeDtypeStruct((AROWS, 16), jnp.float32)]
    else:
        out_types = a_type
    mesh = plsc.VectorSubcoreMesh(core_axis_name="c", subcore_axis_name="s")

    @functools.partial(
        pl.kernel,
        out_type=out_types,
        mesh=mesh,
        compiler_params=pltpu.CompilerParams(use_tc_tiling_on_sc=False),
        scratch_types=[
            pltpu.VMEM((2, OUTER, CH), jnp.int32),
            pltpu.VMEM((2, OUTER, CH), jnp.int32),
            pltpu.VMEM((CH, HALF), jnp.float32),
            pltpu.VMEM((CH, HALF), jnp.float32),
            pltpu.VMEM((CH, 16), jnp.float32),
            pltpu.VMEM_SHARED((AROWS, HALF), jnp.float32),
            pltpu.VMEM_SHARED((AROWS, 16), jnp.float32),
            pltpu.SemaphoreType.DMA,
            pltpu.SemaphoreType.DMA,
            pltpu.SemaphoreType.DMA,
            pltpu.SemaphoreType.DMA,
            pltpu.SemaphoreType.DMA,
            pltpu.SemaphoreType.DMA,
        ],
    )
    def sc_agg(x_lo, x_hi, src2d, comb2d, z_rows, z_c, ones_in, *rest):
        if do_counts:
            (a_out, cnt_out, src_v, comb_v, rows_a, rows_b, ones_v,
             acc_sh, c_sh, gsem0, gsem1, ssem0, ssem1, csem, isem) = rest
        else:
            (a_out, src_v, comb_v, rows_a, rows_b, ones_v,
             acc_sh, c_sh, gsem0, gsem1, ssem0, ssem1, csem, isem) = rest
        cid = lax.axis_index("c")
        sid = lax.axis_index("s")

        pltpu.sync_copy(z_rows, acc_sh.at[pl.ds(sid * CROWS, CROWS)])
        if do_counts:
            @pl.when(cid == 0)
            def _():
                pltpu.sync_copy(z_c, c_sh.at[pl.ds(sid * CROWS, CROWS)])
                pltpu.sync_copy(ones_in, ones_v)
        plsc.subcore_barrier()

        bufs = (rows_a, rows_b)
        gsems = (gsem0, gsem1)
        ssems = (ssem0, ssem1)

        def idx_start(o, bi):
            rb = sid * NCHUNK + o * OUTER
            pltpu.async_copy(src2d.at[pl.ds(rb, OUTER)], src_v.at[bi], isem)
            pltpu.async_copy(comb2d.at[pl.ds(rb, OUTER)], comb_v.at[bi], isem)

        def idx_wait():
            pltpu.make_async_copy(src2d.at[pl.ds(0, OUTER)], src_v.at[0],
                                  isem).wait()
            pltpu.make_async_copy(comb2d.at[pl.ds(0, OUTER)], comb_v.at[0],
                                  isem).wait()

        idx_start(0, 0)
        idx_wait()

        def outer_body(o, _):
            bi = lax.rem(o, 2)
            @pl.when(o + 1 < NOUTER)
            def _():
                idx_start(o + 1, 1 - bi)

            def gstart(j, b):
                @pl.when(cid == 0)
                def _():
                    pltpu.async_copy(x_lo.at[src_v.at[bi, j]], bufs[b],
                                     gsems[b])
                @pl.when(cid == 1)
                def _():
                    pltpu.async_copy(x_hi.at[src_v.at[bi, j]], bufs[b],
                                     gsems[b])

            gstart(0, 0)
            for j in range(OUTER):
                b = j & 1
                pltpu.make_async_copy(x_lo.at[src_v.at[bi, j]], bufs[b],
                                      gsems[b]).wait()
                pltpu.async_copy(bufs[b], acc_sh.at[comb_v.at[bi, j]],
                                 ssems[b], add=True)
                if do_counts:
                    @pl.when(cid == 0)
                    def _():
                        pltpu.async_copy(ones_v, c_sh.at[comb_v.at[bi, j]],
                                         csem, add=True)
                if j + 1 < OUTER:
                    if j >= 1:
                        pltpu.make_async_copy(
                            bufs[1 - b], acc_sh.at[comb_v.at[bi, j - 1]],
                            ssems[1 - b]).wait()
                    gstart(j + 1, 1 - b)
            pltpu.make_async_copy(bufs[0], acc_sh.at[comb_v.at[bi, OUTER - 2]],
                                  ssems[0]).wait()
            pltpu.make_async_copy(bufs[1], acc_sh.at[comb_v.at[bi, OUTER - 1]],
                                  ssems[1]).wait()
            if do_counts:
                @pl.when(cid == 0)
                def _():
                    for j in range(OUTER):
                        pltpu.make_async_copy(
                            ones_v, c_sh.at[comb_v.at[bi, j]], csem).wait()
            @pl.when(o + 1 < NOUTER)
            def _():
                idx_wait()
            return 0
        lax.fori_loop(0, NOUTER, outer_body, 0)

        plsc.subcore_barrier()
        pltpu.sync_copy(acc_sh.at[pl.ds(sid * CROWS, CROWS)],
                        a_out.at[cid, pl.ds(sid * CROWS, CROWS)])
        if do_counts:
            @pl.when(cid == 0)
            def _():
                pltpu.sync_copy(c_sh.at[pl.ds(sid * CROWS, CROWS)],
                                cnt_out.at[pl.ds(sid * CROWS, CROWS)])

    return sc_agg


_sc_cache = {}


def _get_sc_agg(do_counts):
    if do_counts not in _sc_cache:
        _sc_cache[do_counts] = _make_sc_agg(do_counts)
    return _sc_cache[do_counts]



def _comb_body(d_r, e_r, o_r):
    o_r[...] = d_r[...] + N * e_r[...]


def _k1_body(des_r, tweet_r, num_r, cat_r, new_r,
             wd_r, bd_r, wt_r, bt_r, wn_r, bn_r, wc_r, bc_r, wnf_r, bnf_r,
             aw_r, win_r, bin_r, out_r):
    d = _lrelu(jnp.dot(des_r[...], wd_r[...],
                       preferred_element_type=jnp.float32) + bd_r[...])
    t = _lrelu(jnp.dot(tweet_r[...], wt_r[...],
                       preferred_element_type=jnp.float32) + bt_r[...])
    n = _lrelu(jnp.dot(num_r[...], wn_r[...],
                       preferred_element_type=jnp.float32) + bn_r[...])
    c = _lrelu(jnp.dot(cat_r[...], wc_r[...],
                       preferred_element_type=jnp.float32) + bc_r[...])
    nf = _lrelu(jnp.dot(new_r[...], wnf_r[...],
                        preferred_element_type=jnp.float32) + bnf_r[...])
    aw = aw_r[...]
    ew = jnp.exp(aw - jnp.max(aw))
    w = ew / jnp.sum(ew)
    fused = (w[0, 0] * d + w[1, 0] * t + w[2, 0] * n
             + w[3, 0] * c + w[4, 0] * nf)
    x = _lrelu(jnp.dot(fused, win_r[...],
                       preferred_element_type=jnp.float32) + bin_r[...])
    out_r[0] = x[:, :HALF]
    out_r[1] = x[:, HALF:]


def _combine(xb_r, a0_r, a1_r, cnt_r, relw_r, rootw_r, rgcnb_r):
    x = jnp.concatenate([xb_r[0], xb_r[1]], axis=1)
    a0 = jnp.concatenate([a0_r[0], a0_r[1]], axis=1)
    a1 = jnp.concatenate([a1_r[0], a1_r[1]], axis=1)
    csum = cnt_r[...]
    c0 = jnp.clip(csum[:, 0:1], 1.0, None)
    c1 = jnp.clip(csum[:, 1:2], 1.0, None)
    out = jnp.dot(x, rootw_r[...], preferred_element_type=jnp.float32)
    out = out + rgcnb_r[...]
    out = out + jnp.dot(a0, relw_r[0], preferred_element_type=jnp.float32) / c0
    out = out + jnp.dot(a1, relw_r[1], preferred_element_type=jnp.float32) / c1
    return out


def _k2_body(xb_r, a0_r, a1_r, cnt_r, relw_r, rootw_r, rgcnb_r, out_r):
    out = _combine(xb_r, a0_r, a1_r, cnt_r, relw_r, rootw_r, rgcnb_r)
    out_r[0] = out[:, :HALF]
    out_r[1] = out[:, HALF:]


def _k3_body(xb_r, a0_r, a1_r, cnt_r, relw_r, rootw_r, rgcnb_r,
             wo1_r, bo1_r, wo2_r, bo2_r, out_r):
    out = _combine(xb_r, a0_r, a1_r, cnt_r, relw_r, rootw_r, rgcnb_r)
    h = _lrelu(jnp.dot(out, wo1_r[...], preferred_element_type=jnp.float32)
               + bo1_r[...])
    out_r[...] = jnp.dot(h, wo2_r[...],
                         preferred_element_type=jnp.float32) + bo2_r[...]


def _full(shape):
    return pl.BlockSpec(shape, lambda i: tuple(0 for _ in shape))


def _rows(shape, dim=0):
    def imap(i):
        idx = [0] * len(shape)
        idx[dim] = i
        return tuple(idx)
    return pl.BlockSpec(shape, imap)



def kernel(des, tweet, num_prop, cat_prop, new_feature, edge_index, edge_type,
           W_des, b_des, W_tweet, b_tweet, W_num, b_num, W_cat, b_cat,
           W_new, b_new, attn_w, W_in, b_in, rel_w, root_w, rgcn_b,
           W_o1, b_o1, W_o2, b_o2):
    grid = (N // RBLK,)

    xb0 = pl.pallas_call(
        _k1_body,
        grid=grid,
        in_specs=[
            _rows((RBLK, 768)), _rows((RBLK, 768)),
            _rows((RBLK, 7)), _rows((RBLK, 3)), _rows((RBLK, 1)),
            _full((768, COMMON)), _full((1, COMMON)),
            _full((768, COMMON)), _full((1, COMMON)),
            _full((7, COMMON)), _full((1, COMMON)),
            _full((3, COMMON)), _full((1, COMMON)),
            _full((1, COMMON)), _full((1, COMMON)),
            _full((5, 1)),
            _full((COMMON, EMB)), _full((1, EMB)),
        ],
        out_specs=_rows((NC, RBLK, HALF), dim=1),
        out_shape=jax.ShapeDtypeStruct((NC, N, HALF), jnp.float32),
    )(des, tweet, num_prop, cat_prop, new_feature,
      W_des, b_des.reshape(1, -1), W_tweet, b_tweet.reshape(1, -1),
      W_num, b_num.reshape(1, -1), W_cat, b_cat.reshape(1, -1),
      W_new, b_new.reshape(1, -1), attn_w, W_in, b_in.reshape(1, -1))

    src = edge_index[0].astype(jnp.int32)
    dst = edge_index[1].astype(jnp.int32)
    et = edge_type.astype(jnp.int32)
    pad = EPAD - E
    src2d = jnp.concatenate([src, jnp.zeros((pad,), jnp.int32)]).reshape(-1, CH)
    dst2d = jnp.concatenate([dst, jnp.zeros((pad,), jnp.int32)]).reshape(-1, CH)
    et2d = jnp.concatenate(
        [et, jnp.full((pad,), NUM_REL, jnp.int32)]).reshape(-1, CH)
    z_rows = jnp.zeros((CROWS, HALF), jnp.float32)
    z_c = jnp.zeros((CROWS, 16), jnp.float32)
    ones_in = jnp.ones((CH, 16), jnp.float32)

    comb2d = pl.pallas_call(
        _comb_body,
        out_shape=jax.ShapeDtypeStruct((EPAD // CH, CH), jnp.int32),
    )(dst2d, et2d)

    a1_out, cnt_out = _get_sc_agg(True)(
        xb0[0], xb0[1], src2d, comb2d, z_rows, z_c, ones_in)
    cnt = cnt_out[:2 * N, 0].reshape(NUM_REL, N).T

    nb = N // RBLK
    relw_specs = [
        pl.BlockSpec((NC, RBLK, HALF), lambda i: (0, i, 0)),
        pl.BlockSpec((NC, RBLK, HALF), lambda i: (0, i, 0)),
        pl.BlockSpec((NC, RBLK, HALF), lambda i: (0, i + nb, 0)),
        pl.BlockSpec((RBLK, NUM_REL), lambda i: (i, 0)),
        _full((NUM_REL, EMB, EMB)), _full((EMB, EMB)), _full((1, EMB)),
    ]

    xb1 = pl.pallas_call(
        _k2_body,
        grid=grid,
        in_specs=relw_specs,
        out_specs=pl.BlockSpec((NC, RBLK, HALF), lambda i: (0, i, 0)),
        out_shape=jax.ShapeDtypeStruct((NC, N, HALF), jnp.float32),
    )(xb0, a1_out, a1_out, cnt, rel_w, root_w, rgcn_b.reshape(1, -1))

    a2_out = _get_sc_agg(False)(
        xb1[0], xb1[1], src2d, comb2d, z_rows, z_c, ones_in)

    out = pl.pallas_call(
        _k3_body,
        grid=grid,
        in_specs=relw_specs + [
            _full((EMB, EMB)), _full((1, EMB)),
            _full((EMB, 2)), _full((1, 2)),
        ],
        out_specs=_rows((RBLK, 2)),
        out_shape=jax.ShapeDtypeStruct((N, 2), jnp.float32),
    )(xb1, a2_out, a2_out, cnt, rel_w, root_w, rgcn_b.reshape(1, -1),
      W_o1, b_o1.reshape(1, -1), W_o2, b_o2.reshape(1, -1))
    return out

# --- scband reference (transcript-rebuilt; emitter-appended) ---
"""Pipeline reference for scband-esabot-rgcnwith-attention-32590211842595 (READ-ONLY COPY).

The authoritative reference and input builder live on the scoring server;
editing this copy changes nothing except your own understanding.
"""

import jax, jax.numpy as jnp
import numpy as np

N_NODES = 10000
N_EDGES = 320000
NUM_REL = 2
COMMON = 64
EMB = 128


def _lrelu(z):
    return jax.nn.leaky_relu(z, negative_slope=0.01)


def _rgcn_conv(x, edge_index, edge_type, rel_w, root_w, rgcn_b):
    # PyG RGCNConv with aggr='mean' (default), root_weight=True, bias=True
    src = edge_index[0]
    dst = edge_index[1]
    n = x.shape[0]
    out = x @ root_w + rgcn_b
    for r in range(NUM_REL):
        m = (edge_type == r).astype(x.dtype)
        msg = (x[src] @ rel_w[r]) * m[:, None]
        s = jax.ops.segment_sum(msg, dst, num_segments=n)
        cnt = jax.ops.segment_sum(m, dst, num_segments=n)
        out = out + s / jnp.clip(cnt, 1.0, None)[:, None]
    return out


def setup_inputs(seed: int = 0):
    key = jax.random.key(seed)
    ks = jax.random.split(key, 30)
    inp = {}
    inp['des'] = jax.random.normal(ks[0], (N_NODES, 768), dtype=jnp.float32)
    inp['tweet'] = jax.random.normal(ks[1], (N_NODES, 768), dtype=jnp.float32)
    inp['num_prop'] = jax.random.normal(ks[2], (N_NODES, 7), dtype=jnp.float32)
    inp['cat_prop'] = jax.random.normal(ks[3], (N_NODES, 3), dtype=jnp.float32)
    inp['new_feature'] = jax.random.normal(ks[4], (N_NODES, 1), dtype=jnp.float32)
    inp['edge_index'] = jax.random.randint(ks[5], (2, N_EDGES), 0, N_NODES)
    inp['edge_type'] = jax.random.randint(ks[6], (N_EDGES,), 0, NUM_REL)
    # parameters
    inp['W_des'] = jax.random.normal(ks[7], (768, COMMON), dtype=jnp.float32) * 0.05
    inp['b_des'] = jnp.zeros((COMMON,), dtype=jnp.float32)
    inp['W_tweet'] = jax.random.normal(ks[8], (768, COMMON), dtype=jnp.float32) * 0.05
    inp['b_tweet'] = jnp.zeros((COMMON,), dtype=jnp.float32)
    inp['W_num'] = jax.random.normal(ks[9], (7, COMMON), dtype=jnp.float32) * 0.3
    inp['b_num'] = jnp.zeros((COMMON,), dtype=jnp.float32)
    inp['W_cat'] = jax.random.normal(ks[10], (3, COMMON), dtype=jnp.float32) * 0.3
    inp['b_cat'] = jnp.zeros((COMMON,), dtype=jnp.float32)
    inp['W_new'] = jax.random.normal(ks[11], (1, COMMON), dtype=jnp.float32) * 0.3
    inp['b_new'] = jnp.zeros((COMMON,), dtype=jnp.float32)
    inp['attn_w'] = jax.random.normal(ks[12], (5, 1), dtype=jnp.float32) * 0.5
    inp['W_in'] = jax.random.normal(ks[13], (COMMON, EMB), dtype=jnp.float32) * 0.1
    inp['b_in'] = jnp.zeros((EMB,), dtype=jnp.float32)
    inp['rel_w'] = jax.random.normal(ks[14], (NUM_REL, EMB, EMB), dtype=jnp.float32) * 0.08
    inp['root_w'] = jax.random.normal(ks[15], (EMB, EMB), dtype=jnp.float32) * 0.08
    inp['rgcn_b'] = jnp.zeros((EMB,), dtype=jnp.float32)
    inp['W_o1'] = jax.random.normal(ks[16], (EMB, EMB), dtype=jnp.float32) * 0.08
    inp['b_o1'] = jnp.zeros((EMB,), dtype=jnp.float32)
    inp['W_o2'] = jax.random.normal(ks[17], (EMB, 2), dtype=jnp.float32) * 0.08
    inp['b_o2'] = jnp.zeros((2,), dtype=jnp.float32)
    return inp


def reference(des, tweet, num_prop, cat_prop, new_feature, edge_index, edge_type,
              W_des, b_des, W_tweet, b_tweet, W_num, b_num, W_cat, b_cat,
              W_new, b_new, attn_w, W_in, b_in, rel_w, root_w, rgcn_b,
              W_o1, b_o1, W_o2, b_o2):
    d = _lrelu(des @ W_des + b_des)
    t = _lrelu(tweet @ W_tweet + b_tweet)
    n = _lrelu(num_prop @ W_num + b_num)
    c = _lrelu(cat_prop @ W_cat + b_cat)
    nf = _lrelu(new_feature @ W_new + b_new)
    stacked = jnp.stack([d, t, n, c, nf], axis=0)  # [5, N, common]
    w = jax.nn.softmax(attn_w, axis=0)[:, None, :]  # [5, 1, 1]
    fused = jnp.sum(w * stacked, axis=0)
    x = _lrelu(fused @ W_in + b_in)
    x = _rgcn_conv(x, edge_index, edge_type, rel_w, root_w, rgcn_b)
    # dropout is identity in eval mode
    x = _rgcn_conv(x, edge_index, edge_type, rel_w, root_w, rgcn_b)
    x = _lrelu(x @ W_o1 + b_o1)
    x = x @ W_o2 + b_o2
    return x


if False:  # reference __main__ guard neutralized (emitter)
    out = reference(**setup_inputs())
    print(out.shape, out.dtype)

if __name__ == "__main__":
    import jax
    _d = setup_inputs()
    print(jax.jit(kernel)(*tuple(_d.values())))

</pallas_src>

<mosaic_0001>
#map = affine_map<(d0, d1) -> (0, 0)>
#map1 = affine_map<(d0, d1) -> (0, 0, 0)>
module attributes {stable_mosaic.version = 14 : i64} {
  func.func @sc_agg(%arg0: i32, %arg1: i32, %arg2: memref<10000x64xf32, #tpu.memory_space<hbm>>, %arg3: memref<10000x64xf32, #tpu.memory_space<hbm>>, %arg4: memref<2560x128xi32, #tpu.memory_space<hbm>>, %arg5: memref<2560x128xi32, #tpu.memory_space<hbm>>, %arg6: memref<1280x64xf32, #tpu.memory_space<hbm>>, %arg7: memref<1280x16xf32, #tpu.memory_space<hbm>>, %arg8: memref<128x16xf32, #tpu.memory_space<hbm>>, %arg9: memref<2x20480x64xf32, #tpu.memory_space<hbm>>, %arg10: memref<20480x16xf32, #tpu.memory_space<hbm>>, %arg11: memref<2x16x128xi32, #tpu.memory_space<vmem>>, %arg12: memref<2x16x128xi32, #tpu.memory_space<vmem>>, %arg13: memref<128x64xf32, #tpu.memory_space<vmem>>, %arg14: memref<128x64xf32, #tpu.memory_space<vmem>>, %arg15: memref<128x16xf32, #tpu.memory_space<vmem>>, %arg16: memref<20480x64xf32, #tpu.memory_space<vmem_shared>>, %arg17: memref<20480x16xf32, #tpu.memory_space<vmem_shared>>, %arg18: memref<!tpu.dma_semaphore, #tpu.memory_space<semaphore_mem>>, %arg19: memref<!tpu.dma_semaphore, #tpu.memory_space<semaphore_mem>>, %arg20: memref<!tpu.dma_semaphore, #tpu.memory_space<semaphore_mem>>, %arg21: memref<!tpu.dma_semaphore, #tpu.memory_space<semaphore_mem>>, %arg22: memref<!tpu.dma_semaphore, #tpu.memory_space<semaphore_mem>>, %arg23: memref<!tpu.dma_semaphore, #tpu.memory_space<semaphore_mem>>) attributes {dimension_semantics = [#tpu.dimension_semantics<core_parallel>, #tpu.dimension_semantics<subcore_parallel>], iteration_bounds = array<i64: 2, 16>, scalar_prefetch = 0 : i64, scratch_operands = 13 : i64, tpu.core_type = #tpu.core_type<sc_vector_subcore>, window_params = [{transform_indices = #map}, {transform_indices = #map}, {transform_indices = #map}, {transform_indices = #map}, {transform_indices = #map}, {transform_indices = #map}, {transform_indices = #map}, {transform_indices = #map1}, {transform_indices = #map}]} {
    %mul3A = arith.constant 1280 : i32
    %mul3A_0 = arith.muli %arg1, %mul3A : i32
    "tpu.region"() ({
      %run_scoped3A = tpu.sem_alloc : memref<!tpu.dma_semaphore, #tpu.memory_space<semaphore_mem>>
      %dma_start3A_76 = arith.constant 0 : i32
      %dma_start3A_77 = tpu.memref_slice %arg16[%mul3A_0, %dma_start3A_76] : memref<20480x64xf32, #tpu.memory_space<vmem_shared>> -> memref<1280x64xf32, #tpu.memory_space<vmem_shared>>
      tpu.enqueue_dma source(%arg6 : memref<1280x64xf32, #tpu.memory_space<hbm>>) target(%dma_start3A_77 : memref<1280x64xf32, #tpu.memory_space<vmem_shared>>) target_semaphore(%run_scoped3A : memref<!tpu.dma_semaphore, #tpu.memory_space<semaphore_mem>>)
      %dma_wait3A_78 = arith.constant 0 : i32
      %dma_wait3A_79 = tpu.memref_slice %arg16[%mul3A_0, %dma_wait3A_78] : memref<20480x64xf32, #tpu.memory_space<vmem_shared>> -> memref<1280x64xf32, #tpu.memory_space<vmem_shared>>
      tpu.wait_dma2 semaphore(%run_scoped3A : memref<!tpu.dma_semaphore, #tpu.memory_space<semaphore_mem>>) src(%arg6 : memref<1280x64xf32, #tpu.memory_space<hbm>>) dst(%dma_wait3A_79 : memref<1280x64xf32, #tpu.memory_space<vmem_shared>>)
      tpu.yield
    }) : () -> ()
    %eq3A = arith.constant 0 : i32
    %eq3A_1 = arith.cmpi eq, %arg0, %eq3A : i32
    %convert_element_type3A = arith.extui %eq3A_1 : i1 to i32
    %cond3A = arith.constant 0 : i32
    %cond3A_2 = arith.cmpi ne, %convert_element_type3A, %cond3A : i32
    scf.if %cond3A_2 {
      %mul3A_76 = arith.constant 1280 : i32
      %mul3A_77 = arith.muli %arg1, %mul3A_76 : i32
      "tpu.region"() ({
        %run_scoped3A = tpu.sem_alloc : memref<!tpu.dma_semaphore, #tpu.memory_space<semaphore_mem>>
        %dma_start3A_78 = arith.constant 0 : i32
        %dma_start3A_79 = tpu.memref_slice %arg17[%mul3A_77, %dma_start3A_78] : memref<20480x16xf32, #tpu.memory_space<vmem_shared>> -> memref<1280x16xf32, #tpu.memory_space<vmem_shared>>
        tpu.enqueue_dma source(%arg7 : memref<1280x16xf32, #tpu.memory_space<hbm>>) target(%dma_start3A_79 : memref<1280x16xf32, #tpu.memory_space<vmem_shared>>) target_semaphore(%run_scoped3A : memref<!tpu.dma_semaphore, #tpu.memory_space<semaphore_mem>>)
        %dma_wait3A_80 = arith.constant 0 : i32
        %dma_wait3A_81 = tpu.memref_slice %arg17[%mul3A_77, %dma_wait3A_80] : memref<20480x16xf32, #tpu.memory_space<vmem_shared>> -> memref<1280x16xf32, #tpu.memory_space<vmem_shared>>
        tpu.wait_dma2 semaphore(%run_scoped3A : memref<!tpu.dma_semaphore, #tpu.memory_space<semaphore_mem>>) src(%arg7 : memref<1280x16xf32, #tpu.memory_space<hbm>>) dst(%dma_wait3A_81 : memref<1280x16xf32, #tpu.memory_space<vmem_shared>>)
        tpu.yield
      }) : () -> ()
      "tpu.region"() ({
        %run_scoped3A = tpu.sem_alloc : memref<!tpu.dma_semaphore, #tpu.memory_space<semaphore_mem>>
        tpu.enqueue_dma source(%arg8 : memref<128x16xf32, #tpu.memory_space<hbm>>) target(%arg15 : memref<128x16xf32, #tpu.memory_space<vmem>>) target_semaphore(%run_scoped3A : memref<!tpu.dma_semaphore, #tpu.memory_space<semaphore_mem>>)
        tpu.wait_dma2 semaphore(%run_scoped3A : memref<!tpu.dma_semaphore, #tpu.memory_space<semaphore_mem>>) src(%arg8 : memref<128x16xf32, #tpu.memory_space<hbm>>) dst(%arg15 : memref<128x16xf32, #tpu.memory_space<vmem>>)
        tpu.yield
      }) : () -> ()
    } else {
    }
    %barrier3A = arith.constant 0 : index
    tpu.barrier barrier_id(%barrier3A)
    %mul3A_3 = arith.constant 160 : i32
    %mul3A_4 = arith.muli %arg1, %mul3A_3 : i32
    %add3A = arith.constant 0 : i32
    %add3A_5 = arith.addi %mul3A_4, %add3A : i32
    %dma_start3A = arith.constant 0 : i32
    %dma_start3A_6 = arith.constant 0 : i32
    %dma_start3A_7 = arith.constant 0 : i32
    %dma_start3A_8 = tpu.memref_slice %arg11[%dma_start3A, %dma_start3A_6, %dma_start3A_7] : memref<2x16x128xi32, #tpu.memory_space<vmem>> -> memref<1x16x128xi32, #tpu.memory_space<vmem>>
    %dma_start3A_9 = tpu.memref_squeeze %dma_start3A_8 : memref<1x16x128xi32, #tpu.memory_space<vmem>> -> memref<16x128xi32, #tpu.memory_space<vmem>>
    %dma_start3A_10 = arith.constant 0 : i32
    %dma_start3A_11 = tpu.memref_slice %arg4[%add3A_5, %dma_start3A_10] : memref<2560x128xi32, #tpu.memory_space<hbm>> -> memref<16x128xi32, #tpu.memory_space<hbm>>
    %dma_start3A_12 = arith.constant 0 : i32
    %dma_start3A_13 = arith.constant 0 : i32
    %dma_start3A_14 = tpu.memref_slice %arg11[%dma_start3A, %dma_start3A_12, %dma_start3A_13] : memref<2x16x128xi32, #tpu.memory_space<vmem>> -> memref<1x16x128xi32, #tpu.memory_space<vmem>>
    %dma_start3A_15 = tpu.memref_squeeze %dma_start3A_14 : memref<1x16x128xi32, #tpu.memory_space<vmem>> -> memref<16x128xi32, #tpu.memory_space<vmem>>
    %dma_start3A_16 = arith.constant 0 : i32
    %dma_start3A_17 = tpu.memref_slice %arg4[%add3A_5, %dma_start3A_16] : memref<2560x128xi32, #tpu.memory_space<hbm>> -> memref<16x128xi32, #tpu.memory_space<hbm>>
    tpu.enqueue_dma source(%dma_start3A_17 : memref<16x128xi32, #tpu.memory_space<hbm>>) target(%dma_start3A_15 : memref<16x128xi32, #tpu.memory_space<vmem>>) target_semaphore(%arg23 : memref<!tpu.dma_semaphore, #tpu.memory_space<semaphore_mem>>)
    %dma_start3A_18 = arith.constant 0 : i32
    %dma_start3A_19 = arith.constant 0 : i32
    %dma_start3A_20 = arith.constant 0 : i32
    %dma_start3A_21 = tpu.memref_slice %arg12[%dma_start3A_18, %dma_start3A_19, %dma_start3A_20] : memref<2x16x128xi32, #tpu.memory_space<vmem>> -> memref<1x16x128xi32, #tpu.memory_space<vmem>>
    %dma_start3A_22 = tpu.memref_squeeze %dma_start3A_21 : memref<1x16x128xi32, #tpu.memory_space<vmem>> -> memref<16x128xi32, #tpu.memory_space<vmem>>
    %dma_start3A_23 = arith.constant 0 : i32
    %dma_start3A_24 = tpu.memref_slice %arg5[%add3A_5, %dma_start3A_23] : memref<2560x128xi32, #tpu.memory_space<hbm>> -> memref<16x128xi32, #tpu.memory_space<hbm>>
    %dma_start3A_25 = arith.constant 0 : i32
    %dma_start3A_26 = arith.constant 0 : i32
    %dma_start3A_27 = tpu.memref_slice %arg12[%dma_start3A_18, %dma_start3A_25, %dma_start3A_26] : memref<2x16x128xi32, #tpu.memory_space<vmem>> -> memref<1x16x128xi32, #tpu.memory_space<vmem>>
    %dma_start3A_28 = tpu.memref_squeeze %dma_start3A_27 : memref<1x16x128xi32, #tpu.memory_space<vmem>> -> memref<16x128xi32, #tpu.memory_space<vmem>>
    %dma_start3A_29 = arith.constant 0 : i32
    %dma_start3A_30 = tpu.memref_slice %arg5[%add3A_5, %dma_start3A_29] : memref<2560x128xi32, #tpu.memory_space<hbm>> -> memref<16x128xi32, #tpu.memory_space<hbm>>
    tpu.enqueue_dma source(%dma_start3A_30 : memref<16x128xi32, #tpu.memory_space<hbm>>) target(%dma_start3A_28 : memref<16x128xi32, #tpu.memory_space<vmem>>) target_semaphore(%arg23 : memref<!tpu.dma_semaphore, #tpu.memory_space<semaphore_mem>>)
    %dma_wait3A = arith.constant 0 : i32
    %dma_wait3A_31 = arith.constant 0 : i32
    %dma_wait3A_32 = arith.constant 0 : i32
    %dma_wait3A_33 = tpu.memref_slice %arg11[%dma_wait3A, %dma_wait3A_31, %dma_wait3A_32] : memref<2x16x128xi32, #tpu.memory_space<vmem>> -> memref<1x16x128xi32, #tpu.memory_space<vmem>>
    %dma_wait3A_34 = tpu.memref_squeeze %dma_wait3A_33 : memref<1x16x128xi32, #tpu.memory_space<vmem>> -> memref<16x128xi32, #tpu.memory_space<vmem>>
    %dma_wait3A_35 = arith.constant 0 : i32
    %dma_wait3A_36 = arith.constant 0 : i32
    %dma_wait3A_37 = tpu.memref_slice %arg4[%dma_wait3A_35, %dma_wait3A_36] : memref<2560x128xi32, #tpu.memory_space<hbm>> -> memref<16x128xi32, #tpu.memory_space<hbm>>
    %dma_wait3A_38 = arith.constant 0 : i32
    %dma_wait3A_39 = arith.constant 0 : i32
    %dma_wait3A_40 = tpu.memref_slice %arg11[%dma_wait3A, %dma_wait3A_38, %dma_wait3A_39] : memref<2x16x128xi32, #tpu.memory_space<vmem>> -> memref<1x16x128xi32, #tpu.memory_space<vmem>>
    %dma_wait3A_41 = tpu.memref_squeeze %dma_wait3A_40 : memref<1x16x128xi32, #tpu.memory_space<vmem>> -> memref<16x128xi32, #tpu.memory_space<vmem>>
    %dma_wait3A_42 = arith.constant 0 : i32
    %dma_wait3A_43 = arith.constant 0 : i32
    %dma_wait3A_44 = tpu.memref_slice %arg4[%dma_wait3A_42, %dma_wait3A_43] : memref<2560x128xi32, #tpu.memory_space<hbm>> -> memref<16x128xi32, #tpu.memory_space<hbm>>
    tpu.wait_dma2 semaphore(%arg23 : memref<!tpu.dma_semaphore, #tpu.memory_space<semaphore_mem>>) src(%dma_wait3A_44 : memref<16x128xi32, #tpu.memory_space<hbm>>) dst(%dma_wait3A_41 : memref<16x128xi32, #tpu.memory_space<vmem>>)
    %dma_wait3A_45 = arith.constant 0 : i32
    %dma_wait3A_46 = arith.constant 0 : i32
    %dma_wait3A_47 = arith.constant 0 : i32
    %dma_wait3A_48 = tpu.memref_slice %arg12[%dma_wait3A_45, %dma_wait3A_46, %dma_wait3A_47] : memref<2x16x128xi32, #tpu.memory_space<vmem>> -> memref<1x16x128xi32, #tpu.memory_space<vmem>>
    %dma_wait3A_49 = tpu.memref_squeeze %dma_wait3A_48 : memref<1x16x128xi32, #tpu.memory_space<vmem>> -> memref<16x128xi32, #tpu.memory_space<vmem>>
    %dma_wait3A_50 = arith.constant 0 : i32
    %dma_wait3A_51 = arith.constant 0 : i32
    %dma_wait3A_52 = tpu.memref_slice %arg5[%dma_wait3A_50, %dma_wait3A_51] : memref<2560x128xi32, #tpu.memory_space<hbm>> -> memref<16x128xi32, #tpu.memory_space<hbm>>
    %dma_wait3A_53 = arith.constant 0 : i32
    %dma_wait3A_54 = arith.constant 0 : i32
    %dma_wait3A_55 = tpu.memref_slice %arg12[%dma_wait3A_45, %dma_wait3A_53, %dma_wait3A_54] : memref<2x16x128xi32, #tpu.memory_space<vmem>> -> memref<1x16x128xi32, #tpu.memory_space<vmem>>
    %dma_wait3A_56 = tpu.memref_squeeze %dma_wait3A_55 : memref<1x16x128xi32, #tpu.memory_space<vmem>> -> memref<16x128xi32, #tpu.memory_space<vmem>>
    %dma_wait3A_57 = arith.constant 0 : i32
    %dma_wait3A_58 = arith.constant 0 : i32
    %dma_wait3A_59 = tpu.memref_slice %arg5[%dma_wait3A_57, %dma_wait3A_58] : memref<2560x128xi32, #tpu.memory_space<hbm>> -> memref<16x128xi32, #tpu.memory_space<hbm>>
    tpu.wait_dma2 semaphore(%arg23 : memref<!tpu.dma_semaphore, #tpu.memory_space<semaphore_mem>>) src(%dma_wait3A_59 : memref<16x128xi32, #tpu.memory_space<hbm>>) dst(%dma_wait3A_56 : memref<16x128xi32, #tpu.memory_space<vmem>>)
    %scan3A = arith.constant 0 : i32
    %scan3A_60 = arith.constant 0 : i32
    %scan3A_61 = arith.constant 10 : i32
    %scan3A_62 = arith.addi %scan3A_60, %scan3A_61 : i32
    %scan3A_63 = arith.constant 1 : i32
    %scan3A_64 = scf.for %scan3A_76 = %scan3A_60 to %scan3A_62 step %scan3A_63 iter_args(%scan3A_77 = %scan3A) -> (i32)  : i32 {
      %rem3A = arith.constant 2 : i32
      %rem3A_78 = arith.remsi %scan3A_76, %rem3A : i32
      %add3A_79 = arith.constant 1 : i32
      %add3A_80 = arith.addi %scan3A_76, %add3A_79 : i32
      %lt3A = arith.constant 10 : i32
      %lt3A_81 = arith.cmpi slt, %add3A_80, %lt3A : i32
      %convert_element_type3A_82 = arith.extui %lt3A_81 : i1 to i32
      %cond3A_83 = arith.constant 0 : i32
      %cond3A_84 = arith.cmpi ne, %convert_element_type3A_82, %cond3A_83 : i32
      scf.if %cond3A_84 {
        %add3A_674 = arith.constant 1 : i32
        %add3A_675 = arith.addi %scan3A_76, %add3A_674 : i32
        %sub3A = arith.constant 1 : i32
        %sub3A_676 = arith.subi %sub3A, %rem3A_78 : i32
        %mul3A_677 = arith.constant 160 : i32
        %mul3A_678 = arith.muli %arg1, %mul3A_677 : i32
        %mul3A_679 = arith.constant 16 : i32
        %mul3A_680 = arith.muli %add3A_675, %mul3A_679 : i32
        %add3A_681 = arith.addi %mul3A_678, %mul3A_680 : i32
        %dma_start3A_682 = arith.constant 0 : i32
        %dma_start3A_683 = arith.constant 0 : i32
        %dma_start3A_684 = tpu.memref_slice %arg11[%sub3A_676, %dma_start3A_682, %dma_start3A_683] : memref<2x16x128xi32, #tpu.memory_space<vmem>> -> memref<1x16x128xi32, #tpu.memory_space<vmem>>
        %dma_start3A_685 = tpu.memref_squeeze %dma_start3A_684 : memref<1x16x128xi32, #tpu.memory_space<vmem>> -> memref<16x128xi32, #tpu.memory_space<vmem>>
        %dma_start3A_686 = arith.constant 0 : i32
        %dma_start3A_687 = tpu.memref_slice %arg4[%add3A_681, %dma_start3A_686] : memref<2560x128xi32, #tpu.memory_space<hbm>> -> memref<16x128xi32, #tpu.memory_space<hbm>>
        %dma_start3A_688 = arith.constant 0 : i32
        %dma_start3A_689 = arith.constant 0 : i32
        %dma_start3A_690 = tpu.memref_slice %arg11[%sub3A_676, %dma_start3A_688, %dma_start3A_689] : memref<2x16x128xi32, #tpu.memory_space<vmem>> -> memref<1x16x128xi32, #tpu.memory_space<vmem>>
        %dma_start3A_691 = tpu.memref_squeeze %dma_start3A_690 : memref<1x16x128xi32, #tpu.memory_space<vmem>> -> memref<16x128xi32, #tpu.memory_space<vmem>>
        %dma_start3A_692 = arith.constant 0 : i32
        %dma_start3A_693 = tpu.memref_slice %arg4[%add3A_681, %dma_start3A_692] : memref<2560x128xi32, #tpu.memory_space<hbm>> -> memref<16x128xi32, #tpu.memory_space<hbm>>
        tpu.enqueue_dma source(%dma_start3A_693 : memref<16x128xi32, #tpu.memory_space<hbm>>) target(%dma_start3A_691 : memref<16x128xi32, #tpu.memory_space<vmem>>) target_semaphore(%arg23 : memref<!tpu.dma_semaphore, #tpu.memory_space<semaphore_mem>>)
        %dma_start3A_694 = arith.constant 0 : i32
        %dma_start3A_695 = arith.constant 0 : i32
        %dma_start3A_696 = tpu.memref_slice %arg12[%sub3A_676, %dma_start3A_694, %dma_start3A_695] : memref<2x16x128xi32, #tpu.memory_space<vmem>> -> memref<1x16x128xi32, #tpu.memory_space<vmem>>
        %dma_start3A_697 = tpu.memref_squeeze %dma_start3A_696 : memref<1x16x128xi32, #tpu.memory_space<vmem>> -> memref<16x128xi32, #tpu.memory_space<vmem>>
        %dma_start3A_698 = arith.constant 0 : i32
        %dma_start3A_699 = tpu.memref_slice %arg5[%add3A_681, %dma_start3A_698] : memref<2560x128xi32, #tpu.memory_space<hbm>> -> memref<16x128xi32, #tpu.memory_space<hbm>>
        %dma_start3A_700 = arith.constant 0 : i32
        %dma_start3A_701 = arith.constant 0 : i32
        %dma_start3A_702 = tpu.memref_slice %arg12[%sub3A_676, %dma_start3A_700, %dma_start3A_701] : memref<2x16x128xi32, #tpu.memory_space<vmem>> -> memref<1x16x128xi32, #tpu.memory_space<vmem>>
        %dma_start3A_703 = tpu.memref_squeeze %dma_start3A_702 : memref<1x16x128xi32, #tpu.memory_space<vmem>> -> memref<16x128xi32, #tpu.memory_space<vmem>>
        %dma_start3A_704 = arith.constant 0 : i32
        %dma_start3A_705 = tpu.memref_slice %arg5[%add3A_681, %dma_start3A_704] : memref<2560x128xi32, #tpu.memory_space<hbm>> -> memref<16x128xi32, #tpu.memory_space<hbm>>
        tpu.enqueue_dma source(%dma_start3A_705 : memref<16x128xi32, #tpu.memory_space<hbm>>) target(%dma_start3A_703 : memref<16x128xi32, #tpu.memory_space<vmem>>) target_semaphore(%arg23 : memref<!tpu.dma_semaphore, #tpu.memory_space<semaphore_mem>>)
      } else {
      }
      %eq3A_85 = arith.constant 0 : i32
      %eq3A_86 = arith.cmpi eq, %arg0, %eq3A_85 : i32
      %convert_element_type3A_87 = arith.extui %eq3A_86 : i1 to i32
      %cond3A_88 = arith.constant 0 : i32
      %cond3A_89 = arith.cmpi ne, %convert_element_type3A_87, %cond3A_88 : i32
      scf.if %cond3A_89 {
        %dma_start3A_674 = arith.constant 0 : i32
        %dma_start3A_675 = arith.constant 0 : i32
        %dma_start3A_676 = tpu.memref_slice %arg11[%rem3A_78, %dma_start3A_674, %dma_start3A_675] : memref<2x16x128xi32, #tpu.memory_space<vmem>> -> memref<1x1x128xi32, #tpu.memory_space<vmem>>
        %dma_start3A_677 = tpu.memref_squeeze %dma_start3A_676 : memref<1x1x128xi32, #tpu.memory_space<vmem>> -> memref<128xi32, #tpu.memory_space<vmem>>
        %dma_start3A_678 = arith.constant 0 : i32
        %dma_start3A_679 = arith.constant 0 : i32
        %dma_start3A_680 = tpu.memref_slice %arg2[%dma_start3A_678, %dma_start3A_679] : memref<10000x64xf32, #tpu.memory_space<hbm>> -> memref<10000x64xf32, #tpu.memory_space<hbm>>
        tpu.enqueue_indirect_dma source(%dma_start3A_680 : memref<10000x64xf32, #tpu.memory_space<hbm>>) target(%arg13 : memref<128x64xf32, #tpu.memory_space<vmem>>) offsets(%dma_start3A_677 : memref<128xi32, #tpu.memory_space<vmem>>) semaphore(%arg18 : memref<!tpu.dma_semaphore, #tpu.memory_space<semaphore_mem>>)
      } else {
      }
      %eq3A_90 = arith.constant 1 : i32
      %eq3A_91 = arith.cmpi eq, %arg0, %eq3A_90 : i32
      %convert_element_type3A_92 = arith.extui %eq3A_91 : i1 to i32
      %cond3A_93 = arith.constant 0 : i32
      %cond3A_94 = arith.cmpi ne, %convert_element_type3A_92, %cond3A_93 : i32
      scf.if %cond3A_94 {
        %dma_start3A_674 = arith.constant 0 : i32
        %dma_start3A_675 = arith.constant 0 : i32
        %dma_start3A_676 = tpu.memref_slice %arg11[%rem3A_78, %dma_start3A_674, %dma_start3A_675] : memref<2x16x128xi32, #tpu.memory_space<vmem>> -> memref<1x1x128xi32, #tpu.memory_space<vmem>>
        %dma_start3A_677 = tpu.memref_squeeze %dma_start3A_676 : memref<1x1x128xi32, #tpu.memory_space<vmem>> -> memref<128xi32, #tpu.memory_space<vmem>>
        %dma_start3A_678 = arith.constant 0 : i32
        %dma_start3A_679 = arith.constant 0 : i32
        %dma_start3A_680 = tpu.memref_slice %arg3[%dma_start3A_678, %dma_start3A_679] : memref<10000x64xf32, #tpu.memory_space<hbm>> -> memref<10000x64xf32, #tpu.memory_space<hbm>>
        tpu.enqueue_indirect_dma source(%dma_start3A_680 : memref<10000x64xf32, #tpu.memory_space<hbm>>) target(%arg13 : memref<128x64xf32, #tpu.memory_space<vmem>>) offsets(%dma_start3A_677 : memref<128xi32, #tpu.memory_space<vmem>>) semaphore(%arg18 : memref<!tpu.dma_semaphore, #tpu.memory_space<semaphore_mem>>)
      } else {
      }
      %dma_wait3A_95 = arith.constant 0 : i32
      %dma_wait3A_96 = arith.constant 0 : i32
      %dma_wait3A_97 = tpu.memref_slice %arg11[%rem3A_78, %dma_wait3A_95, %dma_wait3A_96] : memref<2x16x128xi32, #tpu.memory_space<vmem>> -> memref<1x1x128xi32, #tpu.memory_space<vmem>>
      %dma_wait3A_98 = tpu.memref_squeeze %dma_wait3A_97 : memref<1x1x128xi32, #tpu.memory_space<vmem>> -> memref<128xi32, #tpu.memory_space<vmem>>
      %dma_wait3A_99 = arith.constant 0 : i32
      %dma_wait3A_100 = arith.constant 0 : i32
      %dma_wait3A_101 = tpu.memref_slice %arg2[%dma_wait3A_99, %dma_wait3A_100] : memref<10000x64xf32, #tpu.memory_space<hbm>> -> memref<10000x64xf32, #tpu.memory_space<hbm>>
      tpu.wait_indirect_dma semaphore(%arg18 : memref<!tpu.dma_semaphore, #tpu.memory_space<semaphore_mem>>) src(%dma_wait3A_101 : memref<10000x64xf32, #tpu.memory_space<hbm>>) dst(%arg13 : memref<128x64xf32, #tpu.memory_space<vmem>>)
      %dma_start3A_102 = arith.constant 0 : i32
      %dma_start3A_103 = arith.constant 0 : i32
      %dma_start3A_104 = tpu.memref_slice %arg12[%rem3A_78, %dma_start3A_102, %dma_start3A_103] : memref<2x16x128xi32, #tpu.memory_space<vmem>> -> memref<1x1x128xi32, #tpu.memory_space<vmem>>
      %dma_start3A_105 = tpu.memref_squeeze %dma_start3A_104 : memref<1x1x128xi32, #tpu.memory_space<vmem>> -> memref<128xi32, #tpu.memory_space<vmem>>
      %dma_start3A_106 = arith.constant 0 : i32
      %dma_start3A_107 = arith.constant 0 : i32
      %dma_start3A_108 = tpu.memref_slice %arg16[%dma_start3A_106, %dma_start3A_107] : memref<20480x64xf32, #tpu.memory_space<vmem_shared>> -> memref<20480x64xf32, #tpu.memory_space<vmem_shared>>
      tpu.enqueue_indirect_dma source(%arg13 : memref<128x64xf32, #tpu.memory_space<vmem>>) target(%dma_start3A_108 : memref<20480x64xf32, #tpu.memory_space<vmem_shared>>) offsets(%dma_start3A_105 : memref<128xi32, #tpu.memory_space<vmem>>) semaphore(%arg20 : memref<!tpu.dma_semaphore, #tpu.memory_space<semaphore_mem>>) {add = true}
      %eq3A_109 = arith.constant 0 : i32
      %eq3A_110 = arith.cmpi eq, %arg0, %eq3A_109 : i32
      %convert_element_type3A_111 = arith.extui %eq3A_110 : i1 to i32
      %cond3A_112 = arith.constant 0 : i32
      %cond3A_113 = arith.cmpi ne, %convert_element_type3A_111, %cond3A_112 : i32
      scf.if %cond3A_113 {
        %dma_start3A_674 = arith.constant 0 : i32
        %dma_start3A_675 = arith.constant 0 : i32
        %dma_start3A_676 = tpu.memref_slice %arg12[%rem3A_78, %dma_start3A_674, %dma_start3A_675] : memref<2x16x128xi32, #tpu.memory_space<vmem>> -> memref<1x1x128xi32, #tpu.memory_space<vmem>>
        %dma_start3A_677 = tpu.memref_squeeze %dma_start3A_676 : memref<1x1x128xi32, #tpu.memory_space<vmem>> -> memref<128xi32, #tpu.memory_space<vmem>>
        %dma_start3A_678 = arith.constant 0 : i32
        %dma_start3A_679 = arith.constant 0 : i32
        %dma_start3A_680 = tpu.memref_slice %arg17[%dma_start3A_678, %dma_start3A_679] : memref<20480x16xf32, #tpu.memory_space<vmem_shared>> -> memref<20480x16xf32, #tpu.memory_space<vmem_shared>>
        tpu.enqueue_indirect_dma source(%arg15 : memref<128x16xf32, #tpu.memory_space<vmem>>) target(%dma_start3A_680 : memref<20480x16xf32, #tpu.memory_space<vmem_shared>>) offsets(%dma_start3A_677 : memref<128xi32, #tpu.memory_space<vmem>>) semaphore(%arg22 : memref<!tpu.dma_semaphore, #tpu.memory_space<semaphore_mem>>) {add = true}
      } else {
      }
      %eq3A_114 = arith.constant 0 : i32
      %eq3A_115 = arith.cmpi eq, %arg0, %eq3A_114 : i32
      %convert_element_type3A_116 = arith.extui %eq3A_115 : i1 to i32
      %cond3A_117 = arith.constant 0 : i32
      %cond3A_118 = arith.cmpi ne, %convert_element_type3A_116, %cond3A_117 : i32
      scf.if %cond3A_118 {
        %dma_start3A_674 = arith.constant 1 : i32
        %dma_start3A_675 = arith.constant 0 : i32
        %dma_start3A_676 = tpu.memref_slice %arg11[%rem3A_78, %dma_start3A_674, %dma_start3A_675] : memref<2x16x128xi32, #tpu.memory_space<vmem>> -> memref<1x1x128xi32, #tpu.memory_space<vmem>>
        %dma_start3A_677 = tpu.memref_squeeze %dma_start3A_676 : memref<1x1x128xi32, #tpu.memory_space<vmem>> -> memref<128xi32, #tpu.memory_space<vmem>>
        %dma_start3A_678 = arith.constant 0 : i32
        %dma_start3A_679 = arith.constant 0 : i32
        %dma_start3A_680 = tpu.memref_slice %arg2[%dma_start3A_678, %dma_start3A_679] : memref<10000x64xf32, #tpu.memory_space<hbm>> -> memref<10000x64xf32, #tpu.memory_space<hbm>>
        tpu.enqueue_indirect_dma source(%dma_start3A_680 : memref<10000x64xf32, #tpu.memory_space<hbm>>) target(%arg14 : memref<128x64xf32, #tpu.memory_space<vmem>>) offsets(%dma_start3A_677 : memref<128xi32, #tpu.memory_space<vmem>>) semaphore(%arg19 : memref<!tpu.dma_semaphore, #tpu.memory_space<semaphore_mem>>)
      } else {
      }
      %eq3A_119 = arith.constant 1 : i32
      %eq3A_120 = arith.cmpi eq, %arg0, %eq3A_119 : i32
      %convert_element_type3A_121 = arith.extui %eq3A_120 : i1 to i32
      %cond3A_122 = arith.constant 0 : i32
      %cond3A_123 = arith.cmpi ne, %convert_element_type3A_121, %cond3A_122 : i32
      scf.if %cond3A_123 {
        %dma_start3A_674 = arith.constant 1 : i32
        %dma_start3A_675 = arith.constant 0 : i32
        %dma_start3A_676 = tpu.memref_slice %arg11[%rem3A_78, %dma_start3A_674, %dma_start3A_675] : memref<2x16x128xi32, #tpu.memory_space<vmem>> -> memref<1x1x128xi32, #tpu.memory_space<vmem>>
        %dma_start3A_677 = tpu.memref_squeeze %dma_start3A_676 : memref<1x1x128xi32, #tpu.memory_space<vmem>> -> memref<128xi32, #tpu.memory_space<vmem>>
        %dma_start3A_678 = arith.constant 0 : i32
        %dma_start3A_679 = arith.constant 0 : i32
        %dma_start3A_680 = tpu.memref_slice %arg3[%dma_start3A_678, %dma_start3A_679] : memref<10000x64xf32, #tpu.memory_space<hbm>> -> memref<10000x64xf32, #tpu.memory_space<hbm>>
        tpu.enqueue_indirect_dma source(%dma_start3A_680 : memref<10000x64xf32, #tpu.memory_space<hbm>>) target(%arg14 : memref<128x64xf32, #tpu.memory_space<vmem>>) offsets(%dma_start3A_677 : memref<128xi32, #tpu.memory_space<vmem>>) semaphore(%arg19 : memref<!tpu.dma_semaphore, #tpu.memory_space<semaphore_mem>>)
      } else {
      }
      %dma_wait3A_124 = arith.constant 1 : i32
      %dma_wait3A_125 = arith.constant 0 : i32
      %dma_wait3A_126 = tpu.memref_slice %arg11[%rem3A_78, %dma_wait3A_124, %dma_wait3A_125] : memref<2x16x128xi32, #tpu.memory_space<vmem>> -> memref<1x1x128xi32, #tpu.memory_space<vmem>>
      %dma_wait3A_127 = tpu.memref_squeeze %dma_wait3A_126 : memref<1x1x128xi32, #tpu.memory_space<vmem>> -> memref<128xi32, #tpu.memory_space<vmem>>
      %dma_wait3A_128 = arith.constant 0 : i32
      %dma_wait3A_129 = arith.constant 0 : i32
      %dma_wait3A_130 = tpu.memref_slice %arg2[%dma_wait3A_128, %dma_wait3A_129] : memref<10000x64xf32, #tpu.memory_space<hbm>> -> memref<10000x64xf32, #tpu.memory_space<hbm>>
      tpu.wait_indirect_dma semaphore(%arg19 : memref<!tpu.dma_semaphore, #tpu.memory_space<semaphore_mem>>) src(%dma_wait3A_130 : memref<10000x64xf32, #tpu.memory_space<hbm>>) dst(%arg14 : memref<128x64xf32, #tpu.memory_space<vmem>>)
      %dma_start3A_131 = arith.constant 1 : i32
      %dma_start3A_132 = arith.constant 0 : i32
      %dma_start3A_133 = tpu.memref_slice %arg12[%rem3A_78, %dma_start3A_131, %dma_start3A_132] : memref<2x16x128xi32, #tpu.memory_space<vmem>> -> memref<1x1x128xi32, #tpu.memory_space<vmem>>
      %dma_start3A_134 = tpu.memref_squeeze %dma_start3A_133 : memref<1x1x128xi32, #tpu.memory_space<vmem>> -> memref<128xi32, #tpu.memory_space<vmem>>
      %dma_start3A_135 = arith.constant 0 : i32
      %dma_start3A_136 = arith.constant 0 : i32
      %dma_start3A_137 = tpu.memref_slice %arg16[%dma_start3A_135, %dma_start3A_136] : memref<20480x64xf32, #tpu.memory_space<vmem_shared>> -> memref<20480x64xf32, #tpu.memory_space<vmem_shared>>
      tpu.enqueue_indirect_dma source(%arg14 : memref<128x64xf32, #tpu.memory_space<vmem>>) target(%dma_start3A_137 : memref<20480x64xf32, #tpu.memory_space<vmem_shared>>) offsets(%dma_start3A_134 : memref<128xi32, #tpu.memory_space<vmem>>) semaphore(%arg21 : memref<!tpu.dma_semaphore, #tpu.memory_space<semaphore_mem>>) {add = true}
      %eq3A_138 = arith.constant 0 : i32
      %eq3A_139 = arith.cmpi eq, %arg0, %eq3A_138 : i32
      %convert_element_type3A_140 = arith.extui %eq3A_139 : i1 to i32
      %cond3A_141 = arith.constant 0 : i32
      %cond3A_142 = arith.cmpi ne, %convert_element_type3A_140, %cond3A_141 : i32
      scf.if %cond3A_142 {
        %dma_start3A_674 = arith.constant 1 : i32
        %dma_start3A_675 = arith.constant 0 : i32
        %dma_start3A_676 = tpu.memref_slice %arg12[%rem3A_78, %dma_start3A_674, %dma_start3A_675] : memref<2x16x128xi32, #tpu.memory_space<vmem>> -> memref<1x1x128xi32, #tpu.memory_space<vmem>>
        %dma_start3A_677 = tpu.memref_squeeze %dma_start3A_676 : memref<1x1x128xi32, #tpu.memory_space<vmem>> -> memref<128xi32, #tpu.memory_space<vmem>>
        %dma_start3A_678 = arith.constant 0 : i32
        %dma_start3A_679 = arith.constant 0 : i32
        %dma_start3A_680 = tpu.memref_slice %arg17[%dma_start3A_678, %dma_start3A_679] : memref<20480x16xf32, #tpu.memory_space<vmem_shared>> -> memref<20480x16xf32, #tpu.memory_space<vmem_shared>>
        tpu.enqueue_indirect_dma source(%arg15 : memref<128x16xf32, #tpu.memory_space<vmem>>) target(%dma_start3A_680 : memref<20480x16xf32, #tpu.memory_space<vmem_shared>>) offsets(%dma_start3A_677 : memref<128xi32, #tpu.memory_space<vmem>>) semaphore(%arg22 : memref<!tpu.dma_semaphore, #tpu.memory_space<semaphore_mem>>) {add = true}
      } else {
      }
      %dma_wait3A_143 = arith.constant 0 : i32
      %dma_wait3A_144 = arith.constant 0 : i32
      %dma_wait3A_145 = tpu.memref_slice %arg12[%rem3A_78, %dma_wait3A_143, %dma_wait3A_144] : memref<2x16x128xi32, #tpu.memory_space<vmem>> -> memref<1x1x128xi32, #tpu.memory_space<vmem>>
      %dma_wait3A_146 = tpu.memref_squeeze %dma_wait3A_145 : memref<1x1x128xi32, #tpu.memory_space<vmem>> -> memref<128xi32, #tpu.memory_space<vmem>>
      %dma_wait3A_147 = arith.constant 0 : i32
      %dma_wait3A_148 = arith.constant 0 : i32
      %dma_wait3A_149 = tpu.memref_slice %arg16[%dma_wait3A_147, %dma_wait3A_148] : memref<20480x64xf32, #tpu.memory_space<vmem_shared>> -> memref<20480x64xf32, #tpu.memory_space<vmem_shared>>
      tpu.wait_indirect_dma semaphore(%arg20 : memref<!tpu.dma_semaphore, #tpu.memory_space<semaphore_mem>>) src(%arg13 : memref<128x64xf32, #tpu.memory_space<vmem>>) dst(%dma_wait3A_149 : memref<20480x64xf32, #tpu.memory_space<vmem_shared>>)
      %eq3A_150 = arith.constant 0 : i32
      %eq3A_151 = arith.cmpi eq, %arg0, %eq3A_150 : i32
      %convert_element_type3A_152 = arith.extui %eq3A_151 : i1 to i32
      %cond3A_153 = arith.constant 0 : i32
      %cond3A_154 = arith.cmpi ne, %convert_element_type3A_152, %cond3A_153 : i32
      scf.if %cond3A_154 {
        %dma_start3A_674 = arith.constant 2 : i32
        %dma_start3A_675 = arith.constant 0 : i32
        %dma_start3A_676 = tpu.memref_slice %arg11[%rem3A_78, %dma_start3A_674, %dma_start3A_675] : memref<2x16x128xi32, #tpu.memory_space<vmem>> -> memref<1x1x128xi32, #tpu.memory_space<vmem>>
        %dma_start3A_677 = tpu.memref_squeeze %dma_start3A_676 : memref<1x1x128xi32, #tpu.memory_space<vmem>> -> memref<128xi32, #tpu.memory_space<vmem>>
        %dma_start3A_678 = arith.constant 0 : i32
        %dma_start3A_679 = arith.constant 0 : i32
        %dma_start3A_680 = tpu.memref_slice %arg2[%dma_start3A_678, %dma_start3A_679] : memref<10000x64xf32, #tpu.memory_space<hbm>> -> memref<10000x64xf32, #tpu.memory_space<hbm>>
        tpu.enqueue_indirect_dma source(%dma_start3A_680 : memref<10000x64xf32, #tpu.memory_space<hbm>>) target(%arg13 : memref<128x64xf32, #tpu.memory_space<vmem>>) offsets(%dma_start3A_677 : memref<128xi32, #tpu.memory_space<vmem>>) semaphore(%arg18 : memref<!tpu.dma_semaphore, #tpu.memory_space<semaphore_mem>>)
      } else {
      }
      %eq3A_155 = arith.constant 1 : i32
      %eq3A_156 = arith.cmpi eq, %arg0, %eq3A_155 : i32
      %convert_element_type3A_157 = arith.extui %eq3A_156 : i1 to i32
      %cond3A_158 = arith.constant 0 : i32
      %cond3A_159 = arith.cmpi ne, %convert_element_type3A_157, %cond3A_158 : i32
      scf.if %cond3A_159 {
        %dma_start3A_674 = arith.constant 2 : i32
        %dma_start3A_675 = arith.constant 0 : i32
        %dma_start3A_676 = tpu.memref_slice %arg11[%rem3A_78, %dma_start3A_674, %dma_start3A_675] : memref<2x16x128xi32, #tpu.memory_space<vmem>> -> memref<1x1x128xi32, #tpu.memory_space<vmem>>
        %dma_start3A_677 = tpu.memref_squeeze %dma_start3A_676 : memref<1x1x128xi32, #tpu.memory_space<vmem>> -> memref<128xi32, #tpu.memory_space<vmem>>
        %dma_start3A_678 = arith.constant 0 : i32
        %dma_start3A_679 = arith.constant 0 : i32
        %dma_start3A_680 = tpu.memref_slice %arg3[%dma_start3A_678, %dma_start3A_679] : memref<10000x64xf32, #tpu.memory_space<hbm>> -> memref<10000x64xf32, #tpu.memory_space<hbm>>
        tpu.enqueue_indirect_dma source(%dma_start3A_680 : memref<10000x64xf32, #tpu.memory_space<hbm>>) target(%arg13 : memref<128x64xf32, #tpu.memory_space<vmem>>) offsets(%dma_start3A_677 : memref<128xi32, #tpu.memory_space<vmem>>) semaphore(%arg18 : memref<!tpu.dma_semaphore, #tpu.memory_space<semaphore_mem>>)
      } else {
      }
      %dma_wait3A_160 = arith.constant 2 : i32
      %dma_wait3A_161 = arith.constant 0 : i32
      %dma_wait3A_162 = tpu.memref_slice %arg11[%rem3A_78, %dma_wait3A_160, %dma_wait3A_161] : memref<2x16x128xi32, #tpu.memory_space<vmem>> -> memref<1x1x128xi32, #tpu.memory_space<vmem>>
      %dma_wait3A_163 = tpu.memref_squeeze %dma_wait3A_162 : memref<1x1x128xi32, #tpu.memory_space<vmem>> -> memref<128xi32, #tpu.memory_space<vmem>>
      %dma_wait3A_164 = arith.constant 0 : i32
      %dma_wait3A_165 = arith.constant 0 : i32
      %dma_wait3A_166 = tpu.memref_slice %arg2[%dma_wait3A_164, %dma_wait3A_165] : memref<10000x64xf32, #tpu.memory_space<hbm>> -> memref<10000x64xf32, #tpu.memory_space<hbm>>
      tpu.wait_indirect_dma semaphore(%arg18 : memref<!tpu.dma_semaphore, #tpu.memory_space<semaphore_mem>>) src(%dma_wait3A_166 : memref<10000x64xf32, #tpu.memory_space<hbm>>) dst(%arg13 : memref<128x64xf32, #tpu.memory_space<vmem>>)
      %dma_start3A_167 = arith.constant 2 : i32
      %dma_start3A_168 = arith.constant 0 : i32
      %dma_start3A_169 = tpu.memref_slice %arg12[%rem3A_78, %dma_start3A_167, %dma_start3A_168] : memref<2x16x128xi32, #tpu.memory_space<vmem>> -> memref<1x1x128xi32, #tpu.memory_space<vmem>>
      %dma_start3A_170 = tpu.memref_squeeze %dma_start3A_169 : memref<1x1x128xi32, #tpu.memory_space<vmem>> -> memref<128xi32, #tpu.memory_space<vmem>>
      %dma_start3A_171 = arith.constant 0 : i32
      %dma_start3A_172 = arith.constant 0 : i32
      %dma_start3A_173 = tpu.memref_slice %arg16[%dma_start3A_171, %dma_start3A_172] : memref<20480x64xf32, #tpu.memory_space<vmem_shared>> -> memref<20480x64xf32, #tpu.memory_space<vmem_shared>>
      tpu.enqueue_indirect_dma source(%arg13 : memref<128x64xf32, #tpu.memory_space<vmem>>) target(%dma_start3A_173 : memref<20480x64xf32, #tpu.memory_space<vmem_shared>>) offsets(%dma_start3A_170 : memref<128xi32, #tpu.memory_space<vmem>>) semaphore(%arg20 : memref<!tpu.dma_semaphore, #tpu.memory_space<semaphore_mem>>) {add = true}
      %eq3A_174 = arith.constant 0 : i32
      %eq3A_175 = arith.cmpi eq, %arg0, %eq3A_174 : i32
      %convert_element_type3A_176 = arith.extui %eq3A_175 : i1 to i32
      %cond3A_177 = arith.constant 0 : i32
      %cond3A_178 = arith.cmpi ne, %convert_element_type3A_176, %cond3A_177 : i32
      scf.if %cond3A_178 {
        %dma_start3A_674 = arith.constant 2 : i32
        %dma_start3A_675 = arith.constant 0 : i32
        %dma_start3A_676 = tpu.memref_slice %arg12[%rem3A_78, %dma_start3A_674, %dma_start3A_675] : memref<2x16x128xi32, #tpu.memory_space<vmem>> -> memref<1x1x128xi32, #tpu.memory_space<vmem>>
        %dma_start3A_677 = tpu.memref_squeeze %dma_start3A_676 : memref<1x1x128xi32, #tpu.memory_space<vmem>> -> memref<128xi32, #tpu.memory_space<vmem>>
        %dma_start3A_678 = arith.constant 0 : i32
        %dma_start3A_679 = arith.constant 0 : i32
        %dma_start3A_680 = tpu.memref_slice %arg17[%dma_start3A_678, %dma_start3A_679] : memref<20480x16xf32, #tpu.memory_space<vmem_shared>> -> memref<20480x16xf32, #tpu.memory_space<vmem_shared>>
        tpu.enqueue_indirect_dma source(%arg15 : memref<128x16xf32, #tpu.memory_space<vmem>>) target(%dma_start3A_680 : memref<20480x16xf32, #tpu.memory_space<vmem_shared>>) offsets(%dma_start3A_677 : memref<128xi32, #tpu.memory_space<vmem>>) semaphore(%arg22 : memref<!tpu.dma_semaphore, #tpu.memory_space<semaphore_mem>>) {add = true}
      } else {
      }
      %dma_wait3A_179 = arith.constant 1 : i32
      %dma_wait3A_180 = arith.constant 0 : i32
      %dma_wait3A_181 = tpu.memref_slice %arg12[%rem3A_78, %dma_wait3A_179, %dma_wait3A_180] : memref<2x16x128xi32, #tpu.memory_space<vmem>> -> memref<1x1x128xi32, #tpu.memory_space<vmem>>
      %dma_wait3A_182 = tpu.memref_squeeze %dma_wait3A_181 : memref<1x1x128xi32, #tpu.memory_space<vmem>> -> memref<128xi32, #tpu.memory_space<vmem>>
      %dma_wait3A_183 = arith.constant 0 : i32
      %dma_wait3A_184 = arith.constant 0 : i32
      %dma_wait3A_185 = tpu.memref_slice %arg16[%dma_wait3A_183, %dma_wait3A_184] : memref<20480x64xf32, #tpu.memory_space<vmem_shared>> -> memref<20480x64xf32, #tpu.memory_space<vmem_shared>>
      tpu.wait_indirect_dma semaphore(%arg21 : memref<!tpu.dma_semaphore, #tpu.memory_space<semaphore_mem>>) src(%arg14 : memref<128x64xf32, #tpu.memory_space<vmem>>) dst(%dma_wait3A_185 : memref<20480x64xf32, #tpu.memory_space<vmem_shared>>)
      %eq3A_186 = arith.constant 0 : i32
      %eq3A_187 = arith.cmpi eq, %arg0, %eq3A_186 : i32
      %convert_element_type3A_188 = arith.extui %eq3A_187 : i1 to i32
      %cond3A_189 = arith.constant 0 : i32
      %cond3A_190 = arith.cmpi ne, %convert_element_type3A_188, %cond3A_189 : i32
      scf.if %cond3A_190 {
        %dma_start3A_674 = arith.constant 3 : i32
        %dma_start3A_675 = arith.constant 0 : i32
        %dma_start3A_676 = tpu.memref_slice %arg11[%rem3A_78, %dma_start3A_674, %dma_start3A_675] : memref<2x16x128xi32, #tpu.memory_space<vmem>> -> memref<1x1x128xi32, #tpu.memory_space<vmem>>
        %dma_start3A_677 = tpu.memref_squeeze %dma_start3A_676 : memref<1x1x128xi32, #tpu.memory_space<vmem>> -> memref<128xi32, #tpu.memory_space<vmem>>
        %dma_start3A_678 = arith.constant 0 : i32
        %dma_start3A_679 = arith.constant 0 : i32
        %dma_start3A_680 = tpu.memref_slice %arg2[%dma_start3A_678, %dma_start3A_679] : memref<10000x64xf32, #tpu.memory_space<hbm>> -> memref<10000x64xf32, #tpu.memory_space<hbm>>
        tpu.enqueue_indirect_dma source(%dma_start3A_680 : memref<10000x64xf32, #tpu.memory_space<hbm>>) target(%arg14 : memref<128x64xf32, #tpu.memory_space<vmem>>) offsets(%dma_start3A_677 : memref<128xi32, #tpu.memory_space<vmem>>) semaphore(%arg19 : memref<!tpu.dma_semaphore, #tpu.memory_space<semaphore_mem>>)
      } else {
      }
      %eq3A_191 = arith.constant 1 : i32
      %eq3A_192 = arith.cmpi eq, %arg0, %eq3A_191 : i32
      %convert_element_type3A_193 = arith.extui %eq3A_192 : i1 to i32
      %cond3A_194 = arith.constant 0 : i32
      %cond3A_195 = arith.cmpi ne, %convert_element_type3A_193, %cond3A_194 : i32
      scf.if %cond3A_195 {
        %dma_start3A_674 = arith.constant 3 : i32
        %dma_start3A_675 = arith.constant 0 : i32
        %dma_start3A_676 = tpu.memref_slice %arg11[%rem3A_78, %dma_start3A_674, %dma_start3A_675] : memref<2x16x128xi32, #tpu.memory_space<vmem>> -> memref<1x1x128xi32, #tpu.memory_space<vmem>>
        %dma_start3A_677 = tpu.memref_squeeze %dma_start3A_676 : memref<1x1x128xi32, #tpu.memory_space<vmem>> -> memref<128xi32, #tpu.memory_space<vmem>>
        %dma_start3A_678 = arith.constant 0 : i32
        %dma_start3A_679 = arith.constant 0 : i32
        %dma_start3A_680 = tpu.memref_slice %arg3[%dma_start3A_678, %dma_start3A_679] : memref<10000x64xf32, #tpu.memory_space<hbm>> -> memref<10000x64xf32, #tpu.memory_space<hbm>>
        tpu.enqueue_indirect_dma source(%dma_start3A_680 : memref<10000x64xf32, #tpu.memory_space<hbm>>) target(%arg14 : memref<128x64xf32, #tpu.memory_space<vmem>>) offsets(%dma_start3A_677 : memref<128xi32, #tpu.memory_space<vmem>>) semaphore(%arg19 : memref<!tpu.dma_semaphore, #tpu.memory_space<semaphore_mem>>)
      } else {
      }
      %dma_wait3A_196 = arith.constant 3 : i32
      %dma_wait3A_197 = arith.constant 0 : i32
      %dma_wait3A_198 = tpu.memref_slice %arg11[%rem3A_78, %dma_wait3A_196, %dma_wait3A_197] : memref<2x16x128xi32, #tpu.memory_space<vmem>> -> memref<1x1x128xi32, #tpu.memory_space<vmem>>
      %dma_wait3A_199 = tpu.memref_squeeze %dma_wait3A_198 : memref<1x1x128xi32, #tpu.memory_space<vmem>> -> memref<128xi32, #tpu.memory_space<vmem>>
      %dma_wait3A_200 = arith.constant 0 : i32
      %dma_wait3A_201 = arith.constant 0 : i32
      %dma_wait3A_202 = tpu.memref_slice %arg2[%dma_wait3A_200, %dma_wait3A_201] : memref<10000x64xf32, #tpu.memory_space<hbm>> -> memref<10000x64xf32, #tpu.memory_space<hbm>>
      tpu.wait_indirect_dma semaphore(%arg19 : memref<!tpu.dma_semaphore, #tpu.memory_space<semaphore_mem>>) src(%dma_wait3A_202 : memref<10000x64xf32, #tpu.memory_space<hbm>>) dst(%arg14 : memref<128x64xf32, #tpu.memory_space<vmem>>)
      %dma_start3A_203 = arith.constant 3 : i32
      %dma_start3A_204 = arith.constant 0 : i32
      %dma_start3A_205 = tpu.memref_slice %arg12[%rem3A_78, %dma_start3A_203, %dma_start3A_204] : memref<2x16x128xi32, #tpu.memory_space<vmem>> -> memref<1x1x128xi32, #tpu.memory_space<vmem>>
      %dma_start3A_206 = tpu.memref_squeeze %dma_start3A_205 : memref<1x1x128xi32, #tpu.memory_space<vmem>> -> memref<128xi32, #tpu.memory_space<vmem>>
      %dma_start3A_207 = arith.constant 0 : i32
      %dma_start3A_208 = arith.constant 0 : i32
      %dma_start3A_209 = tpu.memref_slice %arg16[%dma_start3A_207, %dma_start3A_208] : memref<20480x64xf32, #tpu.memory_space<vmem_shared>> -> memref<20480x64xf32, #tpu.memory_space<vmem_shared>>
      tpu.enqueue_indirect_dma source(%arg14 : memref<128x64xf32, #tpu.memory_space<vmem>>) target(%dma_start3A_209 : memref<20480x64xf32, #tpu.memory_space<vmem_shared>>) offsets(%dma_start3A_206 : memref<128xi32, #tpu.memory_space<vmem>>) semaphore(%arg21 : memref<!tpu.dma_semaphore, #tpu.memory_space<semaphore_mem>>) {add = true}
      %eq3A_210 = arith.constant 0 : i32
      %eq3A_211 = arith.cmpi eq, %arg0, %eq3A_210 : i32
      %convert_element_type3A_212 = arith.extui %eq3A_211 : i1 to i32
      %cond3A_213 = arith.constant 0 : i32
      %cond3A_214 = arith.cmpi ne, %convert_element_type3A_212, %cond3A_213 : i32
      scf.if %cond3A_214 {
        %dma_start3A_674 = arith.constant 3 : i32
        %dma_start3A_675 = arith.constant 0 : i32
        %dma_start3A_676 = tpu.memref_slice %arg12[%rem3A_78, %dma_start3A_674, %dma_start3A_675] : memref<2x16x128xi32, #tpu.memory_space<vmem>> -> memref<1x1x128xi32, #tpu.memory_space<vmem>>
        %dma_start3A_677 = tpu.memref_squeeze %dma_start3A_676 : memref<1x1x128xi32, #tpu.memory_space<vmem>> -> memref<128xi32, #tpu.memory_space<vmem>>
        %dma_start3A_678 = arith.constant 0 : i32
        %dma_start3A_679 = arith.constant 0 : i32
        %dma_start3A_680 = tpu.memref_slice %arg17[%dma_start3A_678, %dma_start3A_679] : memref<20480x16xf32, #tpu.memory_space<vmem_shared>> -> memref<20480x16xf32, #tpu.memory_space<vmem_shared>>
        tpu.enqueue_indirect_dma source(%arg15 : memref<128x16xf32, #tpu.memory_space<vmem>>) target(%dma_start3A_680 : memref<20480x16xf32, #tpu.memory_space<vmem_shared>>) offsets(%dma_start3A_677 : memref<128xi32, #tpu.memory_space<vmem>>) semaphore(%arg22 : memref<!tpu.dma_semaphore, #tpu.memory_space<semaphore_mem>>) {add = true}
      } else {
      }
      %dma_wait3A_215 = arith.constant 2 : i32
      %dma_wait3A_216 = arith.constant 0 : i32
      %dma_wait3A_217 = tpu.memref_slice %arg12[%rem3A_78, %dma_wait3A_215, %dma_wait3A_216] : memref<2x16x128xi32, #tpu.memory_space<vmem>> -> memref<1x1x128xi32, #tpu.memory_space<vmem>>
      %dma_wait3A_218 = tpu.memref_squeeze %dma_wait3A_217 : memref<1x1x128xi32, #tpu.memory_space<vmem>> -> memref<128xi32, #tpu.memory_space<vmem>>
      %dma_wait3A_219 = arith.constant 0 : i32
      %dma_wait3A_220 = arith.constant 0 : i32
      %dma_wait3A_221 = tpu.memref_slice %arg16[%dma_wait3A_219, %dma_wait3A_220] : memref<20480x64xf32, #tpu.memory_space<vmem_shared>> -> memref<20480x64xf32, #tpu.memory_space<vmem_shared>>
      tpu.wait_indirect_dma semaphore(%arg20 : memref<!tpu.dma_semaphore, #tpu.memory_space<semaphore_mem>>) src(%arg13 : memref<128x64xf32, #tpu.memory_space<vmem>>) dst(%dma_wait3A_221 : memref<20480x64xf32, #tpu.memory_space<vmem_shared>>)
      %eq3A_222 = arith.constant 0 : i32
      %eq3A_223 = arith.cmpi eq, %arg0, %eq3A_222 : i32
      %convert_element_type3A_224 = arith.extui %eq3A_223 : i1 to i32
      %cond3A_225 = arith.constant 0 : i32
      %cond3A_226 = arith.cmpi ne, %convert_element_type3A_224, %cond3A_225 : i32
      scf.if %cond3A_226 {
        %dma_start3A_674 = arith.constant 4 : i32
        %dma_start3A_675 = arith.constant 0 : i32
        %dma_start3A_676 = tpu.memref_slice %arg11[%rem3A_78, %dma_start3A_674, %dma_start3A_675] : memref<2x16x128xi32, #tpu.memory_space<vmem>> -> memref<1x1x128xi32, #tpu.memory_space<vmem>>
        %dma_start3A_677 = tpu.memref_squeeze %dma_start3A_676 : memref<1x1x128xi32, #tpu.memory_space<vmem>> -> memref<128xi32, #tpu.memory_space<vmem>>
        %dma_start3A_678 = arith.constant 0 : i32
        %dma_start3A_679 = arith.constant 0 : i32
        %dma_start3A_680 = tpu.memref_slice %arg2[%dma_start3A_678, %dma_start3A_679] : memref<10000x64xf32, #tpu.memory_space<hbm>> -> memref<10000x64xf32, #tpu.memory_space<hbm>>
        tpu.enqueue_indirect_dma source(%dma_start3A_680 : memref<10000x64xf32, #tpu.memory_space<hbm>>) target(%arg13 : memref<128x64xf32, #tpu.memory_space<vmem>>) offsets(%dma_start3A_677 : memref<128xi32, #tpu.memory_space<vmem>>) semaphore(%arg18 : memref<!tpu.dma_semaphore, #tpu.memory_space<semaphore_mem>>)
      } else {
      }
      %eq3A_227 = arith.constant 1 : i32
      %eq3A_228 = arith.cmpi eq, %arg0, %eq3A_227 : i32
      %convert_element_type3A_229 = arith.extui %eq3A_228 : i1 to i32
      %cond3A_230 = arith.constant 0 : i32
      %cond3A_231 = arith.cmpi ne, %convert_element_type3A_229, %cond3A_230 : i32
      scf.if %cond3A_231 {
        %dma_start3A_674 = arith.constant 4 : i32
        %dma_start3A_675 = arith.constant 0 : i32
        %dma_start3A_676 = tpu.memref_slice %arg11[%rem3A_78, %dma_start3A_674, %dma_start3A_675] : memref<2x16x128xi32, #tpu.memory_space<vmem>> -> memref<1x1x128xi32, #tpu.memory_space<vmem>>
        %dma_start3A_677 = tpu.memref_squeeze %dma_start3A_676 : memref<1x1x128xi32, #tpu.memory_space<vmem>> -> memref<128xi32, #tpu.memory_space<vmem>>
        %dma_start3A_678 = arith.constant 0 : i32
        %dma_start3A_679 = arith.constant 0 : i32
        %dma_start3A_680 = tpu.memref_slice %arg3[%dma_start3A_678, %dma_start3A_679] : memref<10000x64xf32, #tpu.memory_space<hbm>> -> memref<10000x64xf32, #tpu.memory_space<hbm>>
        tpu.enqueue_indirect_dma source(%dma_start3A_680 : memref<10000x64xf32, #tpu.memory_space<hbm>>) target(%arg13 : memref<128x64xf32, #tpu.memory_space<vmem>>) offsets(%dma_start3A_677 : memref<128xi32, #tpu.memory_space<vmem>>) semaphore(%arg18 : memref<!tpu.dma_semaphore, #tpu.memory_space<semaphore_mem>>)
      } else {
      }
      %dma_wait3A_232 = arith.constant 4 : i32
      %dma_wait3A_233 = arith.constant 0 : i32
      %dma_wait3A_234 = tpu.memref_slice %arg11[%rem3A_78, %dma_wait3A_232, %dma_wait3A_233] : memref<2x16x128xi32, #tpu.memory_space<vmem>> -> memref<1x1x128xi32, #tpu.memory_space<vmem>>
      %dma_wait3A_235 = tpu.memref_squeeze %dma_wait3A_234 : memref<1x1x128xi32, #tpu.memory_space<vmem>> -> memref<128xi32, #tpu.memory_space<vmem>>
      %dma_wait3A_236 = arith.constant 0 : i32
      %dma_wait3A_237 = arith.constant 0 : i32
      %dma_wait3A_238 = tpu.memref_slice %arg2[%dma_wait3A_236, %dma_wait3A_237] : memref<10000x64xf32, #tpu.memory_space<hbm>> -> memref<10000x64xf32, #tpu.memory_space<hbm>>
      tpu.wait_indirect_dma semaphore(%arg18 : memref<!tpu.dma_semaphore, #tpu.memory_space<semaphore_mem>>) src(%dma_wait3A_238 : memref<10000x64xf32, #tpu.memory_space<hbm>>) dst(%arg13 : memref<128x64xf32, #tpu.memory_space<vmem>>)
      %dma_start3A_239 = arith.constant 4 : i32
      %dma_start3A_240 = arith.constant 0 : i32
      %dma_start3A_241 = tpu.memref_slice %arg12[%rem3A_78, %dma_start3A_239, %dma_start3A_240] : memref<2x16x128xi32, #tpu.memory_space<vmem>> -> memref<1x1x128xi32, #tpu.memory_space<vmem>>
      %dma_start3A_242 = tpu.memref_squeeze %dma_start3A_241 : memref<1x1x128xi32, #tpu.memory_space<vmem>> -> memref<128xi32, #tpu.memory_space<vmem>>
      %dma_start3A_243 = arith.constant 0 : i32
      %dma_start3A_244 = arith.constant 0 : i32
      %dma_start3A_245 = tpu.memref_slice %arg16[%dma_start3A_243, %dma_start3A_244] : memref<20480x64xf32, #tpu.memory_space<vmem_shared>> -> memref<20480x64xf32, #tpu.memory_space<vmem_shared>>
      tpu.enqueue_indirect_dma source(%arg13 : memref<128x64xf32, #tpu.memory_space<vmem>>) target(%dma_start3A_245 : memref<20480x64xf32, #tpu.memory_space<vmem_shared>>) offsets(%dma_start3A_242 : memref<128xi32, #tpu.memory_space<vmem>>) semaphore(%arg20 : memref<!tpu.dma_semaphore, #tpu.memory_space<semaphore_mem>>) {add = true}
      %eq3A_246 = arith.constant 0 : i32
      %eq3A_247 = arith.cmpi eq, %arg0, %eq3A_246 : i32
      %convert_element_type3A_248 = arith.extui %eq3A_247 : i1 to i32
      %cond3A_249 = arith.constant 0 : i32
      %cond3A_250 = arith.cmpi ne, %convert_element_type3A_248, %cond3A_249 : i32
      scf.if %cond3A_250 {
        %dma_start3A_674 = arith.constant 4 : i32
        %dma_start3A_675 = arith.constant 0 : i32
        %dma_start3A_676 = tpu.memref_slice %arg12[%rem3A_78, %dma_start3A_674, %dma_start3A_675] : memref<2x16x128xi32, #tpu.memory_space<vmem>> -> memref<1x1x128xi32, #tpu.memory_space<vmem>>
        %dma_start3A_677 = tpu.memref_squeeze %dma_start3A_676 : memref<1x1x128xi32, #tpu.memory_space<vmem>> -> memref<128xi32, #tpu.memory_space<vmem>>
        %dma_start3A_678 = arith.constant 0 : i32
        %dma_start3A_679 = arith.constant 0 : i32
        %dma_start3A_680 = tpu.memref_slice %arg17[%dma_start3A_678, %dma_start3A_679] : memref<20480x16xf32, #tpu.memory_space<vmem_shared>> -> memref<20480x16xf32, #tpu.memory_space<vmem_shared>>
        tpu.enqueue_indirect_dma source(%arg15 : memref<128x16xf32, #tpu.memory_space<vmem>>) target(%dma_start3A_680 : memref<20480x16xf32, #tpu.memory_space<vmem_shared>>) offsets(%dma_start3A_677 : memref<128xi32, #tpu.memory_space<vmem>>) semaphore(%arg22 : memref<!tpu.dma_semaphore, #tpu.memory_space<semaphore_mem>>) {add = true}
      } else {
      }
      %dma_wait3A_251 = arith.constant 3 : i32
      %dma_wait3A_252 = arith.constant 0 : i32
      %dma_wait3A_253 = tpu.memref_slice %arg12[%rem3A_78, %dma_wait3A_251, %dma_wait3A_252] : memref<2x16x128xi32, #tpu.memory_space<vmem>> -> memref<1x1x128xi32, #tpu.memory_space<vmem>>
      %dma_wait3A_254 = tpu.memref_squeeze %dma_wait3A_253 : memref<1x1x128xi32, #tpu.memory_space<vmem>> -> memref<128xi32, #tpu.memory_space<vmem>>
      %dma_wait3A_255 = arith.constant 0 : i32
      %dma_wait3A_256 = arith.constant 0 : i32
      %dma_wait3A_257 = tpu.memref_slice %arg16[%dma_wait3A_255, %dma_wait3A_256] : memref<20480x64xf32, #tpu.memory_space<vmem_shared>> -> memref<20480x64xf32, #tpu.memory_space<vmem_shared>>
      tpu.wait_indirect_dma semaphore(%arg21 : memref<!tpu.dma_semaphore, #tpu.memory_space<semaphore_mem>>) src(%arg14 : memref<128x64xf32, #tpu.memory_space<vmem>>) dst(%dma_wait3A_257 : memref<20480x64xf32, #tpu.memory_space<vmem_shared>>)
      %eq3A_258 = arith.constant 0 : i32
      %eq3A_259 = arith.cmpi eq, %arg0, %eq3A_258 : i32
      %convert_element_type3A_260 = arith.extui %eq3A_259 : i1 to i32
      %cond3A_261 = arith.constant 0 : i32
      %cond3A_262 = arith.cmpi ne, %convert_element_type3A_260, %cond3A_261 : i32
      scf.if %cond3A_262 {
        %dma_start3A_674 = arith.constant 5 : i32
        %dma_start3A_675 = arith.constant 0 : i32
        %dma_start3A_676 = tpu.memref_slice %arg11[%rem3A_78, %dma_start3A_674, %dma_start3A_675] : memref<2x16x128xi32, #tpu.memory_space<vmem>> -> memref<1x1x128xi32, #tpu.memory_space<vmem>>
        %dma_start3A_677 = tpu.memref_squeeze %dma_start3A_676 : memref<1x1x128xi32, #tpu.memory_space<vmem>> -> memref<128xi32, #tpu.memory_space<vmem>>
        %dma_start3A_678 = arith.constant 0 : i32
        %dma_start3A_679 = arith.constant 0 : i32
        %dma_start3A_680 = tpu.memref_slice %arg2[%dma_start3A_678, %dma_start3A_679] : memref<10000x64xf32, #tpu.memory_space<hbm>> -> memref<10000x64xf32, #tpu.memory_space<hbm>>
        tpu.enqueue_indirect_dma source(%dma_start3A_680 : memref<10000x64xf32, #tpu.memory_space<hbm>>) target(%arg14 : memref<128x64xf32, #tpu.memory_space<vmem>>) offsets(%dma_start3A_677 : memref<128xi32, #tpu.memory_space<vmem>>) semaphore(%arg19 : memref<!tpu.dma_semaphore, #tpu.memory_space<semaphore_mem>>)
      } else {
      }
      %eq3A_263 = arith.constant 1 : i32
      %eq3A_264 = arith.cmpi eq, %arg0, %eq3A_263 : i32
      %convert_element_type3A_265 = arith.extui %eq3A_264 : i1 to i32
      %cond3A_266 = arith.constant 0 : i32
      %cond3A_267 = arith.cmpi ne, %convert_element_type3A_265, %cond3A_266 : i32
      scf.if %cond3A_267 {
        %dma_start3A_674 = arith.constant 5 : i32
        %dma_start3A_675 = arith.constant 0 : i32
        %dma_start3A_676 = tpu.memref_slice %arg11[%rem3A_78, %dma_start3A_674, %dma_start3A_675] : memref<2x16x128xi32, #tpu.memory_space<vmem>> -> memref<1x1x128xi32, #tpu.memory_space<vmem>>
        %dma_start3A_677 = tpu.memref_squeeze %dma_start3A_676 : memref<1x1x128xi32, #tpu.memory_space<vmem>> -> memref<128xi32, #tpu.memory_space<vmem>>
        %dma_start3A_678 = arith.constant 0 : i32
        %dma_start3A_679 = arith.constant 0 : i32
        %dma_start3A_680 = tpu.memref_slice %arg3[%dma_start3A_678, %dma_start3A_679] : memref<10000x64xf32, #tpu.memory_space<hbm>> -> memref<10000x64xf32, #tpu.memory_space<hbm>>
        tpu.enqueue_indirect_dma source(%dma_start3A_680 : memref<10000x64xf32, #tpu.memory_space<hbm>>) target(%arg14 : memref<128x64xf32, #tpu.memory_space<vmem>>) offsets(%dma_start3A_677 : memref<128xi32, #tpu.memory_space<vmem>>) semaphore(%arg19 : memref<!tpu.dma_semaphore, #tpu.memory_space<semaphore_mem>>)
      } else {
      }
      %dma_wait3A_268 = arith.constant 5 : i32
      %dma_wait3A_269 = arith.constant 0 : i32
      %dma_wait3A_270 = tpu.memref_slice %arg11[%rem3A_78, %dma_wait3A_268, %dma_wait3A_269] : memref<2x16x128xi32, #tpu.memory_space<vmem>> -> memref<1x1x128xi32, #tpu.memory_space<vmem>>
      %dma_wait3A_271 = tpu.memref_squeeze %dma_wait3A_270 : memref<1x1x128xi32, #tpu.memory_space<vmem>> -> memref<128xi32, #tpu.memory_space<vmem>>
      %dma_wait3A_272 = arith.constant 0 : i32
      %dma_wait3A_273 = arith.constant 0 : i32
      %dma_wait3A_274 = tpu.memref_slice %arg2[%dma_wait3A_272, %dma_wait3A_273] : memref<10000x64xf32, #tpu.memory_space<hbm>> -> memref<10000x64xf32, #tpu.memory_space<hbm>>
      tpu.wait_indirect_dma semaphore(%arg19 : memref<!tpu.dma_semaphore, #tpu.memory_space<semaphore_mem>>) src(%dma_wait3A_274 : memref<10000x64xf32, #tpu.memory_space<hbm>>) dst(%arg14 : memref<128x64xf32, #tpu.memory_space<vmem>>)
      %dma_start3A_275 = arith.constant 5 : i32
      %dma_start3A_276 = arith.constant 0 : i32
      %dma_start3A_277 = tpu.memref_slice %arg12[%rem3A_78, %dma_start3A_275, %dma_start3A_276] : memref<2x16x128xi32, #tpu.memory_space<vmem>> -> memref<1x1x128xi32, #tpu.memory_space<vmem>>
      %dma_start3A_278 = tpu.memref_squeeze %dma_start3A_277 : memref<1x1x128xi32, #tpu.memory_space<vmem>> -> memref<128xi32, #tpu.memory_space<vmem>>
      %dma_start3A_279 = arith.constant 0 : i32
      %dma_start3A_280 = arith.constant 0 : i32
      %dma_start3A_281 = tpu.memref_slice %arg16[%dma_start3A_279, %dma_start3A_280] : memref<20480x64xf32, #tpu.memory_space<vmem_shared>> -> memref<20480x64xf32, #tpu.memory_space<vmem_shared>>
      tpu.enqueue_indirect_dma source(%arg14 : memref<128x64xf32, #tpu.memory_space<vmem>>) target(%dma_start3A_281 : memref<20480x64xf32, #tpu.memory_space<vmem_shared>>) offsets(%dma_start3A_278 : memref<128xi32, #tpu.memory_space<vmem>>) semaphore(%arg21 : memref<!tpu.dma_semaphore, #tpu.memory_space<semaphore_mem>>) {add = true}
      %eq3A_282 = arith.constant 0 : i32
      %eq3A_283 = arith.cmpi eq, %arg0, %eq3A_282 : i32
      %convert_element_type3A_284 = arith.extui %eq3A_283 : i1 to i32
      %cond3A_285 = arith.constant 0 : i32
      %cond3A_286 = arith.cmpi ne, %convert_element_type3A_284, %cond3A_285 : i32
      scf.if %cond3A_286 {
        %dma_start3A_674 = arith.constant 5 : i32
        %dma_start3A_675 = arith.constant 0 : i32
        %dma_start3A_676 = tpu.memref_slice %arg12[%rem3A_78, %dma_start3A_674, %dma_start3A_675] : memref<2x16x128xi32, #tpu.memory_space<vmem>> -> memref<1x1x128xi32, #tpu.memory_space<vmem>>
        %dma_start3A_677 = tpu.memref_squeeze %dma_start3A_676 : memref<1x1x128xi32, #tpu.memory_space<vmem>> -> memref<128xi32, #tpu.memory_space<vmem>>
        %dma_start3A_678 = arith.constant 0 : i32
        %dma_start3A_679 = arith.constant 0 : i32
        %dma_start3A_680 = tpu.memref_slice %arg17[%dma_start3A_678, %dma_start3A_679] : memref<20480x16xf32, #tpu.memory_space<vmem_shared>> -> memref<20480x16xf32, #tpu.memory_space<vmem_shared>>
        tpu.enqueue_indirect_dma source(%arg15 : memref<128x16xf32, #tpu.memory_space<vmem>>) target(%dma_start3A_680 : memref<20480x16xf32, #tpu.memory_space<vmem_shared>>) offsets(%dma_start3A_677 : memref<128xi32, #tpu.memory_space<vmem>>) semaphore(%arg22 : memref<!tpu.dma_semaphore, #tpu.memory_space<semaphore_mem>>) {add = true}
      } else {
      }
      %dma_wait3A_287 = arith.constant 4 : i32
      %dma_wait3A_288 = arith.constant 0 : i32
      %dma_wait3A_289 = tpu.memref_slice %arg12[%rem3A_78, %dma_wait3A_287, %dma_wait3A_288] : memref<2x16x128xi32, #tpu.memory_space<vmem>> -> memref<1x1x128xi32, #tpu.memory_space<vmem>>
      %dma_wait3A_290 = tpu.memref_squeeze %dma_wait3A_289 : memref<1x1x128xi32, #tpu.memory_space<vmem>> -> memref<128xi32, #tpu.memory_space<vmem>>
      %dma_wait3A_291 = arith.constant 0 : i32
      %dma_wait3A_292 = arith.constant 0 : i32
      %dma_wait3A_293 = tpu.memref_slice %arg16[%dma_wait3A_291, %dma_wait3A_292] : memref<20480x64xf32, #tpu.memory_space<vmem_shared>> -> memref<20480x64xf32, #tpu.memory_space<vmem_shared>>
      tpu.wait_indirect_dma semaphore(%arg20 : memref<!tpu.dma_semaphore, #tpu.memory_space<semaphore_mem>>) src(%arg13 : memref<128x64xf32, #tpu.memory_space<vmem>>) dst(%dma_wait3A_293 : memref<20480x64xf32, #tpu.memory_space<vmem_shared>>)
      %eq3A_294 = arith.constant 0 : i32
      %eq3A_295 = arith.cmpi eq, %arg0, %eq3A_294 : i32
      %convert_element_type3A_296 = arith.extui %eq3A_295 : i1 to i32
      %cond3A_297 = arith.constant 0 : i32
      %cond3A_298 = arith.cmpi ne, %convert_element_type3A_296, %cond3A_297 : i32
      scf.if %cond3A_298 {
        %dma_start3A_674 = arith.constant 6 : i32
        %dma_start3A_675 = arith.constant 0 : i32
        %dma_start3A_676 = tpu.memref_slice %arg11[%rem3A_78, %dma_start3A_674, %dma_start3A_675] : memref<2x16x128xi32, #tpu.memory_space<vmem>> -> memref<1x1x128xi32, #tpu.memory_space<vmem>>
        %dma_start3A_677 = tpu.memref_squeeze %dma_start3A_676 : memref<1x1x128xi32, #tpu.memory_space<vmem>> -> memref<128xi32, #tpu.memory_space<vmem>>
        %dma_start3A_678 = arith.constant 0 : i32
        %dma_start3A_679 = arith.constant 0 : i32
        %dma_start3A_680 = tpu.memref_slice %arg2[%dma_start3A_678, %dma_start3A_679] : memref<10000x64xf32, #tpu.memory_space<hbm>> -> memref<10000x64xf32, #tpu.memory_space<hbm>>
        tpu.enqueue_indirect_dma source(%dma_start3A_680 : memref<10000x64xf32, #tpu.memory_space<hbm>>) target(%arg13 : memref<128x64xf32, #tpu.memory_space<vmem>>) offsets(%dma_start3A_677 : memref<128xi32, #tpu.memory_space<vmem>>) semaphore(%arg18 : memref<!tpu.dma_semaphore, #tpu.memory_space<semaphore_mem>>)
      } else {
      }
      %eq3A_299 = arith.constant 1 : i32
      %eq3A_300 = arith.cmpi eq, %arg0, %eq3A_299 : i32
      %convert_element_type3A_301 = arith.extui %eq3A_300 : i1 to i32
      %cond3A_302 = arith.constant 0 : i32
      %cond3A_303 = arith.cmpi ne, %convert_element_type3A_301, %cond3A_302 : i32
      scf.if %cond3A_303 {
        %dma_start3A_674 = arith.constant 6 : i32
        %dma_start3A_675 = arith.constant 0 : i32
        %dma_start3A_676 = tpu.memref_slice %arg11[%rem3A_78, %dma_start3A_674, %dma_start3A_675] : memref<2x16x128xi32, #tpu.memory_space<vmem>> -> memref<1x1x128xi32, #tpu.memory_space<vmem>>
        %dma_start3A_677 = tpu.memref_squeeze %dma_start3A_676 : memref<1x1x128xi32, #tpu.memory_space<vmem>> -> memref<128xi32, #tpu.memory_space<vmem>>
        %dma_start3A_678 = arith.constant 0 : i32
        %dma_start3A_679 = arith.constant 0 : i32
        %dma_start3A_680 = tpu.memref_slice %arg3[%dma_start3A_678, %dma_start3A_679] : memref<10000x64xf32, #tpu.memory_space<hbm>> -> memref<10000x64xf32, #tpu.memory_space<hbm>>
        tpu.enqueue_indirect_dma source(%dma_start3A_680 : memref<10000x64xf32, #tpu.memory_space<hbm>>) target(%arg13 : memref<128x64xf32, #tpu.memory_space<vmem>>) offsets(%dma_start3A_677 : memref<128xi32, #tpu.memory_space<vmem>>) semaphore(%arg18 : memref<!tpu.dma_semaphore, #tpu.memory_space<semaphore_mem>>)
      } else {
      }
      %dma_wait3A_304 = arith.constant 6 : i32
      %dma_wait3A_305 = arith.constant 0 : i32
      %dma_wait3A_306 = tpu.memref_slice %arg11[%rem3A_78, %dma_wait3A_304, %dma_wait3A_305] : memref<2x16x128xi32, #tpu.memory_space<vmem>> -> memref<1x1x128xi32, #tpu.memory_space<vmem>>
      %dma_wait3A_307 = tpu.memref_squeeze %dma_wait3A_306 : memref<1x1x128xi32, #tpu.memory_space<vmem>> -> memref<128xi32, #tpu.memory_space<vmem>>
      %dma_wait3A_308 = arith.constant 0 : i32
      %dma_wait3A_309 = arith.constant 0 : i32
      %dma_wait3A_310 = tpu.memref_slice %arg2[%dma_wait3A_308, %dma_wait3A_309] : memref<10000x64xf32, #tpu.memory_space<hbm>> -> memref<10000x64xf32, #tpu.memory_space<hbm>>
      tpu.wait_indirect_dma semaphore(%arg18 : memref<!tpu.dma_semaphore, #tpu.memory_space<semaphore_mem>>) src(%dma_wait3A_310 : memref<10000x64xf32, #tpu.memory_space<hbm>>) dst(%arg13 : memref<128x64xf32, #tpu.memory_space<vmem>>)
      %dma_start3A_311 = arith.constant 6 : i32
      %dma_start3A_312 = arith.constant 0 : i32
      %dma_start3A_313 = tpu.memref_slice %arg12[%rem3A_78, %dma_start3A_311, %dma_start3A_312] : memref<2x16x128xi32, #tpu.memory_space<vmem>> -> memref<1x1x128xi32, #tpu.memory_space<vmem>>
      %dma_start3A_314 = tpu.memref_squeeze %dma_start3A_313 : memref<1x1x128xi32, #tpu.memory_space<vmem>> -> memref<128xi32, #tpu.memory_space<vmem>>
      %dma_start3A_315 = arith.constant 0 : i32
      %dma_start3A_316 = arith.constant 0 : i32
      %dma_start3A_317 = tpu.memref_slice %arg16[%dma_start3A_315, %dma_start3A_316] : memref<20480x64xf32, #tpu.memory_space<vmem_shared>> -> memref<20480x64xf32, #tpu.memory_space<vmem_shared>>
      tpu.enqueue_indirect_dma source(%arg13 : memref<128x64xf32, #tpu.memory_space<vmem>>) target(%dma_start3A_317 : memref<20480x64xf32, #tpu.memory_space<vmem_shared>>) offsets(%dma_start3A_314 : memref<128xi32, #tpu.memory_space<vmem>>) semaphore(%arg20 : memref<!tpu.dma_semaphore, #tpu.memory_space<semaphore_mem>>) {add = true}
      %eq3A_318 = arith.constant 0 : i32
      %eq3A_319 = arith.cmpi eq, %arg0, %eq3A_318 : i32
      %convert_element_type3A_320 = arith.extui %eq3A_319 : i1 to i32
      %cond3A_321 = arith.constant 0 : i32
      %cond3A_322 = arith.cmpi ne, %convert_element_type3A_320, %cond3A_321 : i32
      scf.if %cond3A_322 {
        %dma_start3A_674 = arith.constant 6 : i32
        %dma_start3A_675 = arith.constant 0 : i32
        %dma_start3A_676 = tpu.memref_slice %arg12[%rem3A_78, %dma_start3A_674, %dma_start3A_675] : memref<2x16x128xi32, #tpu.memory_space<vmem>> -> memref<1x1x128xi32, #tpu.memory_space<vmem>>
        %dma_start3A_677 = tpu.memref_squeeze %dma_start3A_676 : memref<1x1x128xi32, #tpu.memory_space<vmem>> -> memref<128xi32, #tpu.memory_space<vmem>>
        %dma_start3A_678 = arith.constant 0 : i32
        %dma_start3A_679 = arith.constant 0 : i32
        %dma_start3A_680 = tpu.memref_slice %arg17[%dma_start3A_678, %dma_start3A_679] : memref<20480x16xf32, #tpu.memory_space<vmem_shared>> -> memref<20480x16xf32, #tpu.memory_space<vmem_shared>>
        tpu.enqueue_indirect_dma source(%arg15 : memref<128x16xf32, #tpu.memory_space<vmem>>) target(%dma_start3A_680 : memref<20480x16xf32, #tpu.memory_space<vmem_shared>>) offsets(%dma_start3A_677 : memref<128xi32, #tpu.memory_space<vmem>>) semaphore(%arg22 : memref<!tpu.dma_semaphore, #tpu.memory_space<semaphore_mem>>) {add = true}
      } else {
      }
      %dma_wait3A_323 = arith.constant 5 : i32
      %dma_wait3A_324 = arith.constant 0 : i32
      %dma_wait3A_325 = tpu.memref_slice %arg12[%rem3A_78, %dma_wait3A_323, %dma_wait3A_324] : memref<2x16x128xi32, #tpu.memory_space<vmem>> -> memref<1x1x128xi32, #tpu.memory_space<vmem>>
      %dma_wait3A_326 = tpu.memref_squeeze %dma_wait3A_325 : memref<1x1x128xi32, #tpu.memory_space<vmem>> -> memref<128xi32, #tpu.memory_space<vmem>>
      %dma_wait3A_327 = arith.constant 0 : i32
      %dma_wait3A_328 = arith.constant 0 : i32
      %dma_wait3A_329 = tpu.memref_slice %arg16[%dma_wait3A_327, %dma_wait3A_328] : memref<20480x64xf32, #tpu.memory_space<vmem_shared>> -> memref<20480x64xf32, #tpu.memory_space<vmem_shared>>
      tpu.wait_indirect_dma semaphore(%arg21 : memref<!tpu.dma_semaphore, #tpu.memory_space<semaphore_mem>>) src(%arg14 : memref<128x64xf32, #tpu.memory_space<vmem>>) dst(%dma_wait3A_329 : memref<20480x64xf32, #tpu.memory_space<vmem_shared>>)
      %eq3A_330 = arith.constant 0 : i32
      %eq3A_331 = arith.cmpi eq, %arg0, %eq3A_330 : i32
      %convert_element_type3A_332 = arith.extui %eq3A_331 : i1 to i32
      %cond3A_333 = arith.constant 0 : i32
      %cond3A_334 = arith.cmpi ne, %convert_element_type3A_332, %cond3A_333 : i32
      scf.if %cond3A_334 {
        %dma_start3A_674 = arith.constant 7 : i32
        %dma_start3A_675 = arith.constant 0 : i32
        %dma_start3A_676 = tpu.memref_slice %arg11[%rem3A_78, %dma_start3A_674, %dma_start3A_675] : memref<2x16x128xi32, #tpu.memory_space<vmem>> -> memref<1x1x128xi32, #tpu.memory_space<vmem>>
        %dma_start3A_677 = tpu.memref_squeeze %dma_start3A_676 : memref<1x1x128xi32, #tpu.memory_space<vmem>> -> memref<128xi32, #tpu.memory_space<vmem>>
        %dma_start3A_678 = arith.constant 0 : i32
        %dma_start3A_679 = arith.constant 0 : i32
        %dma_start3A_680 = tpu.memref_slice %arg2[%dma_start3A_678, %dma_start3A_679] : memref<10000x64xf32, #tpu.memory_space<hbm>> -> memref<10000x64xf32, #tpu.memory_space<hbm>>
        tpu.enqueue_indirect_dma source(%dma_start3A_680 : memref<10000x64xf32, #tpu.memory_space<hbm>>) target(%arg14 : memref<128x64xf32, #tpu.memory_space<vmem>>) offsets(%dma_start3A_677 : memref<128xi32, #tpu.memory_space<vmem>>) semaphore(%arg19 : memref<!tpu.dma_semaphore, #tpu.memory_space<semaphore_mem>>)
      } else {
      }
      %eq3A_335 = arith.constant 1 : i32
      %eq3A_336 = arith.cmpi eq, %arg0, %eq3A_335 : i32
      %convert_element_type3A_337 = arith.extui %eq3A_336 : i1 to i32
      %cond3A_338 = arith.constant 0 : i32
      %cond3A_339 = arith.cmpi ne, %convert_element_type3A_337, %cond3A_338 : i32
      scf.if %cond3A_339 {
        %dma_start3A_674 = arith.constant 7 : i32
        %dma_start3A_675 = arith.constant 0 : i32
        %dma_start3A_676 = tpu.memref_slice %arg11[%rem3A_78, %dma_start3A_674, %dma_start3A_675] : memref<2x16x128xi32, #tpu.memory_space<vmem>> -> memref<1x1x128xi32, #tpu.memory_space<vmem>>
        %dma_start3A_677 = tpu.memref_squeeze %dma_start3A_676 : memref<1x1x128xi32, #tpu.memory_space<vmem>> -> memref<128xi32, #tpu.memory_space<vmem>>
        %dma_start3A_678 = arith.constant 0 : i32
        %dma_start3A_679 = arith.constant 0 : i32
        %dma_start3A_680 = tpu.memref_slice %arg3[%dma_start3A_678, %dma_start3A_679] : memref<10000x64xf32, #tpu.memory_space<hbm>> -> memref<10000x64xf32, #tpu.memory_space<hbm>>
        tpu.enqueue_indirect_dma source(%dma_start3A_680 : memref<10000x64xf32, #tpu.memory_space<hbm>>) target(%arg14 : memref<128x64xf32, #tpu.memory_space<vmem>>) offsets(%dma_start3A_677 : memref<128xi32, #tpu.memory_space<vmem>>) semaphore(%arg19 : memref<!tpu.dma_semaphore, #tpu.memory_space<semaphore_mem>>)
      } else {
      }
      %dma_wait3A_340 = arith.constant 7 : i32
      %dma_wait3A_341 = arith.constant 0 : i32
      %dma_wait3A_342 = tpu.memref_slice %arg11[%rem3A_78, %dma_wait3A_340, %dma_wait3A_341] : memref<2x16x128xi32, #tpu.memory_space<vmem>> -> memref<1x1x128xi32, #tpu.memory_space<vmem>>
      %dma_wait3A_343 = tpu.memref_squeeze %dma_wait3A_342 : memref<1x1x128xi32, #tpu.memory_space<vmem>> -> memref<128xi32, #tpu.memory_space<vmem>>
      %dma_wait3A_344 = arith.constant 0 : i32
      %dma_wait3A_345 = arith.constant 0 : i32
      %dma_wait3A_346 = tpu.memref_slice %arg2[%dma_wait3A_344, %dma_wait3A_345] : memref<10000x64xf32, #tpu.memory_space<hbm>> -> memref<10000x64xf32, #tpu.memory_space<hbm>>
      tpu.wait_indirect_dma semaphore(%arg19 : memref<!tpu.dma_semaphore, #tpu.memory_space<semaphore_mem>>) src(%dma_wait3A_346 : memref<10000x64xf32, #tpu.memory_space<hbm>>) dst(%arg14 : memref<128x64xf32, #tpu.memory_space<vmem>>)
      %dma_start3A_347 = arith.constant 7 : i32
      %dma_start3A_348 = arith.constant 0 : i32
      %dma_start3A_349 = tpu.memref_slice %arg12[%rem3A_78, %dma_start3A_347, %dma_start3A_348] : memref<2x16x128xi32, #tpu.memory_space<vmem>> -> memref<1x1x128xi32, #tpu.memory_space<vmem>>
      %dma_start3A_350 = tpu.memref_squeeze %dma_start3A_349 : memref<1x1x128xi32, #tpu.memory_space<vmem>> -> memref<128xi32, #tpu.memory_space<vmem>>
      %dma_start3A_351 = arith.constant 0 : i32
      %dma_start3A_352 = arith.constant 0 : i32
      %dma_start3A_353 = tpu.memref_slice %arg16[%dma_start3A_351, %dma_start3A_352] : memref<20480x64xf32, #tpu.memory_space<vmem_shared>> -> memref<20480x64xf32, #tpu.memory_space<vmem_shared>>
      tpu.enqueue_indirect_dma source(%arg14 : memref<128x64xf32, #tpu.memory_space<vmem>>) target(%dma_start3A_353 : memref<20480x64xf32, #tpu.memory_space<vmem_shared>>) offsets(%dma_start3A_350 : memref<128xi32, #tpu.memory_space<vmem>>) semaphore(%arg21 : memref<!tpu.dma_semaphore, #tpu.memory_space<semaphore_mem>>) {add = true}
      %eq3A_354 = arith.constant 0 : i32
      %eq3A_355 = arith.cmpi eq, %arg0, %eq3A_354 : i32
      %convert_element_type3A_356 = arith.extui %eq3A_355 : i1 to i32
      %cond3A_357 = arith.constant 0 : i32
      %cond3A_358 = arith.cmpi ne, %convert_element_type3A_356, %cond3A_357 : i32
      scf.if %cond3A_358 {
        %dma_start3A_674 = arith.constant 7 : i32
        %dma_start3A_675 = arith.constant 0 : i32
        %dma_start3A_676 = tpu.memref_slice %arg12[%rem3A_78, %dma_start3A_674, %dma_start3A_675] : memref<2x16x128xi32, #tpu.memory_space<vmem>> -> memref<1x1x128xi32, #tpu.memory_space<vmem>>
        %dma_start3A_677 = tpu.memref_squeeze %dma_start3A_676 : memref<1x1x128xi32, #tpu.memory_space<vmem>> -> memref<128xi32, #tpu.memory_space<vmem>>
        %dma_start3A_678 = arith.constant 0 : i32
        %dma_start3A_679 = arith.constant 0 : i32
        %dma_start3A_680 = tpu.memref_slice %arg17[%dma_start3A_678, %dma_start3A_679] : memref<20480x16xf32, #tpu.memory_space<vmem_shared>> -> memref<20480x16xf32, #tpu.memory_space<vmem_shared>>
        tpu.enqueue_indirect_dma source(%arg15 : memref<128x16xf32, #tpu.memory_space<vmem>>) target(%dma_start3A_680 : memref<20480x16xf32, #tpu.memory_space<vmem_shared>>) offsets(%dma_start3A_677 : memref<128xi32, #tpu.memory_space<vmem>>) semaphore(%arg22 : memref<!tpu.dma_semaphore, #tpu.memory_space<semaphore_mem>>) {add = true}
      } else {
      }
      %dma_wait3A_359 = arith.constant 6 : i32
      %dma_wait3A_360 = arith.constant 0 : i32
      %dma_wait3A_361 = tpu.memref_slice %arg12[%rem3A_78, %dma_wait3A_359, %dma_wait3A_360] : memref<2x16x128xi32, #tpu.memory_space<vmem>> -> memref<1x1x128xi32, #tpu.memory_space<vmem>>
      %dma_wait3A_362 = tpu.memref_squeeze %dma_wait3A_361 : memref<1x1x128xi32, #tpu.memory_space<vmem>> -> memref<128xi32, #tpu.memory_space<vmem>>
      %dma_wait3A_363 = arith.constant 0 : i32
      %dma_wait3A_364 = arith.constant 0 : i32
      %dma_wait3A_365 = tpu.memref_slice %arg16[%dma_wait3A_363, %dma_wait3A_364] : memref<20480x64xf32, #tpu.memory_space<vmem_shared>> -> memref<20480x64xf32, #tpu.memory_space<vmem_shared>>
      tpu.wait_indirect_dma semaphore(%arg20 : memref<!tpu.dma_semaphore, #tpu.memory_space<semaphore_mem>>) src(%arg13 : memref<128x64xf32, #tpu.memory_space<vmem>>) dst(%dma_wait3A_365 : memref<20480x64xf32, #tpu.memory_space<vmem_shared>>)
      %eq3A_366 = arith.constant 0 : i32
      %eq3A_367 = arith.cmpi eq, %arg0, %eq3A_366 : i32
      %convert_element_type3A_368 = arith.extui %eq3A_367 : i1 to i32
      %cond3A_369 = arith.constant 0 : i32
      %cond3A_370 = arith.cmpi ne, %convert_element_type3A_368, %cond3A_369 : i32
      scf.if %cond3A_370 {
        %dma_start3A_674 = arith.constant 8 : i32
        %dma_start3A_675 = arith.constant 0 : i32
        %dma_start3A_676 = tpu.memref_slice %arg11[%rem3A_78, %dma_start3A_674, %dma_start3A_675] : memref<2x16x128xi32, #tpu.memory_space<vmem>> -> memref<1x1x128xi32, #tpu.memory_space<vmem>>
        %dma_start3A_677 = tpu.memref_squeeze %dma_start3A_676 : memref<1x1x128xi32, #tpu.memory_space<vmem>> -> memref<128xi32, #tpu.memory_space<vmem>>
        %dma_start3A_678 = arith.constant 0 : i32
        %dma_start3A_679 = arith.constant 0 : i32
        %dma_start3A_680 = tpu.memref_slice %arg2[%dma_start3A_678, %dma_start3A_679] : memref<10000x64xf32, #tpu.memory_space<hbm>> -> memref<10000x64xf32, #tpu.memory_space<hbm>>
        tpu.enqueue_indirect_dma source(%dma_start3A_680 : memref<10000x64xf32, #tpu.memory_space<hbm>>) target(%arg13 : memref<128x64xf32, #tpu.memory_space<vmem>>) offsets(%dma_start3A_677 : memref<128xi32, #tpu.memory_space<vmem>>) semaphore(%arg18 : memref<!tpu.dma_semaphore, #tpu.memory_space<semaphore_mem>>)
      } else {
      }
      %eq3A_371 = arith.constant 1 : i32
      %eq3A_372 = arith.cmpi eq, %arg0, %eq3A_371 : i32
      %convert_element_type3A_373 = arith.extui %eq3A_372 : i1 to i32
      %cond3A_374 = arith.constant 0 : i32
      %cond3A_375 = arith.cmpi ne, %convert_element_type3A_373, %cond3A_374 : i32
      scf.if %cond3A_375 {
        %dma_start3A_674 = arith.constant 8 : i32
        %dma_start3A_675 = arith.constant 0 : i32
        %dma_start3A_676 = tpu.memref_slice %arg11[%rem3A_78, %dma_start3A_674, %dma_start3A_675] : memref<2x16x128xi32, #tpu.memory_space<vmem>> -> memref<1x1x128xi32, #tpu.memory_space<vmem>>
        %dma_start3A_677 = tpu.memref_squeeze %dma_start3A_676 : memref<1x1x128xi32, #tpu.memory_space<vmem>> -> memref<128xi32, #tpu.memory_space<vmem>>
        %dma_start3A_678 = arith.constant 0 : i32
        %dma_start3A_679 = arith.constant 0 : i32
        %dma_start3A_680 = tpu.memref_slice %arg3[%dma_start3A_678, %dma_start3A_679] : memref<10000x64xf32, #tpu.memory_space<hbm>> -> memref<10000x64xf32, #tpu.memory_space<hbm>>
        tpu.enqueue_indirect_dma source(%dma_start3A_680 : memref<10000x64xf32, #tpu.memory_space<hbm>>) target(%arg13 : memref<128x64xf32, #tpu.memory_space<vmem>>) offsets(%dma_start3A_677 : memref<128xi32, #tpu.memory_space<vmem>>) semaphore(%arg18 : memref<!tpu.dma_semaphore, #tpu.memory_space<semaphore_mem>>)
      } else {
      }
      %dma_wait3A_376 = arith.constant 8 : i32
      %dma_wait3A_377 = arith.constant 0 : i32
      %dma_wait3A_378 = tpu.memref_slice %arg11[%rem3A_78, %dma_wait3A_376, %dma_wait3A_377] : memref<2x16x128xi32, #tpu.memory_space<vmem>> -> memref<1x1x128xi32, #tpu.memory_space<vmem>>
      %dma_wait3A_379 = tpu.memref_squeeze %dma_wait3A_378 : memref<1x1x128xi32, #tpu.memory_space<vmem>> -> memref<128xi32, #tpu.memory_space<vmem>>
      %dma_wait3A_380 = arith.constant 0 : i32
      %dma_wait3A_381 = arith.constant 0 : i32
      %dma_wait3A_382 = tpu.memref_slice %arg2[%dma_wait3A_380, %dma_wait3A_381] : memref<10000x64xf32, #tpu.memory_space<hbm>> -> memref<10000x64xf32, #tpu.memory_space<hbm>>
      tpu.wait_indirect_dma semaphore(%arg18 : memref<!tpu.dma_semaphore, #tpu.memory_space<semaphore_mem>>) src(%dma_wait3A_382 : memref<10000x64xf32, #tpu.memory_space<hbm>>) dst(%arg13 : memref<128x64xf32, #tpu.memory_space<vmem>>)
      %dma_start3A_383 = arith.constant 8 : i32
      %dma_start3A_384 = arith.constant 0 : i32
      %dma_start3A_385 = tpu.memref_slice %arg12[%rem3A_78, %dma_start3A_383, %dma_start3A_384] : memref<2x16x128xi32, #tpu.memory_space<vmem>> -> memref<1x1x128xi32, #tpu.memory_space<vmem>>
      %dma_start3A_386 = tpu.memref_squeeze %dma_start3A_385 : memref<1x1x128xi32, #tpu.memory_space<vmem>> -> memref<128xi32, #tpu.memory_space<vmem>>
      %dma_start3A_387 = arith.constant 0 : i32
      %dma_start3A_388 = arith.constant 0 : i32
      %dma_start3A_389 = tpu.memref_slice %arg16[%dma_start3A_387, %dma_start3A_388] : memref<20480x64xf32, #tpu.memory_space<vmem_shared>> -> memref<20480x64xf32, #tpu.memory_space<vmem_shared>>
      tpu.enqueue_indirect_dma source(%arg13 : memref<128x64xf32, #tpu.memory_space<vmem>>) target(%dma_start3A_389 : memref<20480x64xf32, #tpu.memory_space<vmem_shared>>) offsets(%dma_start3A_386 : memref<128xi32, #tpu.memory_space<vmem>>) semaphore(%arg20 : memref<!tpu.dma_semaphore, #tpu.memory_space<semaphore_mem>>) {add = true}
      %eq3A_390 = arith.constant 0 : i32
      %eq3A_391 = arith.cmpi eq, %arg0, %eq3A_390 : i32
      %convert_element_type3A_392 = arith.extui %eq3A_391 : i1 to i32
      %cond3A_393 = arith.constant 0 : i32
      %cond3A_394 = arith.cmpi ne, %convert_element_type3A_392, %cond3A_393 : i32
      scf.if %cond3A_394 {
        %dma_start3A_674 = arith.constant 8 : i32
        %dma_start3A_675 = arith.constant 0 : i32
        %dma_start3A_676 = tpu.memref_slice %arg12[%rem3A_78, %dma_start3A_674, %dma_start3A_675] : memref<2x16x128xi32, #tpu.memory_space<vmem>> -> memref<1x1x128xi32, #tpu.memory_space<vmem>>
        %dma_start3A_677 = tpu.memref_squeeze %dma_start3A_676 : memref<1x1x128xi32, #tpu.memory_space<vmem>> -> memref<128xi32, #tpu.memory_space<vmem>>
        %dma_start3A_678 = arith.constant 0 : i32
        %dma_start3A_679 = arith.constant 0 : i32
        %dma_start3A_680 = tpu.memref_slice %arg17[%dma_start3A_678, %dma_start3A_679] : memref<20480x16xf32, #tpu.memory_space<vmem_shared>> -> memref<20480x16xf32, #tpu.memory_space<vmem_shared>>
        tpu.enqueue_indirect_dma source(%arg15 : memref<128x16xf32, #tpu.memory_space<vmem>>) target(%dma_start3A_680 : memref<20480x16xf32, #tpu.memory_space<vmem_shared>>) offsets(%dma_start3A_677 : memref<128xi32, #tpu.memory_space<vmem>>) semaphore(%arg22 : memref<!tpu.dma_semaphore, #tpu.memory_space<semaphore_mem>>) {add = true}
      } else {
      }
      %dma_wait3A_395 = arith.constant 7 : i32
      %dma_wait3A_396 = arith.constant 0 : i32
      %dma_wait3A_397 = tpu.memref_slice %arg12[%rem3A_78, %dma_wait3A_395, %dma_wait3A_396] : memref<2x16x128xi32, #tpu.memory_space<vmem>> -> memref<1x1x128xi32, #tpu.memory_space<vmem>>
      %dma_wait3A_398 = tpu.memref_squeeze %dma_wait3A_397 : memref<1x1x128xi32, #tpu.memory_space<vmem>> -> memref<128xi32, #tpu.memory_space<vmem>>
      %dma_wait3A_399 = arith.constant 0 : i32
      %dma_wait3A_400 = arith.constant 0 : i32
      %dma_wait3A_401 = tpu.memref_slice %arg16[%dma_wait3A_399, %dma_wait3A_400] : memref<20480x64xf32, #tpu.memory_space<vmem_shared>> -> memref<20480x64xf32, #tpu.memory_space<vmem_shared>>
      tpu.wait_indirect_dma semaphore(%arg21 : memref<!tpu.dma_semaphore, #tpu.memory_space<semaphore_mem>>) src(%arg14 : memref<128x64xf32, #tpu.memory_space<vmem>>) dst(%dma_wait3A_401 : memref<20480x64xf32, #tpu.memory_space<vmem_shared>>)
      %eq3A_402 = arith.constant 0 : i32
      %eq3A_403 = arith.cmpi eq, %arg0, %eq3A_402 : i32
      %convert_element_type3A_404 = arith.extui %eq3A_403 : i1 to i32
      %cond3A_405 = arith.constant 0 : i32
      %cond3A_406 = arith.cmpi ne, %convert_element_type3A_404, %cond3A_405 : i32
      scf.if %cond3A_406 {
        %dma_start3A_674 = arith.constant 9 : i32
        %dma_start3A_675 = arith.constant 0 : i32
        %dma_start3A_676 = tpu.memref_slice %arg11[%rem3A_78, %dma_start3A_674, %dma_start3A_675] : memref<2x16x128xi32, #tpu.memory_space<vmem>> -> memref<1x1x128xi32, #tpu.memory_space<vmem>>
        %dma_start3A_677 = tpu.memref_squeeze %dma_start3A_676 : memref<1x1x128xi32, #tpu.memory_space<vmem>> -> memref<128xi32, #tpu.memory_space<vmem>>
        %dma_start3A_678 = arith.constant 0 : i32
        %dma_start3A_679 = arith.constant 0 : i32
        %dma_start3A_680 = tpu.memref_slice %arg2[%dma_start3A_678, %dma_start3A_679] : memref<10000x64xf32, #tpu.memory_space<hbm>> -> memref<10000x64xf32, #tpu.memory_space<hbm>>
        tpu.enqueue_indirect_dma source(%dma_start3A_680 : memref<10000x64xf32, #tpu.memory_space<hbm>>) target(%arg14 : memref<128x64xf32, #tpu.memory_space<vmem>>) offsets(%dma_start3A_677 : memref<128xi32, #tpu.memory_space<vmem>>) semaphore(%arg19 : memref<!tpu.dma_semaphore, #tpu.memory_space<semaphore_mem>>)
      } else {
      }
      %eq3A_407 = arith.constant 1 : i32
      %eq3A_408 = arith.cmpi eq, %arg0, %eq3A_407 : i32
      %convert_element_type3A_409 = arith.extui %eq3A_408 : i1 to i32
      %cond3A_410 = arith.constant 0 : i32
      %cond3A_411 = arith.cmpi ne, %convert_element_type3A_409, %cond3A_410 : i32
      scf.if %cond3A_411 {
        %dma_start3A_674 = arith.constant 9 : i32
        %dma_start3A_675 = arith.constant 0 : i32
        %dma_start3A_676 = tpu.memref_slice %arg11[%rem3A_78, %dma_start3A_674, %dma_start3A_675] : memref<2x16x128xi32, #tpu.memory_space<vmem>> -> memref<1x1x128xi32, #tpu.memory_space<vmem>>
        %dma_start3A_677 = tpu.memref_squeeze %dma_start3A_676 : memref<1x1x128xi32, #tpu.memory_space<vmem>> -> memref<128xi32, #tpu.memory_space<vmem>>
        %dma_start3A_678 = arith.constant 0 : i32
        %dma_start3A_679 = arith.constant 0 : i32
        %dma_start3A_680 = tpu.memref_slice %arg3[%dma_start3A_678, %dma_start3A_679] : memref<10000x64xf32, #tpu.memory_space<hbm>> -> memref<10000x64xf32, #tpu.memory_space<hbm>>
        tpu.enqueue_indirect_dma source(%dma_start3A_680 : memref<10000x64xf32, #tpu.memory_space<hbm>>) target(%arg14 : memref<128x64xf32, #tpu.memory_space<vmem>>) offsets(%dma_start3A_677 : memref<128xi32, #tpu.memory_space<vmem>>) semaphore(%arg19 : memref<!tpu.dma_semaphore, #tpu.memory_space<semaphore_mem>>)
      } else {
      }
      %dma_wait3A_412 = arith.constant 9 : i32
      %dma_wait3A_413 = arith.constant 0 : i32
      %dma_wait3A_414 = tpu.memref_slice %arg11[%rem3A_78, %dma_wait3A_412, %dma_wait3A_413] : memref<2x16x128xi32, #tpu.memory_space<vmem>> -> memref<1x1x128xi32, #tpu.memory_space<vmem>>
      %dma_wait3A_415 = tpu.memref_squeeze %dma_wait3A_414 : memref<1x1x128xi32, #tpu.memory_space<vmem>> -> memref<128xi32, #tpu.memory_space<vmem>>
      %dma_wait3A_416 = arith.constant 0 : i32
      %dma_wait3A_417 = arith.constant 0 : i32
      %dma_wait3A_418 = tpu.memref_slice %arg2[%dma_wait3A_416, %dma_wait3A_417] : memref<10000x64xf32, #tpu.memory_space<hbm>> -> memref<10000x64xf32, #tpu.memory_space<hbm>>
      tpu.wait_indirect_dma semaphore(%arg19 : memref<!tpu.dma_semaphore, #tpu.memory_space<semaphore_mem>>) src(%dma_wait3A_418 : memref<10000x64xf32, #tpu.memory_space<hbm>>) dst(%arg14 : memref<128x64xf32, #tpu.memory_space<vmem>>)
      %dma_start3A_419 = arith.constant 9 : i32
      %dma_start3A_420 = arith.constant 0 : i32
      %dma_start3A_421 = tpu.memref_slice %arg12[%rem3A_78, %dma_start3A_419, %dma_start3A_420] : memref<2x16x128xi32, #tpu.memory_space<vmem>> -> memref<1x1x128xi32, #tpu.memory_space<vmem>>
      %dma_start3A_422 = tpu.memref_squeeze %dma_start3A_421 : memref<1x1x128xi32, #tpu.memory_space<vmem>> -> memref<128xi32, #tpu.memory_space<vmem>>
      %dma_start3A_423 = arith.constant 0 : i32
      %dma_start3A_424 = arith.constant 0 : i32
      %dma_start3A_425 = tpu.memref_slice %arg16[%dma_start3A_423, %dma_start3A_424] : memref<20480x64xf32, #tpu.memory_space<vmem_shared>> -> memref<20480x64xf32, #tpu.memory_space<vmem_shared>>
      tpu.enqueue_indirect_dma source(%arg14 : memref<128x64xf32, #tpu.memory_space<vmem>>) target(%dma_start3A_425 : memref<20480x64xf32, #tpu.memory_space<vmem_shared>>) offsets(%dma_start3A_422 : memref<128xi32, #tpu.memory_space<vmem>>) semaphore(%arg21 : memref<!tpu.dma_semaphore, #tpu.memory_space<semaphore_mem>>) {add = true}
      %eq3A_426 = arith.constant 0 : i32
      %eq3A_427 = arith.cmpi eq, %arg0, %eq3A_426 : i32
      %convert_element_type3A_428 = arith.extui %eq3A_427 : i1 to i32
      %cond3A_429 = arith.constant 0 : i32
      %cond3A_430 = arith.cmpi ne, %convert_element_type3A_428, %cond3A_429 : i32
      scf.if %cond3A_430 {
        %dma_start3A_674 = arith.constant 9 : i32
        %dma_start3A_675 = arith.constant 0 : i32
        %dma_start3A_676 = tpu.memref_slice %arg12[%rem3A_78, %dma_start3A_674, %dma_start3A_675] : memref<2x16x128xi32, #tpu.memory_space<vmem>> -> memref<1x1x128xi32, #tpu.memory_space<vmem>>
        %dma_start3A_677 = tpu.memref_squeeze %dma_start3A_676 : memref<1x1x128xi32, #tpu.memory_space<vmem>> -> memref<128xi32, #tpu.memory_space<vmem>>
        %dma_start3A_678 = arith.constant 0 : i32
        %dma_start3A_679 = arith.constant 0 : i32
        %dma_start3A_680 = tpu.memref_slice %arg17[%dma_start3A_678, %dma_start3A_679] : memref<20480x16xf32, #tpu.memory_space<vmem_shared>> -> memref<20480x16xf32, #tpu.memory_space<vmem_shared>>
        tpu.enqueue_indirect_dma source(%arg15 : memref<128x16xf32, #tpu.memory_space<vmem>>) target(%dma_start3A_680 : memref<20480x16xf32, #tpu.memory_space<vmem_shared>>) offsets(%dma_start3A_677 : memref<128xi32, #tpu.memory_space<vmem>>) semaphore(%arg22 : memref<!tpu.dma_semaphore, #tpu.memory_space<semaphore_mem>>) {add = true}
      } else {
      }
      %dma_wait3A_431 = arith.constant 8 : i32
      %dma_wait3A_432 = arith.constant 0 : i32
      %dma_wait3A_433 = tpu.memref_slice %arg12[%rem3A_78, %dma_wait3A_431, %dma_wait3A_432] : memref<2x16x128xi32, #tpu.memory_space<vmem>> -> memref<1x1x128xi32, #tpu.memory_space<vmem>>
      %dma_wait3A_434 = tpu.memref_squeeze %dma_wait3A_433 : memref<1x1x128xi32, #tpu.memory_space<vmem>> -> memref<128xi32, #tpu.memory_space<vmem>>
      %dma_wait3A_435 = arith.constant 0 : i32
      %dma_wait3A_436 = arith.constant 0 : i32
      %dma_wait3A_437 = tpu.memref_slice %arg16[%dma_wait3A_435, %dma_wait3A_436] : memref<20480x64xf32, #tpu.memory_space<vmem_shared>> -> memref<20480x64xf32, #tpu.memory_space<vmem_shared>>
      tpu.wait_indirect_dma semaphore(%arg20 : memref<!tpu.dma_semaphore, #tpu.memory_space<semaphore_mem>>) src(%arg13 : memref<128x64xf32, #tpu.memory_space<vmem>>) dst(%dma_wait3A_437 : memref<20480x64xf32, #tpu.memory_space<vmem_shared>>)
      %eq3A_438 = arith.constant 0 : i32
      %eq3A_439 = arith.cmpi eq, %arg0, %eq3A_438 : i32
      %convert_element_type3A_440 = arith.extui %eq3A_439 : i1 to i32
      %cond3A_441 = arith.constant 0 : i32
      %cond3A_442 = arith.cmpi ne, %convert_element_type3A_440, %cond3A_441 : i32
      scf.if %cond3A_442 {
        %dma_start3A_674 = arith.constant 10 : i32
        %dma_start3A_675 = arith.constant 0 : i32
        %dma_start3A_676 = tpu.memref_slice %arg11[%rem3A_78, %dma_start3A_674, %dma_start3A_675] : memref<2x16x128xi32, #tpu.memory_space<vmem>> -> memref<1x1x128xi32, #tpu.memory_space<vmem>>
        %dma_start3A_677 = tpu.memref_squeeze %dma_start3A_676 : memref<1x1x128xi32, #tpu.memory_space<vmem>> -> memref<128xi32, #tpu.memory_space<vmem>>
        %dma_start3A_678 = arith.constant 0 : i32
        %dma_start3A_679 = arith.constant 0 : i32
        %dma_start3A_680 = tpu.memref_slice %arg2[%dma_start3A_678, %dma_start3A_679] : memref<10000x64xf32, #tpu.memory_space<hbm>> -> memref<10000x64xf32, #tpu.memory_space<hbm>>
        tpu.enqueue_indirect_dma source(%dma_start3A_680 : memref<10000x64xf32, #tpu.memory_space<hbm>>) target(%arg13 : memref<128x64xf32, #tpu.memory_space<vmem>>) offsets(%dma_start3A_677 : memref<128xi32, #tpu.memory_space<vmem>>) semaphore(%arg18 : memref<!tpu.dma_semaphore, #tpu.memory_space<semaphore_mem>>)
      } else {
      }
      %eq3A_443 = arith.constant 1 : i32
      %eq3A_444 = arith.cmpi eq, %arg0, %eq3A_443 : i32
      %convert_element_type3A_445 = arith.extui %eq3A_444 : i1 to i32
      %cond3A_446 = arith.constant 0 : i32
      %cond3A_447 = arith.cmpi ne, %convert_element_type3A_445, %cond3A_446 : i32
      scf.if %cond3A_447 {
        %dma_start3A_674 = arith.constant 10 : i32
        %dma_start3A_675 = arith.constant 0 : i32
        %dma_start3A_676 = tpu.memref_slice %arg11[%rem3A_78, %dma_start3A_674, %dma_start3A_675] : memref<2x16x128xi32, #tpu.memory_space<vmem>> -> memref<1x1x128xi32, #tpu.memory_space<vmem>>
        %dma_start3A_677 = tpu.memref_squeeze %dma_start3A_676 : memref<1x1x128xi32, #tpu.memory_space<vmem>> -> memref<128xi32, #tpu.memory_space<vmem>>
        %dma_start3A_678 = arith.constant 0 : i32
        %dma_start3A_679 = arith.constant 0 : i32
        %dma_start3A_680 = tpu.memref_slice %arg3[%dma_start3A_678, %dma_start3A_679] : memref<10000x64xf32, #tpu.memory_space<hbm>> -> memref<10000x64xf32, #tpu.memory_space<hbm>>
        tpu.enqueue_indirect_dma source(%dma_start3A_680 : memref<10000x64xf32, #tpu.memory_space<hbm>>) target(%arg13 : memref<128x64xf32, #tpu.memory_space<vmem>>) offsets(%dma_start3A_677 : memref<128xi32, #tpu.memory_space<vmem>>) semaphore(%arg18 : memref<!tpu.dma_semaphore, #tpu.memory_space<semaphore_mem>>)
      } else {
      }
      %dma_wait3A_448 = arith.constant 10 : i32
      %dma_wait3A_449 = arith.constant 0 : i32
      %dma_wait3A_450 = tpu.memref_slice %arg11[%rem3A_78, %dma_wait3A_448, %dma_wait3A_449] : memref<2x16x128xi32, #tpu.memory_space<vmem>> -> memref<1x1x128xi32, #tpu.memory_space<vmem>>
      %dma_wait3A_451 = tpu.memref_squeeze %dma_wait3A_450 : memref<1x1x128xi32, #tpu.memory_space<vmem>> -> memref<128xi32, #tpu.memory_space<vmem>>
      %dma_wait3A_452 = arith.constant 0 : i32
      %dma_wait3A_453 = arith.constant 0 : i32
      %dma_wait3A_454 = tpu.memref_slice %arg2[%dma_wait3A_452, %dma_wait3A_453] : memref<10000x64xf32, #tpu.memory_space<hbm>> -> memref<10000x64xf32, #tpu.memory_space<hbm>>
      tpu.wait_indirect_dma semaphore(%arg18 : memref<!tpu.dma_semaphore, #tpu.memory_space<semaphore_mem>>) src(%dma_wait3A_454 : memref<10000x64xf32, #tpu.memory_space<hbm>>) dst(%arg13 : memref<128x64xf32, #tpu.memory_space<vmem>>)
      %dma_start3A_455 = arith.constant 10 : i32
      %dma_start3A_456 = arith.constant 0 : i32
      %dma_start3A_457 = tpu.memref_slice %arg12[%rem3A_78, %dma_start3A_455, %dma_start3A_456] : memref<2x16x128xi32, #tpu.memory_space<vmem>> -> memref<1x1x128xi32, #tpu.memory_space<vmem>>
      %dma_start3A_458 = tpu.memref_squeeze %dma_start3A_457 : memref<1x1x128xi32, #tpu.memory_space<vmem>> -> memref<128xi32, #tpu.memory_space<vmem>>
      %dma_start3A_459 = arith.constant 0 : i32
      %dma_start3A_460 = arith.constant 0 : i32
      %dma_start3A_461 = tpu.memref_slice %arg16[%dma_start3A_459, %dma_start3A_460] : memref<20480x64xf32, #tpu.memory_space<vmem_shared>> -> memref<20480x64xf32, #tpu.memory_space<vmem_shared>>
      tpu.enqueue_indirect_dma source(%arg13 : memref<128x64xf32, #tpu.memory_space<vmem>>) target(%dma_start3A_461 : memref<20480x64xf32, #tpu.memory_space<vmem_shared>>) offsets(%dma_start3A_458 : memref<128xi32, #tpu.memory_space<vmem>>) semaphore(%arg20 : memref<!tpu.dma_semaphore, #tpu.memory_space<semaphore_mem>>) {add = true}
      %eq3A_462 = arith.constant 0 : i32
      %eq3A_463 = arith.cmpi eq, %arg0, %eq3A_462 : i32
      %convert_element_type3A_464 = arith.extui %eq3A_463 : i1 to i32
      %cond3A_465 = arith.constant 0 : i32
      %cond3A_466 = arith.cmpi ne, %convert_element_type3A_464, %cond3A_465 : i32
      scf.if %cond3A_466 {
        %dma_start3A_674 = arith.constant 10 : i32
        %dma_start3A_675 = arith.constant 0 : i32
        %dma_start3A_676 = tpu.memref_slice %arg12[%rem3A_78, %dma_start3A_674, %dma_start3A_675] : memref<2x16x128xi32, #tpu.memory_space<vmem>> -> memref<1x1x128xi32, #tpu.memory_space<vmem>>
        %dma_start3A_677 = tpu.memref_squeeze %dma_start3A_676 : memref<1x1x128xi32, #tpu.memory_space<vmem>> -> memref<128xi32, #tpu.memory_space<vmem>>
        %dma_start3A_678 = arith.constant 0 : i32
        %dma_start3A_679 = arith.constant 0 : i32
        %dma_start3A_680 = tpu.memref_slice %arg17[%dma_start3A_678, %dma_start3A_679] : memref<20480x16xf32, #tpu.memory_space<vmem_shared>> -> memref<20480x16xf32, #tpu.memory_space<vmem_shared>>
        tpu.enqueue_indirect_dma source(%arg15 : memref<128x16xf32, #tpu.memory_space<vmem>>) target(%dma_start3A_680 : memref<20480x16xf32, #tpu.memory_space<vmem_shared>>) offsets(%dma_start3A_677 : memref<128xi32, #tpu.memory_space<vmem>>) semaphore(%arg22 : memref<!tpu.dma_semaphore, #tpu.memory_space<semaphore_mem>>) {add = true}
      } else {
      }
      %dma_wait3A_467 = arith.constant 9 : i32
      %dma_wait3A_468 = arith.constant 0 : i32
      %dma_wait3A_469 = tpu.memref_slice %arg12[%rem3A_78, %dma_wait3A_467, %dma_wait3A_468] : memref<2x16x128xi32, #tpu.memory_space<vmem>> -> memref<1x1x128xi32, #tpu.memory_space<vmem>>
      %dma_wait3A_470 = tpu.memref_squeeze %dma_wait3A_469 : memref<1x1x128xi32, #tpu.memory_space<vmem>> -> memref<128xi32, #tpu.memory_space<vmem>>
      %dma_wait3A_471 = arith.constant 0 : i32
      %dma_wait3A_472 = arith.constant 0 : i32
      %dma_wait3A_473 = tpu.memref_slice %arg16[%dma_wait3A_471, %dma_wait3A_472] : memref<20480x64xf32, #tpu.memory_space<vmem_shared>> -> memref<20480x64xf32, #tpu.memory_space<vmem_shared>>
      tpu.wait_indirect_dma semaphore(%arg21 : memref<!tpu.dma_semaphore, #tpu.memory_space<semaphore_mem>>) src(%arg14 : memref<128x64xf32, #tpu.memory_space<vmem>>) dst(%dma_wait3A_473 : memref<20480x64xf32, #tpu.memory_space<vmem_shared>>)
      %eq3A_474 = arith.constant 0 : i32
      %eq3A_475 = arith.cmpi eq, %arg0, %eq3A_474 : i32
      %convert_element_type3A_476 = arith.extui %eq3A_475 : i1 to i32
      %cond3A_477 = arith.constant 0 : i32
      %cond3A_478 = arith.cmpi ne, %convert_element_type3A_476, %cond3A_477 : i32
      scf.if %cond3A_478 {
        %dma_start3A_674 = arith.constant 11 : i32
        %dma_start3A_675 = arith.constant 0 : i32
        %dma_start3A_676 = tpu.memref_slice %arg11[%rem3A_78, %dma_start3A_674, %dma_start3A_675] : memref<2x16x128xi32, #tpu.memory_space<vmem>> -> memref<1x1x128xi32, #tpu.memory_space<vmem>>
        %dma_start3A_677 = tpu.memref_squeeze %dma_start3A_676 : memref<1x1x128xi32, #tpu.memory_space<vmem>> -> memref<128xi32, #tpu.memory_space<vmem>>
        %dma_start3A_678 = arith.constant 0 : i32
        %dma_start3A_679 = arith.constant 0 : i32
        %dma_start3A_680 = tpu.memref_slice %arg2[%dma_start3A_678, %dma_start3A_679] : memref<10000x64xf32, #tpu.memory_space<hbm>> -> memref<10000x64xf32, #tpu.memory_space<hbm>>
        tpu.enqueue_indirect_dma source(%dma_start3A_680 : memref<10000x64xf32, #tpu.memory_space<hbm>>) target(%arg14 : memref<128x64xf32, #tpu.memory_space<vmem>>) offsets(%dma_start3A_677 : memref<128xi32, #tpu.memory_space<vmem>>) semaphore(%arg19 : memref<!tpu.dma_semaphore, #tpu.memory_space<semaphore_mem>>)
      } else {
      }
      %eq3A_479 = arith.constant 1 : i32
      %eq3A_480 = arith.cmpi eq, %arg0, %eq3A_479 : i32
      %convert_element_type3A_481 = arith.extui %eq3A_480 : i1 to i32
      %cond3A_482 = arith.constant 0 : i32
      %cond3A_483 = arith.cmpi ne, %convert_element_type3A_481, %cond3A_482 : i32
      scf.if %cond3A_483 {
        %dma_start3A_674 = arith.constant 11 : i32
        %dma_start3A_675 = arith.constant 0 : i32
        %dma_start3A_676 = tpu.memref_slice %arg11[%rem3A_78, %dma_start3A_674, %dma_start3A_675] : memref<2x16x128xi32, #tpu.memory_space<vmem>> -> memref<1x1x128xi32, #tpu.memory_space<vmem>>
        %dma_start3A_677 = tpu.memref_squeeze %dma_start3A_676 : memref<1x1x128xi32, #tpu.memory_space<vmem>> -> memref<128xi32, #tpu.memory_space<vmem>>
        %dma_start3A_678 = arith.constant 0 : i32
        %dma_start3A_679 = arith.constant 0 : i32
        %dma_start3A_680 = tpu.memref_slice %arg3[%dma_start3A_678, %dma_start3A_679] : memref<10000x64xf32, #tpu.memory_space<hbm>> -> memref<10000x64xf32, #tpu.memory_space<hbm>>
        tpu.enqueue_indirect_dma source(%dma_start3A_680 : memref<10000x64xf32, #tpu.memory_space<hbm>>) target(%arg14 : memref<128x64xf32, #tpu.memory_space<vmem>>) offsets(%dma_start3A_677 : memref<128xi32, #tpu.memory_space<vmem>>) semaphore(%arg19 : memref<!tpu.dma_semaphore, #tpu.memory_space<semaphore_mem>>)
      } else {
      }
      %dma_wait3A_484 = arith.constant 11 : i32
      %dma_wait3A_485 = arith.constant 0 : i32
      %dma_wait3A_486 = tpu.memref_slice %arg11[%rem3A_78, %dma_wait3A_484, %dma_wait3A_485] : memref<2x16x128xi32, #tpu.memory_space<vmem>> -> memref<1x1x128xi32, #tpu.memory_space<vmem>>
      %dma_wait3A_487 = tpu.memref_squeeze %dma_wait3A_486 : memref<1x1x128xi32, #tpu.memory_space<vmem>> -> memref<128xi32, #tpu.memory_space<vmem>>
      %dma_wait3A_488 = arith.constant 0 : i32
      %dma_wait3A_489 = arith.constant 0 : i32
      %dma_wait3A_490 = tpu.memref_slice %arg2[%dma_wait3A_488, %dma_wait3A_489] : memref<10000x64xf32, #tpu.memory_space<hbm>> -> memref<10000x64xf32, #tpu.memory_space<hbm>>
      tpu.wait_indirect_dma semaphore(%arg19 : memref<!tpu.dma_semaphore, #tpu.memory_space<semaphore_mem>>) src(%dma_wait3A_490 : memref<10000x64xf32, #tpu.memory_space<hbm>>) dst(%arg14 : memref<128x64xf32, #tpu.memory_space<vmem>>)
      %dma_start3A_491 = arith.constant 11 : i32
      %dma_start3A_492 = arith.constant 0 : i32
      %dma_start3A_493 = tpu.memref_slice %arg12[%rem3A_78, %dma_start3A_491, %dma_start3A_492] : memref<2x16x128xi32, #tpu.memory_space<vmem>> -> memref<1x1x128xi32, #tpu.memory_space<vmem>>
      %dma_start3A_494 = tpu.memref_squeeze %dma_start3A_493 : memref<1x1x128xi32, #tpu.memory_space<vmem>> -> memref<128xi32, #tpu.memory_space<vmem>>
      %dma_start3A_495 = arith.constant 0 : i32
      %dma_start3A_496 = arith.constant 0 : i32
      %dma_start3A_497 = tpu.memref_slice %arg16[%dma_start3A_495, %dma_start3A_496] : memref<20480x64xf32, #tpu.memory_space<vmem_shared>> -> memref<20480x64xf32, #tpu.memory_space<vmem_shared>>
      tpu.enqueue_indirect_dma source(%arg14 : memref<128x64xf32, #tpu.memory_space<vmem>>) target(%dma_start3A_497 : memref<20480x64xf32, #tpu.memory_space<vmem_shared>>) offsets(%dma_start3A_494 : memref<128xi32, #tpu.memory_space<vmem>>) semaphore(%arg21 : memref<!tpu.dma_semaphore, #tpu.memory_space<semaphore_mem>>) {add = true}
      %eq3A_498 = arith.constant 0 : i32
      %eq3A_499 = arith.cmpi eq, %arg0, %eq3A_498 : i32
      %convert_element_type3A_500 = arith.extui %eq3A_499 : i1 to i32
      %cond3A_501 = arith.constant 0 : i32
      %cond3A_502 = arith.cmpi ne, %convert_element_type3A_500, %cond3A_501 : i32
      scf.if %cond3A_502 {
        %dma_start3A_674 = arith.constant 11 : i32
        %dma_start3A_675 = arith.constant 0 : i32
        %dma_start3A_676 = tpu.memref_slice %arg12[%rem3A_78, %dma_start3A_674, %dma_start3A_675] : memref<2x16x128xi32, #tpu.memory_space<vmem>> -> memref<1x1x128xi32, #tpu.memory_space<vmem>>
        %dma_start3A_677 = tpu.memref_squeeze %dma_start3A_676 : memref<1x1x128xi32, #tpu.memory_space<vmem>> -> memref<128xi32, #tpu.memory_space<vmem>>
        %dma_start3A_678 = arith.constant 0 : i32
        %dma_start3A_679 = arith.constant 0 : i32
        %dma_start3A_680 = tpu.memref_slice %arg17[%dma_start3A_678, %dma_start3A_679] : memref<20480x16xf32, #tpu.memory_space<vmem_shared>> -> memref<20480x16xf32, #tpu.memory_space<vmem_shared>>
        tpu.enqueue_indirect_dma source(%arg15 : memref<128x16xf32, #tpu.memory_space<vmem>>) target(%dma_start3A_680 : memref<20480x16xf32, #tpu.memory_space<vmem_shared>>) offsets(%dma_start3A_677 : memref<128xi32, #tpu.memory_space<vmem>>) semaphore(%arg22 : memref<!tpu.dma_semaphore, #tpu.memory_space<semaphore_mem>>) {add = true}
      } else {
      }
      %dma_wait3A_503 = arith.constant 10 : i32
      %dma_wait3A_504 = arith.constant 0 : i32
      %dma_wait3A_505 = tpu.memref_slice %arg12[%rem3A_78, %dma_wait3A_503, %dma_wait3A_504] : memref<2x16x128xi32, #tpu.memory_space<vmem>> -> memref<1x1x128xi32, #tpu.memory_space<vmem>>
      %dma_wait3A_506 = tpu.memref_squeeze %dma_wait3A_505 : memref<1x1x128xi32, #tpu.memory_space<vmem>> -> memref<128xi32, #tpu.memory_space<vmem>>
      %dma_wait3A_507 = arith.constant 0 : i32
      %dma_wait3A_508 = arith.constant 0 : i32
      %dma_wait3A_509 = tpu.memref_slice %arg16[%dma_wait3A_507, %dma_wait3A_508] : memref<20480x64xf32, #tpu.memory_space<vmem_shared>> -> memref<20480x64xf32, #tpu.memory_space<vmem_shared>>
      tpu.wait_indirect_dma semaphore(%arg20 : memref<!tpu.dma_semaphore, #tpu.memory_space<semaphore_mem>>) src(%arg13 : memref<128x64xf32, #tpu.memory_space<vmem>>) dst(%dma_wait3A_509 : memref<20480x64xf32, #tpu.memory_space<vmem_shared>>)
      %eq3A_510 = arith.constant 0 : i32
      %eq3A_511 = arith.cmpi eq, %arg0, %eq3A_510 : i32
      %convert_element_type3A_512 = arith.extui %eq3A_511 : i1 to i32
      %cond3A_513 = arith.constant 0 : i32
      %cond3A_514 = arith.cmpi ne, %convert_element_type3A_512, %cond3A_513 : i32
      scf.if %cond3A_514 {
        %dma_start3A_674 = arith.constant 12 : i32
        %dma_start3A_675 = arith.constant 0 : i32
        %dma_start3A_676 = tpu.memref_slice %arg11[%rem3A_78, %dma_start3A_674, %dma_start3A_675] : memref<2x16x128xi32, #tpu.memory_space<vmem>> -> memref<1x1x128xi32, #tpu.memory_space<vmem>>
        %dma_start3A_677 = tpu.memref_squeeze %dma_start3A_676 : memref<1x1x128xi32, #tpu.memory_space<vmem>> -> memref<128xi32, #tpu.memory_space<vmem>>
        %dma_start3A_678 = arith.constant 0 : i32
        %dma_start3A_679 = arith.constant 0 : i32
        %dma_start3A_680 = tpu.memref_slice %arg2[%dma_start3A_678, %dma_start3A_679] : memref<10000x64xf32, #tpu.memory_space<hbm>> -> memref<10000x64xf32, #tpu.memory_space<hbm>>
        tpu.enqueue_indirect_dma source(%dma_start3A_680 : memref<10000x64xf32, #tpu.memory_space<hbm>>) target(%arg13 : memref<128x64xf32, #tpu.memory_space<vmem>>) offsets(%dma_start3A_677 : memref<128xi32, #tpu.memory_space<vmem>>) semaphore(%arg18 : memref<!tpu.dma_semaphore, #tpu.memory_space<semaphore_mem>>)
      } else {
      }
      %eq3A_515 = arith.constant 1 : i32
      %eq3A_516 = arith.cmpi eq, %arg0, %eq3A_515 : i32
      %convert_element_type3A_517 = arith.extui %eq3A_516 : i1 to i32
      %cond3A_518 = arith.constant 0 : i32
      %cond3A_519 = arith.cmpi ne, %convert_element_type3A_517, %cond3A_518 : i32
      scf.if %cond3A_519 {
        %dma_start3A_674 = arith.constant 12 : i32
        %dma_start3A_675 = arith.constant 0 : i32
        %dma_start3A_676 = tpu.memref_slice %arg11[%rem3A_78, %dma_start3A_674, %dma_start3A_675] : memref<2x16x128xi32, #tpu.memory_space<vmem>> -> memref<1x1x128xi32, #tpu.memory_space<vmem>>
        %dma_start3A_677 = tpu.memref_squeeze %dma_start3A_676 : memref<1x1x128xi32, #tpu.memory_space<vmem>> -> memref<128xi32, #tpu.memory_space<vmem>>
        %dma_start3A_678 = arith.constant 0 : i32
        %dma_start3A_679 = arith.constant 0 : i32
        %dma_start3A_680 = tpu.memref_slice %arg3[%dma_start3A_678, %dma_start3A_679] : memref<10000x64xf32, #tpu.memory_space<hbm>> -> memref<10000x64xf32, #tpu.memory_space<hbm>>
        tpu.enqueue_indirect_dma source(%dma_start3A_680 : memref<10000x64xf32, #tpu.memory_space<hbm>>) target(%arg13 : memref<128x64xf32, #tpu.memory_space<vmem>>) offsets(%dma_start3A_677 : memref<128xi32, #tpu.memory_space<vmem>>) semaphore(%arg18 : memref<!tpu.dma_semaphore, #tpu.memory_space<semaphore_mem>>)
      } else {
      }
      %dma_wait3A_520 = arith.constant 12 : i32
      %dma_wait3A_521 = arith.constant 0 : i32
      %dma_wait3A_522 = tpu.memref_slice %arg11[%rem3A_78, %dma_wait3A_520, %dma_wait3A_521] : memref<2x16x128xi32, #tpu.memory_space<vmem>> -> memref<1x1x128xi32, #tpu.memory_space<vmem>>
      %dma_wait3A_523 = tpu.memref_squeeze %dma_wait3A_522 : memref<1x1x128xi32, #tpu.memory_space<vmem>> -> memref<128xi32, #tpu.memory_space<vmem>>
      %dma_wait3A_524 = arith.constant 0 : i32
      %dma_wait3A_525 = arith.constant 0 : i32
      %dma_wait3A_526 = tpu.memref_slice %arg2[%dma_wait3A_524, %dma_wait3A_525] : memref<10000x64xf32, #tpu.memory_space<hbm>> -> memref<10000x64xf32, #tpu.memory_space<hbm>>
      tpu.wait_indirect_dma semaphore(%arg18 : memref<!tpu.dma_semaphore, #tpu.memory_space<semaphore_mem>>) src(%dma_wait3A_526 : memref<10000x64xf32, #tpu.memory_space<hbm>>) dst(%arg13 : memref<128x64xf32, #tpu.memory_space<vmem>>)
      %dma_start3A_527 = arith.constant 12 : i32
      %dma_start3A_528 = arith.constant 0 : i32
      %dma_start3A_529 = tpu.memref_slice %arg12[%rem3A_78, %dma_start3A_527, %dma_start3A_528] : memref<2x16x128xi32, #tpu.memory_space<vmem>> -> memref<1x1x128xi32, #tpu.memory_space<vmem>>
      %dma_start3A_530 = tpu.memref_squeeze %dma_start3A_529 : memref<1x1x128xi32, #tpu.memory_space<vmem>> -> memref<128xi32, #tpu.memory_space<vmem>>
      %dma_start3A_531 = arith.constant 0 : i32
      %dma_start3A_532 = arith.constant 0 : i32
      %dma_start3A_533 = tpu.memref_slice %arg16[%dma_start3A_531, %dma_start3A_532] : memref<20480x64xf32, #tpu.memory_space<vmem_shared>> -> memref<20480x64xf32, #tpu.memory_space<vmem_shared>>
      tpu.enqueue_indirect_dma source(%arg13 : memref<128x64xf32, #tpu.memory_space<vmem>>) target(%dma_start3A_533 : memref<20480x64xf32, #tpu.memory_space<vmem_shared>>) offsets(%dma_start3A_530 : memref<128xi32, #tpu.memory_space<vmem>>) semaphore(%arg20 : memref<!tpu.dma_semaphore, #tpu.memory_space<semaphore_mem>>) {add = true}
      %eq3A_534 = arith.constant 0 : i32
      %eq3A_535 = arith.cmpi eq, %arg0, %eq3A_534 : i32
      %convert_element_type3A_536 = arith.extui %eq3A_535 : i1 to i32
      %cond3A_537 = arith.constant 0 : i32
      %cond3A_538 = arith.cmpi ne, %convert_element_type3A_536, %cond3A_537 : i32
      scf.if %cond3A_538 {
        %dma_start3A_674 = arith.constant 12 : i32
        %dma_start3A_675 = arith.constant 0 : i32
        %dma_start3A_676 = tpu.memref_slice %arg12[%rem3A_78, %dma_start3A_674, %dma_start3A_675] : memref<2x16x128xi32, #tpu.memory_space<vmem>> -> memref<1x1x128xi32, #tpu.memory_space<vmem>>
        %dma_start3A_677 = tpu.memref_squeeze %dma_start3A_676 : memref<1x1x128xi32, #tpu.memory_space<vmem>> -> memref<128xi32, #tpu.memory_space<vmem>>
        %dma_start3A_678 = arith.constant 0 : i32
        %dma_start3A_679 = arith.constant 0 : i32
        %dma_start3A_680 = tpu.memref_slice %arg17[%dma_start3A_678, %dma_start3A_679] : memref<20480x16xf32, #tpu.memory_space<vmem_shared>> -> memref<20480x16xf32, #tpu.memory_space<vmem_shared>>
        tpu.enqueue_indirect_dma source(%arg15 : memref<128x16xf32, #tpu.memory_space<vmem>>) target(%dma_start3A_680 : memref<20480x16xf32, #tpu.memory_space<vmem_shared>>) offsets(%dma_start3A_677 : memref<128xi32, #tpu.memory_space<vmem>>) semaphore(%arg22 : memref<!tpu.dma_semaphore, #tpu.memory_space<semaphore_mem>>) {add = true}
      } else {
      }
      %dma_wait3A_539 = arith.constant 11 : i32
      %dma_wait3A_540 = arith.constant 0 : i32
      %dma_wait3A_541 = tpu.memref_slice %arg12[%rem3A_78, %dma_wait3A_539, %dma_wait3A_540] : memref<2x16x128xi32, #tpu.memory_space<vmem>> -> memref<1x1x128xi32, #tpu.memory_space<vmem>>
      %dma_wait3A_542 = tpu.memref_squeeze %dma_wait3A_541 : memref<1x1x128xi32, #tpu.memory_space<vmem>> -> memref<128xi32, #tpu.memory_space<vmem>>
      %dma_wait3A_543 = arith.constant 0 : i32
      %dma_wait3A_544 = arith.constant 0 : i32
      %dma_wait3A_545 = tpu.memref_slice %arg16[%dma_wait3A_543, %dma_wait3A_544] : memref<20480x64xf32, #tpu.memory_space<vmem_shared>> -> memref<20480x64xf32, #tpu.memory_space<vmem_shared>>
      tpu.wait_indirect_dma semaphore(%arg21 : memref<!tpu.dma_semaphore, #tpu.memory_space<semaphore_mem>>) src(%arg14 : memref<128x64xf32, #tpu.memory_space<vmem>>) dst(%dma_wait3A_545 : memref<20480x64xf32, #tpu.memory_space<vmem_shared>>)
      %eq3A_546 = arith.constant 0 : i32
      %eq3A_547 = arith.cmpi eq, %arg0, %eq3A_546 : i32
      %convert_element_type3A_548 = arith.extui %eq3A_547 : i1 to i32
      %cond3A_549 = arith.constant 0 : i32
      %cond3A_550 = arith.cmpi ne, %convert_element_type3A_548, %cond3A_549 : i32
      scf.if %cond3A_550 {
        %dma_start3A_674 = arith.constant 13 : i32
        %dma_start3A_675 = arith.constant 0 : i32
        %dma_start3A_676 = tpu.memref_slice %arg11[%rem3A_78, %dma_start3A_674, %dma_start3A_675] : memref<2x16x128xi32, #tpu.memory_space<vmem>> -> memref<1x1x128xi32, #tpu.memory_space<vmem>>
        %dma_start3A_677 = tpu.memref_squeeze %dma_start3A_676 : memref<1x1x128xi32, #tpu.memory_space<vmem>> -> memref<128xi32, #tpu.memory_space<vmem>>
        %dma_start3A_678 = arith.constant 0 : i32
        %dma_start3A_679 = arith.constant 0 : i32
        %dma_start3A_680 = tpu.memref_slice %arg2[%dma_start3A_678, %dma_start3A_679] : memref<10000x64xf32, #tpu.memory_space<hbm>> -> memref<10000x64xf32, #tpu.memory_space<hbm>>
        tpu.enqueue_indirect_dma source(%dma_start3A_680 : memref<10000x64xf32, #tpu.memory_space<hbm>>) target(%arg14 : memref<128x64xf32, #tpu.memory_space<vmem>>) offsets(%dma_start3A_677 : memref<128xi32, #tpu.memory_space<vmem>>) semaphore(%arg19 : memref<!tpu.dma_semaphore, #tpu.memory_space<semaphore_mem>>)
      } else {
      }
      %eq3A_551 = arith.constant 1 : i32
      %eq3A_552 = arith.cmpi eq, %arg0, %eq3A_551 : i32
      %convert_element_type3A_553 = arith.extui %eq3A_552 : i1 to i32
      %cond3A_554 = arith.constant 0 : i32
      %cond3A_555 = arith.cmpi ne, %convert_element_type3A_553, %cond3A_554 : i32
      scf.if %cond3A_555 {
        %dma_start3A_674 = arith.constant 13 : i32
        %dma_start3A_675 = arith.constant 0 : i32
        %dma_start3A_676 = tpu.memref_slice %arg11[%rem3A_78, %dma_start3A_674, %dma_start3A_675] : memref<2x16x128xi32, #tpu.memory_space<vmem>> -> memref<1x1x128xi32, #tpu.memory_space<vmem>>
        %dma_start3A_677 = tpu.memref_squeeze %dma_start3A_676 : memref<1x1x128xi32, #tpu.memory_space<vmem>> -> memref<128xi32, #tpu.memory_space<vmem>>
        %dma_start3A_678 = arith.constant 0 : i32
        %dma_start3A_679 = arith.constant 0 : i32
        %dma_start3A_680 = tpu.memref_slice %arg3[%dma_start3A_678, %dma_start3A_679] : memref<10000x64xf32, #tpu.memory_space<hbm>> -> memref<10000x64xf32, #tpu.memory_space<hbm>>
        tpu.enqueue_indirect_dma source(%dma_start3A_680 : memref<10000x64xf32, #tpu.memory_space<hbm>>) target(%arg14 : memref<128x64xf32, #tpu.memory_space<vmem>>) offsets(%dma_start3A_677 : memref<128xi32, #tpu.memory_space<vmem>>) semaphore(%arg19 : memref<!tpu.dma_semaphore, #tpu.memory_space<semaphore_mem>>)
      } else {
      }
      %dma_wait3A_556 = arith.constant 13 : i32
      %dma_wait3A_557 = arith.constant 0 : i32
      %dma_wait3A_558 = tpu.memref_slice %arg11[%rem3A_78, %dma_wait3A_556, %dma_wait3A_557] : memref<2x16x128xi32, #tpu.memory_space<vmem>> -> memref<1x1x128xi32, #tpu.memory_space<vmem>>
      %dma_wait3A_559 = tpu.memref_squeeze %dma_wait3A_558 : memref<1x1x128xi32, #tpu.memory_space<vmem>> -> memref<128xi32, #tpu.memory_space<vmem>>
      %dma_wait3A_560 = arith.constant 0 : i32
      %dma_wait3A_561 = arith.constant 0 : i32
      %dma_wait3A_562 = tpu.memref_slice %arg2[%dma_wait3A_560, %dma_wait3A_561] : memref<10000x64xf32, #tpu.memory_space<hbm>> -> memref<10000x64xf32, #tpu.memory_space<hbm>>
      tpu.wait_indirect_dma semaphore(%arg19 : memref<!tpu.dma_semaphore, #tpu.memory_space<semaphore_mem>>) src(%dma_wait3A_562 : memref<10000x64xf32, #tpu.memory_space<hbm>>) dst(%arg14 : memref<128x64xf32, #tpu.memory_space<vmem>>)
      %dma_start3A_563 = arith.constant 13 : i32
      %dma_start3A_564 = arith.constant 0 : i32
      %dma_start3A_565 = tpu.memref_slice %arg12[%rem3A_78, %dma_start3A_563, %dma_start3A_564] : memref<2x16x128xi32, #tpu.memory_space<vmem>> -> memref<1x1x128xi32, #tpu.memory_space<vmem>>
      %dma_start3A_566 = tpu.memref_squeeze %dma_start3A_565 : memref<1x1x128xi32, #tpu.memory_space<vmem>> -> memref<128xi32, #tpu.memory_space<vmem>>
      %dma_start3A_567 = arith.constant 0 : i32
      %dma_start3A_568 = arith.constant 0 : i32
      %dma_start3A_569 = tpu.memref_slice %arg16[%dma_start3A_567, %dma_start3A_568] : memref<20480x64xf32, #tpu.memory_space<vmem_shared>> -> memref<20480x64xf32, #tpu.memory_space<vmem_shared>>
      tpu.enqueue_indirect_dma source(%arg14 : memref<128x64xf32, #tpu.memory_space<vmem>>) target(%dma_start3A_569 : memref<20480x64xf32, #tpu.memory_space<vmem_shared>>) offsets(%dma_start3A_566 : memref<128xi32, #tpu.memory_space<vmem>>) semaphore(%arg21 : memref<!tpu.dma_semaphore, #tpu.memory_space<semaphore_mem>>) {add = true}
      %eq3A_570 = arith.constant 0 : i32
      %eq3A_571 = arith.cmpi eq, %arg0, %eq3A_570 : i32
      %convert_element_type3A_572 = arith.extui %eq3A_571 : i1 to i32
      %cond3A_573 = arith.constant 0 : i32
      %cond3A_574 = arith.cmpi ne, %convert_element_type3A_572, %cond3A_573 : i32
      scf.if %cond3A_574 {
        %dma_start3A_674 = arith.constant 13 : i32
        %dma_start3A_675 = arith.constant 0 : i32
        %dma_start3A_676 = tpu.memref_slice %arg12[%rem3A_78, %dma_start3A_674, %dma_start3A_675] : memref<2x16x128xi32, #tpu.memory_space<vmem>> -> memref<1x1x128xi32, #tpu.memory_space<vmem>>
        %dma_start3A_677 = tpu.memref_squeeze %dma_start3A_676 : memref<1x1x128xi32, #tpu.memory_space<vmem>> -> memref<128xi32, #tpu.memory_space<vmem>>
        %dma_start3A_678 = arith.constant 0 : i32
        %dma_start3A_679 = arith.constant 0 : i32
        %dma_start3A_680 = tpu.memref_slice %arg17[%dma_start3A_678, %dma_start3A_679] : memref<20480x16xf32, #tpu.memory_space<vmem_shared>> -> memref<20480x16xf32, #tpu.memory_space<vmem_shared>>
        tpu.enqueue_indirect_dma source(%arg15 : memref<128x16xf32, #tpu.memory_space<vmem>>) target(%dma_start3A_680 : memref<20480x16xf32, #tpu.memory_space<vmem_shared>>) offsets(%dma_start3A_677 : memref<128xi32, #tpu.memory_space<vmem>>) semaphore(%arg22 : memref<!tpu.dma_semaphore, #tpu.memory_space<semaphore_mem>>) {add = true}
      } else {
      }
      %dma_wait3A_575 = arith.constant 12 : i32
      %dma_wait3A_576 = arith.constant 0 : i32
      %dma_wait3A_577 = tpu.memref_slice %arg12[%rem3A_78, %dma_wait3A_575, %dma_wait3A_576] : memref<2x16x128xi32, #tpu.memory_space<vmem>> -> memref<1x1x128xi32, #tpu.memory_space<vmem>>
      %dma_wait3A_578 = tpu.memref_squeeze %dma_wait3A_577 : memref<1x1x128xi32, #tpu.memory_space<vmem>> -> memref<128xi32, #tpu.memory_space<vmem>>
      %dma_wait3A_579 = arith.constant 0 : i32
      %dma_wait3A_580 = arith.constant 0 : i32
      %dma_wait3A_581 = tpu.memref_slice %arg16[%dma_wait3A_579, %dma_wait3A_580] : memref<20480x64xf32, #tpu.memory_space<vmem_shared>> -> memref<20480x64xf32, #tpu.memory_space<vmem_shared>>
      tpu.wait_indirect_dma semaphore(%arg20 : memref<!tpu.dma_semaphore, #tpu.memory_space<semaphore_mem>>) src(%arg13 : memref<128x64xf32, #tpu.memory_space<vmem>>) dst(%dma_wait3A_581 : memref<20480x64xf32, #tpu.memory_space<vmem_shared>>)
      %eq3A_582 = arith.constant 0 : i32
      %eq3A_583 = arith.cmpi eq, %arg0, %eq3A_582 : i32
      %convert_element_type3A_584 = arith.extui %eq3A_583 : i1 to i32
      %cond3A_585 = arith.constant 0 : i32
      %cond3A_586 = arith.cmpi ne, %convert_element_type3A_584, %cond3A_585 : i32
      scf.if %cond3A_586 {
        %dma_start3A_674 = arith.constant 14 : i32
        %dma_start3A_675 = arith.constant 0 : i32
        %dma_start3A_676 = tpu.memref_slice %arg11[%rem3A_78, %dma_start3A_674, %dma_start3A_675] : memref<2x16x128xi32, #tpu.memory_space<vmem>> -> memref<1x1x128xi32, #tpu.memory_space<vmem>>
        %dma_start3A_677 = tpu.memref_squeeze %dma_start3A_676 : memref<1x1x128xi32, #tpu.memory_space<vmem>> -> memref<128xi32, #tpu.memory_space<vmem>>
        %dma_start3A_678 = arith.constant 0 : i32
        %dma_start3A_679 = arith.constant 0 : i32
        %dma_start3A_680 = tpu.memref_slice %arg2[%dma_start3A_678, %dma_start3A_679] : memref<10000x64xf32, #tpu.memory_space<hbm>> -> memref<10000x64xf32, #tpu.memory_space<hbm>>
        tpu.enqueue_indirect_dma source(%dma_start3A_680 : memref<10000x64xf32, #tpu.memory_space<hbm>>) target(%arg13 : memref<128x64xf32, #tpu.memory_space<vmem>>) offsets(%dma_start3A_677 : memref<128xi32, #tpu.memory_space<vmem>>) semaphore(%arg18 : memref<!tpu.dma_semaphore, #tpu.memory_space<semaphore_mem>>)
      } else {
      }
      %eq3A_587 = arith.constant 1 : i32
      %eq3A_588 = arith.cmpi eq, %arg0, %eq3A_587 : i32
      %convert_element_type3A_589 = arith.extui %eq3A_588 : i1 to i32
      %cond3A_590 = arith.constant 0 : i32
      %cond3A_591 = arith.cmpi ne, %convert_element_type3A_589, %cond3A_590 : i32
      scf.if %cond3A_591 {
        %dma_start3A_674 = arith.constant 14 : i32
        %dma_start3A_675 = arith.constant 0 : i32
        %dma_start3A_676 = tpu.memref_slice %arg11[%rem3A_78, %dma_start3A_674, %dma_start3A_675] : memref<2x16x128xi32, #tpu.memory_space<vmem>> -> memref<1x1x128xi32, #tpu.memory_space<vmem>>
        %dma_start3A_677 = tpu.memref_squeeze %dma_start3A_676 : memref<1x1x128xi32, #tpu.memory_space<vmem>> -> memref<128xi32, #tpu.memory_space<vmem>>
        %dma_start3A_678 = arith.constant 0 : i32
        %dma_start3A_679 = arith.constant 0 : i32
        %dma_start3A_680 = tpu.memref_slice %arg3[%dma_start3A_678, %dma_start3A_679] : memref<10000x64xf32, #tpu.memory_space<hbm>> -> memref<10000x64xf32, #tpu.memory_space<hbm>>
        tpu.enqueue_indirect_dma source(%dma_start3A_680 : memref<10000x64xf32, #tpu.memory_space<hbm>>) target(%arg13 : memref<128x64xf32, #tpu.memory_space<vmem>>) offsets(%dma_start3A_677 : memref<128xi32, #tpu.memory_space<vmem>>) semaphore(%arg18 : memref<!tpu.dma_semaphore, #tpu.memory_space<semaphore_mem>>)
      } else {
      }
      %dma_wait3A_592 = arith.constant 14 : i32
      %dma_wait3A_593 = arith.constant 0 : i32
      %dma_wait3A_594 = tpu.memref_slice %arg11[%rem3A_78, %dma_wait3A_592, %dma_wait3A_593] : memref<2x16x128xi32, #tpu.memory_space<vmem>> -> memref<1x1x128xi32, #tpu.memory_space<vmem>>
      %dma_wait3A_595 = tpu.memref_squeeze %dma_wait3A_594 : memref<1x1x128xi32, #tpu.memory_space<vmem>> -> memref<128xi32, #tpu.memory_space<vmem>>
      %dma_wait3A_596 = arith.constant 0 : i32
      %dma_wait3A_597 = arith.constant 0 : i32
      %dma_wait3A_598 = tpu.memref_slice %arg2[%dma_wait3A_596, %dma_wait3A_597] : memref<10000x64xf32, #tpu.memory_space<hbm>> -> memref<10000x64xf32, #tpu.memory_space<hbm>>
      tpu.wait_indirect_dma semaphore(%arg18 : memref<!tpu.dma_semaphore, #tpu.memory_space<semaphore_mem>>) src(%dma_wait3A_598 : memref<10000x64xf32, #tpu.memory_space<hbm>>) dst(%arg13 : memref<128x64xf32, #tpu.memory_space<vmem>>)
      %dma_start3A_599 = arith.constant 14 : i32
      %dma_start3A_600 = arith.constant 0 : i32
      %dma_start3A_601 = tpu.memref_slice %arg12[%rem3A_78, %dma_start3A_599, %dma_start3A_600] : memref<2x16x128xi32, #tpu.memory_space<vmem>> -> memref<1x1x128xi32, #tpu.memory_space<vmem>>
      %dma_start3A_602 = tpu.memref_squeeze %dma_start3A_601 : memref<1x1x128xi32, #tpu.memory_space<vmem>> -> memref<128xi32, #tpu.memory_space<vmem>>
      %dma_start3A_603 = arith.constant 0 : i32
      %dma_start3A_604 = arith.constant 0 : i32
      %dma_start3A_605 = tpu.memref_slice %arg16[%dma_start3A_603, %dma_start3A_604] : memref<20480x64xf32, #tpu.memory_space<vmem_shared>> -> memref<20480x64xf32, #tpu.memory_space<vmem_shared>>
      tpu.enqueue_indirect_dma source(%arg13 : memref<128x64xf32, #tpu.memory_space<vmem>>) target(%dma_start3A_605 : memref<20480x64xf32, #tpu.memory_space<vmem_shared>>) offsets(%dma_start3A_602 : memref<128xi32, #tpu.memory_space<vmem>>) semaphore(%arg20 : memref<!tpu.dma_semaphore, #tpu.memory_space<semaphore_mem>>) {add = true}
      %eq3A_606 = arith.constant 0 : i32
      %eq3A_607 = arith.cmpi eq, %arg0, %eq3A_606 : i32
      %convert_element_type3A_608 = arith.extui %eq3A_607 : i1 to i32
      %cond3A_609 = arith.constant 0 : i32
      %cond3A_610 = arith.cmpi ne, %convert_element_type3A_608, %cond3A_609 : i32
      scf.if %cond3A_610 {
        %dma_start3A_674 = arith.constant 14 : i32
        %dma_start3A_675 = arith.constant 0 : i32
        %dma_start3A_676 = tpu.memref_slice %arg12[%rem3A_78, %dma_start3A_674, %dma_start3A_675] : memref<2x16x128xi32, #tpu.memory_space<vmem>> -> memref<1x1x128xi32, #tpu.memory_space<vmem>>
        %dma_start3A_677 = tpu.memref_squeeze %dma_start3A_676 : memref<1x1x128xi32, #tpu.memory_space<vmem>> -> memref<128xi32, #tpu.memory_space<vmem>>
        %dma_start3A_678 = arith.constant 0 : i32
        %dma_start3A_679 = arith.constant 0 : i32
        %dma_start3A_680 = tpu.memref_slice %arg17[%dma_start3A_678, %dma_start3A_679] : memref<20480x16xf32, #tpu.memory_space<vmem_shared>> -> memref<20480x16xf32, #tpu.memory_space<vmem_shared>>
        tpu.enqueue_indirect_dma source(%arg15 : memref<128x16xf32, #tpu.memory_space<vmem>>) target(%dma_start3A_680 : memref<20480x16xf32, #tpu.memory_space<vmem_shared>>) offsets(%dma_start3A_677 : memref<128xi32, #tpu.memory_space<vmem>>) semaphore(%arg22 : memref<!tpu.dma_semaphore, #tpu.memory_space<semaphore_mem>>) {add = true}
      } else {
      }
      %dma_wait3A_611 = arith.constant 13 : i32
      %dma_wait3A_612 = arith.constant 0 : i32
      %dma_wait3A_613 = tpu.memref_slice %arg12[%rem3A_78, %dma_wait3A_611, %dma_wait3A_612] : memref<2x16x128xi32, #tpu.memory_space<vmem>> -> memref<1x1x128xi32, #tpu.memory_space<vmem>>
      %dma_wait3A_614 = tpu.memref_squeeze %dma_wait3A_613 : memref<1x1x128xi32, #tpu.memory_space<vmem>> -> memref<128xi32, #tpu.memory_space<vmem>>
      %dma_wait3A_615 = arith.constant 0 : i32
      %dma_wait3A_616 = arith.constant 0 : i32
      %dma_wait3A_617 = tpu.memref_slice %arg16[%dma_wait3A_615, %dma_wait3A_616] : memref<20480x64xf32, #tpu.memory_space<vmem_shared>> -> memref<20480x64xf32, #tpu.memory_space<vmem_shared>>
      tpu.wait_indirect_dma semaphore(%arg21 : memref<!tpu.dma_semaphore, #tpu.memory_space<semaphore_mem>>) src(%arg14 : memref<128x64xf32, #tpu.memory_space<vmem>>) dst(%dma_wait3A_617 : memref<20480x64xf32, #tpu.memory_space<vmem_shared>>)
      %eq3A_618 = arith.constant 0 : i32
      %eq3A_619 = arith.cmpi eq, %arg0, %eq3A_618 : i32
      %convert_element_type3A_620 = arith.extui %eq3A_619 : i1 to i32
      %cond3A_621 = arith.constant 0 : i32
      %cond3A_622 = arith.cmpi ne, %convert_element_type3A_620, %cond3A_621 : i32
      scf.if %cond3A_622 {
        %dma_start3A_674 = arith.constant 15 : i32
        %dma_start3A_675 = arith.constant 0 : i32
        %dma_start3A_676 = tpu.memref_slice %arg11[%rem3A_78, %dma_start3A_674, %dma_start3A_675] : memref<2x16x128xi32, #tpu.memory_space<vmem>> -> memref<1x1x128xi32, #tpu.memory_space<vmem>>
        %dma_start3A_677 = tpu.memref_squeeze %dma_start3A_676 : memref<1x1x128xi32, #tpu.memory_space<vmem>> -> memref<128xi32, #tpu.memory_space<vmem>>
        %dma_start3A_678 = arith.constant 0 : i32
        %dma_start3A_679 = arith.constant 0 : i32
        %dma_start3A_680 = tpu.memref_slice %arg2[%dma_start3A_678, %dma_start3A_679] : memref<10000x64xf32, #tpu.memory_space<hbm>> -> memref<10000x64xf32, #tpu.memory_space<hbm>>
        tpu.enqueue_indirect_dma source(%dma_start3A_680 : memref<10000x64xf32, #tpu.memory_space<hbm>>) target(%arg14 : memref<128x64xf32, #tpu.memory_space<vmem>>) offsets(%dma_start3A_677 : memref<128xi32, #tpu.memory_space<vmem>>) semaphore(%arg19 : memref<!tpu.dma_semaphore, #tpu.memory_space<semaphore_mem>>)
      } else {
      }
      %eq3A_623 = arith.constant 1 : i32
      %eq3A_624 = arith.cmpi eq, %arg0, %eq3A_623 : i32
      %convert_element_type3A_625 = arith.extui %eq3A_624 : i1 to i32
      %cond3A_626 = arith.constant 0 : i32
      %cond3A_627 = arith.cmpi ne, %convert_element_type3A_625, %cond3A_626 : i32
      scf.if %cond3A_627 {
        %dma_start3A_674 = arith.constant 15 : i32
        %dma_start3A_675 = arith.constant 0 : i32
        %dma_start3A_676 = tpu.memref_slice %arg11[%rem3A_78, %dma_start3A_674, %dma_start3A_675] : memref<2x16x128xi32, #tpu.memory_space<vmem>> -> memref<1x1x128xi32, #tpu.memory_space<vmem>>
        %dma_start3A_677 = tpu.memref_squeeze %dma_start3A_676 : memref<1x1x128xi32, #tpu.memory_space<vmem>> -> memref<128xi32, #tpu.memory_space<vmem>>
        %dma_start3A_678 = arith.constant 0 : i32
        %dma_start3A_679 = arith.constant 0 : i32
        %dma_start3A_680 = tpu.memref_slice %arg3[%dma_start3A_678, %dma_start3A_679] : memref<10000x64xf32, #tpu.memory_space<hbm>> -> memref<10000x64xf32, #tpu.memory_space<hbm>>
        tpu.enqueue_indirect_dma source(%dma_start3A_680 : memref<10000x64xf32, #tpu.memory_space<hbm>>) target(%arg14 : memref<128x64xf32, #tpu.memory_space<vmem>>) offsets(%dma_start3A_677 : memref<128xi32, #tpu.memory_space<vmem>>) semaphore(%arg19 : memref<!tpu.dma_semaphore, #tpu.memory_space<semaphore_mem>>)
      } else {
      }
      %dma_wait3A_628 = arith.constant 15 : i32
      %dma_wait3A_629 = arith.constant 0 : i32
      %dma_wait3A_630 = tpu.memref_slice %arg11[%rem3A_78, %dma_wait3A_628, %dma_wait3A_629] : memref<2x16x128xi32, #tpu.memory_space<vmem>> -> memref<1x1x128xi32, #tpu.memory_space<vmem>>
      %dma_wait3A_631 = tpu.memref_squeeze %dma_wait3A_630 : memref<1x1x128xi32, #tpu.memory_space<vmem>> -> memref<128xi32, #tpu.memory_space<vmem>>
      %dma_wait3A_632 = arith.constant 0 : i32
      %dma_wait3A_633 = arith.constant 0 : i32
      %dma_wait3A_634 = tpu.memref_slice %arg2[%dma_wait3A_632, %dma_wait3A_633] : memref<10000x64xf32, #tpu.memory_space<hbm>> -> memref<10000x64xf32, #tpu.memory_space<hbm>>
      tpu.wait_indirect_dma semaphore(%arg19 : memref<!tpu.dma_semaphore, #tpu.memory_space<semaphore_mem>>) src(%dma_wait3A_634 : memref<10000x64xf32, #tpu.memory_space<hbm>>) dst(%arg14 : memref<128x64xf32, #tpu.memory_space<vmem>>)
      %dma_start3A_635 = arith.constant 15 : i32
      %dma_start3A_636 = arith.constant 0 : i32
      %dma_start3A_637 = tpu.memref_slice %arg12[%rem3A_78, %dma_start3A_635, %dma_start3A_636] : memref<2x16x128xi32, #tpu.memory_space<vmem>> -> memref<1x1x128xi32, #tpu.memory_space<vmem>>
      %dma_start3A_638 = tpu.memref_squeeze %dma_start3A_637 : memref<1x1x128xi32, #tpu.memory_space<vmem>> -> memref<128xi32, #tpu.memory_space<vmem>>
      %dma_start3A_639 = arith.constant 0 : i32
      %dma_start3A_640 = arith.constant 0 : i32
      %dma_start3A_641 = tpu.memref_slice %arg16[%dma_start3A_639, %dma_start3A_640] : memref<20480x64xf32, #tpu.memory_space<vmem_shared>> -> memref<20480x64xf32, #tpu.memory_space<vmem_shared>>
      tpu.enqueue_indirect_dma source(%arg14 : memref<128x64xf32, #tpu.memory_space<vmem>>) target(%dma_start3A_641 : memref<20480x64xf32, #tpu.memory_space<vmem_shared>>) offsets(%dma_start3A_638 : memref<128xi32, #tpu.memory_space<vmem>>) semaphore(%arg21 : memref<!tpu.dma_semaphore, #tpu.memory_space<semaphore_mem>>) {add = true}
      %eq3A_642 = arith.constant 0 : i32
      %eq3A_643 = arith.cmpi eq, %arg0, %eq3A_642 : i32
      %convert_element_type3A_644 = arith.extui %eq3A_643 : i1 to i32
      %cond3A_645 = arith.constant 0 : i32
      %cond3A_646 = arith.cmpi ne, %convert_element_type3A_644, %cond3A_645 : i32
      scf.if %cond3A_646 {
        %dma_start3A_674 = arith.constant 15 : i32
        %dma_start3A_675 = arith.constant 0 : i32
        %dma_start3A_676 = tpu.memref_slice %arg12[%rem3A_78, %dma_start3A_674, %dma_start3A_675] : memref<2x16x128xi32, #tpu.memory_space<vmem>> -> memref<1x1x128xi32, #tpu.memory_space<vmem>>
        %dma_start3A_677 = tpu.memref_squeeze %dma_start3A_676 : memref<1x1x128xi32, #tpu.memory_space<vmem>> -> memref<128xi32, #tpu.memory_space<vmem>>
        %dma_start3A_678 = arith.constant 0 : i32
        %dma_start3A_679 = arith.constant 0 : i32
        %dma_start3A_680 = tpu.memref_slice %arg17[%dma_start3A_678, %dma_start3A_679] : memref<20480x16xf32, #tpu.memory_space<vmem_shared>> -> memref<20480x16xf32, #tpu.memory_space<vmem_shared>>
        tpu.enqueue_indirect_dma source(%arg15 : memref<128x16xf32, #tpu.memory_space<vmem>>) target(%dma_start3A_680 : memref<20480x16xf32, #tpu.memory_space<vmem_shared>>) offsets(%dma_start3A_677 : memref<128xi32, #tpu.memory_space<vmem>>) semaphore(%arg22 : memref<!tpu.dma_semaphore, #tpu.memory_space<semaphore_mem>>) {add = true}
      } else {
      }
      %dma_wait3A_647 = arith.constant 14 : i32
      %dma_wait3A_648 = arith.constant 0 : i32
      %dma_wait3A_649 = tpu.memref_slice %arg12[%rem3A_78, %dma_wait3A_647, %dma_wait3A_648] : memref<2x16x128xi32, #tpu.memory_space<vmem>> -> memref<1x1x128xi32, #tpu.memory_space<vmem>>
      %dma_wait3A_650 = tpu.memref_squeeze %dma_wait3A_649 : memref<1x1x128xi32, #tpu.memory_space<vmem>> -> memref<128xi32, #tpu.memory_space<vmem>>
      %dma_wait3A_651 = arith.constant 0 : i32
      %dma_wait3A_652 = arith.constant 0 : i32
      %dma_wait3A_653 = tpu.memref_slice %arg16[%dma_wait3A_651, %dma_wait3A_652] : memref<20480x64xf32, #tpu.memory_space<vmem_shared>> -> memref<20480x64xf32, #tpu.memory_space<vmem_shared>>
      tpu.wait_indirect_dma semaphore(%arg20 : memref<!tpu.dma_semaphore, #tpu.memory_space<semaphore_mem>>) src(%arg13 : memref<128x64xf32, #tpu.memory_space<vmem>>) dst(%dma_wait3A_653 : memref<20480x64xf32, #tpu.memory_space<vmem_shared>>)
      %dma_wait3A_654 = arith.constant 15 : i32
      %dma_wait3A_655 = arith.constant 0 : i32
      %dma_wait3A_656 = tpu.memref_slice %arg12[%rem3A_78, %dma_wait3A_654, %dma_wait3A_655] : memref<2x16x128xi32, #tpu.memory_space<vmem>> -> memref<1x1x128xi32, #tpu.memory_space<vmem>>
      %dma_wait3A_657 = tpu.memref_squeeze %dma_wait3A_656 : memref<1x1x128xi32, #tpu.memory_space<vmem>> -> memref<128xi32, #tpu.memory_space<vmem>>
      %dma_wait3A_658 = arith.constant 0 : i32
      %dma_wait3A_659 = arith.constant 0 : i32
      %dma_wait3A_660 = tpu.memref_slice %arg16[%dma_wait3A_658, %dma_wait3A_659] : memref<20480x64xf32, #tpu.memory_space<vmem_shared>> -> memref<20480x64xf32, #tpu.memory_space<vmem_shared>>
      tpu.wait_indirect_dma semaphore(%arg21 : memref<!tpu.dma_semaphore, #tpu.memory_space<semaphore_mem>>) src(%arg14 : memref<128x64xf32, #tpu.memory_space<vmem>>) dst(%dma_wait3A_660 : memref<20480x64xf32, #tpu.memory_space<vmem_shared>>)
      %eq3A_661 = arith.constant 0 : i32
      %eq3A_662 = arith.cmpi eq, %arg0, %eq3A_661 : i32
      %convert_element_type3A_663 = arith.extui %eq3A_662 : i1 to i32
      %cond3A_664 = arith.constant 0 : i32
      %cond3A_665 = arith.cmpi ne, %convert_element_type3A_663, %cond3A_664 : i32
      scf.if %cond3A_665 {
        %dma_wait3A_674 = arith.constant 0 : i32
        %dma_wait3A_675 = arith.constant 0 : i32
        %dma_wait3A_676 = tpu.memref_slice %arg12[%rem3A_78, %dma_wait3A_674, %dma_wait3A_675] : memref<2x16x128xi32, #tpu.memory_space<vmem>> -> memref<1x1x128xi32, #tpu.memory_space<vmem>>
        %dma_wait3A_677 = tpu.memref_squeeze %dma_wait3A_676 : memref<1x1x128xi32, #tpu.memory_space<vmem>> -> memref<128xi32, #tpu.memory_space<vmem>>
        %dma_wait3A_678 = arith.constant 0 : i32
        %dma_wait3A_679 = arith.constant 0 : i32
        %dma_wait3A_680 = tpu.memref_slice %arg17[%dma_wait3A_678, %dma_wait3A_679] : memref<20480x16xf32, #tpu.memory_space<vmem_shared>> -> memref<20480x16xf32, #tpu.memory_space<vmem_shared>>
        tpu.wait_indirect_dma semaphore(%arg22 : memref<!tpu.dma_semaphore, #tpu.memory_space<semaphore_mem>>) src(%arg15 : memref<128x16xf32, #tpu.memory_space<vmem>>) dst(%dma_wait3A_680 : memref<20480x16xf32, #tpu.memory_space<vmem_shared>>)
        %dma_wait3A_681 = arith.constant 1 : i32
        %dma_wait3A_682 = arith.constant 0 : i32
        %dma_wait3A_683 = tpu.memref_slice %arg12[%rem3A_78, %dma_wait3A_681, %dma_wait3A_682] : memref<2x16x128xi32, #tpu.memory_space<vmem>> -> memref<1x1x128xi32, #tpu.memory_space<vmem>>
        %dma_wait3A_684 = tpu.memref_squeeze %dma_wait3A_683 : memref<1x1x128xi32, #tpu.memory_space<vmem>> -> memref<128xi32, #tpu.memory_space<vmem>>
        %dma_wait3A_685 = arith.constant 0 : i32
        %dma_wait3A_686 = arith.constant 0 : i32
        %dma_wait3A_687 = tpu.memref_slice %arg17[%dma_wait3A_685, %dma_wait3A_686] : memref<20480x16xf32, #tpu.memory_space<vmem_shared>> -> memref<20480x16xf32, #tpu.memory_space<vmem_shared>>
        tpu.wait_indirect_dma semaphore(%arg22 : memref<!tpu.dma_semaphore, #tpu.memory_space<semaphore_mem>>) src(%arg15 : memref<128x16xf32, #tpu.memory_space<vmem>>) dst(%dma_wait3A_687 : memref<20480x16xf32, #tpu.memory_space<vmem_shared>>)
        %dma_wait3A_688 = arith.constant 2 : i32
        %dma_wait3A_689 = arith.constant 0 : i32
        %dma_wait3A_690 = tpu.memref_slice %arg12[%rem3A_78, %dma_wait3A_688, %dma_wait3A_689] : memref<2x16x128xi32, #tpu.memory_space<vmem>> -> memref<1x1x128xi32, #tpu.memory_space<vmem>>
        %dma_wait3A_691 = tpu.memref_squeeze %dma_wait3A_690 : memref<1x1x128xi32, #tpu.memory_space<vmem>> -> memref<128xi32, #tpu.memory_space<vmem>>
        %dma_wait3A_692 = arith.constant 0 : i32
        %dma_wait3A_693 = arith.constant 0 : i32
        %dma_wait3A_694 = tpu.memref_slice %arg17[%dma_wait3A_692, %dma_wait3A_693] : memref<20480x16xf32, #tpu.memory_space<vmem_shared>> -> memref<20480x16xf32, #tpu.memory_space<vmem_shared>>
        tpu.wait_indirect_dma semaphore(%arg22 : memref<!tpu.dma_semaphore, #tpu.memory_space<semaphore_mem>>) src(%arg15 : memref<128x16xf32, #tpu.memory_space<vmem>>) dst(%dma_wait3A_694 : memref<20480x16xf32, #tpu.memory_space<vmem_shared>>)
        %dma_wait3A_695 = arith.constant 3 : i32
        %dma_wait3A_696 = arith.constant 0 : i32
        %dma_wait3A_697 = tpu.memref_slice %arg12[%rem3A_78, %dma_wait3A_695, %dma_wait3A_696] : memref<2x16x128xi32, #tpu.memory_space<vmem>> -> memref<1x1x128xi32, #tpu.memory_space<vmem>>
        %dma_wait3A_698 = tpu.memref_squeeze %dma_wait3A_697 : memref<1x1x128xi32, #tpu.memory_space<vmem>> -> memref<128xi32, #tpu.memory_space<vmem>>
        %dma_wait3A_699 = arith.constant 0 : i32
        %dma_wait3A_700 = arith.constant 0 : i32
        %dma_wait3A_701 = tpu.memref_slice %arg17[%dma_wait3A_699, %dma_wait3A_700] : memref<20480x16xf32, #tpu.memory_space<vmem_shared>> -> memref<20480x16xf32, #tpu.memory_space<vmem_shared>>
        tpu.wait_indirect_dma semaphore(%arg22 : memref<!tpu.dma_semaphore, #tpu.memory_space<semaphore_mem>>) src(%arg15 : memref<128x16xf32, #tpu.memory_space<vmem>>) dst(%dma_wait3A_701 : memref<20480x16xf32, #tpu.memory_space<vmem_shared>>)
        %dma_wait3A_702 = arith.constant 4 : i32
        %dma_wait3A_703 = arith.constant 0 : i32
        %dma_wait3A_704 = tpu.memref_slice %arg12[%rem3A_78, %dma_wait3A_702, %dma_wait3A_703] : memref<2x16x128xi32, #tpu.memory_space<vmem>> -> memref<1x1x128xi32, #tpu.memory_space<vmem>>
        %dma_wait3A_705 = tpu.memref_squeeze %dma_wait3A_704 : memref<1x1x128xi32, #tpu.memory_space<vmem>> -> memref<128xi32, #tpu.memory_space<vmem>>
        %dma_wait3A_706 = arith.constant 0 : i32
        %dma_wait3A_707 = arith.constant 0 : i32
        %dma_wait3A_708 = tpu.memref_slice %arg17[%dma_wait3A_706, %dma_wait3A_707] : memref<20480x16xf32, #tpu.memory_space<vmem_shared>> -> memref<20480x16xf32, #tpu.memory_space<vmem_shared>>
        tpu.wait_indirect_dma semaphore(%arg22 : memref<!tpu.dma_semaphore, #tpu.memory_space<semaphore_mem>>) src(%arg15 : memref<128x16xf32, #tpu.memory_space<vmem>>) dst(%dma_wait3A_708 : memref<20480x16xf32, #tpu.memory_space<vmem_shared>>)
        %dma_wait3A_709 = arith.constant 5 : i32
        %dma_wait3A_710 = arith.constant 0 : i32
        %dma_wait3A_711 = tpu.memref_slice %arg12[%rem3A_78, %dma_wait3A_709, %dma_wait3A_710] : memref<2x16x128xi32, #tpu.memory_space<vmem>> -> memref<1x1x128xi32, #tpu.memory_space<vmem>>
        %dma_wait3A_712 = tpu.memref_squeeze %dma_wait3A_711 : memref<1x1x128xi32, #tpu.memory_space<vmem>> -> memref<128xi32, #tpu.memory_space<vmem>>
        %dma_wait3A_713 = arith.constant 0 : i32
        %dma_wait3A_714 = arith.constant 0 : i32
        %dma_wait3A_715 = tpu.memref_slice %arg17[%dma_wait3A_713, %dma_wait3A_714] : memref<20480x16xf32, #tpu.memory_space<vmem_shared>> -> memref<20480x16xf32, #tpu.memory_space<vmem_shared>>
        tpu.wait_indirect_dma semaphore(%arg22 : memref<!tpu.dma_semaphore, #tpu.memory_space<semaphore_mem>>) src(%arg15 : memref<128x16xf32, #tpu.memory_space<vmem>>) dst(%dma_wait3A_715 : memref<20480x16xf32, #tpu.memory_space<vmem_shared>>)
        %dma_wait3A_716 = arith.constant 6 : i32
        %dma_wait3A_717 = arith.constant 0 : i32
        %dma_wait3A_718 = tpu.memref_slice %arg12[%rem3A_78, %dma_wait3A_716, %dma_wait3A_717] : memref<2x16x128xi32, #tpu.memory_space<vmem>> -> memref<1x1x128xi32, #tpu.memory_space<vmem>>
        %dma_wait3A_719 = tpu.memref_squeeze %dma_wait3A_718 : memref<1x1x128xi32, #tpu.memory_space<vmem>> -> memref<128xi32, #tpu.memory_space<vmem>>
        %dma_wait3A_720 = arith.constant 0 : i32
        %dma_wait3A_721 = arith.constant 0 : i32
        %dma_wait3A_722 = tpu.memref_slice %arg17[%dma_wait3A_720, %dma_wait3A_721] : memref<20480x16xf32, #tpu.memory_space<vmem_shared>> -> memref<20480x16xf32, #tpu.memory_space<vmem_shared>>
        tpu.wait_indirect_dma semaphore(%arg22 : memref<!tpu.dma_semaphore, #tpu.memory_space<semaphore_mem>>) src(%arg15 : memref<128x16xf32, #tpu.memory_space<vmem>>) dst(%dma_wait3A_722 : memref<20480x16xf32, #tpu.memory_space<vmem_shared>>)
        %dma_wait3A_723 = arith.constant 7 : i32
        %dma_wait3A_724 = arith.constant 0 : i32
        %dma_wait3A_725 = tpu.memref_slice %arg12[%rem3A_78, %dma_wait3A_723, %dma_wait3A_724] : memref<2x16x128xi32, #tpu.memory_space<vmem>> -> memref<1x1x128xi32, #tpu.memory_space<vmem>>
        %dma_wait3A_726 = tpu.memref_squeeze %dma_wait3A_725 : memref<1x1x128xi32, #tpu.memory_space<vmem>> -> memref<128xi32, #tpu.memory_space<vmem>>
        %dma_wait3A_727 = arith.constant 0 : i32
        %dma_wait3A_728 = arith.constant 0 : i32
        %dma_wait3A_729 = tpu.memref_slice %arg17[%dma_wait3A_727, %dma_wait3A_728] : memref<20480x16xf32, #tpu.memory_space<vmem_shared>> -> memref<20480x16xf32, #tpu.memory_space<vmem_shared>>
        tpu.wait_indirect_dma semaphore(%arg22 : memref<!tpu.dma_semaphore, #tpu.memory_space<semaphore_mem>>) src(%arg15 : memref<128x16xf32, #tpu.memory_space<vmem>>) dst(%dma_wait3A_729 : memref<20480x16xf32, #tpu.memory_space<vmem_shared>>)
        %dma_wait3A_730 = arith.constant 8 : i32
        %dma_wait3A_731 = arith.constant 0 : i32
        %dma_wait3A_732 = tpu.memref_slice %arg12[%rem3A_78, %dma_wait3A_730, %dma_wait3A_731] : memref<2x16x128xi32, #tpu.memory_space<vmem>> -> memref<1x1x128xi32, #tpu.memory_space<vmem>>
        %dma_wait3A_733 = tpu.memref_squeeze %dma_wait3A_732 : memref<1x1x128xi32, #tpu.memory_space<vmem>> -> memref<128xi32, #tpu.memory_space<vmem>>
        %dma_wait3A_734 = arith.constant 0 : i32
        %dma_wait3A_735 = arith.constant 0 : i32
        %dma_wait3A_736 = tpu.memref_slice %arg17[%dma_wait3A_734, %dma_wait3A_735] : memref<20480x16xf32, #tpu.memory_space<vmem_shared>> -> memref<20480x16xf32, #tpu.memory_space<vmem_shared>>
        tpu.wait_indirect_dma semaphore(%arg22 : memref<!tpu.dma_semaphore, #tpu.memory_space<semaphore_mem>>) src(%arg15 : memref<128x16xf32, #tpu.memory_space<vmem>>) dst(%dma_wait3A_736 : memref<20480x16xf32, #tpu.memory_space<vmem_shared>>)
        %dma_wait3A_737 = arith.constant 9 : i32
        %dma_wait3A_738 = arith.constant 0 : i32
        %dma_wait3A_739 = tpu.memref_slice %arg12[%rem3A_78, %dma_wait3A_737, %dma_wait3A_738] : memref<2x16x128xi32, #tpu.memory_space<vmem>> -> memref<1x1x128xi32, #tpu.memory_space<vmem>>
        %dma_wait3A_740 = tpu.memref_squeeze %dma_wait3A_739 : memref<1x1x128xi32, #tpu.memory_space<vmem>> -> memref<128xi32, #tpu.memory_space<vmem>>
        %dma_wait3A_741 = arith.constant 0 : i32
        %dma_wait3A_742 = arith.constant 0 : i32
        %dma_wait3A_743 = tpu.memref_slice %arg17[%dma_wait3A_741, %dma_wait3A_742] : memref<20480x16xf32, #tpu.memory_space<vmem_shared>> -> memref<20480x16xf32, #tpu.memory_space<vmem_shared>>
        tpu.wait_indirect_dma semaphore(%arg22 : memref<!tpu.dma_semaphore, #tpu.memory_space<semaphore_mem>>) src(%arg15 : memref<128x16xf32, #tpu.memory_space<vmem>>) dst(%dma_wait3A_743 : memref<20480x16xf32, #tpu.memory_space<vmem_shared>>)
        %dma_wait3A_744 = arith.constant 10 : i32
        %dma_wait3A_745 = arith.constant 0 : i32
        %dma_wait3A_746 = tpu.memref_slice %arg12[%rem3A_78, %dma_wait3A_744, %dma_wait3A_745] : memref<2x16x128xi32, #tpu.memory_space<vmem>> -> memref<1x1x128xi32, #tpu.memory_space<vmem>>
        %dma_wait3A_747 = tpu.memref_squeeze %dma_wait3A_746 : memref<1x1x128xi32, #tpu.memory_space<vmem>> -> memref<128xi32, #tpu.memory_space<vmem>>
        %dma_wait3A_748 = arith.constant 0 : i32
        %dma_wait3A_749 = arith.constant 0 : i32
        %dma_wait3A_750 = tpu.memref_slice %arg17[%dma_wait3A_748, %dma_wait3A_749] : memref<20480x16xf32, #tpu.memory_space<vmem_shared>> -> memref<20480x16xf32, #tpu.memory_space<vmem_shared>>
        tpu.wait_indirect_dma semaphore(%arg22 : memref<!tpu.dma_semaphore, #tpu.memory_space<semaphore_mem>>) src(%arg15 : memref<128x16xf32, #tpu.memory_space<vmem>>) dst(%dma_wait3A_750 : memref<20480x16xf32, #tpu.memory_space<vmem_shared>>)
        %dma_wait3A_751 = arith.constant 11 : i32
        %dma_wait3A_752 = arith.constant 0 : i32
        %dma_wait3A_753 = tpu.memref_slice %arg12[%rem3A_78, %dma_wait3A_751, %dma_wait3A_752] : memref<2x16x128xi32, #tpu.memory_space<vmem>> -> memref<1x1x128xi32, #tpu.memory_space<vmem>>
        %dma_wait3A_754 = tpu.memref_squeeze %dma_wait3A_753 : memref<1x1x128xi32, #tpu.memory_space<vmem>> -> memref<128xi32, #tpu.memory_space<vmem>>
        %dma_wait3A_755 = arith.constant 0 : i32
        %dma_wait3A_756 = arith.constant 0 : i32
        %dma_wait3A_757 = tpu.memref_slice %arg17[%dma_wait3A_755, %dma_wait3A_756] : memref<20480x16xf32, #tpu.memory_space<vmem_shared>> -> memref<20480x16xf32, #tpu.memory_space<vmem_shared>>
        tpu.wait_indirect_dma semaphore(%arg22 : memref<!tpu.dma_semaphore, #tpu.memory_space<semaphore_mem>>) src(%arg15 : memref<128x16xf32, #tpu.memory_space<vmem>>) dst(%dma_wait3A_757 : memref<20480x16xf32, #tpu.memory_space<vmem_shared>>)
        %dma_wait3A_758 = arith.constant 12 : i32
        %dma_wait3A_759 = arith.constant 0 : i32
        %dma_wait3A_760 = tpu.memref_slice %arg12[%rem3A_78, %dma_wait3A_758, %dma_wait3A_759] : memref<2x16x128xi32, #tpu.memory_space<vmem>> -> memref<1x1x128xi32, #tpu.memory_space<vmem>>
        %dma_wait3A_761 = tpu.memref_squeeze %dma_wait3A_760 : memref<1x1x128xi32, #tpu.memory_space<vmem>> -> memref<128xi32, #tpu.memory_space<vmem>>
        %dma_wait3A_762 = arith.constant 0 : i32
        %dma_wait3A_763 = arith.constant 0 : i32
        %dma_wait3A_764 = tpu.memref_slice %arg17[%dma_wait3A_762, %dma_wait3A_763] : memref<20480x16xf32, #tpu.memory_space<vmem_shared>> -> memref<20480x16xf32, #tpu.memory_space<vmem_shared>>
        tpu.wait_indirect_dma semaphore(%arg22 : memref<!tpu.dma_semaphore, #tpu.memory_space<semaphore_mem>>) src(%arg15 : memref<128x16xf32, #tpu.memory_space<vmem>>) dst(%dma_wait3A_764 : memref<20480x16xf32, #tpu.memory_space<vmem_shared>>)
        %dma_wait3A_765 = arith.constant 13 : i32
        %dma_wait3A_766 = arith.constant 0 : i32
        %dma_wait3A_767 = tpu.memref_slice %arg12[%rem3A_78, %dma_wait3A_765, %dma_wait3A_766] : memref<2x16x128xi32, #tpu.memory_space<vmem>> -> memref<1x1x128xi32, #tpu.memory_space<vmem>>
        %dma_wait3A_768 = tpu.memref_squeeze %dma_wait3A_767 : memref<1x1x128xi32, #tpu.memory_space<vmem>> -> memref<128xi32, #tpu.memory_space<vmem>>
        %dma_wait3A_769 = arith.constant 0 : i32
        %dma_wait3A_770 = arith.constant 0 : i32
        %dma_wait3A_771 = tpu.memref_slice %arg17[%dma_wait3A_769, %dma_wait3A_770] : memref<20480x16xf32, #tpu.memory_space<vmem_shared>> -> memref<20480x16xf32, #tpu.memory_space<vmem_shared>>
        tpu.wait_indirect_dma semaphore(%arg22 : memref<!tpu.dma_semaphore, #tpu.memory_space<semaphore_mem>>) src(%arg15 : memref<128x16xf32, #tpu.memory_space<vmem>>) dst(%dma_wait3A_771 : memref<20480x16xf32, #tpu.memory_space<vmem_shared>>)
        %dma_wait3A_772 = arith.constant 14 : i32
        %dma_wait3A_773 = arith.constant 0 : i32
        %dma_wait3A_774 = tpu.memref_slice %arg12[%rem3A_78, %dma_wait3A_772, %dma_wait3A_773] : memref<2x16x128xi32, #tpu.memory_space<vmem>> -> memref<1x1x128xi32, #tpu.memory_space<vmem>>
        %dma_wait3A_775 = tpu.memref_squeeze %dma_wait3A_774 : memref<1x1x128xi32, #tpu.memory_space<vmem>> -> memref<128xi32, #tpu.memory_space<vmem>>
        %dma_wait3A_776 = arith.constant 0 : i32
        %dma_wait3A_777 = arith.constant 0 : i32
        %dma_wait3A_778 = tpu.memref_slice %arg17[%dma_wait3A_776, %dma_wait3A_777] : memref<20480x16xf32, #tpu.memory_space<vmem_shared>> -> memref<20480x16xf32, #tpu.memory_space<vmem_shared>>
        tpu.wait_indirect_dma semaphore(%arg22 : memref<!tpu.dma_semaphore, #tpu.memory_space<semaphore_mem>>) src(%arg15 : memref<128x16xf32, #tpu.memory_space<vmem>>) dst(%dma_wait3A_778 : memref<20480x16xf32, #tpu.memory_space<vmem_shared>>)
        %dma_wait3A_779 = arith.constant 15 : i32
        %dma_wait3A_780 = arith.constant 0 : i32
        %dma_wait3A_781 = tpu.memref_slice %arg12[%rem3A_78, %dma_wait3A_779, %dma_wait3A_780] : memref<2x16x128xi32, #tpu.memory_space<vmem>> -> memref<1x1x128xi32, #tpu.memory_space<vmem>>
        %dma_wait3A_782 = tpu.memref_squeeze %dma_wait3A_781 : memref<1x1x128xi32, #tpu.memory_space<vmem>> -> memref<128xi32, #tpu.memory_space<vmem>>
        %dma_wait3A_783 = arith.constant 0 : i32
        %dma_wait3A_784 = arith.constant 0 : i32
        %dma_wait3A_785 = tpu.memref_slice %arg17[%dma_wait3A_783, %dma_wait3A_784] : memref<20480x16xf32, #tpu.memory_space<vmem_shared>> -> memref<20480x16xf32, #tpu.memory_space<vmem_shared>>
        tpu.wait_indirect_dma semaphore(%arg22 : memref<!tpu.dma_semaphore, #tpu.memory_space<semaphore_mem>>) src(%arg15 : memref<128x16xf32, #tpu.memory_space<vmem>>) dst(%dma_wait3A_785 : memref<20480x16xf32, #tpu.memory_space<vmem_shared>>)
      } else {
      }
      %add3A_666 = arith.constant 1 : i32
      %add3A_667 = arith.addi %scan3A_76, %add3A_666 : i32
      %lt3A_668 = arith.constant 10 : i32
      %lt3A_669 = arith.cmpi slt, %add3A_667, %lt3A_668 : i32
      %convert_element_type3A_670 = arith.extui %lt3A_669 : i1 to i32
      %cond3A_671 = arith.constant 0 : i32
      %cond3A_672 = arith.cmpi ne, %convert_element_type3A_670, %cond3A_671 : i32
      scf.if %cond3A_672 {
        %dma_wait3A_674 = arith.constant 0 : i32
        %dma_wait3A_675 = arith.constant 0 : i32
        %dma_wait3A_676 = arith.constant 0 : i32
        %dma_wait3A_677 = tpu.memref_slice %arg11[%dma_wait3A_674, %dma_wait3A_675, %dma_wait3A_676] : memref<2x16x128xi32, #tpu.memory_space<vmem>> -> memref<1x16x128xi32, #tpu.memory_space<vmem>>
        %dma_wait3A_678 = tpu.memref_squeeze %dma_wait3A_677 : memref<1x16x128xi32, #tpu.memory_space<vmem>> -> memref<16x128xi32, #tpu.memory_space<vmem>>
        %dma_wait3A_679 = arith.constant 0 : i32
        %dma_wait3A_680 = arith.constant 0 : i32
        %dma_wait3A_681 = tpu.memref_slice %arg4[%dma_wait3A_679, %dma_wait3A_680] : memref<2560x128xi32, #tpu.memory_space<hbm>> -> memref<16x128xi32, #tpu.memory_space<hbm>>
        %dma_wait3A_682 = arith.constant 0 : i32
        %dma_wait3A_683 = arith.constant 0 : i32
        %dma_wait3A_684 = tpu.memref_slice %arg11[%dma_wait3A_674, %dma_wait3A_682, %dma_wait3A_683] : memref<2x16x128xi32, #tpu.memory_space<vmem>> -> memref<1x16x128xi32, #tpu.memory_space<vmem>>
        %dma_wait3A_685 = tpu.memref_squeeze %dma_wait3A_684 : memref<1x16x128xi32, #tpu.memory_space<vmem>> -> memref<16x128xi32, #tpu.memory_space<vmem>>
        %dma_wait3A_686 = arith.constant 0 : i32
        %dma_wait3A_687 = arith.constant 0 : i32
        %dma_wait3A_688 = tpu.memref_slice %arg4[%dma_wait3A_686, %dma_wait3A_687] : memref<2560x128xi32, #tpu.memory_space<hbm>> -> memref<16x128xi32, #tpu.memory_space<hbm>>
        tpu.wait_dma2 semaphore(%arg23 : memref<!tpu.dma_semaphore, #tpu.memory_space<semaphore_mem>>) src(%dma_wait3A_688 : memref<16x128xi32, #tpu.memory_space<hbm>>) dst(%dma_wait3A_685 : memref<16x128xi32, #tpu.memory_space<vmem>>)
        %dma_wait3A_689 = arith.constant 0 : i32
        %dma_wait3A_690 = arith.constant 0 : i32
        %dma_wait3A_691 = arith.constant 0 : i32
        %dma_wait3A_692 = tpu.memref_slice %arg12[%dma_wait3A_689, %dma_wait3A_690, %dma_wait3A_691] : memref<2x16x128xi32, #tpu.memory_space<vmem>> -> memref<1x16x128xi32, #tpu.memory_space<vmem>>
        %dma_wait3A_693 = tpu.memref_squeeze %dma_wait3A_692 : memref<1x16x128xi32, #tpu.memory_space<vmem>> -> memref<16x128xi32, #tpu.memory_space<vmem>>
        %dma_wait3A_694 = arith.constant 0 : i32
        %dma_wait3A_695 = arith.constant 0 : i32
        %dma_wait3A_696 = tpu.memref_slice %arg5[%dma_wait3A_694, %dma_wait3A_695] : memref<2560x128xi32, #tpu.memory_space<hbm>> -> memref<16x128xi32, #tpu.memory_space<hbm>>
        %dma_wait3A_697 = arith.constant 0 : i32
        %dma_wait3A_698 = arith.constant 0 : i32
        %dma_wait3A_699 = tpu.memref_slice %arg12[%dma_wait3A_689, %dma_wait3A_697, %dma_wait3A_698] : memref<2x16x128xi32, #tpu.memory_space<vmem>> -> memref<1x16x128xi32, #tpu.memory_space<vmem>>
        %dma_wait3A_700 = tpu.memref_squeeze %dma_wait3A_699 : memref<1x16x128xi32, #tpu.memory_space<vmem>> -> memref<16x128xi32, #tpu.memory_space<vmem>>
        %dma_wait3A_701 = arith.constant 0 : i32
        %dma_wait3A_702 = arith.constant 0 : i32
        %dma_wait3A_703 = tpu.memref_slice %arg5[%dma_wait3A_701, %dma_wait3A_702] : memref<2560x128xi32, #tpu.memory_space<hbm>> -> memref<16x128xi32, #tpu.memory_space<hbm>>
        tpu.wait_dma2 semaphore(%arg23 : memref<!tpu.dma_semaphore, #tpu.memory_space<semaphore_mem>>) src(%dma_wait3A_703 : memref<16x128xi32, #tpu.memory_space<hbm>>) dst(%dma_wait3A_700 : memref<16x128xi32, #tpu.memory_space<vmem>>)
      } else {
      }
      %scan3A_673 = arith.constant 0 : i32
      scf.yield %scan3A_673 : i32
    }
    %scan3A_65 = arith.constant 10 : i32
    %barrier3A_66 = arith.constant 0 : index
    tpu.barrier barrier_id(%barrier3A_66)
    %mul3A_67 = arith.constant 1280 : i32
    %mul3A_68 = arith.muli %arg1, %mul3A_67 : i32
    %mul3A_69 = arith.constant 1280 : i32
    %mul3A_70 = arith.muli %arg1, %mul3A_69 : i32
    "tpu.region"() ({
      %run_scoped3A = tpu.sem_alloc : memref<!tpu.dma_semaphore, #tpu.memory_space<semaphore_mem>>
      %dma_start3A_76 = arith.constant 0 : i32
      %dma_start3A_77 = tpu.memref_slice %arg9[%arg0, %mul3A_70, %dma_start3A_76] : memref<2x20480x64xf32, #tpu.memory_space<hbm>> -> memref<1x1280x64xf32, #tpu.memory_space<hbm>>
      %dma_start3A_78 = tpu.memref_squeeze %dma_start3A_77 : memref<1x1280x64xf32, #tpu.memory_space<hbm>> -> memref<1280x64xf32, #tpu.memory_space<hbm>>
      %dma_start3A_79 = arith.constant 0 : i32
      %dma_start3A_80 = tpu.memref_slice %arg16[%mul3A_68, %dma_start3A_79] : memref<20480x64xf32, #tpu.memory_space<vmem_shared>> -> memref<1280x64xf32, #tpu.memory_space<vmem_shared>>
      tpu.enqueue_dma source(%dma_start3A_80 : memref<1280x64xf32, #tpu.memory_space<vmem_shared>>) target(%dma_start3A_78 : memref<1280x64xf32, #tpu.memory_space<hbm>>) target_semaphore(%run_scoped3A : memref<!tpu.dma_semaphore, #tpu.memory_space<semaphore_mem>>)
      %dma_wait3A_81 = arith.constant 0 : i32
      %dma_wait3A_82 = tpu.memref_slice %arg9[%arg0, %mul3A_70, %dma_wait3A_81] : memref<2x20480x64xf32, #tpu.memory_space<hbm>> -> memref<1x1280x64xf32, #tpu.memory_space<hbm>>
      %dma_wait3A_83 = tpu.memref_squeeze %dma_wait3A_82 : memref<1x1280x64xf32, #tpu.memory_space<hbm>> -> memref<1280x64xf32, #tpu.memory_space<hbm>>
      %dma_wait3A_84 = arith.constant 0 : i32
      %dma_wait3A_85 = tpu.memref_slice %arg16[%mul3A_68, %dma_wait3A_84] : memref<20480x64xf32, #tpu.memory_space<vmem_shared>> -> memref<1280x64xf32, #tpu.memory_space<vmem_shared>>
      tpu.wait_dma2 semaphore(%run_scoped3A : memref<!tpu.dma_semaphore, #tpu.memory_space<semaphore_mem>>) src(%dma_wait3A_85 : memref<1280x64xf32, #tpu.memory_space<vmem_shared>>) dst(%dma_wait3A_83 : memref<1280x64xf32, #tpu.memory_space<hbm>>)
      tpu.yield
    }) : () -> ()
    %eq3A_71 = arith.constant 0 : i32
    %eq3A_72 = arith.cmpi eq, %arg0, %eq3A_71 : i32
    %convert_element_type3A_73 = arith.extui %eq3A_72 : i1 to i32
    %cond3A_74 = arith.constant 0 : i32
    %cond3A_75 = arith.cmpi ne, %convert_element_type3A_73, %cond3A_74 : i32
    scf.if %cond3A_75 {
      %mul3A_76 = arith.constant 1280 : i32
      %mul3A_77 = arith.muli %arg1, %mul3A_76 : i32
      %mul3A_78 = arith.constant 1280 : i32
      %mul3A_79 = arith.muli %arg1, %mul3A_78 : i32
      "tpu.region"() ({
        %run_scoped3A = tpu.sem_alloc : memref<!tpu.dma_semaphore, #tpu.memory_space<semaphore_mem>>
        %dma_start3A_80 = arith.constant 0 : i32
        %dma_start3A_81 = tpu.memref_slice %arg10[%mul3A_79, %dma_start3A_80] : memref<20480x16xf32, #tpu.memory_space<hbm>> -> memref<1280x16xf32, #tpu.memory_space<hbm>>
        %dma_start3A_82 = arith.constant 0 : i32
        %dma_start3A_83 = tpu.memref_slice %arg17[%mul3A_77, %dma_start3A_82] : memref<20480x16xf32, #tpu.memory_space<vmem_shared>> -> memref<1280x16xf32, #tpu.memory_space<vmem_shared>>
        tpu.enqueue_dma source(%dma_start3A_83 : memref<1280x16xf32, #tpu.memory_space<vmem_shared>>) target(%dma_start3A_81 : memref<1280x16xf32, #tpu.memory_space<hbm>>) target_semaphore(%run_scoped3A : memref<!tpu.dma_semaphore, #tpu.memory_space<semaphore_mem>>)
        %dma_wait3A_84 = arith.constant 0 : i32
        %dma_wait3A_85 = tpu.memref_slice %arg10[%mul3A_79, %dma_wait3A_84] : memref<20480x16xf32, #tpu.memory_space<hbm>> -> memref<1280x16xf32, #tpu.memory_space<hbm>>
        %dma_wait3A_86 = arith.constant 0 : i32
        %dma_wait3A_87 = tpu.memref_slice %arg17[%mul3A_77, %dma_wait3A_86] : memref<20480x16xf32, #tpu.memory_space<vmem_shared>> -> memref<1280x16xf32, #tpu.memory_space<vmem_shared>>
        tpu.wait_dma2 semaphore(%run_scoped3A : memref<!tpu.dma_semaphore, #tpu.memory_space<semaphore_mem>>) src(%dma_wait3A_87 : memref<1280x16xf32, #tpu.memory_space<vmem_shared>>) dst(%dma_wait3A_85 : memref<1280x16xf32, #tpu.memory_space<hbm>>)
        tpu.yield
      }) : () -> ()
    } else {
    }
    return
  }
}

#map = affine_map<(d0, d1) -> (0, 0)>
#map1 = affine_map<(d0, d1) -> (0, 0, 0)>
module attributes {stable_mosaic.version = 14 : i64} {
  func.func @sc_agg(%arg0: i32, %arg1: i32, %arg2: memref<10000x64xf32, #tpu.memory_space<hbm>>, %arg3: memref<10000x64xf32, #tpu.memory_space<hbm>>, %arg4: memref<2560x128xi32, #tpu.memory_space<hbm>>, %arg5: memref<2560x128xi32, #tpu.memory_space<hbm>>, %arg6: memref<1280x64xf32, #tpu.memory_space<hbm>>, %arg7: memref<1280x16xf32, #tpu.memory_space<hbm>>, %arg8: memref<128x16xf32, #tpu.memory_space<hbm>>, %arg9: memref<2x20480x64xf32, #tpu.memory_space<hbm>>, %arg10: memref<2x16x128xi32, #tpu.memory_space<vmem>>, %arg11: memref<2x16x128xi32, #tpu.memory_space<vmem>>, %arg12: memref<128x64xf32, #tpu.memory_space<vmem>>, %arg13: memref<128x64xf32, #tpu.memory_space<vmem>>, %arg14: memref<128x16xf32, #tpu.memory_space<vmem>>, %arg15: memref<20480x64xf32, #tpu.memory_space<vmem_shared>>, %arg16: memref<20480x16xf32, #tpu.memory_space<vmem_shared>>, %arg17: memref<!tpu.dma_semaphore, #tpu.memory_space<semaphore_mem>>, %arg18: memref<!tpu.dma_semaphore, #tpu.memory_space<semaphore_mem>>, %arg19: memref<!tpu.dma_semaphore, #tpu.memory_space<semaphore_mem>>, %arg20: memref<!tpu.dma_semaphore, #tpu.memory_space<semaphore_mem>>, %arg21: memref<!tpu.dma_semaphore, #tpu.memory_space<semaphore_mem>>, %arg22: memref<!tpu.dma_semaphore, #tpu.memory_space<semaphore_mem>>) attributes {dimension_semantics = [#tpu.dimension_semantics<core_parallel>, #tpu.dimension_semantics<subcore_parallel>], iteration_bounds = array<i64: 2, 16>, scalar_prefetch = 0 : i64, scratch_operands = 13 : i64, tpu.core_type = #tpu.core_type<sc_vector_subcore>, window_params = [{transform_indices = #map}, {transform_indices = #map}, {transform_indices = #map}, {transform_indices = #map}, {transform_indices = #map}, {transform_indices = #map}, {transform_indices = #map}, {transform_indices = #map1}]} {
    %mul3A = arith.constant 1280 : i32
    %mul3A_0 = arith.muli %arg1, %mul3A : i32
    "tpu.region"() ({
      %run_scoped3A = tpu.sem_alloc : memref<!tpu.dma_semaphore, #tpu.memory_space<semaphore_mem>>
      %dma_start3A_69 = arith.constant 0 : i32
      %dma_start3A_70 = tpu.memref_slice %arg15[%mul3A_0, %dma_start3A_69] : memref<20480x64xf32, #tpu.memory_space<vmem_shared>> -> memref<1280x64xf32, #tpu.memory_space<vmem_shared>>
      tpu.enqueue_dma source(%arg6 : memref<1280x64xf32, #tpu.memory_space<hbm>>) target(%dma_start3A_70 : memref<1280x64xf32, #tpu.memory_space<vmem_shared>>) target_semaphore(%run_scoped3A : memref<!tpu.dma_semaphore, #tpu.memory_space<semaphore_mem>>)
      %dma_wait3A_71 = arith.constant 0 : i32
      %dma_wait3A_72 = tpu.memref_slice %arg15[%mul3A_0, %dma_wait3A_71] : memref<20480x64xf32, #tpu.memory_space<vmem_shared>> -> memref<1280x64xf32, #tpu.memory_space<vmem_shared>>
      tpu.wait_dma2 semaphore(%run_scoped3A : memref<!tpu.dma_semaphore, #tpu.memory_space<semaphore_mem>>) src(%arg6 : memref<1280x64xf32, #tpu.memory_space<hbm>>) dst(%dma_wait3A_72 : memref<1280x64xf32, #tpu.memory_space<vmem_shared>>)
      tpu.yield
    }) : () -> ()
    %barrier3A = arith.constant 0 : index
    tpu.barrier barrier_id(%barrier3A)
    %mul3A_1 = arith.constant 160 : i32
    %mul3A_2 = arith.muli %arg1, %mul3A_1 : i32
    %add3A = arith.constant 0 : i32
    %add3A_3 = arith.addi %mul3A_2, %add3A : i32
    %dma_start3A = arith.constant 0 : i32
    %dma_start3A_4 = arith.constant 0 : i32
    %dma_start3A_5 = arith.constant 0 : i32
    %dma_start3A_6 = tpu.memref_slice %arg10[%dma_start3A, %dma_start3A_4, %dma_start3A_5] : memref<2x16x128xi32, #tpu.memory_space<vmem>> -> memref<1x16x128xi32, #tpu.memory_space<vmem>>
    %dma_start3A_7 = tpu.memref_squeeze %dma_start3A_6 : memref<1x16x128xi32, #tpu.memory_space<vmem>> -> memref<16x128xi32, #tpu.memory_space<vmem>>
    %dma_start3A_8 = arith.constant 0 : i32
    %dma_start3A_9 = tpu.memref_slice %arg4[%add3A_3, %dma_start3A_8] : memref<2560x128xi32, #tpu.memory_space<hbm>> -> memref<16x128xi32, #tpu.memory_space<hbm>>
    %dma_start3A_10 = arith.constant 0 : i32
    %dma_start3A_11 = arith.constant 0 : i32
    %dma_start3A_12 = tpu.memref_slice %arg10[%dma_start3A, %dma_start3A_10, %dma_start3A_11] : memref<2x16x128xi32, #tpu.memory_space<vmem>> -> memref<1x16x128xi32, #tpu.memory_space<vmem>>
    %dma_start3A_13 = tpu.memref_squeeze %dma_start3A_12 : memref<1x16x128xi32, #tpu.memory_space<vmem>> -> memref<16x128xi32, #tpu.memory_space<vmem>>
    %dma_start3A_14 = arith.constant 0 : i32
    %dma_start3A_15 = tpu.memref_slice %arg4[%add3A_3, %dma_start3A_14] : memref<2560x128xi32, #tpu.memory_space<hbm>> -> memref<16x128xi32, #tpu.memory_space<hbm>>
    tpu.enqueue_dma source(%dma_start3A_15 : memref<16x128xi32, #tpu.memory_space<hbm>>) target(%dma_start3A_13 : memref<16x128xi32, #tpu.memory_space<vmem>>) target_semaphore(%arg22 : memref<!tpu.dma_semaphore, #tpu.memory_space<semaphore_mem>>)
    %dma_start3A_16 = arith.constant 0 : i32
    %dma_start3A_17 = arith.constant 0 : i32
    %dma_start3A_18 = arith.constant 0 : i32
    %dma_start3A_19 = tpu.memref_slice %arg11[%dma_start3A_16, %dma_start3A_17, %dma_start3A_18] : memref<2x16x128xi32, #tpu.memory_space<vmem>> -> memref<1x16x128xi32, #tpu.memory_space<vmem>>
    %dma_start3A_20 = tpu.memref_squeeze %dma_start3A_19 : memref<1x16x128xi32, #tpu.memory_space<vmem>> -> memref<16x128xi32, #tpu.memory_space<vmem>>
    %dma_start3A_21 = arith.constant 0 : i32
    %dma_start3A_22 = tpu.memref_slice %arg5[%add3A_3, %dma_start3A_21] : memref<2560x128xi32, #tpu.memory_space<hbm>> -> memref<16x128xi32, #tpu.memory_space<hbm>>
    %dma_start3A_23 = arith.constant 0 : i32
    %dma_start3A_24 = arith.constant 0 : i32
    %dma_start3A_25 = tpu.memref_slice %arg11[%dma_start3A_16, %dma_start3A_23, %dma_start3A_24] : memref<2x16x128xi32, #tpu.memory_space<vmem>> -> memref<1x16x128xi32, #tpu.memory_space<vmem>>
    %dma_start3A_26 = tpu.memref_squeeze %dma_start3A_25 : memref<1x16x128xi32, #tpu.memory_space<vmem>> -> memref<16x128xi32, #tpu.memory_space<vmem>>
    %dma_start3A_27 = arith.constant 0 : i32
    %dma_start3A_28 = tpu.memref_slice %arg5[%add3A_3, %dma_start3A_27] : memref<2560x128xi32, #tpu.memory_space<hbm>> -> memref<16x128xi32, #tpu.memory_space<hbm>>
    tpu.enqueue_dma source(%dma_start3A_28 : memref<16x128xi32, #tpu.memory_space<hbm>>) target(%dma_start3A_26 : memref<16x128xi32, #tpu.memory_space<vmem>>) target_semaphore(%arg22 : memref<!tpu.dma_semaphore, #tpu.memory_space<semaphore_mem>>)
    %dma_wait3A = arith.constant 0 : i32
    %dma_wait3A_29 = arith.constant 0 : i32
    %dma_wait3A_30 = arith.constant 0 : i32
    %dma_wait3A_31 = tpu.memref_slice %arg10[%dma_wait3A, %dma_wait3A_29, %dma_wait3A_30] : memref<2x16x128xi32, #tpu.memory_space<vmem>> -> memref<1x16x128xi32, #tpu.memory_space<vmem>>
    %dma_wait3A_32 = tpu.memref_squeeze %dma_wait3A_31 : memref<1x16x128xi32, #tpu.memory_space<vmem>> -> memref<16x128xi32, #tpu.memory_space<vmem>>
    %dma_wait3A_33 = arith.constant 0 : i32
    %dma_wait3A_34 = arith.constant 0 : i32
    %dma_wait3A_35 = tpu.memref_slice %arg4[%dma_wait3A_33, %dma_wait3A_34] : memref<2560x128xi32, #tpu.memory_space<hbm>> -> memref<16x128xi32, #tpu.memory_space<hbm>>
    %dma_wait3A_36 = arith.constant 0 : i32
    %dma_wait3A_37 = arith.constant 0 : i32
    %dma_wait3A_38 = tpu.memref_slice %arg10[%dma_wait3A, %dma_wait3A_36, %dma_wait3A_37] : memref<2x16x128xi32, #tpu.memory_space<vmem>> -> memref<1x16x128xi32, #tpu.memory_space<vmem>>
    %dma_wait3A_39 = tpu.memref_squeeze %dma_wait3A_38 : memref<1x16x128xi32, #tpu.memory_space<vmem>> -> memref<16x128xi32, #tpu.memory_space<vmem>>
    %dma_wait3A_40 = arith.constant 0 : i32
    %dma_wait3A_41 = arith.constant 0 : i32
    %dma_wait3A_42 = tpu.memref_slice %arg4[%dma_wait3A_40, %dma_wait3A_41] : memref<2560x128xi32, #tpu.memory_space<hbm>> -> memref<16x128xi32, #tpu.memory_space<hbm>>
    tpu.wait_dma2 semaphore(%arg22 : memref<!tpu.dma_semaphore, #tpu.memory_space<semaphore_mem>>) src(%dma_wait3A_42 : memref<16x128xi32, #tpu.memory_space<hbm>>) dst(%dma_wait3A_39 : memref<16x128xi32, #tpu.memory_space<vmem>>)
    %dma_wait3A_43 = arith.constant 0 : i32
    %dma_wait3A_44 = arith.constant 0 : i32
    %dma_wait3A_45 = arith.constant 0 : i32
    %dma_wait3A_46 = tpu.memref_slice %arg11[%dma_wait3A_43, %dma_wait3A_44, %dma_wait3A_45] : memref<2x16x128xi32, #tpu.memory_space<vmem>> -> memref<1x16x128xi32, #tpu.memory_space<vmem>>
    %dma_wait3A_47 = tpu.memref_squeeze %dma_wait3A_46 : memref<1x16x128xi32, #tpu.memory_space<vmem>> -> memref<16x128xi32, #tpu.memory_space<vmem>>
    %dma_wait3A_48 = arith.constant 0 : i32
    %dma_wait3A_49 = arith.constant 0 : i32
    %dma_wait3A_50 = tpu.memref_slice %arg5[%dma_wait3A_48, %dma_wait3A_49] : memref<2560x128xi32, #tpu.memory_space<hbm>> -> memref<16x128xi32, #tpu.memory_space<hbm>>
    %dma_wait3A_51 = arith.constant 0 : i32
    %dma_wait3A_52 = arith.constant 0 : i32
    %dma_wait3A_53 = tpu.memref_slice %arg11[%dma_wait3A_43, %dma_wait3A_51, %dma_wait3A_52] : memref<2x16x128xi32, #tpu.memory_space<vmem>> -> memref<1x16x128xi32, #tpu.memory_space<vmem>>
    %dma_wait3A_54 = tpu.memref_squeeze %dma_wait3A_53 : memref<1x16x128xi32, #tpu.memory_space<vmem>> -> memref<16x128xi32, #tpu.memory_space<vmem>>
    %dma_wait3A_55 = arith.constant 0 : i32
    %dma_wait3A_56 = arith.constant 0 : i32
    %dma_wait3A_57 = tpu.memref_slice %arg5[%dma_wait3A_55, %dma_wait3A_56] : memref<2560x128xi32, #tpu.memory_space<hbm>> -> memref<16x128xi32, #tpu.memory_space<hbm>>
    tpu.wait_dma2 semaphore(%arg22 : memref<!tpu.dma_semaphore, #tpu.memory_space<semaphore_mem>>) src(%dma_wait3A_57 : memref<16x128xi32, #tpu.memory_space<hbm>>) dst(%dma_wait3A_54 : memref<16x128xi32, #tpu.memory_space<vmem>>)
    %scan3A = arith.constant 0 : i32
    %scan3A_58 = arith.constant 0 : i32
    %scan3A_59 = arith.constant 10 : i32
    %scan3A_60 = arith.addi %scan3A_58, %scan3A_59 : i32
    %scan3A_61 = arith.constant 1 : i32
    %scan3A_62 = scf.for %scan3A_69 = %scan3A_58 to %scan3A_60 step %scan3A_61 iter_args(%scan3A_70 = %scan3A) -> (i32)  : i32 {
      %rem3A = arith.constant 2 : i32
      %rem3A_71 = arith.remsi %scan3A_69, %rem3A : i32
      %add3A_72 = arith.constant 1 : i32
      %add3A_73 = arith.addi %scan3A_69, %add3A_72 : i32
      %lt3A = arith.constant 10 : i32
      %lt3A_74 = arith.cmpi slt, %add3A_73, %lt3A : i32
      %convert_element_type3A = arith.extui %lt3A_74 : i1 to i32
      %cond3A = arith.constant 0 : i32
      %cond3A_75 = arith.cmpi ne, %convert_element_type3A, %cond3A : i32
      scf.if %cond3A_75 {
        %add3A_579 = arith.constant 1 : i32
        %add3A_580 = arith.addi %scan3A_69, %add3A_579 : i32
        %sub3A = arith.constant 1 : i32
        %sub3A_581 = arith.subi %sub3A, %rem3A_71 : i32
        %mul3A_582 = arith.constant 160 : i32
        %mul3A_583 = arith.muli %arg1, %mul3A_582 : i32
        %mul3A_584 = arith.constant 16 : i32
        %mul3A_585 = arith.muli %add3A_580, %mul3A_584 : i32
        %add3A_586 = arith.addi %mul3A_583, %mul3A_585 : i32
        %dma_start3A_587 = arith.constant 0 : i32
        %dma_start3A_588 = arith.constant 0 : i32
        %dma_start3A_589 = tpu.memref_slice %arg10[%sub3A_581, %dma_start3A_587, %dma_start3A_588] : memref<2x16x128xi32, #tpu.memory_space<vmem>> -> memref<1x16x128xi32, #tpu.memory_space<vmem>>
        %dma_start3A_590 = tpu.memref_squeeze %dma_start3A_589 : memref<1x16x128xi32, #tpu.memory_space<vmem>> -> memref<16x128xi32, #tpu.memory_space<vmem>>
        %dma_start3A_591 = arith.constant 0 : i32
        %dma_start3A_592 = tpu.memref_slice %arg4[%add3A_586, %dma_start3A_591] : memref<2560x128xi32, #tpu.memory_space<hbm>> -> memref<16x128xi32, #tpu.memory_space<hbm>>
        %dma_start3A_593 = arith.constant 0 : i32
        %dma_start3A_594 = arith.constant 0 : i32
        %dma_start3A_595 = tpu.memref_slice %arg10[%sub3A_581, %dma_start3A_593, %dma_start3A_594] : memref<2x16x128xi32, #tpu.memory_space<vmem>> -> memref<1x16x128xi32, #tpu.memory_space<vmem>>
        %dma_start3A_596 = tpu.memref_squeeze %dma_start3A_595 : memref<1x16x128xi32, #tpu.memory_space<vmem>> -> memref<16x128xi32, #tpu.memory_space<vmem>>
        %dma_start3A_597 = arith.constant 0 : i32
        %dma_start3A_598 = tpu.memref_slice %arg4[%add3A_586, %dma_start3A_597] : memref<2560x128xi32, #tpu.memory_space<hbm>> -> memref<16x128xi32, #tpu.memory_space<hbm>>
        tpu.enqueue_dma source(%dma_start3A_598 : memref<16x128xi32, #tpu.memory_space<hbm>>) target(%dma_start3A_596 : memref<16x128xi32, #tpu.memory_space<vmem>>) target_semaphore(%arg22 : memref<!tpu.dma_semaphore, #tpu.memory_space<semaphore_mem>>)
        %dma_start3A_599 = arith.constant 0 : i32
        %dma_start3A_600 = arith.constant 0 : i32
        %dma_start3A_601 = tpu.memref_slice %arg11[%sub3A_581, %dma_start3A_599, %dma_start3A_600] : memref<2x16x128xi32, #tpu.memory_space<vmem>> -> memref<1x16x128xi32, #tpu.memory_space<vmem>>
        %dma_start3A_602 = tpu.memref_squeeze %dma_start3A_601 : memref<1x16x128xi32, #tpu.memory_space<vmem>> -> memref<16x128xi32, #tpu.memory_space<vmem>>
        %dma_start3A_603 = arith.constant 0 : i32
        %dma_start3A_604 = tpu.memref_slice %arg5[%add3A_586, %dma_start3A_603] : memref<2560x128xi32, #tpu.memory_space<hbm>> -> memref<16x128xi32, #tpu.memory_space<hbm>>
        %dma_start3A_605 = arith.constant 0 : i32
        %dma_start3A_606 = arith.constant 0 : i32
        %dma_start3A_607 = tpu.memref_slice %arg11[%sub3A_581, %dma_start3A_605, %dma_start3A_606] : memref<2x16x128xi32, #tpu.memory_space<vmem>> -> memref<1x16x128xi32, #tpu.memory_space<vmem>>
        %dma_start3A_608 = tpu.memref_squeeze %dma_start3A_607 : memref<1x16x128xi32, #tpu.memory_space<vmem>> -> memref<16x128xi32, #tpu.memory_space<vmem>>
        %dma_start3A_609 = arith.constant 0 : i32
        %dma_start3A_610 = tpu.memref_slice %arg5[%add3A_586, %dma_start3A_609] : memref<2560x128xi32, #tpu.memory_space<hbm>> -> memref<16x128xi32, #tpu.memory_space<hbm>>
        tpu.enqueue_dma source(%dma_start3A_610 : memref<16x128xi32, #tpu.memory_space<hbm>>) target(%dma_start3A_608 : memref<16x128xi32, #tpu.memory_space<vmem>>) target_semaphore(%arg22 : memref<!tpu.dma_semaphore, #tpu.memory_space<semaphore_mem>>)
      } else {
      }
      %eq3A = arith.constant 0 : i32
      %eq3A_76 = arith.cmpi eq, %arg0, %eq3A : i32
      %convert_element_type3A_77 = arith.extui %eq3A_76 : i1 to i32
      %cond3A_78 = arith.constant 0 : i32
      %cond3A_79 = arith.cmpi ne, %convert_element_type3A_77, %cond3A_78 : i32
      scf.if %cond3A_79 {
        %dma_start3A_579 = arith.constant 0 : i32
        %dma_start3A_580 = arith.constant 0 : i32
        %dma_start3A_581 = tpu.memref_slice %arg10[%rem3A_71, %dma_start3A_579, %dma_start3A_580] : memref<2x16x128xi32, #tpu.memory_space<vmem>> -> memref<1x1x128xi32, #tpu.memory_space<vmem>>
        %dma_start3A_582 = tpu.memref_squeeze %dma_start3A_581 : memref<1x1x128xi32, #tpu.memory_space<vmem>> -> memref<128xi32, #tpu.memory_space<vmem>>
        %dma_start3A_583 = arith.constant 0 : i32
        %dma_start3A_584 = arith.constant 0 : i32
        %dma_start3A_585 = tpu.memref_slice %arg2[%dma_start3A_583, %dma_start3A_584] : memref<10000x64xf32, #tpu.memory_space<hbm>> -> memref<10000x64xf32, #tpu.memory_space<hbm>>
        tpu.enqueue_indirect_dma source(%dma_start3A_585 : memref<10000x64xf32, #tpu.memory_space<hbm>>) target(%arg12 : memref<128x64xf32, #tpu.memory_space<vmem>>) offsets(%dma_start3A_582 : memref<128xi32, #tpu.memory_space<vmem>>) semaphore(%arg17 : memref<!tpu.dma_semaphore, #tpu.memory_space<semaphore_mem>>)
      } else {
      }
      %eq3A_80 = arith.constant 1 : i32
      %eq3A_81 = arith.cmpi eq, %arg0, %eq3A_80 : i32
      %convert_element_type3A_82 = arith.extui %eq3A_81 : i1 to i32
      %cond3A_83 = arith.constant 0 : i32
      %cond3A_84 = arith.cmpi ne, %convert_element_type3A_82, %cond3A_83 : i32
      scf.if %cond3A_84 {
        %dma_start3A_579 = arith.constant 0 : i32
        %dma_start3A_580 = arith.constant 0 : i32
        %dma_start3A_581 = tpu.memref_slice %arg10[%rem3A_71, %dma_start3A_579, %dma_start3A_580] : memref<2x16x128xi32, #tpu.memory_space<vmem>> -> memref<1x1x128xi32, #tpu.memory_space<vmem>>
        %dma_start3A_582 = tpu.memref_squeeze %dma_start3A_581 : memref<1x1x128xi32, #tpu.memory_space<vmem>> -> memref<128xi32, #tpu.memory_space<vmem>>
        %dma_start3A_583 = arith.constant 0 : i32
        %dma_start3A_584 = arith.constant 0 : i32
        %dma_start3A_585 = tpu.memref_slice %arg3[%dma_start3A_583, %dma_start3A_584] : memref<10000x64xf32, #tpu.memory_space<hbm>> -> memref<10000x64xf32, #tpu.memory_space<hbm>>
        tpu.enqueue_indirect_dma source(%dma_start3A_585 : memref<10000x64xf32, #tpu.memory_space<hbm>>) target(%arg12 : memref<128x64xf32, #tpu.memory_space<vmem>>) offsets(%dma_start3A_582 : memref<128xi32, #tpu.memory_space<vmem>>) semaphore(%arg17 : memref<!tpu.dma_semaphore, #tpu.memory_space<semaphore_mem>>)
      } else {
      }
      %dma_wait3A_85 = arith.constant 0 : i32
      %dma_wait3A_86 = arith.constant 0 : i32
      %dma_wait3A_87 = tpu.memref_slice %arg10[%rem3A_71, %dma_wait3A_85, %dma_wait3A_86] : memref<2x16x128xi32, #tpu.memory_space<vmem>> -> memref<1x1x128xi32, #tpu.memory_space<vmem>>
      %dma_wait3A_88 = tpu.memref_squeeze %dma_wait3A_87 : memref<1x1x128xi32, #tpu.memory_space<vmem>> -> memref<128xi32, #tpu.memory_space<vmem>>
      %dma_wait3A_89 = arith.constant 0 : i32
      %dma_wait3A_90 = arith.constant 0 : i32
      %dma_wait3A_91 = tpu.memref_slice %arg2[%dma_wait3A_89, %dma_wait3A_90] : memref<10000x64xf32, #tpu.memory_space<hbm>> -> memref<10000x64xf32, #tpu.memory_space<hbm>>
      tpu.wait_indirect_dma semaphore(%arg17 : memref<!tpu.dma_semaphore, #tpu.memory_space<semaphore_mem>>) src(%dma_wait3A_91 : memref<10000x64xf32, #tpu.memory_space<hbm>>) dst(%arg12 : memref<128x64xf32, #tpu.memory_space<vmem>>)
      %dma_start3A_92 = arith.constant 0 : i32
      %dma_start3A_93 = arith.constant 0 : i32
      %dma_start3A_94 = tpu.memref_slice %arg11[%rem3A_71, %dma_start3A_92, %dma_start3A_93] : memref<2x16x128xi32, #tpu.memory_space<vmem>> -> memref<1x1x128xi32, #tpu.memory_space<vmem>>
      %dma_start3A_95 = tpu.memref_squeeze %dma_start3A_94 : memref<1x1x128xi32, #tpu.memory_space<vmem>> -> memref<128xi32, #tpu.memory_space<vmem>>
      %dma_start3A_96 = arith.constant 0 : i32
      %dma_start3A_97 = arith.constant 0 : i32
      %dma_start3A_98 = tpu.memref_slice %arg15[%dma_start3A_96, %dma_start3A_97] : memref<20480x64xf32, #tpu.memory_space<vmem_shared>> -> memref<20480x64xf32, #tpu.memory_space<vmem_shared>>
      tpu.enqueue_indirect_dma source(%arg12 : memref<128x64xf32, #tpu.memory_space<vmem>>) target(%dma_start3A_98 : memref<20480x64xf32, #tpu.memory_space<vmem_shared>>) offsets(%dma_start3A_95 : memref<128xi32, #tpu.memory_space<vmem>>) semaphore(%arg19 : memref<!tpu.dma_semaphore, #tpu.memory_space<semaphore_mem>>) {add = true}
      %eq3A_99 = arith.constant 0 : i32
      %eq3A_100 = arith.cmpi eq, %arg0, %eq3A_99 : i32
      %convert_element_type3A_101 = arith.extui %eq3A_100 : i1 to i32
      %cond3A_102 = arith.constant 0 : i32
      %cond3A_103 = arith.cmpi ne, %convert_element_type3A_101, %cond3A_102 : i32
      scf.if %cond3A_103 {
        %dma_start3A_579 = arith.constant 1 : i32
        %dma_start3A_580 = arith.constant 0 : i32
        %dma_start3A_581 = tpu.memref_slice %arg10[%rem3A_71, %dma_start3A_579, %dma_start3A_580] : memref<2x16x128xi32, #tpu.memory_space<vmem>> -> memref<1x1x128xi32, #tpu.memory_space<vmem>>
        %dma_start3A_582 = tpu.memref_squeeze %dma_start3A_581 : memref<1x1x128xi32, #tpu.memory_space<vmem>> -> memref<128xi32, #tpu.memory_space<vmem>>
        %dma_start3A_583 = arith.constant 0 : i32
        %dma_start3A_584 = arith.constant 0 : i32
        %dma_start3A_585 = tpu.memref_slice %arg2[%dma_start3A_583, %dma_start3A_584] : memref<10000x64xf32, #tpu.memory_space<hbm>> -> memref<10000x64xf32, #tpu.memory_space<hbm>>
        tpu.enqueue_indirect_dma source(%dma_start3A_585 : memref<10000x64xf32, #tpu.memory_space<hbm>>) target(%arg13 : memref<128x64xf32, #tpu.memory_space<vmem>>) offsets(%dma_start3A_582 : memref<128xi32, #tpu.memory_space<vmem>>) semaphore(%arg18 : memref<!tpu.dma_semaphore, #tpu.memory_space<semaphore_mem>>)
      } else {
      }
      %eq3A_104 = arith.constant 1 : i32
      %eq3A_105 = arith.cmpi eq, %arg0, %eq3A_104 : i32
      %convert_element_type3A_106 = arith.extui %eq3A_105 : i1 to i32
      %cond3A_107 = arith.constant 0 : i32
      %cond3A_108 = arith.cmpi ne, %convert_element_type3A_106, %cond3A_107 : i32
      scf.if %cond3A_108 {
        %dma_start3A_579 = arith.constant 1 : i32
        %dma_start3A_580 = arith.constant 0 : i32
        %dma_start3A_581 = tpu.memref_slice %arg10[%rem3A_71, %dma_start3A_579, %dma_start3A_580] : memref<2x16x128xi32, #tpu.memory_space<vmem>> -> memref<1x1x128xi32, #tpu.memory_space<vmem>>
        %dma_start3A_582 = tpu.memref_squeeze %dma_start3A_581 : memref<1x1x128xi32, #tpu.memory_space<vmem>> -> memref<128xi32, #tpu.memory_space<vmem>>
        %dma_start3A_583 = arith.constant 0 : i32
        %dma_start3A_584 = arith.constant 0 : i32
        %dma_start3A_585 = tpu.memref_slice %arg3[%dma_start3A_583, %dma_start3A_584] : memref<10000x64xf32, #tpu.memory_space<hbm>> -> memref<10000x64xf32, #tpu.memory_space<hbm>>
        tpu.enqueue_indirect_dma source(%dma_start3A_585 : memref<10000x64xf32, #tpu.memory_space<hbm>>) target(%arg13 : memref<128x64xf32, #tpu.memory_space<vmem>>) offsets(%dma_start3A_582 : memref<128xi32, #tpu.memory_space<vmem>>) semaphore(%arg18 : memref<!tpu.dma_semaphore, #tpu.memory_space<semaphore_mem>>)
      } else {
      }
      %dma_wait3A_109 = arith.constant 1 : i32
      %dma_wait3A_110 = arith.constant 0 : i32
      %dma_wait3A_111 = tpu.memref_slice %arg10[%rem3A_71, %dma_wait3A_109, %dma_wait3A_110] : memref<2x16x128xi32, #tpu.memory_space<vmem>> -> memref<1x1x128xi32, #tpu.memory_space<vmem>>
      %dma_wait3A_112 = tpu.memref_squeeze %dma_wait3A_111 : memref<1x1x128xi32, #tpu.memory_space<vmem>> -> memref<128xi32, #tpu.memory_space<vmem>>
      %dma_wait3A_113 = arith.constant 0 : i32
      %dma_wait3A_114 = arith.constant 0 : i32
      %dma_wait3A_115 = tpu.memref_slice %arg2[%dma_wait3A_113, %dma_wait3A_114] : memref<10000x64xf32, #tpu.memory_space<hbm>> -> memref<10000x64xf32, #tpu.memory_space<hbm>>
      tpu.wait_indirect_dma semaphore(%arg18 : memref<!tpu.dma_semaphore, #tpu.memory_space<semaphore_mem>>) src(%dma_wait3A_115 : memref<10000x64xf32, #tpu.memory_space<hbm>>) dst(%arg13 : memref<128x64xf32, #tpu.memory_space<vmem>>)
      %dma_start3A_116 = arith.constant 1 : i32
      %dma_start3A_117 = arith.constant 0 : i32
      %dma_start3A_118 = tpu.memref_slice %arg11[%rem3A_71, %dma_start3A_116, %dma_start3A_117] : memref<2x16x128xi32, #tpu.memory_space<vmem>> -> memref<1x1x128xi32, #tpu.memory_space<vmem>>
      %dma_start3A_119 = tpu.memref_squeeze %dma_start3A_118 : memref<1x1x128xi32, #tpu.memory_space<vmem>> -> memref<128xi32, #tpu.memory_space<vmem>>
      %dma_start3A_120 = arith.constant 0 : i32
      %dma_start3A_121 = arith.constant 0 : i32
      %dma_start3A_122 = tpu.memref_slice %arg15[%dma_start3A_120, %dma_start3A_121] : memref<20480x64xf32, #tpu.memory_space<vmem_shared>> -> memref<20480x64xf32, #tpu.memory_space<vmem_shared>>
      tpu.enqueue_indirect_dma source(%arg13 : memref<128x64xf32, #tpu.memory_space<vmem>>) target(%dma_start3A_122 : memref<20480x64xf32, #tpu.memory_space<vmem_shared>>) offsets(%dma_start3A_119 : memref<128xi32, #tpu.memory_space<vmem>>) semaphore(%arg20 : memref<!tpu.dma_semaphore, #tpu.memory_space<semaphore_mem>>) {add = true}
      %dma_wait3A_123 = arith.constant 0 : i32
      %dma_wait3A_124 = arith.constant 0 : i32
      %dma_wait3A_125 = tpu.memref_slice %arg11[%rem3A_71, %dma_wait3A_123, %dma_wait3A_124] : memref<2x16x128xi32, #tpu.memory_space<vmem>> -> memref<1x1x128xi32, #tpu.memory_space<vmem>>
      %dma_wait3A_126 = tpu.memref_squeeze %dma_wait3A_125 : memref<1x1x128xi32, #tpu.memory_space<vmem>> -> memref<128xi32, #tpu.memory_space<vmem>>
      %dma_wait3A_127 = arith.constant 0 : i32
      %dma_wait3A_128 = arith.constant 0 : i32
      %dma_wait3A_129 = tpu.memref_slice %arg15[%dma_wait3A_127, %dma_wait3A_128] : memref<20480x64xf32, #tpu.memory_space<vmem_shared>> -> memref<20480x64xf32, #tpu.memory_space<vmem_shared>>
      tpu.wait_indirect_dma semaphore(%arg19 : memref<!tpu.dma_semaphore, #tpu.memory_space<semaphore_mem>>) src(%arg12 : memref<128x64xf32, #tpu.memory_space<vmem>>) dst(%dma_wait3A_129 : memref<20480x64xf32, #tpu.memory_space<vmem_shared>>)
      %eq3A_130 = arith.constant 0 : i32
      %eq3A_131 = arith.cmpi eq, %arg0, %eq3A_130 : i32
      %convert_element_type3A_132 = arith.extui %eq3A_131 : i1 to i32
      %cond3A_133 = arith.constant 0 : i32
      %cond3A_134 = arith.cmpi ne, %convert_element_type3A_132, %cond3A_133 : i32
      scf.if %cond3A_134 {
        %dma_start3A_579 = arith.constant 2 : i32
        %dma_start3A_580 = arith.constant 0 : i32
        %dma_start3A_581 = tpu.memref_slice %arg10[%rem3A_71, %dma_start3A_579, %dma_start3A_580] : memref<2x16x128xi32, #tpu.memory_space<vmem>> -> memref<1x1x128xi32, #tpu.memory_space<vmem>>
        %dma_start3A_582 = tpu.memref_squeeze %dma_start3A_581 : memref<1x1x128xi32, #tpu.memory_space<vmem>> -> memref<128xi32, #tpu.memory_space<vmem>>
        %dma_start3A_583 = arith.constant 0 : i32
        %dma_start3A_584 = arith.constant 0 : i32
        %dma_start3A_585 = tpu.memref_slice %arg2[%dma_start3A_583, %dma_start3A_584] : memref<10000x64xf32, #tpu.memory_space<hbm>> -> memref<10000x64xf32, #tpu.memory_space<hbm>>
        tpu.enqueue_indirect_dma source(%dma_start3A_585 : memref<10000x64xf32, #tpu.memory_space<hbm>>) target(%arg12 : memref<128x64xf32, #tpu.memory_space<vmem>>) offsets(%dma_start3A_582 : memref<128xi32, #tpu.memory_space<vmem>>) semaphore(%arg17 : memref<!tpu.dma_semaphore, #tpu.memory_space<semaphore_mem>>)
      } else {
      }
      %eq3A_135 = arith.constant 1 : i32
      %eq3A_136 = arith.cmpi eq, %arg0, %eq3A_135 : i32
      %convert_element_type3A_137 = arith.extui %eq3A_136 : i1 to i32
      %cond3A_138 = arith.constant 0 : i32
      %cond3A_139 = arith.cmpi ne, %convert_element_type3A_137, %cond3A_138 : i32
      scf.if %cond3A_139 {
        %dma_start3A_579 = arith.constant 2 : i32
        %dma_start3A_580 = arith.constant 0 : i32
        %dma_start3A_581 = tpu.memref_slice %arg10[%rem3A_71, %dma_start3A_579, %dma_start3A_580] : memref<2x16x128xi32, #tpu.memory_space<vmem>> -> memref<1x1x128xi32, #tpu.memory_space<vmem>>
        %dma_start3A_582 = tpu.memref_squeeze %dma_start3A_581 : memref<1x1x128xi32, #tpu.memory_space<vmem>> -> memref<128xi32, #tpu.memory_space<vmem>>
        %dma_start3A_583 = arith.constant 0 : i32
        %dma_start3A_584 = arith.constant 0 : i32
        %dma_start3A_585 = tpu.memref_slice %arg3[%dma_start3A_583, %dma_start3A_584] : memref<10000x64xf32, #tpu.memory_space<hbm>> -> memref<10000x64xf32, #tpu.memory_space<hbm>>
        tpu.enqueue_indirect_dma source(%dma_start3A_585 : memref<10000x64xf32, #tpu.memory_space<hbm>>) target(%arg12 : memref<128x64xf32, #tpu.memory_space<vmem>>) offsets(%dma_start3A_582 : memref<128xi32, #tpu.memory_space<vmem>>) semaphore(%arg17 : memref<!tpu.dma_semaphore, #tpu.memory_space<semaphore_mem>>)
      } else {
      }
      %dma_wait3A_140 = arith.constant 2 : i32
      %dma_wait3A_141 = arith.constant 0 : i32
      %dma_wait3A_142 = tpu.memref_slice %arg10[%rem3A_71, %dma_wait3A_140, %dma_wait3A_141] : memref<2x16x128xi32, #tpu.memory_space<vmem>> -> memref<1x1x128xi32, #tpu.memory_space<vmem>>
      %dma_wait3A_143 = tpu.memref_squeeze %dma_wait3A_142 : memref<1x1x128xi32, #tpu.memory_space<vmem>> -> memref<128xi32, #tpu.memory_space<vmem>>
      %dma_wait3A_144 = arith.constant 0 : i32
      %dma_wait3A_145 = arith.constant 0 : i32
      %dma_wait3A_146 = tpu.memref_slice %arg2[%dma_wait3A_144, %dma_wait3A_145] : memref<10000x64xf32, #tpu.memory_space<hbm>> -> memref<10000x64xf32, #tpu.memory_space<hbm>>
      tpu.wait_indirect_dma semaphore(%arg17 : memref<!tpu.dma_semaphore, #tpu.memory_space<semaphore_mem>>) src(%dma_wait3A_146 : memref<10000x64xf32, #tpu.memory_space<hbm>>) dst(%arg12 : memref<128x64xf32, #tpu.memory_space<vmem>>)
      %dma_start3A_147 = arith.constant 2 : i32
      %dma_start3A_148 = arith.constant 0 : i32
      %dma_start3A_149 = tpu.memref_slice %arg11[%rem3A_71, %dma_start3A_147, %dma_start3A_148] : memref<2x16x128xi32, #tpu.memory_space<vmem>> -> memref<1x1x128xi32, #tpu.memory_space<vmem>>
      %dma_start3A_150 = tpu.memref_squeeze %dma_start3A_149 : memref<1x1x128xi32, #tpu.memory_space<vmem>> -> memref<128xi32, #tpu.memory_space<vmem>>
      %dma_start3A_151 = arith.constant 0 : i32
      %dma_start3A_152 = arith.constant 0 : i32
      %dma_start3A_153 = tpu.memref_slice %arg15[%dma_start3A_151, %dma_start3A_152] : memref<20480x64xf32, #tpu.memory_space<vmem_shared>> -> memref<20480x64xf32, #tpu.memory_space<vmem_shared>>
      tpu.enqueue_indirect_dma source(%arg12 : memref<128x64xf32, #tpu.memory_space<vmem>>) target(%dma_start3A_153 : memref<20480x64xf32, #tpu.memory_space<vmem_shared>>) offsets(%dma_start3A_150 : memref<128xi32, #tpu.memory_space<vmem>>) semaphore(%arg19 : memref<!tpu.dma_semaphore, #tpu.memory_space<semaphore_mem>>) {add = true}
      %dma_wait3A_154 = arith.constant 1 : i32
      %dma_wait3A_155 = arith.constant 0 : i32
      %dma_wait3A_156 = tpu.memref_slice %arg11[%rem3A_71, %dma_wait3A_154, %dma_wait3A_155] : memref<2x16x128xi32, #tpu.memory_space<vmem>> -> memref<1x1x128xi32, #tpu.memory_space<vmem>>
      %dma_wait3A_157 = tpu.memref_squeeze %dma_wait3A_156 : memref<1x1x128xi32, #tpu.memory_space<vmem>> -> memref<128xi32, #tpu.memory_space<vmem>>
      %dma_wait3A_158 = arith.constant 0 : i32
      %dma_wait3A_159 = arith.constant 0 : i32
      %dma_wait3A_160 = tpu.memref_slice %arg15[%dma_wait3A_158, %dma_wait3A_159] : memref<20480x64xf32, #tpu.memory_space<vmem_shared>> -> memref<20480x64xf32, #tpu.memory_space<vmem_shared>>
      tpu.wait_indirect_dma semaphore(%arg20 : memref<!tpu.dma_semaphore, #tpu.memory_space<semaphore_mem>>) src(%arg13 : memref<128x64xf32, #tpu.memory_space<vmem>>) dst(%dma_wait3A_160 : memref<20480x64xf32, #tpu.memory_space<vmem_shared>>)
      %eq3A_161 = arith.constant 0 : i32
      %eq3A_162 = arith.cmpi eq, %arg0, %eq3A_161 : i32
      %convert_element_type3A_163 = arith.extui %eq3A_162 : i1 to i32
      %cond3A_164 = arith.constant 0 : i32
      %cond3A_165 = arith.cmpi ne, %convert_element_type3A_163, %cond3A_164 : i32
      scf.if %cond3A_165 {
        %dma_start3A_579 = arith.constant 3 : i32
        %dma_start3A_580 = arith.constant 0 : i32
        %dma_start3A_581 = tpu.memref_slice %arg10[%rem3A_71, %dma_start3A_579, %dma_start3A_580] : memref<2x16x128xi32, #tpu.memory_space<vmem>> -> memref<1x1x128xi32, #tpu.memory_space<vmem>>
        %dma_start3A_582 = tpu.memref_squeeze %dma_start3A_581 : memref<1x1x128xi32, #tpu.memory_space<vmem>> -> memref<128xi32, #tpu.memory_space<vmem>>
        %dma_start3A_583 = arith.constant 0 : i32
        %dma_start3A_584 = arith.constant 0 : i32
        %dma_start3A_585 = tpu.memref_slice %arg2[%dma_start3A_583, %dma_start3A_584] : memref<10000x64xf32, #tpu.memory_space<hbm>> -> memref<10000x64xf32, #tpu.memory_space<hbm>>
        tpu.enqueue_indirect_dma source(%dma_start3A_585 : memref<10000x64xf32, #tpu.memory_space<hbm>>) target(%arg13 : memref<128x64xf32, #tpu.memory_space<vmem>>) offsets(%dma_start3A_582 : memref<128xi32, #tpu.memory_space<vmem>>) semaphore(%arg18 : memref<!tpu.dma_semaphore, #tpu.memory_space<semaphore_mem>>)
      } else {
      }
      %eq3A_166 = arith.constant 1 : i32
      %eq3A_167 = arith.cmpi eq, %arg0, %eq3A_166 : i32
      %convert_element_type3A_168 = arith.extui %eq3A_167 : i1 to i32
      %cond3A_169 = arith.constant 0 : i32
      %cond3A_170 = arith.cmpi ne, %convert_element_type3A_168, %cond3A_169 : i32
      scf.if %cond3A_170 {
        %dma_start3A_579 = arith.constant 3 : i32
        %dma_start3A_580 = arith.constant 0 : i32
        %dma_start3A_581 = tpu.memref_slice %arg10[%rem3A_71, %dma_start3A_579, %dma_start3A_580] : memref<2x16x128xi32, #tpu.memory_space<vmem>> -> memref<1x1x128xi32, #tpu.memory_space<vmem>>
        %dma_start3A_582 = tpu.memref_squeeze %dma_start3A_581 : memref<1x1x128xi32, #tpu.memory_space<vmem>> -> memref<128xi32, #tpu.memory_space<vmem>>
        %dma_start3A_583 = arith.constant 0 : i32
        %dma_start3A_584 = arith.constant 0 : i32
        %dma_start3A_585 = tpu.memref_slice %arg3[%dma_start3A_583, %dma_start3A_584] : memref<10000x64xf32, #tpu.memory_space<hbm>> -> memref<10000x64xf32, #tpu.memory_space<hbm>>
        tpu.enqueue_indirect_dma source(%dma_start3A_585 : memref<10000x64xf32, #tpu.memory_space<hbm>>) target(%arg13 : memref<128x64xf32, #tpu.memory_space<vmem>>) offsets(%dma_start3A_582 : memref<128xi32, #tpu.memory_space<vmem>>) semaphore(%arg18 : memref<!tpu.dma_semaphore, #tpu.memory_space<semaphore_mem>>)
      } else {
      }
      %dma_wait3A_171 = arith.constant 3 : i32
      %dma_wait3A_172 = arith.constant 0 : i32
      %dma_wait3A_173 = tpu.memref_slice %arg10[%rem3A_71, %dma_wait3A_171, %dma_wait3A_172] : memref<2x16x128xi32, #tpu.memory_space<vmem>> -> memref<1x1x128xi32, #tpu.memory_space<vmem>>
      %dma_wait3A_174 = tpu.memref_squeeze %dma_wait3A_173 : memref<1x1x128xi32, #tpu.memory_space<vmem>> -> memref<128xi32, #tpu.memory_space<vmem>>
      %dma_wait3A_175 = arith.constant 0 : i32
      %dma_wait3A_176 = arith.constant 0 : i32
      %dma_wait3A_177 = tpu.memref_slice %arg2[%dma_wait3A_175, %dma_wait3A_176] : memref<10000x64xf32, #tpu.memory_space<hbm>> -> memref<10000x64xf32, #tpu.memory_space<hbm>>
      tpu.wait_indirect_dma semaphore(%arg18 : memref<!tpu.dma_semaphore, #tpu.memory_space<semaphore_mem>>) src(%dma_wait3A_177 : memref<10000x64xf32, #tpu.memory_space<hbm>>) dst(%arg13 : memref<128x64xf32, #tpu.memory_space<vmem>>)
      %dma_start3A_178 = arith.constant 3 : i32
      %dma_start3A_179 = arith.constant 0 : i32
      %dma_start3A_180 = tpu.memref_slice %arg11[%rem3A_71, %dma_start3A_178, %dma_start3A_179] : memref<2x16x128xi32, #tpu.memory_space<vmem>> -> memref<1x1x128xi32, #tpu.memory_space<vmem>>
      %dma_start3A_181 = tpu.memref_squeeze %dma_start3A_180 : memref<1x1x128xi32, #tpu.memory_space<vmem>> -> memref<128xi32, #tpu.memory_space<vmem>>
      %dma_start3A_182 = arith.constant 0 : i32
      %dma_start3A_183 = arith.constant 0 : i32
      %dma_start3A_184 = tpu.memref_slice %arg15[%dma_start3A_182, %dma_start3A_183] : memref<20480x64xf32, #tpu.memory_space<vmem_shared>> -> memref<20480x64xf32, #tpu.memory_space<vmem_shared>>
      tpu.enqueue_indirect_dma source(%arg13 : memref<128x64xf32, #tpu.memory_space<vmem>>) target(%dma_start3A_184 : memref<20480x64xf32, #tpu.memory_space<vmem_shared>>) offsets(%dma_start3A_181 : memref<128xi32, #tpu.memory_space<vmem>>) semaphore(%arg20 : memref<!tpu.dma_semaphore, #tpu.memory_space<semaphore_mem>>) {add = true}
      %dma_wait3A_185 = arith.constant 2 : i32
      %dma_wait3A_186 = arith.constant 0 : i32
      %dma_wait3A_187 = tpu.memref_slice %arg11[%rem3A_71, %dma_wait3A_185, %dma_wait3A_186] : memref<2x16x128xi32, #tpu.memory_space<vmem>> -> memref<1x1x128xi32, #tpu.memory_space<vmem>>
      %dma_wait3A_188 = tpu.memref_squeeze %dma_wait3A_187 : memref<1x1x128xi32, #tpu.memory_space<vmem>> -> memref<128xi32, #tpu.memory_space<vmem>>
      %dma_wait3A_189 = arith.constant 0 : i32
      %dma_wait3A_190 = arith.constant 0 : i32
      %dma_wait3A_191 = tpu.memref_slice %arg15[%dma_wait3A_189, %dma_wait3A_190] : memref<20480x64xf32, #tpu.memory_space<vmem_shared>> -> memref<20480x64xf32, #tpu.memory_space<vmem_shared>>
      tpu.wait_indirect_dma semaphore(%arg19 : memref<!tpu.dma_semaphore, #tpu.memory_space<semaphore_mem>>) src(%arg12 : memref<128x64xf32, #tpu.memory_space<vmem>>) dst(%dma_wait3A_191 : memref<20480x64xf32, #tpu.memory_space<vmem_shared>>)
      %eq3A_192 = arith.constant 0 : i32
      %eq3A_193 = arith.cmpi eq, %arg0, %eq3A_192 : i32
      %convert_element_type3A_194 = arith.extui %eq3A_193 : i1 to i32
      %cond3A_195 = arith.constant 0 : i32
      %cond3A_196 = arith.cmpi ne, %convert_element_type3A_194, %cond3A_195 : i32
      scf.if %cond3A_196 {
        %dma_start3A_579 = arith.constant 4 : i32
        %dma_start3A_580 = arith.constant 0 : i32
        %dma_start3A_581 = tpu.memref_slice %arg10[%rem3A_71, %dma_start3A_579, %dma_start3A_580] : memref<2x16x128xi32, #tpu.memory_space<vmem>> -> memref<1x1x128xi32, #tpu.memory_space<vmem>>
        %dma_start3A_582 = tpu.memref_squeeze %dma_start3A_581 : memref<1x1x128xi32, #tpu.memory_space<vmem>> -> memref<128xi32, #tpu.memory_space<vmem>>
        %dma_start3A_583 = arith.constant 0 : i32
        %dma_start3A_584 = arith.constant 0 : i32
        %dma_start3A_585 = tpu.memref_slice %arg2[%dma_start3A_583, %dma_start3A_584] : memref<10000x64xf32, #tpu.memory_space<hbm>> -> memref<10000x64xf32, #tpu.memory_space<hbm>>
        tpu.enqueue_indirect_dma source(%dma_start3A_585 : memref<10000x64xf32, #tpu.memory_space<hbm>>) target(%arg12 : memref<128x64xf32, #tpu.memory_space<vmem>>) offsets(%dma_start3A_582 : memref<128xi32, #tpu.memory_space<vmem>>) semaphore(%arg17 : memref<!tpu.dma_semaphore, #tpu.memory_space<semaphore_mem>>)
      } else {
      }
      %eq3A_197 = arith.constant 1 : i32
      %eq3A_198 = arith.cmpi eq, %arg0, %eq3A_197 : i32
      %convert_element_type3A_199 = arith.extui %eq3A_198 : i1 to i32
      %cond3A_200 = arith.constant 0 : i32
      %cond3A_201 = arith.cmpi ne, %convert_element_type3A_199, %cond3A_200 : i32
      scf.if %cond3A_201 {
        %dma_start3A_579 = arith.constant 4 : i32
        %dma_start3A_580 = arith.constant 0 : i32
        %dma_start3A_581 = tpu.memref_slice %arg10[%rem3A_71, %dma_start3A_579, %dma_start3A_580] : memref<2x16x128xi32, #tpu.memory_space<vmem>> -> memref<1x1x128xi32, #tpu.memory_space<vmem>>
        %dma_start3A_582 = tpu.memref_squeeze %dma_start3A_581 : memref<1x1x128xi32, #tpu.memory_space<vmem>> -> memref<128xi32, #tpu.memory_space<vmem>>
        %dma_start3A_583 = arith.constant 0 : i32
        %dma_start3A_584 = arith.constant 0 : i32
        %dma_start3A_585 = tpu.memref_slice %arg3[%dma_start3A_583, %dma_start3A_584] : memref<10000x64xf32, #tpu.memory_space<hbm>> -> memref<10000x64xf32, #tpu.memory_space<hbm>>
        tpu.enqueue_indirect_dma source(%dma_start3A_585 : memref<10000x64xf32, #tpu.memory_space<hbm>>) target(%arg12 : memref<128x64xf32, #tpu.memory_space<vmem>>) offsets(%dma_start3A_582 : memref<128xi32, #tpu.memory_space<vmem>>) semaphore(%arg17 : memref<!tpu.dma_semaphore, #tpu.memory_space<semaphore_mem>>)
      } else {
      }
      %dma_wait3A_202 = arith.constant 4 : i32
      %dma_wait3A_203 = arith.constant 0 : i32
      %dma_wait3A_204 = tpu.memref_slice %arg10[%rem3A_71, %dma_wait3A_202, %dma_wait3A_203] : memref<2x16x128xi32, #tpu.memory_space<vmem>> -> memref<1x1x128xi32, #tpu.memory_space<vmem>>
      %dma_wait3A_205 = tpu.memref_squeeze %dma_wait3A_204 : memref<1x1x128xi32, #tpu.memory_space<vmem>> -> memref<128xi32, #tpu.memory_space<vmem>>
      %dma_wait3A_206 = arith.constant 0 : i32
      %dma_wait3A_207 = arith.constant 0 : i32
      %dma_wait3A_208 = tpu.memref_slice %arg2[%dma_wait3A_206, %dma_wait3A_207] : memref<10000x64xf32, #tpu.memory_space<hbm>> -> memref<10000x64xf32, #tpu.memory_space<hbm>>
      tpu.wait_indirect_dma semaphore(%arg17 : memref<!tpu.dma_semaphore, #tpu.memory_space<semaphore_mem>>) src(%dma_wait3A_208 : memref<10000x64xf32, #tpu.memory_space<hbm>>) dst(%arg12 : memref<128x64xf32, #tpu.memory_space<vmem>>)
      %dma_start3A_209 = arith.constant 4 : i32
      %dma_start3A_210 = arith.constant 0 : i32
      %dma_start3A_211 = tpu.memref_slice %arg11[%rem3A_71, %dma_start3A_209, %dma_start3A_210] : memref<2x16x128xi32, #tpu.memory_space<vmem>> -> memref<1x1x128xi32, #tpu.memory_space<vmem>>
      %dma_start3A_212 = tpu.memref_squeeze %dma_start3A_211 : memref<1x1x128xi32, #tpu.memory_space<vmem>> -> memref<128xi32, #tpu.memory_space<vmem>>
      %dma_start3A_213 = arith.constant 0 : i32
      %dma_start3A_214 = arith.constant 0 : i32
      %dma_start3A_215 = tpu.memref_slice %arg15[%dma_start3A_213, %dma_start3A_214] : memref<20480x64xf32, #tpu.memory_space<vmem_shared>> -> memref<20480x64xf32, #tpu.memory_space<vmem_shared>>
      tpu.enqueue_indirect_dma source(%arg12 : memref<128x64xf32, #tpu.memory_space<vmem>>) target(%dma_start3A_215 : memref<20480x64xf32, #tpu.memory_space<vmem_shared>>) offsets(%dma_start3A_212 : memref<128xi32, #tpu.memory_space<vmem>>) semaphore(%arg19 : memref<!tpu.dma_semaphore, #tpu.memory_space<semaphore_mem>>) {add = true}
      %dma_wait3A_216 = arith.constant 3 : i32
      %dma_wait3A_217 = arith.constant 0 : i32
      %dma_wait3A_218 = tpu.memref_slice %arg11[%rem3A_71, %dma_wait3A_216, %dma_wait3A_217] : memref<2x16x128xi32, #tpu.memory_space<vmem>> -> memref<1x1x128xi32, #tpu.memory_space<vmem>>
      %dma_wait3A_219 = tpu.memref_squeeze %dma_wait3A_218 : memref<1x1x128xi32, #tpu.memory_space<vmem>> -> memref<128xi32, #tpu.memory_space<vmem>>
      %dma_wait3A_220 = arith.constant 0 : i32
      %dma_wait3A_221 = arith.constant 0 : i32
      %dma_wait3A_222 = tpu.memref_slice %arg15[%dma_wait3A_220, %dma_wait3A_221] : memref<20480x64xf32, #tpu.memory_space<vmem_shared>> -> memref<20480x64xf32, #tpu.memory_space<vmem_shared>>
      tpu.wait_indirect_dma semaphore(%arg20 : memref<!tpu.dma_semaphore, #tpu.memory_space<semaphore_mem>>) src(%arg13 : memref<128x64xf32, #tpu.memory_space<vmem>>) dst(%dma_wait3A_222 : memref<20480x64xf32, #tpu.memory_space<vmem_shared>>)
      %eq3A_223 = arith.constant 0 : i32
      %eq3A_224 = arith.cmpi eq, %arg0, %eq3A_223 : i32
      %convert_element_type3A_225 = arith.extui %eq3A_224 : i1 to i32
      %cond3A_226 = arith.constant 0 : i32
      %cond3A_227 = arith.cmpi ne, %convert_element_type3A_225, %cond3A_226 : i32
      scf.if %cond3A_227 {
        %dma_start3A_579 = arith.constant 5 : i32
        %dma_start3A_580 = arith.constant 0 : i32
        %dma_start3A_581 = tpu.memref_slice %arg10[%rem3A_71, %dma_start3A_579, %dma_start3A_580] : memref<2x16x128xi32, #tpu.memory_space<vmem>> -> memref<1x1x128xi32, #tpu.memory_space<vmem>>
        %dma_start3A_582 = tpu.memref_squeeze %dma_start3A_581 : memref<1x1x128xi32, #tpu.memory_space<vmem>> -> memref<128xi32, #tpu.memory_space<vmem>>
        %dma_start3A_583 = arith.constant 0 : i32
        %dma_start3A_584 = arith.constant 0 : i32
        %dma_start3A_585 = tpu.memref_slice %arg2[%dma_start3A_583, %dma_start3A_584] : memref<10000x64xf32, #tpu.memory_space<hbm>> -> memref<10000x64xf32, #tpu.memory_space<hbm>>
        tpu.enqueue_indirect_dma source(%dma_start3A_585 : memref<10000x64xf32, #tpu.memory_space<hbm>>) target(%arg13 : memref<128x64xf32, #tpu.memory_space<vmem>>) offsets(%dma_start3A_582 : memref<128xi32, #tpu.memory_space<vmem>>) semaphore(%arg18 : memref<!tpu.dma_semaphore, #tpu.memory_space<semaphore_mem>>)
      } else {
      }
      %eq3A_228 = arith.constant 1 : i32
      %eq3A_229 = arith.cmpi eq, %arg0, %eq3A_228 : i32
      %convert_element_type3A_230 = arith.extui %eq3A_229 : i1 to i32
      %cond3A_231 = arith.constant 0 : i32
      %cond3A_232 = arith.cmpi ne, %convert_element_type3A_230, %cond3A_231 : i32
      scf.if %cond3A_232 {
        %dma_start3A_579 = arith.constant 5 : i32
        %dma_start3A_580 = arith.constant 0 : i32
        %dma_start3A_581 = tpu.memref_slice %arg10[%rem3A_71, %dma_start3A_579, %dma_start3A_580] : memref<2x16x128xi32, #tpu.memory_space<vmem>> -> memref<1x1x128xi32, #tpu.memory_space<vmem>>
        %dma_start3A_582 = tpu.memref_squeeze %dma_start3A_581 : memref<1x1x128xi32, #tpu.memory_space<vmem>> -> memref<128xi32, #tpu.memory_space<vmem>>
        %dma_start3A_583 = arith.constant 0 : i32
        %dma_start3A_584 = arith.constant 0 : i32
        %dma_start3A_585 = tpu.memref_slice %arg3[%dma_start3A_583, %dma_start3A_584] : memref<10000x64xf32, #tpu.memory_space<hbm>> -> memref<10000x64xf32, #tpu.memory_space<hbm>>
        tpu.enqueue_indirect_dma source(%dma_start3A_585 : memref<10000x64xf32, #tpu.memory_space<hbm>>) target(%arg13 : memref<128x64xf32, #tpu.memory_space<vmem>>) offsets(%dma_start3A_582 : memref<128xi32, #tpu.memory_space<vmem>>) semaphore(%arg18 : memref<!tpu.dma_semaphore, #tpu.memory_space<semaphore_mem>>)
      } else {
      }
      %dma_wait3A_233 = arith.constant 5 : i32
      %dma_wait3A_234 = arith.constant 0 : i32
      %dma_wait3A_235 = tpu.memref_slice %arg10[%rem3A_71, %dma_wait3A_233, %dma_wait3A_234] : memref<2x16x128xi32, #tpu.memory_space<vmem>> -> memref<1x1x128xi32, #tpu.memory_space<vmem>>
      %dma_wait3A_236 = tpu.memref_squeeze %dma_wait3A_235 : memref<1x1x128xi32, #tpu.memory_space<vmem>> -> memref<128xi32, #tpu.memory_space<vmem>>
      %dma_wait3A_237 = arith.constant 0 : i32
      %dma_wait3A_238 = arith.constant 0 : i32
      %dma_wait3A_239 = tpu.memref_slice %arg2[%dma_wait3A_237, %dma_wait3A_238] : memref<10000x64xf32, #tpu.memory_space<hbm>> -> memref<10000x64xf32, #tpu.memory_space<hbm>>
      tpu.wait_indirect_dma semaphore(%arg18 : memref<!tpu.dma_semaphore, #tpu.memory_space<semaphore_mem>>) src(%dma_wait3A_239 : memref<10000x64xf32, #tpu.memory_space<hbm>>) dst(%arg13 : memref<128x64xf32, #tpu.memory_space<vmem>>)
      %dma_start3A_240 = arith.constant 5 : i32
      %dma_start3A_241 = arith.constant 0 : i32
      %dma_start3A_242 = tpu.memref_slice %arg11[%rem3A_71, %dma_start3A_240, %dma_start3A_241] : memref<2x16x128xi32, #tpu.memory_space<vmem>> -> memref<1x1x128xi32, #tpu.memory_space<vmem>>
      %dma_start3A_243 = tpu.memref_squeeze %dma_start3A_242 : memref<1x1x128xi32, #tpu.memory_space<vmem>> -> memref<128xi32, #tpu.memory_space<vmem>>
      %dma_start3A_244 = arith.constant 0 : i32
      %dma_start3A_245 = arith.constant 0 : i32
      %dma_start3A_246 = tpu.memref_slice %arg15[%dma_start3A_244, %dma_start3A_245] : memref<20480x64xf32, #tpu.memory_space<vmem_shared>> -> memref<20480x64xf32, #tpu.memory_space<vmem_shared>>
      tpu.enqueue_indirect_dma source(%arg13 : memref<128x64xf32, #tpu.memory_space<vmem>>) target(%dma_start3A_246 : memref<20480x64xf32, #tpu.memory_space<vmem_shared>>) offsets(%dma_start3A_243 : memref<128xi32, #tpu.memory_space<vmem>>) semaphore(%arg20 : memref<!tpu.dma_semaphore, #tpu.memory_space<semaphore_mem>>) {add = true}
      %dma_wait3A_247 = arith.constant 4 : i32
      %dma_wait3A_248 = arith.constant 0 : i32
      %dma_wait3A_249 = tpu.memref_slice %arg11[%rem3A_71, %dma_wait3A_247, %dma_wait3A_248] : memref<2x16x128xi32, #tpu.memory_space<vmem>> -> memref<1x1x128xi32, #tpu.memory_space<vmem>>
      %dma_wait3A_250 = tpu.memref_squeeze %dma_wait3A_249 : memref<1x1x128xi32, #tpu.memory_space<vmem>> -> memref<128xi32, #tpu.memory_space<vmem>>
      %dma_wait3A_251 = arith.constant 0 : i32
      %dma_wait3A_252 = arith.constant 0 : i32
      %dma_wait3A_253 = tpu.memref_slice %arg15[%dma_wait3A_251, %dma_wait3A_252] : memref<20480x64xf32, #tpu.memory_space<vmem_shared>> -> memref<20480x64xf32, #tpu.memory_space<vmem_shared>>
      tpu.wait_indirect_dma semaphore(%arg19 : memref<!tpu.dma_semaphore, #tpu.memory_space<semaphore_mem>>) src(%arg12 : memref<128x64xf32, #tpu.memory_space<vmem>>) dst(%dma_wait3A_253 : memref<20480x64xf32, #tpu.memory_space<vmem_shared>>)
      %eq3A_254 = arith.constant 0 : i32
      %eq3A_255 = arith.cmpi eq, %arg0, %eq3A_254 : i32
      %convert_element_type3A_256 = arith.extui %eq3A_255 : i1 to i32
      %cond3A_257 = arith.constant 0 : i32
      %cond3A_258 = arith.cmpi ne, %convert_element_type3A_256, %cond3A_257 : i32
      scf.if %cond3A_258 {
        %dma_start3A_579 = arith.constant 6 : i32
        %dma_start3A_580 = arith.constant 0 : i32
        %dma_start3A_581 = tpu.memref_slice %arg10[%rem3A_71, %dma_start3A_579, %dma_start3A_580] : memref<2x16x128xi32, #tpu.memory_space<vmem>> -> memref<1x1x128xi32, #tpu.memory_space<vmem>>
        %dma_start3A_582 = tpu.memref_squeeze %dma_start3A_581 : memref<1x1x128xi32, #tpu.memory_space<vmem>> -> memref<128xi32, #tpu.memory_space<vmem>>
        %dma_start3A_583 = arith.constant 0 : i32
        %dma_start3A_584 = arith.constant 0 : i32
        %dma_start3A_585 = tpu.memref_slice %arg2[%dma_start3A_583, %dma_start3A_584] : memref<10000x64xf32, #tpu.memory_space<hbm>> -> memref<10000x64xf32, #tpu.memory_space<hbm>>
        tpu.enqueue_indirect_dma source(%dma_start3A_585 : memref<10000x64xf32, #tpu.memory_space<hbm>>) target(%arg12 : memref<128x64xf32, #tpu.memory_space<vmem>>) offsets(%dma_start3A_582 : memref<128xi32, #tpu.memory_space<vmem>>) semaphore(%arg17 : memref<!tpu.dma_semaphore, #tpu.memory_space<semaphore_mem>>)
      } else {
      }
      %eq3A_259 = arith.constant 1 : i32
      %eq3A_260 = arith.cmpi eq, %arg0, %eq3A_259 : i32
      %convert_element_type3A_261 = arith.extui %eq3A_260 : i1 to i32
      %cond3A_262 = arith.constant 0 : i32
      %cond3A_263 = arith.cmpi ne, %convert_element_type3A_261, %cond3A_262 : i32
      scf.if %cond3A_263 {
        %dma_start3A_579 = arith.constant 6 : i32
        %dma_start3A_580 = arith.constant 0 : i32
        %dma_start3A_581 = tpu.memref_slice %arg10[%rem3A_71, %dma_start3A_579, %dma_start3A_580] : memref<2x16x128xi32, #tpu.memory_space<vmem>> -> memref<1x1x128xi32, #tpu.memory_space<vmem>>
        %dma_start3A_582 = tpu.memref_squeeze %dma_start3A_581 : memref<1x1x128xi32, #tpu.memory_space<vmem>> -> memref<128xi32, #tpu.memory_space<vmem>>
        %dma_start3A_583 = arith.constant 0 : i32
        %dma_start3A_584 = arith.constant 0 : i32
        %dma_start3A_585 = tpu.memref_slice %arg3[%dma_start3A_583, %dma_start3A_584] : memref<10000x64xf32, #tpu.memory_space<hbm>> -> memref<10000x64xf32, #tpu.memory_space<hbm>>
        tpu.enqueue_indirect_dma source(%dma_start3A_585 : memref<10000x64xf32, #tpu.memory_space<hbm>>) target(%arg12 : memref<128x64xf32, #tpu.memory_space<vmem>>) offsets(%dma_start3A_582 : memref<128xi32, #tpu.memory_space<vmem>>) semaphore(%arg17 : memref<!tpu.dma_semaphore, #tpu.memory_space<semaphore_mem>>)
      } else {
      }
      %dma_wait3A_264 = arith.constant 6 : i32
      %dma_wait3A_265 = arith.constant 0 : i32
      %dma_wait3A_266 = tpu.memref_slice %arg10[%rem3A_71, %dma_wait3A_264, %dma_wait3A_265] : memref<2x16x128xi32, #tpu.memory_space<vmem>> -> memref<1x1x128xi32, #tpu.memory_space<vmem>>
      %dma_wait3A_267 = tpu.memref_squeeze %dma_wait3A_266 : memref<1x1x128xi32, #tpu.memory_space<vmem>> -> memref<128xi32, #tpu.memory_space<vmem>>
      %dma_wait3A_268 = arith.constant 0 : i32
      %dma_wait3A_269 = arith.constant 0 : i32
      %dma_wait3A_270 = tpu.memref_slice %arg2[%dma_wait3A_268, %dma_wait3A_269] : memref<10000x64xf32, #tpu.memory_space<hbm>> -> memref<10000x64xf32, #tpu.memory_space<hbm>>
      tpu.wait_indirect_dma semaphore(%arg17 : memref<!tpu.dma_semaphore, #tpu.memory_space<semaphore_mem>>) src(%dma_wait3A_270 : memref<10000x64xf32, #tpu.memory_space<hbm>>) dst(%arg12 : memref<128x64xf32, #tpu.memory_space<vmem>>)
      %dma_start3A_271 = arith.constant 6 : i32
      %dma_start3A_272 = arith.constant 0 : i32
      %dma_start3A_273 = tpu.memref_slice %arg11[%rem3A_71, %dma_start3A_271, %dma_start3A_272] : memref<2x16x128xi32, #tpu.memory_space<vmem>> -> memref<1x1x128xi32, #tpu.memory_space<vmem>>
      %dma_start3A_274 = tpu.memref_squeeze %dma_start3A_273 : memref<1x1x128xi32, #tpu.memory_space<vmem>> -> memref<128xi32, #tpu.memory_space<vmem>>
      %dma_start3A_275 = arith.constant 0 : i32
      %dma_start3A_276 = arith.constant 0 : i32
      %dma_start3A_277 = tpu.memref_slice %arg15[%dma_start3A_275, %dma_start3A_276] : memref<20480x64xf32, #tpu.memory_space<vmem_shared>> -> memref<20480x64xf32, #tpu.memory_space<vmem_shared>>
      tpu.enqueue_indirect_dma source(%arg12 : memref<128x64xf32, #tpu.memory_space<vmem>>) target(%dma_start3A_277 : memref<20480x64xf32, #tpu.memory_space<vmem_shared>>) offsets(%dma_start3A_274 : memref<128xi32, #tpu.memory_space<vmem>>) semaphore(%arg19 : memref<!tpu.dma_semaphore, #tpu.memory_space<semaphore_mem>>) {add = true}
      %dma_wait3A_278 = arith.constant 5 : i32
      %dma_wait3A_279 = arith.constant 0 : i32
      %dma_wait3A_280 = tpu.memref_slice %arg11[%rem3A_71, %dma_wait3A_278, %dma_wait3A_279] : memref<2x16x128xi32, #tpu.memory_space<vmem>> -> memref<1x1x128xi32, #tpu.memory_space<vmem>>
      %dma_wait3A_281 = tpu.memref_squeeze %dma_wait3A_280 : memref<1x1x128xi32, #tpu.memory_space<vmem>> -> memref<128xi32, #tpu.memory_space<vmem>>
      %dma_wait3A_282 = arith.constant 0 : i32
      %dma_wait3A_283 = arith.constant 0 : i32
      %dma_wait3A_284 = tpu.memref_slice %arg15[%dma_wait3A_282, %dma_wait3A_283] : memref<20480x64xf32, #tpu.memory_space<vmem_shared>> -> memref<20480x64xf32, #tpu.memory_space<vmem_shared>>
      tpu.wait_indirect_dma semaphore(%arg20 : memref<!tpu.dma_semaphore, #tpu.memory_space<semaphore_mem>>) src(%arg13 : memref<128x64xf32, #tpu.memory_space<vmem>>) dst(%dma_wait3A_284 : memref<20480x64xf32, #tpu.memory_space<vmem_shared>>)
      %eq3A_285 = arith.constant 0 : i32
      %eq3A_286 = arith.cmpi eq, %arg0, %eq3A_285 : i32
      %convert_element_type3A_287 = arith.extui %eq3A_286 : i1 to i32
      %cond3A_288 = arith.constant 0 : i32
      %cond3A_289 = arith.cmpi ne, %convert_element_type3A_287, %cond3A_288 : i32
      scf.if %cond3A_289 {
        %dma_start3A_579 = arith.constant 7 : i32
        %dma_start3A_580 = arith.constant 0 : i32
        %dma_start3A_581 = tpu.memref_slice %arg10[%rem3A_71, %dma_start3A_579, %dma_start3A_580] : memref<2x16x128xi32, #tpu.memory_space<vmem>> -> memref<1x1x128xi32, #tpu.memory_space<vmem>>
        %dma_start3A_582 = tpu.memref_squeeze %dma_start3A_581 : memref<1x1x128xi32, #tpu.memory_space<vmem>> -> memref<128xi32, #tpu.memory_space<vmem>>
        %dma_start3A_583 = arith.constant 0 : i32
        %dma_start3A_584 = arith.constant 0 : i32
        %dma_start3A_585 = tpu.memref_slice %arg2[%dma_start3A_583, %dma_start3A_584] : memref<10000x64xf32, #tpu.memory_space<hbm>> -> memref<10000x64xf32, #tpu.memory_space<hbm>>
        tpu.enqueue_indirect_dma source(%dma_start3A_585 : memref<10000x64xf32, #tpu.memory_space<hbm>>) target(%arg13 : memref<128x64xf32, #tpu.memory_space<vmem>>) offsets(%dma_start3A_582 : memref<128xi32, #tpu.memory_space<vmem>>) semaphore(%arg18 : memref<!tpu.dma_semaphore, #tpu.memory_space<semaphore_mem>>)
      } else {
      }
      %eq3A_290 = arith.constant 1 : i32
      %eq3A_291 = arith.cmpi eq, %arg0, %eq3A_290 : i32
      %convert_element_type3A_292 = arith.extui %eq3A_291 : i1 to i32
      %cond3A_293 = arith.constant 0 : i32
      %cond3A_294 = arith.cmpi ne, %convert_element_type3A_292, %cond3A_293 : i32
      scf.if %cond3A_294 {
        %dma_start3A_579 = arith.constant 7 : i32
        %dma_start3A_580 = arith.constant 0 : i32
        %dma_start3A_581 = tpu.memref_slice %arg10[%rem3A_71, %dma_start3A_579, %dma_start3A_580] : memref<2x16x128xi32, #tpu.memory_space<vmem>> -> memref<1x1x128xi32, #tpu.memory_space<vmem>>
        %dma_start3A_582 = tpu.memref_squeeze %dma_start3A_581 : memref<1x1x128xi32, #tpu.memory_space<vmem>> -> memref<128xi32, #tpu.memory_space<vmem>>
        %dma_start3A_583 = arith.constant 0 : i32
        %dma_start3A_584 = arith.constant 0 : i32
        %dma_start3A_585 = tpu.memref_slice %arg3[%dma_start3A_583, %dma_start3A_584] : memref<10000x64xf32, #tpu.memory_space<hbm>> -> memref<10000x64xf32, #tpu.memory_space<hbm>>
        tpu.enqueue_indirect_dma source(%dma_start3A_585 : memref<10000x64xf32, #tpu.memory_space<hbm>>) target(%arg13 : memref<128x64xf32, #tpu.memory_space<vmem>>) offsets(%dma_start3A_582 : memref<128xi32, #tpu.memory_space<vmem>>) semaphore(%arg18 : memref<!tpu.dma_semaphore, #tpu.memory_space<semaphore_mem>>)
      } else {
      }
      %dma_wait3A_295 = arith.constant 7 : i32
      %dma_wait3A_296 = arith.constant 0 : i32
      %dma_wait3A_297 = tpu.memref_slice %arg10[%rem3A_71, %dma_wait3A_295, %dma_wait3A_296] : memref<2x16x128xi32, #tpu.memory_space<vmem>> -> memref<1x1x128xi32, #tpu.memory_space<vmem>>
      %dma_wait3A_298 = tpu.memref_squeeze %dma_wait3A_297 : memref<1x1x128xi32, #tpu.memory_space<vmem>> -> memref<128xi32, #tpu.memory_space<vmem>>
      %dma_wait3A_299 = arith.constant 0 : i32
      %dma_wait3A_300 = arith.constant 0 : i32
      %dma_wait3A_301 = tpu.memref_slice %arg2[%dma_wait3A_299, %dma_wait3A_300] : memref<10000x64xf32, #tpu.memory_space<hbm>> -> memref<10000x64xf32, #tpu.memory_space<hbm>>
      tpu.wait_indirect_dma semaphore(%arg18 : memref<!tpu.dma_semaphore, #tpu.memory_space<semaphore_mem>>) src(%dma_wait3A_301 : memref<10000x64xf32, #tpu.memory_space<hbm>>) dst(%arg13 : memref<128x64xf32, #tpu.memory_space<vmem>>)
      %dma_start3A_302 = arith.constant 7 : i32
      %dma_start3A_303 = arith.constant 0 : i32
      %dma_start3A_304 = tpu.memref_slice %arg11[%rem3A_71, %dma_start3A_302, %dma_start3A_303] : memref<2x16x128xi32, #tpu.memory_space<vmem>> -> memref<1x1x128xi32, #tpu.memory_space<vmem>>
      %dma_start3A_305 = tpu.memref_squeeze %dma_start3A_304 : memref<1x1x128xi32, #tpu.memory_space<vmem>> -> memref<128xi32, #tpu.memory_space<vmem>>
      %dma_start3A_306 = arith.constant 0 : i32
      %dma_start3A_307 = arith.constant 0 : i32
      %dma_start3A_308 = tpu.memref_slice %arg15[%dma_start3A_306, %dma_start3A_307] : memref<20480x64xf32, #tpu.memory_space<vmem_shared>> -> memref<20480x64xf32, #tpu.memory_space<vmem_shared>>
      tpu.enqueue_indirect_dma source(%arg13 : memref<128x64xf32, #tpu.memory_space<vmem>>) target(%dma_start3A_308 : memref<20480x64xf32, #tpu.memory_space<vmem_shared>>) offsets(%dma_start3A_305 : memref<128xi32, #tpu.memory_space<vmem>>) semaphore(%arg20 : memref<!tpu.dma_semaphore, #tpu.memory_space<semaphore_mem>>) {add = true}
      %dma_wait3A_309 = arith.constant 6 : i32
      %dma_wait3A_310 = arith.constant 0 : i32
      %dma_wait3A_311 = tpu.memref_slice %arg11[%rem3A_71, %dma_wait3A_309, %dma_wait3A_310] : memref<2x16x128xi32, #tpu.memory_space<vmem>> -> memref<1x1x128xi32, #tpu.memory_space<vmem>>
      %dma_wait3A_312 = tpu.memref_squeeze %dma_wait3A_311 : memref<1x1x128xi32, #tpu.memory_space<vmem>> -> memref<128xi32, #tpu.memory_space<vmem>>
      %dma_wait3A_313 = arith.constant 0 : i32
      %dma_wait3A_314 = arith.constant 0 : i32
      %dma_wait3A_315 = tpu.memref_slice %arg15[%dma_wait3A_313, %dma_wait3A_314] : memref<20480x64xf32, #tpu.memory_space<vmem_shared>> -> memref<20480x64xf32, #tpu.memory_space<vmem_shared>>
      tpu.wait_indirect_dma semaphore(%arg19 : memref<!tpu.dma_semaphore, #tpu.memory_space<semaphore_mem>>) src(%arg12 : memref<128x64xf32, #tpu.memory_space<vmem>>) dst(%dma_wait3A_315 : memref<20480x64xf32, #tpu.memory_space<vmem_shared>>)
      %eq3A_316 = arith.constant 0 : i32
      %eq3A_317 = arith.cmpi eq, %arg0, %eq3A_316 : i32
      %convert_element_type3A_318 = arith.extui %eq3A_317 : i1 to i32
      %cond3A_319 = arith.constant 0 : i32
      %cond3A_320 = arith.cmpi ne, %convert_element_type3A_318, %cond3A_319 : i32
      scf.if %cond3A_320 {
        %dma_start3A_579 = arith.constant 8 : i32
        %dma_start3A_580 = arith.constant 0 : i32
        %dma_start3A_581 = tpu.memref_slice %arg10[%rem3A_71, %dma_start3A_579, %dma_start3A_580] : memref<2x16x128xi32, #tpu.memory_space<vmem>> -> memref<1x1x128xi32, #tpu.memory_space<vmem>>
        %dma_start3A_582 = tpu.memref_squeeze %dma_start3A_581 : memref<1x1x128xi32, #tpu.memory_space<vmem>> -> memref<128xi32, #tpu.memory_space<vmem>>
        %dma_start3A_583 = arith.constant 0 : i32
        %dma_start3A_584 = arith.constant 0 : i32
        %dma_start3A_585 = tpu.memref_slice %arg2[%dma_start3A_583, %dma_start3A_584] : memref<10000x64xf32, #tpu.memory_space<hbm>> -> memref<10000x64xf32, #tpu.memory_space<hbm>>
        tpu.enqueue_indirect_dma source(%dma_start3A_585 : memref<10000x64xf32, #tpu.memory_space<hbm>>) target(%arg12 : memref<128x64xf32, #tpu.memory_space<vmem>>) offsets(%dma_start3A_582 : memref<128xi32, #tpu.memory_space<vmem>>) semaphore(%arg17 : memref<!tpu.dma_semaphore, #tpu.memory_space<semaphore_mem>>)
      } else {
      }
      %eq3A_321 = arith.constant 1 : i32
      %eq3A_322 = arith.cmpi eq, %arg0, %eq3A_321 : i32
      %convert_element_type3A_323 = arith.extui %eq3A_322 : i1 to i32
      %cond3A_324 = arith.constant 0 : i32
      %cond3A_325 = arith.cmpi ne, %convert_element_type3A_323, %cond3A_324 : i32
      scf.if %cond3A_325 {
        %dma_start3A_579 = arith.constant 8 : i32
        %dma_start3A_580 = arith.constant 0 : i32
        %dma_start3A_581 = tpu.memref_slice %arg10[%rem3A_71, %dma_start3A_579, %dma_start3A_580] : memref<2x16x128xi32, #tpu.memory_space<vmem>> -> memref<1x1x128xi32, #tpu.memory_space<vmem>>
        %dma_start3A_582 = tpu.memref_squeeze %dma_start3A_581 : memref<1x1x128xi32, #tpu.memory_space<vmem>> -> memref<128xi32, #tpu.memory_space<vmem>>
        %dma_start3A_583 = arith.constant 0 : i32
        %dma_start3A_584 = arith.constant 0 : i32
        %dma_start3A_585 = tpu.memref_slice %arg3[%dma_start3A_583, %dma_start3A_584] : memref<10000x64xf32, #tpu.memory_space<hbm>> -> memref<10000x64xf32, #tpu.memory_space<hbm>>
        tpu.enqueue_indirect_dma source(%dma_start3A_585 : memref<10000x64xf32, #tpu.memory_space<hbm>>) target(%arg12 : memref<128x64xf32, #tpu.memory_space<vmem>>) offsets(%dma_start3A_582 : memref<128xi32, #tpu.memory_space<vmem>>) semaphore(%arg17 : memref<!tpu.dma_semaphore, #tpu.memory_space<semaphore_mem>>)
      } else {
      }
      %dma_wait3A_326 = arith.constant 8 : i32
      %dma_wait3A_327 = arith.constant 0 : i32
      %dma_wait3A_328 = tpu.memref_slice %arg10[%rem3A_71, %dma_wait3A_326, %dma_wait3A_327] : memref<2x16x128xi32, #tpu.memory_space<vmem>> -> memref<1x1x128xi32, #tpu.memory_space<vmem>>
      %dma_wait3A_329 = tpu.memref_squeeze %dma_wait3A_328 : memref<1x1x128xi32, #tpu.memory_space<vmem>> -> memref<128xi32, #tpu.memory_space<vmem>>
      %dma_wait3A_330 = arith.constant 0 : i32
      %dma_wait3A_331 = arith.constant 0 : i32
      %dma_wait3A_332 = tpu.memref_slice %arg2[%dma_wait3A_330, %dma_wait3A_331] : memref<10000x64xf32, #tpu.memory_space<hbm>> -> memref<10000x64xf32, #tpu.memory_space<hbm>>
      tpu.wait_indirect_dma semaphore(%arg17 : memref<!tpu.dma_semaphore, #tpu.memory_space<semaphore_mem>>) src(%dma_wait3A_332 : memref<10000x64xf32, #tpu.memory_space<hbm>>) dst(%arg12 : memref<128x64xf32, #tpu.memory_space<vmem>>)
      %dma_start3A_333 = arith.constant 8 : i32
      %dma_start3A_334 = arith.constant 0 : i32
      %dma_start3A_335 = tpu.memref_slice %arg11[%rem3A_71, %dma_start3A_333, %dma_start3A_334] : memref<2x16x128xi32, #tpu.memory_space<vmem>> -> memref<1x1x128xi32, #tpu.memory_space<vmem>>
      %dma_start3A_336 = tpu.memref_squeeze %dma_start3A_335 : memref<1x1x128xi32, #tpu.memory_space<vmem>> -> memref<128xi32, #tpu.memory_space<vmem>>
      %dma_start3A_337 = arith.constant 0 : i32
      %dma_start3A_338 = arith.constant 0 : i32
      %dma_start3A_339 = tpu.memref_slice %arg15[%dma_start3A_337, %dma_start3A_338] : memref<20480x64xf32, #tpu.memory_space<vmem_shared>> -> memref<20480x64xf32, #tpu.memory_space<vmem_shared>>
      tpu.enqueue_indirect_dma source(%arg12 : memref<128x64xf32, #tpu.memory_space<vmem>>) target(%dma_start3A_339 : memref<20480x64xf32, #tpu.memory_space<vmem_shared>>) offsets(%dma_start3A_336 : memref<128xi32, #tpu.memory_space<vmem>>) semaphore(%arg19 : memref<!tpu.dma_semaphore, #tpu.memory_space<semaphore_mem>>) {add = true}
      %dma_wait3A_340 = arith.constant 7 : i32
      %dma_wait3A_341 = arith.constant 0 : i32
      %dma_wait3A_342 = tpu.memref_slice %arg11[%rem3A_71, %dma_wait3A_340, %dma_wait3A_341] : memref<2x16x128xi32, #tpu.memory_space<vmem>> -> memref<1x1x128xi32, #tpu.memory_space<vmem>>
      %dma_wait3A_343 = tpu.memref_squeeze %dma_wait3A_342 : memref<1x1x128xi32, #tpu.memory_space<vmem>> -> memref<128xi32, #tpu.memory_space<vmem>>
      %dma_wait3A_344 = arith.constant 0 : i32
      %dma_wait3A_345 = arith.constant 0 : i32
      %dma_wait3A_346 = tpu.memref_slice %arg15[%dma_wait3A_344, %dma_wait3A_345] : memref<20480x64xf32, #tpu.memory_space<vmem_shared>> -> memref<20480x64xf32, #tpu.memory_space<vmem_shared>>
      tpu.wait_indirect_dma semaphore(%arg20 : memref<!tpu.dma_semaphore, #tpu.memory_space<semaphore_mem>>) src(%arg13 : memref<128x64xf32, #tpu.memory_space<vmem>>) dst(%dma_wait3A_346 : memref<20480x64xf32, #tpu.memory_space<vmem_shared>>)
      %eq3A_347 = arith.constant 0 : i32
      %eq3A_348 = arith.cmpi eq, %arg0, %eq3A_347 : i32
      %convert_element_type3A_349 = arith.extui %eq3A_348 : i1 to i32
      %cond3A_350 = arith.constant 0 : i32
      %cond3A_351 = arith.cmpi ne, %convert_element_type3A_349, %cond3A_350 : i32
      scf.if %cond3A_351 {
        %dma_start3A_579 = arith.constant 9 : i32
        %dma_start3A_580 = arith.constant 0 : i32
        %dma_start3A_581 = tpu.memref_slice %arg10[%rem3A_71, %dma_start3A_579, %dma_start3A_580] : memref<2x16x128xi32, #tpu.memory_space<vmem>> -> memref<1x1x128xi32, #tpu.memory_space<vmem>>
        %dma_start3A_582 = tpu.memref_squeeze %dma_start3A_581 : memref<1x1x128xi32, #tpu.memory_space<vmem>> -> memref<128xi32, #tpu.memory_space<vmem>>
        %dma_start3A_583 = arith.constant 0 : i32
        %dma_start3A_584 = arith.constant 0 : i32
        %dma_start3A_585 = tpu.memref_slice %arg2[%dma_start3A_583, %dma_start3A_584] : memref<10000x64xf32, #tpu.memory_space<hbm>> -> memref<10000x64xf32, #tpu.memory_space<hbm>>
        tpu.enqueue_indirect_dma source(%dma_start3A_585 : memref<10000x64xf32, #tpu.memory_space<hbm>>) target(%arg13 : memref<128x64xf32, #tpu.memory_space<vmem>>) offsets(%dma_start3A_582 : memref<128xi32, #tpu.memory_space<vmem>>) semaphore(%arg18 : memref<!tpu.dma_semaphore, #tpu.memory_space<semaphore_mem>>)
      } else {
      }
      %eq3A_352 = arith.constant 1 : i32
      %eq3A_353 = arith.cmpi eq, %arg0, %eq3A_352 : i32
      %convert_element_type3A_354 = arith.extui %eq3A_353 : i1 to i32
      %cond3A_355 = arith.constant 0 : i32
      %cond3A_356 = arith.cmpi ne, %convert_element_type3A_354, %cond3A_355 : i32
      scf.if %cond3A_356 {
        %dma_start3A_579 = arith.constant 9 : i32
        %dma_start3A_580 = arith.constant 0 : i32
        %dma_start3A_581 = tpu.memref_slice %arg10[%rem3A_71, %dma_start3A_579, %dma_start3A_580] : memref<2x16x128xi32, #tpu.memory_space<vmem>> -> memref<1x1x128xi32, #tpu.memory_space<vmem>>
        %dma_start3A_582 = tpu.memref_squeeze %dma_start3A_581 : memref<1x1x128xi32, #tpu.memory_space<vmem>> -> memref<128xi32, #tpu.memory_space<vmem>>
        %dma_start3A_583 = arith.constant 0 : i32
        %dma_start3A_584 = arith.constant 0 : i32
        %dma_start3A_585 = tpu.memref_slice %arg3[%dma_start3A_583, %dma_start3A_584] : memref<10000x64xf32, #tpu.memory_space<hbm>> -> memref<10000x64xf32, #tpu.memory_space<hbm>>
        tpu.enqueue_indirect_dma source(%dma_start3A_585 : memref<10000x64xf32, #tpu.memory_space<hbm>>) target(%arg13 : memref<128x64xf32, #tpu.memory_space<vmem>>) offsets(%dma_start3A_582 : memref<128xi32, #tpu.memory_space<vmem>>) semaphore(%arg18 : memref<!tpu.dma_semaphore, #tpu.memory_space<semaphore_mem>>)
      } else {
      }
      %dma_wait3A_357 = arith.constant 9 : i32
      %dma_wait3A_358 = arith.constant 0 : i32
      %dma_wait3A_359 = tpu.memref_slice %arg10[%rem3A_71, %dma_wait3A_357, %dma_wait3A_358] : memref<2x16x128xi32, #tpu.memory_space<vmem>> -> memref<1x1x128xi32, #tpu.memory_space<vmem>>
      %dma_wait3A_360 = tpu.memref_squeeze %dma_wait3A_359 : memref<1x1x128xi32, #tpu.memory_space<vmem>> -> memref<128xi32, #tpu.memory_space<vmem>>
      %dma_wait3A_361 = arith.constant 0 : i32
      %dma_wait3A_362 = arith.constant 0 : i32
      %dma_wait3A_363 = tpu.memref_slice %arg2[%dma_wait3A_361, %dma_wait3A_362] : memref<10000x64xf32, #tpu.memory_space<hbm>> -> memref<10000x64xf32, #tpu.memory_space<hbm>>
      tpu.wait_indirect_dma semaphore(%arg18 : memref<!tpu.dma_semaphore, #tpu.memory_space<semaphore_mem>>) src(%dma_wait3A_363 : memref<10000x64xf32, #tpu.memory_space<hbm>>) dst(%arg13 : memref<128x64xf32, #tpu.memory_space<vmem>>)
      %dma_start3A_364 = arith.constant 9 : i32
      %dma_start3A_365 = arith.constant 0 : i32
      %dma_start3A_366 = tpu.memref_slice %arg11[%rem3A_71, %dma_start3A_364, %dma_start3A_365] : memref<2x16x128xi32, #tpu.memory_space<vmem>> -> memref<1x1x128xi32, #tpu.memory_space<vmem>>
      %dma_start3A_367 = tpu.memref_squeeze %dma_start3A_366 : memref<1x1x128xi32, #tpu.memory_space<vmem>> -> memref<128xi32, #tpu.memory_space<vmem>>
      %dma_start3A_368 = arith.constant 0 : i32
      %dma_start3A_369 = arith.constant 0 : i32
      %dma_start3A_370 = tpu.memref_slice %arg15[%dma_start3A_368, %dma_start3A_369] : memref<20480x64xf32, #tpu.memory_space<vmem_shared>> -> memref<20480x64xf32, #tpu.memory_space<vmem_shared>>
      tpu.enqueue_indirect_dma source(%arg13 : memref<128x64xf32, #tpu.memory_space<vmem>>) target(%dma_start3A_370 : memref<20480x64xf32, #tpu.memory_space<vmem_shared>>) offsets(%dma_start3A_367 : memref<128xi32, #tpu.memory_space<vmem>>) semaphore(%arg20 : memref<!tpu.dma_semaphore, #tpu.memory_space<semaphore_mem>>) {add = true}
      %dma_wait3A_371 = arith.constant 8 : i32
      %dma_wait3A_372 = arith.constant 0 : i32
      %dma_wait3A_373 = tpu.memref_slice %arg11[%rem3A_71, %dma_wait3A_371, %dma_wait3A_372] : memref<2x16x128xi32, #tpu.memory_space<vmem>> -> memref<1x1x128xi32, #tpu.memory_space<vmem>>
      %dma_wait3A_374 = tpu.memref_squeeze %dma_wait3A_373 : memref<1x1x128xi32, #tpu.memory_space<vmem>> -> memref<128xi32, #tpu.memory_space<vmem>>
      %dma_wait3A_375 = arith.constant 0 : i32
      %dma_wait3A_376 = arith.constant 0 : i32
      %dma_wait3A_377 = tpu.memref_slice %arg15[%dma_wait3A_375, %dma_wait3A_376] : memref<20480x64xf32, #tpu.memory_space<vmem_shared>> -> memref<20480x64xf32, #tpu.memory_space<vmem_shared>>
      tpu.wait_indirect_dma semaphore(%arg19 : memref<!tpu.dma_semaphore, #tpu.memory_space<semaphore_mem>>) src(%arg12 : memref<128x64xf32, #tpu.memory_space<vmem>>) dst(%dma_wait3A_377 : memref<20480x64xf32, #tpu.memory_space<vmem_shared>>)
      %eq3A_378 = arith.constant 0 : i32
      %eq3A_379 = arith.cmpi eq, %arg0, %eq3A_378 : i32
      %convert_element_type3A_380 = arith.extui %eq3A_379 : i1 to i32
      %cond3A_381 = arith.constant 0 : i32
      %cond3A_382 = arith.cmpi ne, %convert_element_type3A_380, %cond3A_381 : i32
      scf.if %cond3A_382 {
        %dma_start3A_579 = arith.constant 10 : i32
        %dma_start3A_580 = arith.constant 0 : i32
        %dma_start3A_581 = tpu.memref_slice %arg10[%rem3A_71, %dma_start3A_579, %dma_start3A_580] : memref<2x16x128xi32, #tpu.memory_space<vmem>> -> memref<1x1x128xi32, #tpu.memory_space<vmem>>
        %dma_start3A_582 = tpu.memref_squeeze %dma_start3A_581 : memref<1x1x128xi32, #tpu.memory_space<vmem>> -> memref<128xi32, #tpu.memory_space<vmem>>
        %dma_start3A_583 = arith.constant 0 : i32
        %dma_start3A_584 = arith.constant 0 : i32
        %dma_start3A_585 = tpu.memref_slice %arg2[%dma_start3A_583, %dma_start3A_584] : memref<10000x64xf32, #tpu.memory_space<hbm>> -> memref<10000x64xf32, #tpu.memory_space<hbm>>
        tpu.enqueue_indirect_dma source(%dma_start3A_585 : memref<10000x64xf32, #tpu.memory_space<hbm>>) target(%arg12 : memref<128x64xf32, #tpu.memory_space<vmem>>) offsets(%dma_start3A_582 : memref<128xi32, #tpu.memory_space<vmem>>) semaphore(%arg17 : memref<!tpu.dma_semaphore, #tpu.memory_space<semaphore_mem>>)
      } else {
      }
      %eq3A_383 = arith.constant 1 : i32
      %eq3A_384 = arith.cmpi eq, %arg0, %eq3A_383 : i32
      %convert_element_type3A_385 = arith.extui %eq3A_384 : i1 to i32
      %cond3A_386 = arith.constant 0 : i32
      %cond3A_387 = arith.cmpi ne, %convert_element_type3A_385, %cond3A_386 : i32
      scf.if %cond3A_387 {
        %dma_start3A_579 = arith.constant 10 : i32
        %dma_start3A_580 = arith.constant 0 : i32
        %dma_start3A_581 = tpu.memref_slice %arg10[%rem3A_71, %dma_start3A_579, %dma_start3A_580] : memref<2x16x128xi32, #tpu.memory_space<vmem>> -> memref<1x1x128xi32, #tpu.memory_space<vmem>>
        %dma_start3A_582 = tpu.memref_squeeze %dma_start3A_581 : memref<1x1x128xi32, #tpu.memory_space<vmem>> -> memref<128xi32, #tpu.memory_space<vmem>>
        %dma_start3A_583 = arith.constant 0 : i32
        %dma_start3A_584 = arith.constant 0 : i32
        %dma_start3A_585 = tpu.memref_slice %arg3[%dma_start3A_583, %dma_start3A_584] : memref<10000x64xf32, #tpu.memory_space<hbm>> -> memref<10000x64xf32, #tpu.memory_space<hbm>>
        tpu.enqueue_indirect_dma source(%dma_start3A_585 : memref<10000x64xf32, #tpu.memory_space<hbm>>) target(%arg12 : memref<128x64xf32, #tpu.memory_space<vmem>>) offsets(%dma_start3A_582 : memref<128xi32, #tpu.memory_space<vmem>>) semaphore(%arg17 : memref<!tpu.dma_semaphore, #tpu.memory_space<semaphore_mem>>)
      } else {
      }
      %dma_wait3A_388 = arith.constant 10 : i32
      %dma_wait3A_389 = arith.constant 0 : i32
      %dma_wait3A_390 = tpu.memref_slice %arg10[%rem3A_71, %dma_wait3A_388, %dma_wait3A_389] : memref<2x16x128xi32, #tpu.memory_space<vmem>> -> memref<1x1x128xi32, #tpu.memory_space<vmem>>
      %dma_wait3A_391 = tpu.memref_squeeze %dma_wait3A_390 : memref<1x1x128xi32, #tpu.memory_space<vmem>> -> memref<128xi32, #tpu.memory_space<vmem>>
      %dma_wait3A_392 = arith.constant 0 : i32
      %dma_wait3A_393 = arith.constant 0 : i32
      %dma_wait3A_394 = tpu.memref_slice %arg2[%dma_wait3A_392, %dma_wait3A_393] : memref<10000x64xf32, #tpu.memory_space<hbm>> -> memref<10000x64xf32, #tpu.memory_space<hbm>>
      tpu.wait_indirect_dma semaphore(%arg17 : memref<!tpu.dma_semaphore, #tpu.memory_space<semaphore_mem>>) src(%dma_wait3A_394 : memref<10000x64xf32, #tpu.memory_space<hbm>>) dst(%arg12 : memref<128x64xf32, #tpu.memory_space<vmem>>)
      %dma_start3A_395 = arith.constant 10 : i32
      %dma_start3A_396 = arith.constant 0 : i32
      %dma_start3A_397 = tpu.memref_slice %arg11[%rem3A_71, %dma_start3A_395, %dma_start3A_396] : memref<2x16x128xi32, #tpu.memory_space<vmem>> -> memref<1x1x128xi32, #tpu.memory_space<vmem>>
      %dma_start3A_398 = tpu.memref_squeeze %dma_start3A_397 : memref<1x1x128xi32, #tpu.memory_space<vmem>> -> memref<128xi32, #tpu.memory_space<vmem>>
      %dma_start3A_399 = arith.constant 0 : i32
      %dma_start3A_400 = arith.constant 0 : i32
      %dma_start3A_401 = tpu.memref_slice %arg15[%dma_start3A_399, %dma_start3A_400] : memref<20480x64xf32, #tpu.memory_space<vmem_shared>> -> memref<20480x64xf32, #tpu.memory_space<vmem_shared>>
      tpu.enqueue_indirect_dma source(%arg12 : memref<128x64xf32, #tpu.memory_space<vmem>>) target(%dma_start3A_401 : memref<20480x64xf32, #tpu.memory_space<vmem_shared>>) offsets(%dma_start3A_398 : memref<128xi32, #tpu.memory_space<vmem>>) semaphore(%arg19 : memref<!tpu.dma_semaphore, #tpu.memory_space<semaphore_mem>>) {add = true}
      %dma_wait3A_402 = arith.constant 9 : i32
      %dma_wait3A_403 = arith.constant 0 : i32
      %dma_wait3A_404 = tpu.memref_slice %arg11[%rem3A_71, %dma_wait3A_402, %dma_wait3A_403] : memref<2x16x128xi32, #tpu.memory_space<vmem>> -> memref<1x1x128xi32, #tpu.memory_space<vmem>>
      %dma_wait3A_405 = tpu.memref_squeeze %dma_wait3A_404 : memref<1x1x128xi32, #tpu.memory_space<vmem>> -> memref<128xi32, #tpu.memory_space<vmem>>
      %dma_wait3A_406 = arith.constant 0 : i32
      %dma_wait3A_407 = arith.constant 0 : i32
      %dma_wait3A_408 = tpu.memref_slice %arg15[%dma_wait3A_406, %dma_wait3A_407] : memref<20480x64xf32, #tpu.memory_space<vmem_shared>> -> memref<20480x64xf32, #tpu.memory_space<vmem_shared>>
      tpu.wait_indirect_dma semaphore(%arg20 : memref<!tpu.dma_semaphore, #tpu.memory_space<semaphore_mem>>) src(%arg13 : memref<128x64xf32, #tpu.memory_space<vmem>>) dst(%dma_wait3A_408 : memref<20480x64xf32, #tpu.memory_space<vmem_shared>>)
      %eq3A_409 = arith.constant 0 : i32
      %eq3A_410 = arith.cmpi eq, %arg0, %eq3A_409 : i32
      %convert_element_type3A_411 = arith.extui %eq3A_410 : i1 to i32
      %cond3A_412 = arith.constant 0 : i32
      %cond3A_413 = arith.cmpi ne, %convert_element_type3A_411, %cond3A_412 : i32
      scf.if %cond3A_413 {
        %dma_start3A_579 = arith.constant 11 : i32
        %dma_start3A_580 = arith.constant 0 : i32
        %dma_start3A_581 = tpu.memref_slice %arg10[%rem3A_71, %dma_start3A_579, %dma_start3A_580] : memref<2x16x128xi32, #tpu.memory_space<vmem>> -> memref<1x1x128xi32, #tpu.memory_space<vmem>>
        %dma_start3A_582 = tpu.memref_squeeze %dma_start3A_581 : memref<1x1x128xi32, #tpu.memory_space<vmem>> -> memref<128xi32, #tpu.memory_space<vmem>>
        %dma_start3A_583 = arith.constant 0 : i32
        %dma_start3A_584 = arith.constant 0 : i32
        %dma_start3A_585 = tpu.memref_slice %arg2[%dma_start3A_583, %dma_start3A_584] : memref<10000x64xf32, #tpu.memory_space<hbm>> -> memref<10000x64xf32, #tpu.memory_space<hbm>>
        tpu.enqueue_indirect_dma source(%dma_start3A_585 : memref<10000x64xf32, #tpu.memory_space<hbm>>) target(%arg13 : memref<128x64xf32, #tpu.memory_space<vmem>>) offsets(%dma_start3A_582 : memref<128xi32, #tpu.memory_space<vmem>>) semaphore(%arg18 : memref<!tpu.dma_semaphore, #tpu.memory_space<semaphore_mem>>)
      } else {
      }
      %eq3A_414 = arith.constant 1 : i32
      %eq3A_415 = arith.cmpi eq, %arg0, %eq3A_414 : i32
      %convert_element_type3A_416 = arith.extui %eq3A_415 : i1 to i32
      %cond3A_417 = arith.constant 0 : i32
      %cond3A_418 = arith.cmpi ne, %convert_element_type3A_416, %cond3A_417 : i32
      scf.if %cond3A_418 {
        %dma_start3A_579 = arith.constant 11 : i32
        %dma_start3A_580 = arith.constant 0 : i32
        %dma_start3A_581 = tpu.memref_slice %arg10[%rem3A_71, %dma_start3A_579, %dma_start3A_580] : memref<2x16x128xi32, #tpu.memory_space<vmem>> -> memref<1x1x128xi32, #tpu.memory_space<vmem>>
        %dma_start3A_582 = tpu.memref_squeeze %dma_start3A_581 : memref<1x1x128xi32, #tpu.memory_space<vmem>> -> memref<128xi32, #tpu.memory_space<vmem>>
        %dma_start3A_583 = arith.constant 0 : i32
        %dma_start3A_584 = arith.constant 0 : i32
        %dma_start3A_585 = tpu.memref_slice %arg3[%dma_start3A_583, %dma_start3A_584] : memref<10000x64xf32, #tpu.memory_space<hbm>> -> memref<10000x64xf32, #tpu.memory_space<hbm>>
        tpu.enqueue_indirect_dma source(%dma_start3A_585 : memref<10000x64xf32, #tpu.memory_space<hbm>>) target(%arg13 : memref<128x64xf32, #tpu.memory_space<vmem>>) offsets(%dma_start3A_582 : memref<128xi32, #tpu.memory_space<vmem>>) semaphore(%arg18 : memref<!tpu.dma_semaphore, #tpu.memory_space<semaphore_mem>>)
      } else {
      }
      %dma_wait3A_419 = arith.constant 11 : i32
      %dma_wait3A_420 = arith.constant 0 : i32
      %dma_wait3A_421 = tpu.memref_slice %arg10[%rem3A_71, %dma_wait3A_419, %dma_wait3A_420] : memref<2x16x128xi32, #tpu.memory_space<vmem>> -> memref<1x1x128xi32, #tpu.memory_space<vmem>>
      %dma_wait3A_422 = tpu.memref_squeeze %dma_wait3A_421 : memref<1x1x128xi32, #tpu.memory_space<vmem>> -> memref<128xi32, #tpu.memory_space<vmem>>
      %dma_wait3A_423 = arith.constant 0 : i32
      %dma_wait3A_424 = arith.constant 0 : i32
      %dma_wait3A_425 = tpu.memref_slice %arg2[%dma_wait3A_423, %dma_wait3A_424] : memref<10000x64xf32, #tpu.memory_space<hbm>> -> memref<10000x64xf32, #tpu.memory_space<hbm>>
      tpu.wait_indirect_dma semaphore(%arg18 : memref<!tpu.dma_semaphore, #tpu.memory_space<semaphore_mem>>) src(%dma_wait3A_425 : memref<10000x64xf32, #tpu.memory_space<hbm>>) dst(%arg13 : memref<128x64xf32, #tpu.memory_space<vmem>>)
      %dma_start3A_426 = arith.constant 11 : i32
      %dma_start3A_427 = arith.constant 0 : i32
      %dma_start3A_428 = tpu.memref_slice %arg11[%rem3A_71, %dma_start3A_426, %dma_start3A_427] : memref<2x16x128xi32, #tpu.memory_space<vmem>> -> memref<1x1x128xi32, #tpu.memory_space<vmem>>
      %dma_start3A_429 = tpu.memref_squeeze %dma_start3A_428 : memref<1x1x128xi32, #tpu.memory_space<vmem>> -> memref<128xi32, #tpu.memory_space<vmem>>
      %dma_start3A_430 = arith.constant 0 : i32
      %dma_start3A_431 = arith.constant 0 : i32
      %dma_start3A_432 = tpu.memref_slice %arg15[%dma_start3A_430, %dma_start3A_431] : memref<20480x64xf32, #tpu.memory_space<vmem_shared>> -> memref<20480x64xf32, #tpu.memory_space<vmem_shared>>
      tpu.enqueue_indirect_dma source(%arg13 : memref<128x64xf32, #tpu.memory_space<vmem>>) target(%dma_start3A_432 : memref<20480x64xf32, #tpu.memory_space<vmem_shared>>) offsets(%dma_start3A_429 : memref<128xi32, #tpu.memory_space<vmem>>) semaphore(%arg20 : memref<!tpu.dma_semaphore, #tpu.memory_space<semaphore_mem>>) {add = true}
      %dma_wait3A_433 = arith.constant 10 : i32
      %dma_wait3A_434 = arith.constant 0 : i32
      %dma_wait3A_435 = tpu.memref_slice %arg11[%rem3A_71, %dma_wait3A_433, %dma_wait3A_434] : memref<2x16x128xi32, #tpu.memory_space<vmem>> -> memref<1x1x128xi32, #tpu.memory_space<vmem>>
      %dma_wait3A_436 = tpu.memref_squeeze %dma_wait3A_435 : memref<1x1x128xi32, #tpu.memory_space<vmem>> -> memref<128xi32, #tpu.memory_space<vmem>>
      %dma_wait3A_437 = arith.constant 0 : i32
      %dma_wait3A_438 = arith.constant 0 : i32
      %dma_wait3A_439 = tpu.memref_slice %arg15[%dma_wait3A_437, %dma_wait3A_438] : memref<20480x64xf32, #tpu.memory_space<vmem_shared>> -> memref<20480x64xf32, #tpu.memory_space<vmem_shared>>
      tpu.wait_indirect_dma semaphore(%arg19 : memref<!tpu.dma_semaphore, #tpu.memory_space<semaphore_mem>>) src(%arg12 : memref<128x64xf32, #tpu.memory_space<vmem>>) dst(%dma_wait3A_439 : memref<20480x64xf32, #tpu.memory_space<vmem_shared>>)
      %eq3A_440 = arith.constant 0 : i32
      %eq3A_441 = arith.cmpi eq, %arg0, %eq3A_440 : i32
      %convert_element_type3A_442 = arith.extui %eq3A_441 : i1 to i32
      %cond3A_443 = arith.constant 0 : i32
      %cond3A_444 = arith.cmpi ne, %convert_element_type3A_442, %cond3A_443 : i32
      scf.if %cond3A_444 {
        %dma_start3A_579 = arith.constant 12 : i32
        %dma_start3A_580 = arith.constant 0 : i32
        %dma_start3A_581 = tpu.memref_slice %arg10[%rem3A_71, %dma_start3A_579, %dma_start3A_580] : memref<2x16x128xi32, #tpu.memory_space<vmem>> -> memref<1x1x128xi32, #tpu.memory_space<vmem>>
        %dma_start3A_582 = tpu.memref_squeeze %dma_start3A_581 : memref<1x1x128xi32, #tpu.memory_space<vmem>> -> memref<128xi32, #tpu.memory_space<vmem>>
        %dma_start3A_583 = arith.constant 0 : i32
        %dma_start3A_584 = arith.constant 0 : i32
        %dma_start3A_585 = tpu.memref_slice %arg2[%dma_start3A_583, %dma_start3A_584] : memref<10000x64xf32, #tpu.memory_space<hbm>> -> memref<10000x64xf32, #tpu.memory_space<hbm>>
        tpu.enqueue_indirect_dma source(%dma_start3A_585 : memref<10000x64xf32, #tpu.memory_space<hbm>>) target(%arg12 : memref<128x64xf32, #tpu.memory_space<vmem>>) offsets(%dma_start3A_582 : memref<128xi32, #tpu.memory_space<vmem>>) semaphore(%arg17 : memref<!tpu.dma_semaphore, #tpu.memory_space<semaphore_mem>>)
      } else {
      }
      %eq3A_445 = arith.constant 1 : i32
      %eq3A_446 = arith.cmpi eq, %arg0, %eq3A_445 : i32
      %convert_element_type3A_447 = arith.extui %eq3A_446 : i1 to i32
      %cond3A_448 = arith.constant 0 : i32
      %cond3A_449 = arith.cmpi ne, %convert_element_type3A_447, %cond3A_448 : i32
      scf.if %cond3A_449 {
        %dma_start3A_579 = arith.constant 12 : i32
        %dma_start3A_580 = arith.constant 0 : i32
        %dma_start3A_581 = tpu.memref_slice %arg10[%rem3A_71, %dma_start3A_579, %dma_start3A_580] : memref<2x16x128xi32, #tpu.memory_space<vmem>> -> memref<1x1x128xi32, #tpu.memory_space<vmem>>
        %dma_start3A_582 = tpu.memref_squeeze %dma_start3A_581 : memref<1x1x128xi32, #tpu.memory_space<vmem>> -> memref<128xi32, #tpu.memory_space<vmem>>
        %dma_start3A_583 = arith.constant 0 : i32
        %dma_start3A_584 = arith.constant 0 : i32
        %dma_start3A_585 = tpu.memref_slice %arg3[%dma_start3A_583, %dma_start3A_584] : memref<10000x64xf32, #tpu.memory_space<hbm>> -> memref<10000x64xf32, #tpu.memory_space<hbm>>
        tpu.enqueue_indirect_dma source(%dma_start3A_585 : memref<10000x64xf32, #tpu.memory_space<hbm>>) target(%arg12 : memref<128x64xf32, #tpu.memory_space<vmem>>) offsets(%dma_start3A_582 : memref<128xi32, #tpu.memory_space<vmem>>) semaphore(%arg17 : memref<!tpu.dma_semaphore, #tpu.memory_space<semaphore_mem>>)
      } else {
      }
      %dma_wait3A_450 = arith.constant 12 : i32
      %dma_wait3A_451 = arith.constant 0 : i32
      %dma_wait3A_452 = tpu.memref_slice %arg10[%rem3A_71, %dma_wait3A_450, %dma_wait3A_451] : memref<2x16x128xi32, #tpu.memory_space<vmem>> -> memref<1x1x128xi32, #tpu.memory_space<vmem>>
      %dma_wait3A_453 = tpu.memref_squeeze %dma_wait3A_452 : memref<1x1x128xi32, #tpu.memory_space<vmem>> -> memref<128xi32, #tpu.memory_space<vmem>>
      %dma_wait3A_454 = arith.constant 0 : i32
      %dma_wait3A_455 = arith.constant 0 : i32
      %dma_wait3A_456 = tpu.memref_slice %arg2[%dma_wait3A_454, %dma_wait3A_455] : memref<10000x64xf32, #tpu.memory_space<hbm>> -> memref<10000x64xf32, #tpu.memory_space<hbm>>
      tpu.wait_indirect_dma semaphore(%arg17 : memref<!tpu.dma_semaphore, #tpu.memory_space<semaphore_mem>>) src(%dma_wait3A_456 : memref<10000x64xf32, #tpu.memory_space<hbm>>) dst(%arg12 : memref<128x64xf32, #tpu.memory_space<vmem>>)
      %dma_start3A_457 = arith.constant 12 : i32
      %dma_start3A_458 = arith.constant 0 : i32
      %dma_start3A_459 = tpu.memref_slice %arg11[%rem3A_71, %dma_start3A_457, %dma_start3A_458] : memref<2x16x128xi32, #tpu.memory_space<vmem>> -> memref<1x1x128xi32, #tpu.memory_space<vmem>>
      %dma_start3A_460 = tpu.memref_squeeze %dma_start3A_459 : memref<1x1x128xi32, #tpu.memory_space<vmem>> -> memref<128xi32, #tpu.memory_space<vmem>>
      %dma_start3A_461 = arith.constant 0 : i32
      %dma_start3A_462 = arith.constant 0 : i32
      %dma_start3A_463 = tpu.memref_slice %arg15[%dma_start3A_461, %dma_start3A_462] : memref<20480x64xf32, #tpu.memory_space<vmem_shared>> -> memref<20480x64xf32, #tpu.memory_space<vmem_shared>>
      tpu.enqueue_indirect_dma source(%arg12 : memref<128x64xf32, #tpu.memory_space<vmem>>) target(%dma_start3A_463 : memref<20480x64xf32, #tpu.memory_space<vmem_shared>>) offsets(%dma_start3A_460 : memref<128xi32, #tpu.memory_space<vmem>>) semaphore(%arg19 : memref<!tpu.dma_semaphore, #tpu.memory_space<semaphore_mem>>) {add = true}
      %dma_wait3A_464 = arith.constant 11 : i32
      %dma_wait3A_465 = arith.constant 0 : i32
      %dma_wait3A_466 = tpu.memref_slice %arg11[%rem3A_71, %dma_wait3A_464, %dma_wait3A_465] : memref<2x16x128xi32, #tpu.memory_space<vmem>> -> memref<1x1x128xi32, #tpu.memory_space<vmem>>
      %dma_wait3A_467 = tpu.memref_squeeze %dma_wait3A_466 : memref<1x1x128xi32, #tpu.memory_space<vmem>> -> memref<128xi32, #tpu.memory_space<vmem>>
      %dma_wait3A_468 = arith.constant 0 : i32
      %dma_wait3A_469 = arith.constant 0 : i32
      %dma_wait3A_470 = tpu.memref_slice %arg15[%dma_wait3A_468, %dma_wait3A_469] : memref<20480x64xf32, #tpu.memory_space<vmem_shared>> -> memref<20480x64xf32, #tpu.memory_space<vmem_shared>>
      tpu.wait_indirect_dma semaphore(%arg20 : memref<!tpu.dma_semaphore, #tpu.memory_space<semaphore_mem>>) src(%arg13 : memref<128x64xf32, #tpu.memory_space<vmem>>) dst(%dma_wait3A_470 : memref<20480x64xf32, #tpu.memory_space<vmem_shared>>)
      %eq3A_471 = arith.constant 0 : i32
      %eq3A_472 = arith.cmpi eq, %arg0, %eq3A_471 : i32
      %convert_element_type3A_473 = arith.extui %eq3A_472 : i1 to i32
      %cond3A_474 = arith.constant 0 : i32
      %cond3A_475 = arith.cmpi ne, %convert_element_type3A_473, %cond3A_474 : i32
      scf.if %cond3A_475 {
        %dma_start3A_579 = arith.constant 13 : i32
        %dma_start3A_580 = arith.constant 0 : i32
        %dma_start3A_581 = tpu.memref_slice %arg10[%rem3A_71, %dma_start3A_579, %dma_start3A_580] : memref<2x16x128xi32, #tpu.memory_space<vmem>> -> memref<1x1x128xi32, #tpu.memory_space<vmem>>
        %dma_start3A_582 = tpu.memref_squeeze %dma_start3A_581 : memref<1x1x128xi32, #tpu.memory_space<vmem>> -> memref<128xi32, #tpu.memory_space<vmem>>
        %dma_start3A_583 = arith.constant 0 : i32
        %dma_start3A_584 = arith.constant 0 : i32
        %dma_start3A_585 = tpu.memref_slice %arg2[%dma_start3A_583, %dma_start3A_584] : memref<10000x64xf32, #tpu.memory_space<hbm>> -> memref<10000x64xf32, #tpu.memory_space<hbm>>
        tpu.enqueue_indirect_dma source(%dma_start3A_585 : memref<10000x64xf32, #tpu.memory_space<hbm>>) target(%arg13 : memref<128x64xf32, #tpu.memory_space<vmem>>) offsets(%dma_start3A_582 : memref<128xi32, #tpu.memory_space<vmem>>) semaphore(%arg18 : memref<!tpu.dma_semaphore, #tpu.memory_space<semaphore_mem>>)
      } else {
      }
      %eq3A_476 = arith.constant 1 : i32
      %eq3A_477 = arith.cmpi eq, %arg0, %eq3A_476 : i32
      %convert_element_type3A_478 = arith.extui %eq3A_477 : i1 to i32
      %cond3A_479 = arith.constant 0 : i32
      %cond3A_480 = arith.cmpi ne, %convert_element_type3A_478, %cond3A_479 : i32
      scf.if %cond3A_480 {
        %dma_start3A_579 = arith.constant 13 : i32
        %dma_start3A_580 = arith.constant 0 : i32
        %dma_start3A_581 = tpu.memref_slice %arg10[%rem3A_71, %dma_start3A_579, %dma_start3A_580] : memref<2x16x128xi32, #tpu.memory_space<vmem>> -> memref<1x1x128xi32, #tpu.memory_space<vmem>>
        %dma_start3A_582 = tpu.memref_squeeze %dma_start3A_581 : memref<1x1x128xi32, #tpu.memory_space<vmem>> -> memref<128xi32, #tpu.memory_space<vmem>>
        %dma_start3A_583 = arith.constant 0 : i32
        %dma_start3A_584 = arith.constant 0 : i32
        %dma_start3A_585 = tpu.memref_slice %arg3[%dma_start3A_583, %dma_start3A_584] : memref<10000x64xf32, #tpu.memory_space<hbm>> -> memref<10000x64xf32, #tpu.memory_space<hbm>>
        tpu.enqueue_indirect_dma source(%dma_start3A_585 : memref<10000x64xf32, #tpu.memory_space<hbm>>) target(%arg13 : memref<128x64xf32, #tpu.memory_space<vmem>>) offsets(%dma_start3A_582 : memref<128xi32, #tpu.memory_space<vmem>>) semaphore(%arg18 : memref<!tpu.dma_semaphore, #tpu.memory_space<semaphore_mem>>)
      } else {
      }
      %dma_wait3A_481 = arith.constant 13 : i32
      %dma_wait3A_482 = arith.constant 0 : i32
      %dma_wait3A_483 = tpu.memref_slice %arg10[%rem3A_71, %dma_wait3A_481, %dma_wait3A_482] : memref<2x16x128xi32, #tpu.memory_space<vmem>> -> memref<1x1x128xi32, #tpu.memory_space<vmem>>
      %dma_wait3A_484 = tpu.memref_squeeze %dma_wait3A_483 : memref<1x1x128xi32, #tpu.memory_space<vmem>> -> memref<128xi32, #tpu.memory_space<vmem>>
      %dma_wait3A_485 = arith.constant 0 : i32
      %dma_wait3A_486 = arith.constant 0 : i32
      %dma_wait3A_487 = tpu.memref_slice %arg2[%dma_wait3A_485, %dma_wait3A_486] : memref<10000x64xf32, #tpu.memory_space<hbm>> -> memref<10000x64xf32, #tpu.memory_space<hbm>>
      tpu.wait_indirect_dma semaphore(%arg18 : memref<!tpu.dma_semaphore, #tpu.memory_space<semaphore_mem>>) src(%dma_wait3A_487 : memref<10000x64xf32, #tpu.memory_space<hbm>>) dst(%arg13 : memref<128x64xf32, #tpu.memory_space<vmem>>)
      %dma_start3A_488 = arith.constant 13 : i32
      %dma_start3A_489 = arith.constant 0 : i32
      %dma_start3A_490 = tpu.memref_slice %arg11[%rem3A_71, %dma_start3A_488, %dma_start3A_489] : memref<2x16x128xi32, #tpu.memory_space<vmem>> -> memref<1x1x128xi32, #tpu.memory_space<vmem>>
      %dma_start3A_491 = tpu.memref_squeeze %dma_start3A_490 : memref<1x1x128xi32, #tpu.memory_space<vmem>> -> memref<128xi32, #tpu.memory_space<vmem>>
      %dma_start3A_492 = arith.constant 0 : i32
      %dma_start3A_493 = arith.constant 0 : i32
      %dma_start3A_494 = tpu.memref_slice %arg15[%dma_start3A_492, %dma_start3A_493] : memref<20480x64xf32, #tpu.memory_space<vmem_shared>> -> memref<20480x64xf32, #tpu.memory_space<vmem_shared>>
      tpu.enqueue_indirect_dma source(%arg13 : memref<128x64xf32, #tpu.memory_space<vmem>>) target(%dma_start3A_494 : memref<20480x64xf32, #tpu.memory_space<vmem_shared>>) offsets(%dma_start3A_491 : memref<128xi32, #tpu.memory_space<vmem>>) semaphore(%arg20 : memref<!tpu.dma_semaphore, #tpu.memory_space<semaphore_mem>>) {add = true}
      %dma_wait3A_495 = arith.constant 12 : i32
      %dma_wait3A_496 = arith.constant 0 : i32
      %dma_wait3A_497 = tpu.memref_slice %arg11[%rem3A_71, %dma_wait3A_495, %dma_wait3A_496] : memref<2x16x128xi32, #tpu.memory_space<vmem>> -> memref<1x1x128xi32, #tpu.memory_space<vmem>>
      %dma_wait3A_498 = tpu.memref_squeeze %dma_wait3A_497 : memref<1x1x128xi32, #tpu.memory_space<vmem>> -> memref<128xi32, #tpu.memory_space<vmem>>
      %dma_wait3A_499 = arith.constant 0 : i32
      %dma_wait3A_500 = arith.constant 0 : i32
      %dma_wait3A_501 = tpu.memref_slice %arg15[%dma_wait3A_499, %dma_wait3A_500] : memref<20480x64xf32, #tpu.memory_space<vmem_shared>> -> memref<20480x64xf32, #tpu.memory_space<vmem_shared>>
      tpu.wait_indirect_dma semaphore(%arg19 : memref<!tpu.dma_semaphore, #tpu.memory_space<semaphore_mem>>) src(%arg12 : memref<128x64xf32, #tpu.memory_space<vmem>>) dst(%dma_wait3A_501 : memref<20480x64xf32, #tpu.memory_space<vmem_shared>>)
      %eq3A_502 = arith.constant 0 : i32
      %eq3A_503 = arith.cmpi eq, %arg0, %eq3A_502 : i32
      %convert_element_type3A_504 = arith.extui %eq3A_503 : i1 to i32
      %cond3A_505 = arith.constant 0 : i32
      %cond3A_506 = arith.cmpi ne, %convert_element_type3A_504, %cond3A_505 : i32
      scf.if %cond3A_506 {
        %dma_start3A_579 = arith.constant 14 : i32
        %dma_start3A_580 = arith.constant 0 : i32
        %dma_start3A_581 = tpu.memref_slice %arg10[%rem3A_71, %dma_start3A_579, %dma_start3A_580] : memref<2x16x128xi32, #tpu.memory_space<vmem>> -> memref<1x1x128xi32, #tpu.memory_space<vmem>>
        %dma_start3A_582 = tpu.memref_squeeze %dma_start3A_581 : memref<1x1x128xi32, #tpu.memory_space<vmem>> -> memref<128xi32, #tpu.memory_space<vmem>>
        %dma_start3A_583 = arith.constant 0 : i32
        %dma_start3A_584 = arith.constant 0 : i32
        %dma_start3A_585 = tpu.memref_slice %arg2[%dma_start3A_583, %dma_start3A_584] : memref<10000x64xf32, #tpu.memory_space<hbm>> -> memref<10000x64xf32, #tpu.memory_space<hbm>>
        tpu.enqueue_indirect_dma source(%dma_start3A_585 : memref<10000x64xf32, #tpu.memory_space<hbm>>) target(%arg12 : memref<128x64xf32, #tpu.memory_space<vmem>>) offsets(%dma_start3A_582 : memref<128xi32, #tpu.memory_space<vmem>>) semaphore(%arg17 : memref<!tpu.dma_semaphore, #tpu.memory_space<semaphore_mem>>)
      } else {
      }
      %eq3A_507 = arith.constant 1 : i32
      %eq3A_508 = arith.cmpi eq, %arg0, %eq3A_507 : i32
      %convert_element_type3A_509 = arith.extui %eq3A_508 : i1 to i32
      %cond3A_510 = arith.constant 0 : i32
      %cond3A_511 = arith.cmpi ne, %convert_element_type3A_509, %cond3A_510 : i32
      scf.if %cond3A_511 {
        %dma_start3A_579 = arith.constant 14 : i32
        %dma_start3A_580 = arith.constant 0 : i32
        %dma_start3A_581 = tpu.memref_slice %arg10[%rem3A_71, %dma_start3A_579, %dma_start3A_580] : memref<2x16x128xi32, #tpu.memory_space<vmem>> -> memref<1x1x128xi32, #tpu.memory_space<vmem>>
        %dma_start3A_582 = tpu.memref_squeeze %dma_start3A_581 : memref<1x1x128xi32, #tpu.memory_space<vmem>> -> memref<128xi32, #tpu.memory_space<vmem>>
        %dma_start3A_583 = arith.constant 0 : i32
        %dma_start3A_584 = arith.constant 0 : i32
        %dma_start3A_585 = tpu.memref_slice %arg3[%dma_start3A_583, %dma_start3A_584] : memref<10000x64xf32, #tpu.memory_space<hbm>> -> memref<10000x64xf32, #tpu.memory_space<hbm>>
        tpu.enqueue_indirect_dma source(%dma_start3A_585 : memref<10000x64xf32, #tpu.memory_space<hbm>>) target(%arg12 : memref<128x64xf32, #tpu.memory_space<vmem>>) offsets(%dma_start3A_582 : memref<128xi32, #tpu.memory_space<vmem>>) semaphore(%arg17 : memref<!tpu.dma_semaphore, #tpu.memory_space<semaphore_mem>>)
      } else {
      }
      %dma_wait3A_512 = arith.constant 14 : i32
      %dma_wait3A_513 = arith.constant 0 : i32
      %dma_wait3A_514 = tpu.memref_slice %arg10[%rem3A_71, %dma_wait3A_512, %dma_wait3A_513] : memref<2x16x128xi32, #tpu.memory_space<vmem>> -> memref<1x1x128xi32, #tpu.memory_space<vmem>>
      %dma_wait3A_515 = tpu.memref_squeeze %dma_wait3A_514 : memref<1x1x128xi32, #tpu.memory_space<vmem>> -> memref<128xi32, #tpu.memory_space<vmem>>
      %dma_wait3A_516 = arith.constant 0 : i32
      %dma_wait3A_517 = arith.constant 0 : i32
      %dma_wait3A_518 = tpu.memref_slice %arg2[%dma_wait3A_516, %dma_wait3A_517] : memref<10000x64xf32, #tpu.memory_space<hbm>> -> memref<10000x64xf32, #tpu.memory_space<hbm>>
      tpu.wait_indirect_dma semaphore(%arg17 : memref<!tpu.dma_semaphore, #tpu.memory_space<semaphore_mem>>) src(%dma_wait3A_518 : memref<10000x64xf32, #tpu.memory_space<hbm>>) dst(%arg12 : memref<128x64xf32, #tpu.memory_space<vmem>>)
      %dma_start3A_519 = arith.constant 14 : i32
      %dma_start3A_520 = arith.constant 0 : i32
      %dma_start3A_521 = tpu.memref_slice %arg11[%rem3A_71, %dma_start3A_519, %dma_start3A_520] : memref<2x16x128xi32, #tpu.memory_space<vmem>> -> memref<1x1x128xi32, #tpu.memory_space<vmem>>
      %dma_start3A_522 = tpu.memref_squeeze %dma_start3A_521 : memref<1x1x128xi32, #tpu.memory_space<vmem>> -> memref<128xi32, #tpu.memory_space<vmem>>
      %dma_start3A_523 = arith.constant 0 : i32
      %dma_start3A_524 = arith.constant 0 : i32
      %dma_start3A_525 = tpu.memref_slice %arg15[%dma_start3A_523, %dma_start3A_524] : memref<20480x64xf32, #tpu.memory_space<vmem_shared>> -> memref<20480x64xf32, #tpu.memory_space<vmem_shared>>
      tpu.enqueue_indirect_dma source(%arg12 : memref<128x64xf32, #tpu.memory_space<vmem>>) target(%dma_start3A_525 : memref<20480x64xf32, #tpu.memory_space<vmem_shared>>) offsets(%dma_start3A_522 : memref<128xi32, #tpu.memory_space<vmem>>) semaphore(%arg19 : memref<!tpu.dma_semaphore, #tpu.memory_space<semaphore_mem>>) {add = true}
      %dma_wait3A_526 = arith.constant 13 : i32
      %dma_wait3A_527 = arith.constant 0 : i32
      %dma_wait3A_528 = tpu.memref_slice %arg11[%rem3A_71, %dma_wait3A_526, %dma_wait3A_527] : memref<2x16x128xi32, #tpu.memory_space<vmem>> -> memref<1x1x128xi32, #tpu.memory_space<vmem>>
      %dma_wait3A_529 = tpu.memref_squeeze %dma_wait3A_528 : memref<1x1x128xi32, #tpu.memory_space<vmem>> -> memref<128xi32, #tpu.memory_space<vmem>>
      %dma_wait3A_530 = arith.constant 0 : i32
      %dma_wait3A_531 = arith.constant 0 : i32
      %dma_wait3A_532 = tpu.memref_slice %arg15[%dma_wait3A_530, %dma_wait3A_531] : memref<20480x64xf32, #tpu.memory_space<vmem_shared>> -> memref<20480x64xf32, #tpu.memory_space<vmem_shared>>
      tpu.wait_indirect_dma semaphore(%arg20 : memref<!tpu.dma_semaphore, #tpu.memory_space<semaphore_mem>>) src(%arg13 : memref<128x64xf32, #tpu.memory_space<vmem>>) dst(%dma_wait3A_532 : memref<20480x64xf32, #tpu.memory_space<vmem_shared>>)
      %eq3A_533 = arith.constant 0 : i32
      %eq3A_534 = arith.cmpi eq, %arg0, %eq3A_533 : i32
      %convert_element_type3A_535 = arith.extui %eq3A_534 : i1 to i32
      %cond3A_536 = arith.constant 0 : i32
      %cond3A_537 = arith.cmpi ne, %convert_element_type3A_535, %cond3A_536 : i32
      scf.if %cond3A_537 {
        %dma_start3A_579 = arith.constant 15 : i32
        %dma_start3A_580 = arith.constant 0 : i32
        %dma_start3A_581 = tpu.memref_slice %arg10[%rem3A_71, %dma_start3A_579, %dma_start3A_580] : memref<2x16x128xi32, #tpu.memory_space<vmem>> -> memref<1x1x128xi32, #tpu.memory_space<vmem>>
        %dma_start3A_582 = tpu.memref_squeeze %dma_start3A_581 : memref<1x1x128xi32, #tpu.memory_space<vmem>> -> memref<128xi32, #tpu.memory_space<vmem>>
        %dma_start3A_583 = arith.constant 0 : i32
        %dma_start3A_584 = arith.constant 0 : i32
        %dma_start3A_585 = tpu.memref_slice %arg2[%dma_start3A_583, %dma_start3A_584] : memref<10000x64xf32, #tpu.memory_space<hbm>> -> memref<10000x64xf32, #tpu.memory_space<hbm>>
        tpu.enqueue_indirect_dma source(%dma_start3A_585 : memref<10000x64xf32, #tpu.memory_space<hbm>>) target(%arg13 : memref<128x64xf32, #tpu.memory_space<vmem>>) offsets(%dma_start3A_582 : memref<128xi32, #tpu.memory_space<vmem>>) semaphore(%arg18 : memref<!tpu.dma_semaphore, #tpu.memory_space<semaphore_mem>>)
      } else {
      }
      %eq3A_538 = arith.constant 1 : i32
      %eq3A_539 = arith.cmpi eq, %arg0, %eq3A_538 : i32
      %convert_element_type3A_540 = arith.extui %eq3A_539 : i1 to i32
      %cond3A_541 = arith.constant 0 : i32
      %cond3A_542 = arith.cmpi ne, %convert_element_type3A_540, %cond3A_541 : i32
      scf.if %cond3A_542 {
        %dma_start3A_579 = arith.constant 15 : i32
        %dma_start3A_580 = arith.constant 0 : i32
        %dma_start3A_581 = tpu.memref_slice %arg10[%rem3A_71, %dma_start3A_579, %dma_start3A_580] : memref<2x16x128xi32, #tpu.memory_space<vmem>> -> memref<1x1x128xi32, #tpu.memory_space<vmem>>
        %dma_start3A_582 = tpu.memref_squeeze %dma_start3A_581 : memref<1x1x128xi32, #tpu.memory_space<vmem>> -> memref<128xi32, #tpu.memory_space<vmem>>
        %dma_start3A_583 = arith.constant 0 : i32
        %dma_start3A_584 = arith.constant 0 : i32
        %dma_start3A_585 = tpu.memref_slice %arg3[%dma_start3A_583, %dma_start3A_584] : memref<10000x64xf32, #tpu.memory_space<hbm>> -> memref<10000x64xf32, #tpu.memory_space<hbm>>
        tpu.enqueue_indirect_dma source(%dma_start3A_585 : memref<10000x64xf32, #tpu.memory_space<hbm>>) target(%arg13 : memref<128x64xf32, #tpu.memory_space<vmem>>) offsets(%dma_start3A_582 : memref<128xi32, #tpu.memory_space<vmem>>) semaphore(%arg18 : memref<!tpu.dma_semaphore, #tpu.memory_space<semaphore_mem>>)
      } else {
      }
      %dma_wait3A_543 = arith.constant 15 : i32
      %dma_wait3A_544 = arith.constant 0 : i32
      %dma_wait3A_545 = tpu.memref_slice %arg10[%rem3A_71, %dma_wait3A_543, %dma_wait3A_544] : memref<2x16x128xi32, #tpu.memory_space<vmem>> -> memref<1x1x128xi32, #tpu.memory_space<vmem>>
      %dma_wait3A_546 = tpu.memref_squeeze %dma_wait3A_545 : memref<1x1x128xi32, #tpu.memory_space<vmem>> -> memref<128xi32, #tpu.memory_space<vmem>>
      %dma_wait3A_547 = arith.constant 0 : i32
      %dma_wait3A_548 = arith.constant 0 : i32
      %dma_wait3A_549 = tpu.memref_slice %arg2[%dma_wait3A_547, %dma_wait3A_548] : memref<10000x64xf32, #tpu.memory_space<hbm>> -> memref<10000x64xf32, #tpu.memory_space<hbm>>
      tpu.wait_indirect_dma semaphore(%arg18 : memref<!tpu.dma_semaphore, #tpu.memory_space<semaphore_mem>>) src(%dma_wait3A_549 : memref<10000x64xf32, #tpu.memory_space<hbm>>) dst(%arg13 : memref<128x64xf32, #tpu.memory_space<vmem>>)
      %dma_start3A_550 = arith.constant 15 : i32
      %dma_start3A_551 = arith.constant 0 : i32
      %dma_start3A_552 = tpu.memref_slice %arg11[%rem3A_71, %dma_start3A_550, %dma_start3A_551] : memref<2x16x128xi32, #tpu.memory_space<vmem>> -> memref<1x1x128xi32, #tpu.memory_space<vmem>>
      %dma_start3A_553 = tpu.memref_squeeze %dma_start3A_552 : memref<1x1x128xi32, #tpu.memory_space<vmem>> -> memref<128xi32, #tpu.memory_space<vmem>>
      %dma_start3A_554 = arith.constant 0 : i32
      %dma_start3A_555 = arith.constant 0 : i32
      %dma_start3A_556 = tpu.memref_slice %arg15[%dma_start3A_554, %dma_start3A_555] : memref<20480x64xf32, #tpu.memory_space<vmem_shared>> -> memref<20480x64xf32, #tpu.memory_space<vmem_shared>>
      tpu.enqueue_indirect_dma source(%arg13 : memref<128x64xf32, #tpu.memory_space<vmem>>) target(%dma_start3A_556 : memref<20480x64xf32, #tpu.memory_space<vmem_shared>>) offsets(%dma_start3A_553 : memref<128xi32, #tpu.memory_space<vmem>>) semaphore(%arg20 : memref<!tpu.dma_semaphore, #tpu.memory_space<semaphore_mem>>) {add = true}
      %dma_wait3A_557 = arith.constant 14 : i32
      %dma_wait3A_558 = arith.constant 0 : i32
      %dma_wait3A_559 = tpu.memref_slice %arg11[%rem3A_71, %dma_wait3A_557, %dma_wait3A_558] : memref<2x16x128xi32, #tpu.memory_space<vmem>> -> memref<1x1x128xi32, #tpu.memory_space<vmem>>
      %dma_wait3A_560 = tpu.memref_squeeze %dma_wait3A_559 : memref<1x1x128xi32, #tpu.memory_space<vmem>> -> memref<128xi32, #tpu.memory_space<vmem>>
      %dma_wait3A_561 = arith.constant 0 : i32
      %dma_wait3A_562 = arith.constant 0 : i32
      %dma_wait3A_563 = tpu.memref_slice %arg15[%dma_wait3A_561, %dma_wait3A_562] : memref<20480x64xf32, #tpu.memory_space<vmem_shared>> -> memref<20480x64xf32, #tpu.memory_space<vmem_shared>>
      tpu.wait_indirect_dma semaphore(%arg19 : memref<!tpu.dma_semaphore, #tpu.memory_space<semaphore_mem>>) src(%arg12 : memref<128x64xf32, #tpu.memory_space<vmem>>) dst(%dma_wait3A_563 : memref<20480x64xf32, #tpu.memory_space<vmem_shared>>)
      %dma_wait3A_564 = arith.constant 15 : i32
      %dma_wait3A_565 = arith.constant 0 : i32
      %dma_wait3A_566 = tpu.memref_slice %arg11[%rem3A_71, %dma_wait3A_564, %dma_wait3A_565] : memref<2x16x128xi32, #tpu.memory_space<vmem>> -> memref<1x1x128xi32, #tpu.memory_space<vmem>>
      %dma_wait3A_567 = tpu.memref_squeeze %dma_wait3A_566 : memref<1x1x128xi32, #tpu.memory_space<vmem>> -> memref<128xi32, #tpu.memory_space<vmem>>
      %dma_wait3A_568 = arith.constant 0 : i32
      %dma_wait3A_569 = arith.constant 0 : i32
      %dma_wait3A_570 = tpu.memref_slice %arg15[%dma_wait3A_568, %dma_wait3A_569] : memref<20480x64xf32, #tpu.memory_space<vmem_shared>> -> memref<20480x64xf32, #tpu.memory_space<vmem_shared>>
      tpu.wait_indirect_dma semaphore(%arg20 : memref<!tpu.dma_semaphore, #tpu.memory_space<semaphore_mem>>) src(%arg13 : memref<128x64xf32, #tpu.memory_space<vmem>>) dst(%dma_wait3A_570 : memref<20480x64xf32, #tpu.memory_space<vmem_shared>>)
      %add3A_571 = arith.constant 1 : i32
      %add3A_572 = arith.addi %scan3A_69, %add3A_571 : i32
      %lt3A_573 = arith.constant 10 : i32
      %lt3A_574 = arith.cmpi slt, %add3A_572, %lt3A_573 : i32
      %convert_element_type3A_575 = arith.extui %lt3A_574 : i1 to i32
      %cond3A_576 = arith.constant 0 : i32
      %cond3A_577 = arith.cmpi ne, %convert_element_type3A_575, %cond3A_576 : i32
      scf.if %cond3A_577 {
        %dma_wait3A_579 = arith.constant 0 : i32
        %dma_wait3A_580 = arith.constant 0 : i32
        %dma_wait3A_581 = arith.constant 0 : i32
        %dma_wait3A_582 = tpu.memref_slice %arg10[%dma_wait3A_579, %dma_wait3A_580, %dma_wait3A_581] : memref<2x16x128xi32, #tpu.memory_space<vmem>> -> memref<1x16x128xi32, #tpu.memory_space<vmem>>
        %dma_wait3A_583 = tpu.memref_squeeze %dma_wait3A_582 : memref<1x16x128xi32, #tpu.memory_space<vmem>> -> memref<16x128xi32, #tpu.memory_space<vmem>>
        %dma_wait3A_584 = arith.constant 0 : i32
        %dma_wait3A_585 = arith.constant 0 : i32
        %dma_wait3A_586 = tpu.memref_slice %arg4[%dma_wait3A_584, %dma_wait3A_585] : memref<2560x128xi32, #tpu.memory_space<hbm>> -> memref<16x128xi32, #tpu.memory_space<hbm>>
        %dma_wait3A_587 = arith.constant 0 : i32
        %dma_wait3A_588 = arith.constant 0 : i32
        %dma_wait3A_589 = tpu.memref_slice %arg10[%dma_wait3A_579, %dma_wait3A_587, %dma_wait3A_588] : memref<2x16x128xi32, #tpu.memory_space<vmem>> -> memref<1x16x128xi32, #tpu.memory_space<vmem>>
        %dma_wait3A_590 = tpu.memref_squeeze %dma_wait3A_589 : memref<1x16x128xi32, #tpu.memory_space<vmem>> -> memref<16x128xi32, #tpu.memory_space<vmem>>
        %dma_wait3A_591 = arith.constant 0 : i32
        %dma_wait3A_592 = arith.constant 0 : i32
        %dma_wait3A_593 = tpu.memref_slice %arg4[%dma_wait3A_591, %dma_wait3A_592] : memref<2560x128xi32, #tpu.memory_space<hbm>> -> memref<16x128xi32, #tpu.memory_space<hbm>>
        tpu.wait_dma2 semaphore(%arg22 : memref<!tpu.dma_semaphore, #tpu.memory_space<semaphore_mem>>) src(%dma_wait3A_593 : memref<16x128xi32, #tpu.memory_space<hbm>>) dst(%dma_wait3A_590 : memref<16x128xi32, #tpu.memory_space<vmem>>)
        %dma_wait3A_594 = arith.constant 0 : i32
        %dma_wait3A_595 = arith.constant 0 : i32
        %dma_wait3A_596 = arith.constant 0 : i32
        %dma_wait3A_597 = tpu.memref_slice %arg11[%dma_wait3A_594, %dma_wait3A_595, %dma_wait3A_596] : memref<2x16x128xi32, #tpu.memory_space<vmem>> -> memref<1x16x128xi32, #tpu.memory_space<vmem>>
        %dma_wait3A_598 = tpu.memref_squeeze %dma_wait3A_597 : memref<1x16x128xi32, #tpu.memory_space<vmem>> -> memref<16x128xi32, #tpu.memory_space<vmem>>
        %dma_wait3A_599 = arith.constant 0 : i32
        %dma_wait3A_600 = arith.constant 0 : i32
        %dma_wait3A_601 = tpu.memref_slice %arg5[%dma_wait3A_599, %dma_wait3A_600] : memref<2560x128xi32, #tpu.memory_space<hbm>> -> memref<16x128xi32, #tpu.memory_space<hbm>>
        %dma_wait3A_602 = arith.constant 0 : i32
        %dma_wait3A_603 = arith.constant 0 : i32
        %dma_wait3A_604 = tpu.memref_slice %arg11[%dma_wait3A_594, %dma_wait3A_602, %dma_wait3A_603] : memref<2x16x128xi32, #tpu.memory_space<vmem>> -> memref<1x16x128xi32, #tpu.memory_space<vmem>>
        %dma_wait3A_605 = tpu.memref_squeeze %dma_wait3A_604 : memref<1x16x128xi32, #tpu.memory_space<vmem>> -> memref<16x128xi32, #tpu.memory_space<vmem>>
        %dma_wait3A_606 = arith.constant 0 : i32
        %dma_wait3A_607 = arith.constant 0 : i32
        %dma_wait3A_608 = tpu.memref_slice %arg5[%dma_wait3A_606, %dma_wait3A_607] : memref<2560x128xi32, #tpu.memory_space<hbm>> -> memref<16x128xi32, #tpu.memory_space<hbm>>
        tpu.wait_dma2 semaphore(%arg22 : memref<!tpu.dma_semaphore, #tpu.memory_space<semaphore_mem>>) src(%dma_wait3A_608 : memref<16x128xi32, #tpu.memory_space<hbm>>) dst(%dma_wait3A_605 : memref<16x128xi32, #tpu.memory_space<vmem>>)
      } else {
      }
      %scan3A_578 = arith.constant 0 : i32
      scf.yield %scan3A_578 : i32
    }
    %scan3A_63 = arith.constant 10 : i32
    %barrier3A_64 = arith.constant 0 : index
    tpu.barrier barrier_id(%barrier3A_64)
    %mul3A_65 = arith.constant 1280 : i32
    %mul3A_66 = arith.muli %arg1, %mul3A_65 : i32
    %mul3A_67 = arith.constant 1280 : i32
    %mul3A_68 = arith.muli %arg1, %mul3A_67 : i32
    "tpu.region"() ({
      %run_scoped3A = tpu.sem_alloc : memref<!tpu.dma_semaphore, #tpu.memory_space<semaphore_mem>>
      %dma_start3A_69 = arith.constant 0 : i32
      %dma_start3A_70 = tpu.memref_slice %arg9[%arg0, %mul3A_68, %dma_start3A_69] : memref<2x20480x64xf32, #tpu.memory_space<hbm>> -> memref<1x1280x64xf32, #tpu.memory_space<hbm>>
      %dma_start3A_71 = tpu.memref_squeeze %dma_start3A_70 : memref<1x1280x64xf32, #tpu.memory_space<hbm>> -> memref<1280x64xf32, #tpu.memory_space<hbm>>
      %dma_start3A_72 = arith.constant 0 : i32
      %dma_start3A_73 = tpu.memref_slice %arg15[%mul3A_66, %dma_start3A_72] : memref<20480x64xf32, #tpu.memory_space<vmem_shared>> -> memref<1280x64xf32, #tpu.memory_space<vmem_shared>>
      tpu.enqueue_dma source(%dma_start3A_73 : memref<1280x64xf32, #tpu.memory_space<vmem_shared>>) target(%dma_start3A_71 : memref<1280x64xf32, #tpu.memory_space<hbm>>) target_semaphore(%run_scoped3A : memref<!tpu.dma_semaphore, #tpu.memory_space<semaphore_mem>>)
      %dma_wait3A_74 = arith.constant 0 : i32
      %dma_wait3A_75 = tpu.memref_slice %arg9[%arg0, %mul3A_68, %dma_wait3A_74] : memref<2x20480x64xf32, #tpu.memory_space<hbm>> -> memref<1x1280x64xf32, #tpu.memory_space<hbm>>
      %dma_wait3A_76 = tpu.memref_squeeze %dma_wait3A_75 : memref<1x1280x64xf32, #tpu.memory_space<hbm>> -> memref<1280x64xf32, #tpu.memory_space<hbm>>
      %dma_wait3A_77 = arith.constant 0 : i32
      %dma_wait3A_78 = tpu.memref_slice %arg15[%mul3A_66, %dma_wait3A_77] : memref<20480x64xf32, #tpu.memory_space<vmem_shared>> -> memref<1280x64xf32, #tpu.memory_space<vmem_shared>>
      tpu.wait_dma2 semaphore(%run_scoped3A : memref<!tpu.dma_semaphore, #tpu.memory_space<semaphore_mem>>) src(%dma_wait3A_78 : memref<1280x64xf32, #tpu.memory_space<vmem_shared>>) dst(%dma_wait3A_76 : memref<1280x64xf32, #tpu.memory_space<hbm>>)
      tpu.yield
    }) : () -> ()
    return
  }
}

module attributes {stable_mosaic.version = 14 : i64} {
  func.func @_k1_body(%arg0: i32, %arg1: memref<2000x768xf32, #tpu.memory_space<vmem>>, %arg2: memref<2000x768xf32, #tpu.memory_space<vmem>>, %arg3: memref<2000x7xf32, #tpu.memory_space<vmem>>, %arg4: memref<2000x3xf32, #tpu.memory_space<vmem>>, %arg5: memref<2000x1xf32, #tpu.memory_space<vmem>>, %arg6: memref<768x64xf32, #tpu.memory_space<vmem>>, %arg7: memref<1x64xf32, #tpu.memory_space<vmem>>, %arg8: memref<768x64xf32, #tpu.memory_space<vmem>>, %arg9: memref<1x64xf32, #tpu.memory_space<vmem>>, %arg10: memref<7x64xf32, #tpu.memory_space<vmem>>, %arg11: memref<1x64xf32, #tpu.memory_space<vmem>>, %arg12: memref<3x64xf32, #tpu.memory_space<vmem>>, %arg13: memref<1x64xf32, #tpu.memory_space<vmem>>, %arg14: memref<1x64xf32, #tpu.memory_space<vmem>>, %arg15: memref<1x64xf32, #tpu.memory_space<vmem>>, %arg16: memref<5x1xf32, #tpu.memory_space<vmem>>, %arg17: memref<64x128xf32, #tpu.memory_space<vmem>>, %arg18: memref<1x128xf32, #tpu.memory_space<vmem>>, %arg19: memref<2x2000x64xf32, #tpu.memory_space<vmem>>) attributes {dimension_semantics = [#tpu.dimension_semantics<arbitrary>], iteration_bounds = array<i64: 5>, scalar_prefetch = 0 : i64, scratch_operands = 0 : i64, tpu.core_type = #tpu.core_type<tc>, window_params = [{transform_indices = @transform_0, window_bounds = array<i64: 2000, 768>}, {transform_indices = @transform_1, window_bounds = array<i64: 2000, 768>}, {transform_indices = @transform_2, window_bounds = array<i64: 2000, 7>}, {transform_indices = @transform_3, window_bounds = array<i64: 2000, 3>}, {transform_indices = @transform_4, window_bounds = array<i64: 2000, 1>}, {pipeline_mode = #tpu.pipeline_mode<synchronous>, transform_indices = @transform_5, window_bounds = array<i64: 768, 64>}, {pipeline_mode = #tpu.pipeline_mode<synchronous>, transform_indices = @transform_6, window_bounds = array<i64: 1, 64>}, {pipeline_mode = #tpu.pipeline_mode<synchronous>, transform_indices = @transform_7, window_bounds = array<i64: 768, 64>}, {pipeline_mode = #tpu.pipeline_mode<synchronous>, transform_indices = @transform_8, window_bounds = array<i64: 1, 64>}, {pipeline_mode = #tpu.pipeline_mode<synchronous>, transform_indices = @transform_9, window_bounds = array<i64: 7, 64>}, {pipeline_mode = #tpu.pipeline_mode<synchronous>, transform_indices = @transform_10, window_bounds = array<i64: 1, 64>}, {pipeline_mode = #tpu.pipeline_mode<synchronous>, transform_indices = @transform_11, window_bounds = array<i64: 3, 64>}, {pipeline_mode = #tpu.pipeline_mode<synchronous>, transform_indices = @transform_12, window_bounds = array<i64: 1, 64>}, {pipeline_mode = #tpu.pipeline_mode<synchronous>, transform_indices = @transform_13, window_bounds = array<i64: 1, 64>}, {pipeline_mode = #tpu.pipeline_mode<synchronous>, transform_indices = @transform_14, window_bounds = array<i64: 1, 64>}, {pipeline_mode = #tpu.pipeline_mode<synchronous>, transform_indices = @transform_15, window_bounds = array<i64: 5, 1>}, {pipeline_mode = #tpu.pipeline_mode<synchronous>, transform_indices = @transform_16, window_bounds = array<i64: 64, 128>}, {pipeline_mode = #tpu.pipeline_mode<synchronous>, transform_indices = @transform_17, window_bounds = array<i64: 1, 128>}, {transform_indices = @transform_18, window_bounds = array<i64: 2, 2000, 64>}]} {
    %get3A = arith.constant 0 : index
    %get3A_0 = arith.constant 0 : index
    %get3A_1 = vector.load %arg1[%get3A, %get3A_0] : memref<2000x768xf32, #tpu.memory_space<vmem>>, vector<2000x768xf32>
    %get3A_2 = arith.constant 0 : index
    %get3A_3 = arith.constant 0 : index
    %get3A_4 = vector.load %arg6[%get3A_2, %get3A_3] : memref<768x64xf32, #tpu.memory_space<vmem>>, vector<768x64xf32>
    %dot_general3A = arith.constant dense<0.000000e+00> : vector<2000x64xf32>
    %dot_general3A_5 = tpu.matmul %get3A_1, %get3A_4, %dot_general3A {dimension_numbers = #tpu.dot_dimension_numbers<[1], [0], [0], [1], [0, 0, 1, 1], [], []>, transpose_lhs_hint = false} : vector<2000x768xf32>, vector<768x64xf32>, vector<2000x64xf32> -> vector<2000x64xf32>
    %get3A_6 = arith.constant 0 : index
    %get3A_7 = arith.constant 0 : index
    %get3A_8 = vector.load %arg7[%get3A_6, %get3A_7] : memref<1x64xf32, #tpu.memory_space<vmem>>, vector<1x64xf32>
    %add3A = vector.broadcast %get3A_8 : vector<1x64xf32> to vector<2000x64xf32>
    %add3A_9 = arith.addf %dot_general3A_5, %add3A : vector<2000x64xf32>
    %jit3A = arith.constant 0.00999999977 : f32
    %ge3A = arith.constant 0.000000e+00 : f32
    %ge3A_10 = vector.broadcast %ge3A : f32 to vector<2000x64xf32>
    %ge3A_11 = arith.cmpf oge, %add3A_9, %ge3A_10 : vector<2000x64xf32>
    %mul3A = vector.broadcast %jit3A : f32 to vector<2000x64xf32>
    %mul3A_12 = arith.mulf %mul3A, %add3A_9 : vector<2000x64xf32>
    %select_n3A = arith.select %ge3A_11, %add3A_9, %mul3A_12 : vector<2000x64xi1>, vector<2000x64xf32>
    %get3A_13 = arith.constant 0 : index
    %get3A_14 = arith.constant 0 : index
    %get3A_15 = vector.load %arg2[%get3A_13, %get3A_14] : memref<2000x768xf32, #tpu.memory_space<vmem>>, vector<2000x768xf32>
    %get3A_16 = arith.constant 0 : index
    %get3A_17 = arith.constant 0 : index
    %get3A_18 = vector.load %arg8[%get3A_16, %get3A_17] : memref<768x64xf32, #tpu.memory_space<vmem>>, vector<768x64xf32>
    %dot_general3A_19 = arith.constant dense<0.000000e+00> : vector<2000x64xf32>
    %dot_general3A_20 = tpu.matmul %get3A_15, %get3A_18, %dot_general3A_19 {dimension_numbers = #tpu.dot_dimension_numbers<[1], [0], [0], [1], [0, 0, 1, 1], [], []>, transpose_lhs_hint = false} : vector<2000x768xf32>, vector<768x64xf32>, vector<2000x64xf32> -> vector<2000x64xf32>
    %get3A_21 = arith.constant 0 : index
    %get3A_22 = arith.constant 0 : index
    %get3A_23 = vector.load %arg9[%get3A_21, %get3A_22] : memref<1x64xf32, #tpu.memory_space<vmem>>, vector<1x64xf32>
    %add3A_24 = vector.broadcast %get3A_23 : vector<1x64xf32> to vector<2000x64xf32>
    %add3A_25 = arith.addf %dot_general3A_20, %add3A_24 : vector<2000x64xf32>
    %jit3A_26 = arith.constant 0.00999999977 : f32
    %ge3A_27 = arith.constant 0.000000e+00 : f32
    %ge3A_28 = vector.broadcast %ge3A_27 : f32 to vector<2000x64xf32>
    %ge3A_29 = arith.cmpf oge, %add3A_25, %ge3A_28 : vector<2000x64xf32>
    %mul3A_30 = vector.broadcast %jit3A_26 : f32 to vector<2000x64xf32>
    %mul3A_31 = arith.mulf %mul3A_30, %add3A_25 : vector<2000x64xf32>
    %select_n3A_32 = arith.select %ge3A_29, %add3A_25, %mul3A_31 : vector<2000x64xi1>, vector<2000x64xf32>
    %get3A_33 = arith.constant 0 : index
    %get3A_34 = arith.constant 0 : index
    %get3A_35 = vector.load %arg3[%get3A_33, %get3A_34] : memref<2000x7xf32, #tpu.memory_space<vmem>>, vector<2000x7xf32>
    %get3A_36 = arith.constant 0 : index
    %get3A_37 = arith.constant 0 : index
    %get3A_38 = vector.load %arg10[%get3A_36, %get3A_37] : memref<7x64xf32, #tpu.memory_space<vmem>>, vector<7x64xf32>
    %dot_general3A_39 = arith.constant dense<0.000000e+00> : vector<2000x64xf32>
    %dot_general3A_40 = tpu.matmul %get3A_35, %get3A_38, %dot_general3A_39 {dimension_numbers = #tpu.dot_dimension_numbers<[1], [0], [0], [1], [0, 0, 1, 1], [], []>, transpose_lhs_hint = false} : vector<2000x7xf32>, vector<7x64xf32>, vector<2000x64xf32> -> vector<2000x64xf32>
    %get3A_41 = arith.constant 0 : index
    %get3A_42 = arith.constant 0 : index
    %get3A_43 = vector.load %arg11[%get3A_41, %get3A_42] : memref<1x64xf32, #tpu.memory_space<vmem>>, vector<1x64xf32>
    %add3A_44 = vector.broadcast %get3A_43 : vector<1x64xf32> to vector<2000x64xf32>
    %add3A_45 = arith.addf %dot_general3A_40, %add3A_44 : vector<2000x64xf32>
    %jit3A_46 = arith.constant 0.00999999977 : f32
    %ge3A_47 = arith.constant 0.000000e+00 : f32
    %ge3A_48 = vector.broadcast %ge3A_47 : f32 to vector<2000x64xf32>
    %ge3A_49 = arith.cmpf oge, %add3A_45, %ge3A_48 : vector<2000x64xf32>
    %mul3A_50 = vector.broadcast %jit3A_46 : f32 to vector<2000x64xf32>
    %mul3A_51 = arith.mulf %mul3A_50, %add3A_45 : vector<2000x64xf32>
    %select_n3A_52 = arith.select %ge3A_49, %add3A_45, %mul3A_51 : vector<2000x64xi1>, vector<2000x64xf32>
    %get3A_53 = arith.constant 0 : index
    %get3A_54 = arith.constant 0 : index
    %get3A_55 = vector.load %arg4[%get3A_53, %get3A_54] : memref<2000x3xf32, #tpu.memory_space<vmem>>, vector<2000x3xf32>
    %get3A_56 = arith.constant 0 : index
    %get3A_57 = arith.constant 0 : index
    %get3A_58 = vector.load %arg12[%get3A_56, %get3A_57] : memref<3x64xf32, #tpu.memory_space<vmem>>, vector<3x64xf32>
    %dot_general3A_59 = arith.constant dense<0.000000e+00> : vector<2000x64xf32>
    %dot_general3A_60 = tpu.matmul %get3A_55, %get3A_58, %dot_general3A_59 {dimension_numbers = #tpu.dot_dimension_numbers<[1], [0], [0], [1], [0, 0, 1, 1], [], []>, transpose_lhs_hint = false} : vector<2000x3xf32>, vector<3x64xf32>, vector<2000x64xf32> -> vector<2000x64xf32>
    %get3A_61 = arith.constant 0 : index
    %get3A_62 = arith.constant 0 : index
    %get3A_63 = vector.load %arg13[%get3A_61, %get3A_62] : memref<1x64xf32, #tpu.memory_space<vmem>>, vector<1x64xf32>
    %add3A_64 = vector.broadcast %get3A_63 : vector<1x64xf32> to vector<2000x64xf32>
    %add3A_65 = arith.addf %dot_general3A_60, %add3A_64 : vector<2000x64xf32>
    %jit3A_66 = arith.constant 0.00999999977 : f32
    %ge3A_67 = arith.constant 0.000000e+00 : f32
    %ge3A_68 = vector.broadcast %ge3A_67 : f32 to vector<2000x64xf32>
    %ge3A_69 = arith.cmpf oge, %add3A_65, %ge3A_68 : vector<2000x64xf32>
    %mul3A_70 = vector.broadcast %jit3A_66 : f32 to vector<2000x64xf32>
    %mul3A_71 = arith.mulf %mul3A_70, %add3A_65 : vector<2000x64xf32>
    %select_n3A_72 = arith.select %ge3A_69, %add3A_65, %mul3A_71 : vector<2000x64xi1>, vector<2000x64xf32>
    %get3A_73 = arith.constant 0 : index
    %get3A_74 = arith.constant 0 : index
    %get3A_75 = vector.load %arg5[%get3A_73, %get3A_74] : memref<2000x1xf32, #tpu.memory_space<vmem>>, vector<2000x1xf32>
    %get3A_76 = arith.constant 0 : index
    %get3A_77 = arith.constant 0 : index
    %get3A_78 = vector.load %arg14[%get3A_76, %get3A_77] : memref<1x64xf32, #tpu.memory_space<vmem>>, vector<1x64xf32>
    %dot_general3A_79 = arith.constant dense<0.000000e+00> : vector<2000x64xf32>
    %dot_general3A_80 = tpu.matmul %get3A_75, %get3A_78, %dot_general3A_79 {dimension_numbers = #tpu.dot_dimension_numbers<[1], [0], [0], [1], [0, 0, 1, 1], [], []>, transpose_lhs_hint = false} : vector<2000x1xf32>, vector<1x64xf32>, vector<2000x64xf32> -> vector<2000x64xf32>
    %get3A_81 = arith.constant 0 : index
    %get3A_82 = arith.constant 0 : index
    %get3A_83 = vector.load %arg15[%get3A_81, %get3A_82] : memref<1x64xf32, #tpu.memory_space<vmem>>, vector<1x64xf32>
    %add3A_84 = vector.broadcast %get3A_83 : vector<1x64xf32> to vector<2000x64xf32>
    %add3A_85 = arith.addf %dot_general3A_80, %add3A_84 : vector<2000x64xf32>
    %jit3A_86 = arith.constant 0.00999999977 : f32
    %ge3A_87 = arith.constant 0.000000e+00 : f32
    %ge3A_88 = vector.broadcast %ge3A_87 : f32 to vector<2000x64xf32>
    %ge3A_89 = arith.cmpf oge, %add3A_85, %ge3A_88 : vector<2000x64xf32>
    %mul3A_90 = vector.broadcast %jit3A_86 : f32 to vector<2000x64xf32>
    %mul3A_91 = arith.mulf %mul3A_90, %add3A_85 : vector<2000x64xf32>
    %select_n3A_92 = arith.select %ge3A_89, %add3A_85, %mul3A_91 : vector<2000x64xi1>, vector<2000x64xf32>
    %get3A_93 = arith.constant 0 : index
    %get3A_94 = arith.constant 0 : index
    %get3A_95 = vector.load %arg16[%get3A_93, %get3A_94] : memref<5x1xf32, #tpu.memory_space<vmem>>, vector<5x1xf32>
    %reduce_max3A = vector.shape_cast %get3A_95 : vector<5x1xf32> to vector<1x5x1xf32>
    %reduce_max3A_96 = arith.constant dense<0xFF800000> : vector<1xf32>
    %reduce_max3A_97 = vector.multi_reduction <maximumf>, %reduce_max3A, %reduce_max3A_96 [1, 2] : vector<1x5x1xf32> to vector<1xf32>
    %reduce_max3A_98 = vector.shape_cast %reduce_max3A_97 : vector<1xf32> to vector<1x1x1xf32>
    %reduce_max3A_99 = vector.extract %reduce_max3A_98[0, 0, 0] : f32 from vector<1x1x1xf32>
    %sub3A = vector.broadcast %reduce_max3A_99 : f32 to vector<5x1xf32>
    %sub3A_100 = arith.subf %get3A_95, %sub3A : vector<5x1xf32>
    %exp3A = math.exp %sub3A_100 : vector<5x1xf32>
    %reduce_sum3A = vector.shape_cast %exp3A : vector<5x1xf32> to vector<1x5x1xf32>
    %reduce_sum3A_101 = arith.constant dense<0.000000e+00> : vector<1xf32>
    %reduce_sum3A_102 = vector.multi_reduction <add>, %reduce_sum3A, %reduce_sum3A_101 [1, 2] : vector<1x5x1xf32> to vector<1xf32>
    %reduce_sum3A_103 = vector.shape_cast %reduce_sum3A_102 : vector<1xf32> to vector<1x1x1xf32>
    %reduce_sum3A_104 = vector.extract %reduce_sum3A_103[0, 0, 0] : f32 from vector<1x1x1xf32>
    %div3A = vector.broadcast %reduce_sum3A_104 : f32 to vector<5x1xf32>
    %div3A_105 = arith.divf %exp3A, %div3A : vector<5x1xf32>
    %slice3A = vector.extract_strided_slice %div3A_105 {offsets = [0, 0], sizes = [1, 1], strides = [1, 1]} : vector<5x1xf32> to vector<1x1xf32>
    %squeeze3A = vector.extract %slice3A[0, 0] : f32 from vector<1x1xf32>
    %mul3A_106 = vector.broadcast %squeeze3A : f32 to vector<2000x64xf32>
    %mul3A_107 = arith.mulf %mul3A_106, %select_n3A : vector<2000x64xf32>
    %slice3A_108 = vector.extract_strided_slice %div3A_105 {offsets = [1, 0], sizes = [1, 1], strides = [1, 1]} : vector<5x1xf32> to vector<1x1xf32>
    %squeeze3A_109 = vector.extract %slice3A_108[0, 0] : f32 from vector<1x1xf32>
    %mul3A_110 = vector.broadcast %squeeze3A_109 : f32 to vector<2000x64xf32>
    %mul3A_111 = arith.mulf %mul3A_110, %select_n3A_32 : vector<2000x64xf32>
    %add3A_112 = arith.addf %mul3A_107, %mul3A_111 : vector<2000x64xf32>
    %slice3A_113 = vector.extract_strided_slice %div3A_105 {offsets = [2, 0], sizes = [1, 1], strides = [1, 1]} : vector<5x1xf32> to vector<1x1xf32>
    %squeeze3A_114 = vector.extract %slice3A_113[0, 0] : f32 from vector<1x1xf32>
    %mul3A_115 = vector.broadcast %squeeze3A_114 : f32 to vector<2000x64xf32>
    %mul3A_116 = arith.mulf %mul3A_115, %select_n3A_52 : vector<2000x64xf32>
    %add3A_117 = arith.addf %add3A_112, %mul3A_116 : vector<2000x64xf32>
    %slice3A_118 = vector.extract_strided_slice %div3A_105 {offsets = [3, 0], sizes = [1, 1], strides = [1, 1]} : vector<5x1xf32> to vector<1x1xf32>
    %squeeze3A_119 = vector.extract %slice3A_118[0, 0] : f32 from vector<1x1xf32>
    %mul3A_120 = vector.broadcast %squeeze3A_119 : f32 to vector<2000x64xf32>
    %mul3A_121 = arith.mulf %mul3A_120, %select_n3A_72 : vector<2000x64xf32>
    %add3A_122 = arith.addf %add3A_117, %mul3A_121 : vector<2000x64xf32>
    %slice3A_123 = vector.extract_strided_slice %div3A_105 {offsets = [4, 0], sizes = [1, 1], strides = [1, 1]} : vector<5x1xf32> to vector<1x1xf32>
    %squeeze3A_124 = vector.extract %slice3A_123[0, 0] : f32 from vector<1x1xf32>
    %mul3A_125 = vector.broadcast %squeeze3A_124 : f32 to vector<2000x64xf32>
    %mul3A_126 = arith.mulf %mul3A_125, %select_n3A_92 : vector<2000x64xf32>
    %add3A_127 = arith.addf %add3A_122, %mul3A_126 : vector<2000x64xf32>
    %get3A_128 = arith.constant 0 : index
    %get3A_129 = arith.constant 0 : index
    %get3A_130 = vector.load %arg17[%get3A_128, %get3A_129] : memref<64x128xf32, #tpu.memory_space<vmem>>, vector<64x128xf32>
    %dot_general3A_131 = arith.constant dense<0.000000e+00> : vector<2000x128xf32>
    %dot_general3A_132 = tpu.matmul %add3A_127, %get3A_130, %dot_general3A_131 {dimension_numbers = #tpu.dot_dimension_numbers<[1], [0], [0], [1], [0, 0, 1, 1], [], []>, transpose_lhs_hint = false} : vector<2000x64xf32>, vector<64x128xf32>, vector<2000x128xf32> -> vector<2000x128xf32>
    %get3A_133 = arith.constant 0 : index
    %get3A_134 = arith.constant 0 : index
    %get3A_135 = vector.load %arg18[%get3A_133, %get3A_134] : memref<1x128xf32, #tpu.memory_space<vmem>>, vector<1x128xf32>
    %add3A_136 = vector.broadcast %get3A_135 : vector<1x128xf32> to vector<2000x128xf32>
    %add3A_137 = arith.addf %dot_general3A_132, %add3A_136 : vector<2000x128xf32>
    %jit3A_138 = arith.constant 0.00999999977 : f32
    %ge3A_139 = arith.constant 0.000000e+00 : f32
    %ge3A_140 = vector.broadcast %ge3A_139 : f32 to vector<2000x128xf32>
    %ge3A_141 = arith.cmpf oge, %add3A_137, %ge3A_140 : vector<2000x128xf32>
    %mul3A_142 = vector.broadcast %jit3A_138 : f32 to vector<2000x128xf32>
    %mul3A_143 = arith.mulf %mul3A_142, %add3A_137 : vector<2000x128xf32>
    %select_n3A_144 = arith.select %ge3A_141, %add3A_137, %mul3A_143 : vector<2000x128xi1>, vector<2000x128xf32>
    %slice3A_145 = vector.extract_strided_slice %select_n3A_144 {offsets = [0, 0], sizes = [2000, 64], strides = [1, 1]} : vector<2000x128xf32> to vector<2000x64xf32>
    %swap3A = arith.constant 0 : index
    %swap3A_146 = arith.constant 0 : index
    %swap3A_147 = arith.constant 0 : index
    %swap3A_148 = vector.load %arg19[%swap3A, %swap3A_146, %swap3A_147] : memref<2x2000x64xf32, #tpu.memory_space<vmem>>, vector<1x2000x64xf32>
    %swap3A_149 = vector.shape_cast %swap3A_148 : vector<1x2000x64xf32> to vector<2000x64xf32>
    %swap3A_150 = vector.shape_cast %slice3A_145 : vector<2000x64xf32> to vector<1x2000x64xf32>
    tpu.vector_store %arg19[%swap3A, %swap3A_146, %swap3A_147], %swap3A_150 {strides = array<i32>} : memref<2x2000x64xf32, #tpu.memory_space<vmem>>, vector<1x2000x64xf32>,
    %slice3A_151 = vector.extract_strided_slice %select_n3A_144 {offsets = [0, 64], sizes = [2000, 64], strides = [1, 1]} : vector<2000x128xf32> to vector<2000x64xf32>
    %swap3A_152 = arith.constant 1 : index
    %swap3A_153 = arith.constant 0 : index
    %swap3A_154 = arith.constant 0 : index
    %swap3A_155 = vector.load %arg19[%swap3A_152, %swap3A_153, %swap3A_154] : memref<2x2000x64xf32, #tpu.memory_space<vmem>>, vector<1x2000x64xf32>
    %swap3A_156 = vector.shape_cast %swap3A_155 : vector<1x2000x64xf32> to vector<2000x64xf32>
    %swap3A_157 = vector.shape_cast %slice3A_151 : vector<2000x64xf32> to vector<1x2000x64xf32>
    tpu.vector_store %arg19[%swap3A_152, %swap3A_153, %swap3A_154], %swap3A_157 {strides = array<i32>} : memref<2x2000x64xf32, #tpu.memory_space<vmem>>, vector<1x2000x64xf32>,
    return
  }
  func.func @transform_0(%arg0: i32) -> (i32, i32) {
    %c0_i32 = arith.constant 0 : i32
    %c0_i32_0 = arith.constant 0 : i32
    return %arg0, %c0_i32 : i32, i32
  }
  func.func @transform_1(%arg0: i32) -> (i32, i32) {
    %c0_i32 = arith.constant 0 : i32
    %c0_i32_0 = arith.constant 0 : i32
    return %arg0, %c0_i32 : i32, i32
  }
  func.func @transform_2(%arg0: i32) -> (i32, i32) {
    %c0_i32 = arith.constant 0 : i32
    %c0_i32_0 = arith.constant 0 : i32
    return %arg0, %c0_i32 : i32, i32
  }
  func.func @transform_3(%arg0: i32) -> (i32, i32) {
    %c0_i32 = arith.constant 0 : i32
    %c0_i32_0 = arith.constant 0 : i32
    return %arg0, %c0_i32 : i32, i32
  }
  func.func @transform_4(%arg0: i32) -> (i32, i32) {
    %c0_i32 = arith.constant 0 : i32
    %c0_i32_0 = arith.constant 0 : i32
    return %arg0, %c0_i32 : i32, i32
  }
  func.func @transform_5(%arg0: i32) -> (i32, i32) {
    %c0_i32 = arith.constant 0 : i32
    %c0_i32_0 = arith.constant 0 : i32
    %c0_i32_1 = arith.constant 0 : i32
    return %c0_i32, %c0_i32_0 : i32, i32
  }
  func.func @transform_6(%arg0: i32) -> (i32, i32) {
    %c0_i32 = arith.constant 0 : i32
    %c0_i32_0 = arith.constant 0 : i32
    %c0_i32_1 = arith.constant 0 : i32
    return %c0_i32, %c0_i32_0 : i32, i32
  }
  func.func @transform_7(%arg0: i32) -> (i32, i32) {
    %c0_i32 = arith.constant 0 : i32
    %c0_i32_0 = arith.constant 0 : i32
    %c0_i32_1 = arith.constant 0 : i32
    return %c0_i32, %c0_i32_0 : i32, i32
  }
  func.func @transform_8(%arg0: i32) -> (i32, i32) {
    %c0_i32 = arith.constant 0 : i32
    %c0_i32_0 = arith.constant 0 : i32
    %c0_i32_1 = arith.constant 0 : i32
    return %c0_i32, %c0_i32_0 : i32, i32
  }
  func.func @transform_9(%arg0: i32) -> (i32, i32) {
    %c0_i32 = arith.constant 0 : i32
    %c0_i32_0 = arith.constant 0 : i32
    %c0_i32_1 = arith.constant 0 : i32
    return %c0_i32, %c0_i32_0 : i32, i32
  }
  func.func @transform_10(%arg0: i32) -> (i32, i32) {
    %c0_i32 = arith.constant 0 : i32
    %c0_i32_0 = arith.constant 0 : i32
    %c0_i32_1 = arith.constant 0 : i32
    return %c0_i32, %c0_i32_0 : i32, i32
  }
  func.func @transform_11(%arg0: i32) -> (i32, i32) {
    %c0_i32 = arith.constant 0 : i32
    %c0_i32_0 = arith.constant 0 : i32
    %c0_i32_1 = arith.constant 0 : i32
    return %c0_i32, %c0_i32_0 : i32, i32
  }
  func.func @transform_12(%arg0: i32) -> (i32, i32) {
    %c0_i32 = arith.constant 0 : i32
    %c0_i32_0 = arith.constant 0 : i32
    %c0_i32_1 = arith.constant 0 : i32
    return %c0_i32, %c0_i32_0 : i32, i32
  }
  func.func @transform_13(%arg0: i32) -> (i32, i32) {
    %c0_i32 = arith.constant 0 : i32
    %c0_i32_0 = arith.constant 0 : i32
    %c0_i32_1 = arith.constant 0 : i32
    return %c0_i32, %c0_i32_0 : i32, i32
  }
  func.func @transform_14(%arg0: i32) -> (i32, i32) {
    %c0_i32 = arith.constant 0 : i32
    %c0_i32_0 = arith.constant 0 : i32
    %c0_i32_1 = arith.constant 0 : i32
    return %c0_i32, %c0_i32_0 : i32, i32
  }
  func.func @transform_15(%arg0: i32) -> (i32, i32) {
    %c0_i32 = arith.constant 0 : i32
    %c0_i32_0 = arith.constant 0 : i32
    %c0_i32_1 = arith.constant 0 : i32
    return %c0_i32, %c0_i32_0 : i32, i32
  }
  func.func @transform_16(%arg0: i32) -> (i32, i32) {
    %c0_i32 = arith.constant 0 : i32
    %c0_i32_0 = arith.constant 0 : i32
    %c0_i32_1 = arith.constant 0 : i32
    return %c0_i32, %c0_i32_0 : i32, i32
  }
  func.func @transform_17(%arg0: i32) -> (i32, i32) {
    %c0_i32 = arith.constant 0 : i32
    %c0_i32_0 = arith.constant 0 : i32
    %c0_i32_1 = arith.constant 0 : i32
    return %c0_i32, %c0_i32_0 : i32, i32
  }
  func.func @transform_18(%arg0: i32) -> (i32, i32, i32) {
    %c0_i32 = arith.constant 0 : i32
    %c0_i32_0 = arith.constant 0 : i32
    %c0_i32_1 = arith.constant 0 : i32
    return %c0_i32, %arg0, %c0_i32_0 : i32, i32, i32
  }
}

module attributes {stable_mosaic.version = 14 : i64} {
  func.func @_comb_body(%arg0: memref<2560x128xi32, #tpu.memory_space<vmem>>, %arg1: memref<2560x128xi32, #tpu.memory_space<vmem>>, %arg2: memref<2560x128xi32, #tpu.memory_space<vmem>>) attributes {dimension_semantics = [], scalar_prefetch = 0 : i64, scratch_operands = 0 : i64, tpu.core_type = #tpu.core_type<tc>} {
    %get3A = arith.constant 0 : index
    %get3A_0 = arith.constant 0 : index
    %get3A_1 = vector.load %arg0[%get3A, %get3A_0] : memref<2560x128xi32, #tpu.memory_space<vmem>>, vector<2560x128xi32>
    %get3A_2 = arith.constant 0 : index
    %get3A_3 = arith.constant 0 : index
    %get3A_4 = vector.load %arg1[%get3A_2, %get3A_3] : memref<2560x128xi32, #tpu.memory_space<vmem>>, vector<2560x128xi32>
    %mul3A = arith.constant 10000 : i32
    %mul3A_5 = vector.broadcast %mul3A : i32 to vector<2560x128xi32>
    %mul3A_6 = arith.muli %mul3A_5, %get3A_4 : vector<2560x128xi32>
    %add3A = arith.addi %get3A_1, %mul3A_6 : vector<2560x128xi32>
    %swap3A = arith.constant 0 : index
    %swap3A_7 = arith.constant 0 : index
    %swap3A_8 = vector.load %arg2[%swap3A, %swap3A_7] : memref<2560x128xi32, #tpu.memory_space<vmem>>, vector<2560x128xi32>
    tpu.vector_store %arg2[%swap3A, %swap3A_7], %add3A {strides = array<i32>} : memref<2560x128xi32, #tpu.memory_space<vmem>>, vector<2560x128xi32>,
    return
  }
}

module attributes {stable_mosaic.version = 14 : i64} {
  func.func @_k2_body(%arg0: i32, %arg1: memref<2x2000x64xf32, #tpu.memory_space<vmem>>, %arg2: memref<2x2000x64xf32, #tpu.memory_space<vmem>>, %arg3: memref<2x2000x64xf32, #tpu.memory_space<vmem>>, %arg4: memref<2000x2xf32, #tpu.memory_space<vmem>>, %arg5: memref<2x128x128xf32, #tpu.memory_space<vmem>>, %arg6: memref<128x128xf32, #tpu.memory_space<vmem>>, %arg7: memref<1x128xf32, #tpu.memory_space<vmem>>, %arg8: memref<2x2000x64xf32, #tpu.memory_space<vmem>>) attributes {dimension_semantics = [#tpu.dimension_semantics<arbitrary>], iteration_bounds = array<i64: 5>, scalar_prefetch = 0 : i64, scratch_operands = 0 : i64, tpu.core_type = #tpu.core_type<tc>, window_params = [{transform_indices = @transform_0, window_bounds = array<i64: 2, 2000, 64>}, {transform_indices = @transform_1, window_bounds = array<i64: 2, 2000, 64>}, {transform_indices = @transform_2, window_bounds = array<i64: 2, 2000, 64>}, {transform_indices = @transform_3, window_bounds = array<i64: 2000, 2>}, {pipeline_mode = #tpu.pipeline_mode<synchronous>, transform_indices = @transform_4, window_bounds = array<i64: 2, 128, 128>}, {pipeline_mode = #tpu.pipeline_mode<synchronous>, transform_indices = @transform_5, window_bounds = array<i64: 128, 128>}, {pipeline_mode = #tpu.pipeline_mode<synchronous>, transform_indices = @transform_6, window_bounds = array<i64: 1, 128>}, {transform_indices = @transform_7, window_bounds = array<i64: 2, 2000, 64>}]} {
    %get3A = arith.constant 0 : index
    %get3A_0 = arith.constant 0 : index
    %get3A_1 = arith.constant 0 : index
    %get3A_2 = vector.load %arg1[%get3A, %get3A_0, %get3A_1] : memref<2x2000x64xf32, #tpu.memory_space<vmem>>, vector<1x2000x64xf32>
    %get3A_3 = vector.shape_cast %get3A_2 : vector<1x2000x64xf32> to vector<2000x64xf32>
    %get3A_4 = arith.constant 1 : index
    %get3A_5 = arith.constant 0 : index
    %get3A_6 = arith.constant 0 : index
    %get3A_7 = vector.load %arg1[%get3A_4, %get3A_5, %get3A_6] : memref<2x2000x64xf32, #tpu.memory_space<vmem>>, vector<1x2000x64xf32>
    %get3A_8 = vector.shape_cast %get3A_7 : vector<1x2000x64xf32> to vector<2000x64xf32>
    %concatenate3A = tpu.concatenate %get3A_3, %get3A_8 in 1 : vector<2000x64xf32>, vector<2000x64xf32> -> vector<2000x128xf32>
    %get3A_9 = arith.constant 0 : index
    %get3A_10 = arith.constant 0 : index
    %get3A_11 = arith.constant 0 : index
    %get3A_12 = vector.load %arg2[%get3A_9, %get3A_10, %get3A_11] : memref<2x2000x64xf32, #tpu.memory_space<vmem>>, vector<1x2000x64xf32>
    %get3A_13 = vector.shape_cast %get3A_12 : vector<1x2000x64xf32> to vector<2000x64xf32>
    %get3A_14 = arith.constant 1 : index
    %get3A_15 = arith.constant 0 : index
    %get3A_16 = arith.constant 0 : index
    %get3A_17 = vector.load %arg2[%get3A_14, %get3A_15, %get3A_16] : memref<2x2000x64xf32, #tpu.memory_space<vmem>>, vector<1x2000x64xf32>
    %get3A_18 = vector.shape_cast %get3A_17 : vector<1x2000x64xf32> to vector<2000x64xf32>
    %concatenate3A_19 = tpu.concatenate %get3A_13, %get3A_18 in 1 : vector<2000x64xf32>, vector<2000x64xf32> -> vector<2000x128xf32>
    %get3A_20 = arith.constant 0 : index
    %get3A_21 = arith.constant 0 : index
    %get3A_22 = arith.constant 0 : index
    %get3A_23 = vector.load %arg3[%get3A_20, %get3A_21, %get3A_22] : memref<2x2000x64xf32, #tpu.memory_space<vmem>>, vector<1x2000x64xf32>
    %get3A_24 = vector.shape_cast %get3A_23 : vector<1x2000x64xf32> to vector<2000x64xf32>
    %get3A_25 = arith.constant 1 : index
    %get3A_26 = arith.constant 0 : index
    %get3A_27 = arith.constant 0 : index
    %get3A_28 = vector.load %arg3[%get3A_25, %get3A_26, %get3A_27] : memref<2x2000x64xf32, #tpu.memory_space<vmem>>, vector<1x2000x64xf32>
    %get3A_29 = vector.shape_cast %get3A_28 : vector<1x2000x64xf32> to vector<2000x64xf32>
    %concatenate3A_30 = tpu.concatenate %get3A_24, %get3A_29 in 1 : vector<2000x64xf32>, vector<2000x64xf32> -> vector<2000x128xf32>
    %get3A_31 = arith.constant 0 : index
    %get3A_32 = arith.constant 0 : index
    %get3A_33 = vector.load %arg4[%get3A_31, %get3A_32] : memref<2000x2xf32, #tpu.memory_space<vmem>>, vector<2000x2xf32>
    %slice3A = vector.extract_strided_slice %get3A_33 {offsets = [0, 0], sizes = [2000, 1], strides = [1, 1]} : vector<2000x2xf32> to vector<2000x1xf32>
    %jit3A = arith.constant 1.000000e+00 : f32
    %max3A = vector.broadcast %jit3A : f32 to vector<2000x1xf32>
    %max3A_34 = arith.maximumf %max3A, %slice3A : vector<2000x1xf32>
    %slice3A_35 = vector.extract_strided_slice %get3A_33 {offsets = [0, 1], sizes = [2000, 1], strides = [1, 1]} : vector<2000x2xf32> to vector<2000x1xf32>
    %jit3A_36 = arith.constant 1.000000e+00 : f32
    %max3A_37 = vector.broadcast %jit3A_36 : f32 to vector<2000x1xf32>
    %max3A_38 = arith.maximumf %max3A_37, %slice3A_35 : vector<2000x1xf32>
    %get3A_39 = arith.constant 0 : index
    %get3A_40 = arith.constant 0 : index
    %get3A_41 = vector.load %arg6[%get3A_39, %get3A_40] : memref<128x128xf32, #tpu.memory_space<vmem>>, vector<128x128xf32>
    %dot_general3A = arith.constant dense<0.000000e+00> : vector<2000x128xf32>
    %dot_general3A_42 = tpu.matmul %concatenate3A, %get3A_41, %dot_general3A {dimension_numbers = #tpu.dot_dimension_numbers<[1], [0], [0], [1], [0, 0, 1, 1], [], []>, transpose_lhs_hint = false} : vector<2000x128xf32>, vector<128x128xf32>, vector<2000x128xf32> -> vector<2000x128xf32>
    %get3A_43 = arith.constant 0 : index
    %get3A_44 = arith.constant 0 : index
    %get3A_45 = vector.load %arg7[%get3A_43, %get3A_44] : memref<1x128xf32, #tpu.memory_space<vmem>>, vector<1x128xf32>
    %add3A = vector.broadcast %get3A_45 : vector<1x128xf32> to vector<2000x128xf32>
    %add3A_46 = arith.addf %dot_general3A_42, %add3A : vector<2000x128xf32>
    %get3A_47 = arith.constant 0 : index
    %get3A_48 = arith.constant 0 : index
    %get3A_49 = arith.constant 0 : index
    %get3A_50 = vector.load %arg5[%get3A_47, %get3A_48, %get3A_49] : memref<2x128x128xf32, #tpu.memory_space<vmem>>, vector<1x128x128xf32>
    %get3A_51 = vector.shape_cast %get3A_50 : vector<1x128x128xf32> to vector<128x128xf32>
    %dot_general3A_52 = arith.constant dense<0.000000e+00> : vector<2000x128xf32>
    %dot_general3A_53 = tpu.matmul %concatenate3A_19, %get3A_51, %dot_general3A_52 {dimension_numbers = #tpu.dot_dimension_numbers<[1], [0], [0], [1], [0, 0, 1, 1], [], []>, transpose_lhs_hint = false} : vector<2000x128xf32>, vector<128x128xf32>, vector<2000x128xf32> -> vector<2000x128xf32>
    %div3A = vector.broadcast %max3A_34 : vector<2000x1xf32> to vector<2000x128xf32>
    %div3A_54 = arith.divf %dot_general3A_53, %div3A : vector<2000x128xf32>
    %add3A_55 = arith.addf %add3A_46, %div3A_54 : vector<2000x128xf32>
    %get3A_56 = arith.constant 1 : index
    %get3A_57 = arith.constant 0 : index
    %get3A_58 = arith.constant 0 : index
    %get3A_59 = vector.load %arg5[%get3A_56, %get3A_57, %get3A_58] : memref<2x128x128xf32, #tpu.memory_space<vmem>>, vector<1x128x128xf32>
    %get3A_60 = vector.shape_cast %get3A_59 : vector<1x128x128xf32> to vector<128x128xf32>
    %dot_general3A_61 = arith.constant dense<0.000000e+00> : vector<2000x128xf32>
    %dot_general3A_62 = tpu.matmul %concatenate3A_30, %get3A_60, %dot_general3A_61 {dimension_numbers = #tpu.dot_dimension_numbers<[1], [0], [0], [1], [0, 0, 1, 1], [], []>, transpose_lhs_hint = false} : vector<2000x128xf32>, vector<128x128xf32>, vector<2000x128xf32> -> vector<2000x128xf32>
    %div3A_63 = vector.broadcast %max3A_38 : vector<2000x1xf32> to vector<2000x128xf32>
    %div3A_64 = arith.divf %dot_general3A_62, %div3A_63 : vector<2000x128xf32>
    %add3A_65 = arith.addf %add3A_55, %div3A_64 : vector<2000x128xf32>
    %slice3A_66 = vector.extract_strided_slice %add3A_65 {offsets = [0, 0], sizes = [2000, 64], strides = [1, 1]} : vector<2000x128xf32> to vector<2000x64xf32>
    %swap3A = arith.constant 0 : index
    %swap3A_67 = arith.constant 0 : index
    %swap3A_68 = arith.constant 0 : index
    %swap3A_69 = vector.load %arg8[%swap3A, %swap3A_67, %swap3A_68] : memref<2x2000x64xf32, #tpu.memory_space<vmem>>, vector<1x2000x64xf32>
    %swap3A_70 = vector.shape_cast %swap3A_69 : vector<1x2000x64xf32> to vector<2000x64xf32>
    %swap3A_71 = vector.shape_cast %slice3A_66 : vector<2000x64xf32> to vector<1x2000x64xf32>
    tpu.vector_store %arg8[%swap3A, %swap3A_67, %swap3A_68], %swap3A_71 {strides = array<i32>} : memref<2x2000x64xf32, #tpu.memory_space<vmem>>, vector<1x2000x64xf32>,
    %slice3A_72 = vector.extract_strided_slice %add3A_65 {offsets = [0, 64], sizes = [2000, 64], strides = [1, 1]} : vector<2000x128xf32> to vector<2000x64xf32>
    %swap3A_73 = arith.constant 1 : index
    %swap3A_74 = arith.constant 0 : index
    %swap3A_75 = arith.constant 0 : index
    %swap3A_76 = vector.load %arg8[%swap3A_73, %swap3A_74, %swap3A_75] : memref<2x2000x64xf32, #tpu.memory_space<vmem>>, vector<1x2000x64xf32>
    %swap3A_77 = vector.shape_cast %swap3A_76 : vector<1x2000x64xf32> to vector<2000x64xf32>
    %swap3A_78 = vector.shape_cast %slice3A_72 : vector<2000x64xf32> to vector<1x2000x64xf32>
    tpu.vector_store %arg8[%swap3A_73, %swap3A_74, %swap3A_75], %swap3A_78 {strides = array<i32>} : memref<2x2000x64xf32, #tpu.memory_space<vmem>>, vector<1x2000x64xf32>,
    return
  }
  func.func @transform_0(%arg0: i32) -> (i32, i32, i32) {
    %c0_i32 = arith.constant 0 : i32
    %c0_i32_0 = arith.constant 0 : i32
    %c0_i32_1 = arith.constant 0 : i32
    return %c0_i32, %arg0, %c0_i32_0 : i32, i32, i32
  }
  func.func @transform_1(%arg0: i32) -> (i32, i32, i32) {
    %c0_i32 = arith.constant 0 : i32
    %c0_i32_0 = arith.constant 0 : i32
    %c0_i32_1 = arith.constant 0 : i32
    return %c0_i32, %arg0, %c0_i32_0 : i32, i32, i32
  }
  func.func @transform_2(%arg0: i32) -> (i32, i32, i32) {
    %add3A = arith.constant 5 : i32
    %add3A_0 = arith.addi %arg0, %add3A : i32
    %c0_i32 = arith.constant 0 : i32
    %c0_i32_1 = arith.constant 0 : i32
    %c0_i32_2 = arith.constant 0 : i32
    return %c0_i32, %add3A_0, %c0_i32_1 : i32, i32, i32
  }
  func.func @transform_3(%arg0: i32) -> (i32, i32) {
    %c0_i32 = arith.constant 0 : i32
    %c0_i32_0 = arith.constant 0 : i32
    return %arg0, %c0_i32 : i32, i32
  }
  func.func @transform_4(%arg0: i32) -> (i32, i32, i32) {
    %c0_i32 = arith.constant 0 : i32
    %c0_i32_0 = arith.constant 0 : i32
    %c0_i32_1 = arith.constant 0 : i32
    %c0_i32_2 = arith.constant 0 : i32
    return %c0_i32, %c0_i32_0, %c0_i32_1 : i32, i32, i32
  }
  func.func @transform_5(%arg0: i32) -> (i32, i32) {
    %c0_i32 = arith.constant 0 : i32
    %c0_i32_0 = arith.constant 0 : i32
    %c0_i32_1 = arith.constant 0 : i32
    return %c0_i32, %c0_i32_0 : i32, i32
  }
  func.func @transform_6(%arg0: i32) -> (i32, i32) {
    %c0_i32 = arith.constant 0 : i32
    %c0_i32_0 = arith.constant 0 : i32
    %c0_i32_1 = arith.constant 0 : i32
    return %c0_i32, %c0_i32_0 : i32, i32
  }
  func.func @transform_7(%arg0: i32) -> (i32, i32, i32) {
    %c0_i32 = arith.constant 0 : i32
    %c0_i32_0 = arith.constant 0 : i32
    %c0_i32_1 = arith.constant 0 : i32
    return %c0_i32, %arg0, %c0_i32_0 : i32, i32, i32
  }
}

module attributes {stable_mosaic.version = 14 : i64} {
  func.func @_k3_body(%arg0: i32, %arg1: memref<2x2000x64xf32, #tpu.memory_space<vmem>>, %arg2: memref<2x2000x64xf32, #tpu.memory_space<vmem>>, %arg3: memref<2x2000x64xf32, #tpu.memory_space<vmem>>, %arg4: memref<2000x2xf32, #tpu.memory_space<vmem>>, %arg5: memref<2x128x128xf32, #tpu.memory_space<vmem>>, %arg6: memref<128x128xf32, #tpu.memory_space<vmem>>, %arg7: memref<1x128xf32, #tpu.memory_space<vmem>>, %arg8: memref<128x128xf32, #tpu.memory_space<vmem>>, %arg9: memref<1x128xf32, #tpu.memory_space<vmem>>, %arg10: memref<128x2xf32, #tpu.memory_space<vmem>>, %arg11: memref<1x2xf32, #tpu.memory_space<vmem>>, %arg12: memref<2000x2xf32, #tpu.memory_space<vmem>>) attributes {dimension_semantics = [#tpu.dimension_semantics<arbitrary>], iteration_bounds = array<i64: 5>, scalar_prefetch = 0 : i64, scratch_operands = 0 : i64, tpu.core_type = #tpu.core_type<tc>, window_params = [{transform_indices = @transform_0, window_bounds = array<i64: 2, 2000, 64>}, {transform_indices = @transform_1, window_bounds = array<i64: 2, 2000, 64>}, {transform_indices = @transform_2, window_bounds = array<i64: 2, 2000, 64>}, {transform_indices = @transform_3, window_bounds = array<i64: 2000, 2>}, {pipeline_mode = #tpu.pipeline_mode<synchronous>, transform_indices = @transform_4, window_bounds = array<i64: 2, 128, 128>}, {pipeline_mode = #tpu.pipeline_mode<synchronous>, transform_indices = @transform_5, window_bounds = array<i64: 128, 128>}, {pipeline_mode = #tpu.pipeline_mode<synchronous>, transform_indices = @transform_6, window_bounds = array<i64: 1, 128>}, {pipeline_mode = #tpu.pipeline_mode<synchronous>, transform_indices = @transform_7, window_bounds = array<i64: 128, 128>}, {pipeline_mode = #tpu.pipeline_mode<synchronous>, transform_indices = @transform_8, window_bounds = array<i64: 1, 128>}, {pipeline_mode = #tpu.pipeline_mode<synchronous>, transform_indices = @transform_9, window_bounds = array<i64: 128, 2>}, {pipeline_mode = #tpu.pipeline_mode<synchronous>, transform_indices = @transform_10, window_bounds = array<i64: 1, 2>}, {transform_indices = @transform_11, window_bounds = array<i64: 2000, 2>}]} {
    %get3A = arith.constant 0 : index
    %get3A_0 = arith.constant 0 : index
    %get3A_1 = arith.constant 0 : index
    %get3A_2 = vector.load %arg1[%get3A, %get3A_0, %get3A_1] : memref<2x2000x64xf32, #tpu.memory_space<vmem>>, vector<1x2000x64xf32>
    %get3A_3 = vector.shape_cast %get3A_2 : vector<1x2000x64xf32> to vector<2000x64xf32>
    %get3A_4 = arith.constant 1 : index
    %get3A_5 = arith.constant 0 : index
    %get3A_6 = arith.constant 0 : index
    %get3A_7 = vector.load %arg1[%get3A_4, %get3A_5, %get3A_6] : memref<2x2000x64xf32, #tpu.memory_space<vmem>>, vector<1x2000x64xf32>
    %get3A_8 = vector.shape_cast %get3A_7 : vector<1x2000x64xf32> to vector<2000x64xf32>
    %concatenate3A = tpu.concatenate %get3A_3, %get3A_8 in 1 : vector<2000x64xf32>, vector<2000x64xf32> -> vector<2000x128xf32>
    %get3A_9 = arith.constant 0 : index
    %get3A_10 = arith.constant 0 : index
    %get3A_11 = arith.constant 0 : index
    %get3A_12 = vector.load %arg2[%get3A_9, %get3A_10, %get3A_11] : memref<2x2000x64xf32, #tpu.memory_space<vmem>>, vector<1x2000x64xf32>
    %get3A_13 = vector.shape_cast %get3A_12 : vector<1x2000x64xf32> to vector<2000x64xf32>
    %get3A_14 = arith.constant 1 : index
    %get3A_15 = arith.constant 0 : index
    %get3A_16 = arith.constant 0 : index
    %get3A_17 = vector.load %arg2[%get3A_14, %get3A_15, %get3A_16] : memref<2x2000x64xf32, #tpu.memory_space<vmem>>, vector<1x2000x64xf32>
    %get3A_18 = vector.shape_cast %get3A_17 : vector<1x2000x64xf32> to vector<2000x64xf32>
    %concatenate3A_19 = tpu.concatenate %get3A_13, %get3A_18 in 1 : vector<2000x64xf32>, vector<2000x64xf32> -> vector<2000x128xf32>
    %get3A_20 = arith.constant 0 : index
    %get3A_21 = arith.constant 0 : index
    %get3A_22 = arith.constant 0 : index
    %get3A_23 = vector.load %arg3[%get3A_20, %get3A_21, %get3A_22] : memref<2x2000x64xf32, #tpu.memory_space<vmem>>, vector<1x2000x64xf32>
    %get3A_24 = vector.shape_cast %get3A_23 : vector<1x2000x64xf32> to vector<2000x64xf32>
    %get3A_25 = arith.constant 1 : index
    %get3A_26 = arith.constant 0 : index
    %get3A_27 = arith.constant 0 : index
    %get3A_28 = vector.load %arg3[%get3A_25, %get3A_26, %get3A_27] : memref<2x2000x64xf32, #tpu.memory_space<vmem>>, vector<1x2000x64xf32>
    %get3A_29 = vector.shape_cast %get3A_28 : vector<1x2000x64xf32> to vector<2000x64xf32>
    %concatenate3A_30 = tpu.concatenate %get3A_24, %get3A_29 in 1 : vector<2000x64xf32>, vector<2000x64xf32> -> vector<2000x128xf32>
    %get3A_31 = arith.constant 0 : index
    %get3A_32 = arith.constant 0 : index
    %get3A_33 = vector.load %arg4[%get3A_31, %get3A_32] : memref<2000x2xf32, #tpu.memory_space<vmem>>, vector<2000x2xf32>
    %slice3A = vector.extract_strided_slice %get3A_33 {offsets = [0, 0], sizes = [2000, 1], strides = [1, 1]} : vector<2000x2xf32> to vector<2000x1xf32>
    %jit3A = arith.constant 1.000000e+00 : f32
    %max3A = vector.broadcast %jit3A : f32 to vector<2000x1xf32>
    %max3A_34 = arith.maximumf %max3A, %slice3A : vector<2000x1xf32>
    %slice3A_35 = vector.extract_strided_slice %get3A_33 {offsets = [0, 1], sizes = [2000, 1], strides = [1, 1]} : vector<2000x2xf32> to vector<2000x1xf32>
    %jit3A_36 = arith.constant 1.000000e+00 : f32
    %max3A_37 = vector.broadcast %jit3A_36 : f32 to vector<2000x1xf32>
    %max3A_38 = arith.maximumf %max3A_37, %slice3A_35 : vector<2000x1xf32>
    %get3A_39 = arith.constant 0 : index
    %get3A_40 = arith.constant 0 : index
    %get3A_41 = vector.load %arg6[%get3A_39, %get3A_40] : memref<128x128xf32, #tpu.memory_space<vmem>>, vector<128x128xf32>
    %dot_general3A = arith.constant dense<0.000000e+00> : vector<2000x128xf32>
    %dot_general3A_42 = tpu.matmul %concatenate3A, %get3A_41, %dot_general3A {dimension_numbers = #tpu.dot_dimension_numbers<[1], [0], [0], [1], [0, 0, 1, 1], [], []>, transpose_lhs_hint = false} : vector<2000x128xf32>, vector<128x128xf32>, vector<2000x128xf32> -> vector<2000x128xf32>
    %get3A_43 = arith.constant 0 : index
    %get3A_44 = arith.constant 0 : index
    %get3A_45 = vector.load %arg7[%get3A_43, %get3A_44] : memref<1x128xf32, #tpu.memory_space<vmem>>, vector<1x128xf32>
    %add3A = vector.broadcast %get3A_45 : vector<1x128xf32> to vector<2000x128xf32>
    %add3A_46 = arith.addf %dot_general3A_42, %add3A : vector<2000x128xf32>
    %get3A_47 = arith.constant 0 : index
    %get3A_48 = arith.constant 0 : index
    %get3A_49 = arith.constant 0 : index
    %get3A_50 = vector.load %arg5[%get3A_47, %get3A_48, %get3A_49] : memref<2x128x128xf32, #tpu.memory_space<vmem>>, vector<1x128x128xf32>
    %get3A_51 = vector.shape_cast %get3A_50 : vector<1x128x128xf32> to vector<128x128xf32>
    %dot_general3A_52 = arith.constant dense<0.000000e+00> : vector<2000x128xf32>
    %dot_general3A_53 = tpu.matmul %concatenate3A_19, %get3A_51, %dot_general3A_52 {dimension_numbers = #tpu.dot_dimension_numbers<[1], [0], [0], [1], [0, 0, 1, 1], [], []>, transpose_lhs_hint = false} : vector<2000x128xf32>, vector<128x128xf32>, vector<2000x128xf32> -> vector<2000x128xf32>
    %div3A = vector.broadcast %max3A_34 : vector<2000x1xf32> to vector<2000x128xf32>
    %div3A_54 = arith.divf %dot_general3A_53, %div3A : vector<2000x128xf32>
    %add3A_55 = arith.addf %add3A_46, %div3A_54 : vector<2000x128xf32>
    %get3A_56 = arith.constant 1 : index
    %get3A_57 = arith.constant 0 : index
    %get3A_58 = arith.constant 0 : index
    %get3A_59 = vector.load %arg5[%get3A_56, %get3A_57, %get3A_58] : memref<2x128x128xf32, #tpu.memory_space<vmem>>, vector<1x128x128xf32>
    %get3A_60 = vector.shape_cast %get3A_59 : vector<1x128x128xf32> to vector<128x128xf32>
    %dot_general3A_61 = arith.constant dense<0.000000e+00> : vector<2000x128xf32>
    %dot_general3A_62 = tpu.matmul %concatenate3A_30, %get3A_60, %dot_general3A_61 {dimension_numbers = #tpu.dot_dimension_numbers<[1], [0], [0], [1], [0, 0, 1, 1], [], []>, transpose_lhs_hint = false} : vector<2000x128xf32>, vector<128x128xf32>, vector<2000x128xf32> -> vector<2000x128xf32>
    %div3A_63 = vector.broadcast %max3A_38 : vector<2000x1xf32> to vector<2000x128xf32>
    %div3A_64 = arith.divf %dot_general3A_62, %div3A_63 : vector<2000x128xf32>
    %add3A_65 = arith.addf %add3A_55, %div3A_64 : vector<2000x128xf32>
    %get3A_66 = arith.constant 0 : index
    %get3A_67 = arith.constant 0 : index
    %get3A_68 = vector.load %arg8[%get3A_66, %get3A_67] : memref<128x128xf32, #tpu.memory_space<vmem>>, vector<128x128xf32>
    %dot_general3A_69 = arith.constant dense<0.000000e+00> : vector<2000x128xf32>
    %dot_general3A_70 = tpu.matmul %add3A_65, %get3A_68, %dot_general3A_69 {dimension_numbers = #tpu.dot_dimension_numbers<[1], [0], [0], [1], [0, 0, 1, 1], [], []>, transpose_lhs_hint = false} : vector<2000x128xf32>, vector<128x128xf32>, vector<2000x128xf32> -> vector<2000x128xf32>
    %get3A_71 = arith.constant 0 : index
    %get3A_72 = arith.constant 0 : index
    %get3A_73 = vector.load %arg9[%get3A_71, %get3A_72] : memref<1x128xf32, #tpu.memory_space<vmem>>, vector<1x128xf32>
    %add3A_74 = vector.broadcast %get3A_73 : vector<1x128xf32> to vector<2000x128xf32>
    %add3A_75 = arith.addf %dot_general3A_70, %add3A_74 : vector<2000x128xf32>
    %jit3A_76 = arith.constant 0.00999999977 : f32
    %ge3A = arith.constant 0.000000e+00 : f32
    %ge3A_77 = vector.broadcast %ge3A : f32 to vector<2000x128xf32>
    %ge3A_78 = arith.cmpf oge, %add3A_75, %ge3A_77 : vector<2000x128xf32>
    %mul3A = vector.broadcast %jit3A_76 : f32 to vector<2000x128xf32>
    %mul3A_79 = arith.mulf %mul3A, %add3A_75 : vector<2000x128xf32>
    %select_n3A = arith.select %ge3A_78, %add3A_75, %mul3A_79 : vector<2000x128xi1>, vector<2000x128xf32>
    %get3A_80 = arith.constant 0 : index
    %get3A_81 = arith.constant 0 : index
    %get3A_82 = vector.load %arg10[%get3A_80, %get3A_81] : memref<128x2xf32, #tpu.memory_space<vmem>>, vector<128x2xf32>
    %dot_general3A_83 = arith.constant dense<0.000000e+00> : vector<2000x2xf32>
    %dot_general3A_84 = tpu.matmul %select_n3A, %get3A_82, %dot_general3A_83 {dimension_numbers = #tpu.dot_dimension_numbers<[1], [0], [0], [1], [0, 0, 1, 1], [], []>, transpose_lhs_hint = false} : vector<2000x128xf32>, vector<128x2xf32>, vector<2000x2xf32> -> vector<2000x2xf32>
    %get3A_85 = arith.constant 0 : index
    %get3A_86 = arith.constant 0 : index
    %get3A_87 = vector.load %arg11[%get3A_85, %get3A_86] : memref<1x2xf32, #tpu.memory_space<vmem>>, vector<1x2xf32>
    %add3A_88 = vector.broadcast %get3A_87 : vector<1x2xf32> to vector<2000x2xf32>
    %add3A_89 = arith.addf %dot_general3A_84, %add3A_88 : vector<2000x2xf32>
    %swap3A = arith.constant 0 : index
    %swap3A_90 = arith.constant 0 : index
    %swap3A_91 = vector.load %arg12[%swap3A, %swap3A_90] : memref<2000x2xf32, #tpu.memory_space<vmem>>, vector<2000x2xf32>
    tpu.vector_store %arg12[%swap3A, %swap3A_90], %add3A_89 {strides = array<i32>} : memref<2000x2xf32, #tpu.memory_space<vmem>>, vector<2000x2xf32>,
    return
  }
  func.func @transform_0(%arg0: i32) -> (i32, i32, i32) {
    %c0_i32 = arith.constant 0 : i32
    %c0_i32_0 = arith.constant 0 : i32
    %c0_i32_1 = arith.constant 0 : i32
    return %c0_i32, %arg0, %c0_i32_0 : i32, i32, i32
  }
  func.func @transform_1(%arg0: i32) -> (i32, i32, i32) {
    %c0_i32 = arith.constant 0 : i32
    %c0_i32_0 = arith.constant 0 : i32
    %c0_i32_1 = arith.constant 0 : i32
    return %c0_i32, %arg0, %c0_i32_0 : i32, i32, i32
  }
  func.func @transform_2(%arg0: i32) -> (i32, i32, i32) {
    %add3A = arith.constant 5 : i32
    %add3A_0 = arith.addi %arg0, %add3A : i32
    %c0_i32 = arith.constant 0 : i32
    %c0_i32_1 = arith.constant 0 : i32
    %c0_i32_2 = arith.constant 0 : i32
    return %c0_i32, %add3A_0, %c0_i32_1 : i32, i32, i32
  }
  func.func @transform_3(%arg0: i32) -> (i32, i32) {
    %c0_i32 = arith.constant 0 : i32
    %c0_i32_0 = arith.constant 0 : i32
    return %arg0, %c0_i32 : i32, i32
  }
  func.func @transform_4(%arg0: i32) -> (i32, i32, i32) {
    %c0_i32 = arith.constant 0 : i32
    %c0_i32_0 = arith.constant 0 : i32
    %c0_i32_1 = arith.constant 0 : i32
    %c0_i32_2 = arith.constant 0 : i32
    return %c0_i32, %c0_i32_0, %c0_i32_1 : i32, i32, i32
  }
  func.func @transform_5(%arg0: i32) -> (i32, i32) {
    %c0_i32 = arith.constant 0 : i32
    %c0_i32_0 = arith.constant 0 : i32
    %c0_i32_1 = arith.constant 0 : i32
    return %c0_i32, %c0_i32_0 : i32, i32
  }
  func.func @transform_6(%arg0: i32) -> (i32, i32) {
    %c0_i32 = arith.constant 0 : i32
    %c0_i32_0 = arith.constant 0 : i32
    %c0_i32_1 = arith.constant 0 : i32
    return %c0_i32, %c0_i32_0 : i32, i32
  }
  func.func @transform_7(%arg0: i32) -> (i32, i32) {
    %c0_i32 = arith.constant 0 : i32
    %c0_i32_0 = arith.constant 0 : i32
    %c0_i32_1 = arith.constant 0 : i32
    return %c0_i32, %c0_i32_0 : i32, i32
  }
  func.func @transform_8(%arg0: i32) -> (i32, i32) {
    %c0_i32 = arith.constant 0 : i32
    %c0_i32_0 = arith.constant 0 : i32
    %c0_i32_1 = arith.constant 0 : i32
    return %c0_i32, %c0_i32_0 : i32, i32
  }
  func.func @transform_9(%arg0: i32) -> (i32, i32) {
    %c0_i32 = arith.constant 0 : i32
    %c0_i32_0 = arith.constant 0 : i32
    %c0_i32_1 = arith.constant 0 : i32
    return %c0_i32, %c0_i32_0 : i32, i32
  }
  func.func @transform_10(%arg0: i32) -> (i32, i32) {
    %c0_i32 = arith.constant 0 : i32
    %c0_i32_0 = arith.constant 0 : i32
    %c0_i32_1 = arith.constant 0 : i32
    return %c0_i32, %c0_i32_0 : i32, i32
  }
  func.func @transform_11(%arg0: i32) -> (i32, i32) {
    %c0_i32 = arith.constant 0 : i32
    %c0_i32_0 = arith.constant 0 : i32
    return %arg0, %c0_i32 : i32, i32
  }
}

</mosaic_0001>

<sc_bundles>
// kernel: kernel.11.cloned.1.call-start
scs
__scs_entry_jumppad:
0x0: {  	(pc) =	sbr.rel $0x88, $3  }
0x1: {  	(tag) =	ssettag $0x0;
	lr =	simm.s32 $0x1  }
0x2: {  	[smem:$0x3F86] =	sst lr;
	_ =	strace $0xD0000000  }
0x3: {  	_ = 	snop  }
0x4: {  	_ = 	snop  }
0x5: {  	_ = 	snop  }
0x6: {  	_ = 	snop  }
0x7: {  	_ = 	snop  }
__scs_overlays_trampoline_lowered:
0x8: {  	[smem:$0x3F95] =	sst s0  }
0x9: {  	[smem:$0x3F96] =	sst s1  }
0xa: {  	[smem:$0x3F97] =	sst s2  }
0xb: {  	[smem:$0x3F98] =	sst s3  }
0xc: {  	[smem:$0x3F99] =	sst s4  }
0xd: {  	[smem:$0x3F9A] =	sst s5  }
0xe: {  	[smem:$0x3F9B] =	sst s6  }
0xf: {  	[smem:$0x3F9C] =	sst s7  }
0x10: {  	[smem:$0x3F9D] =	sst s8  }
0x11: {  	[smem:$0x3F9E] =	sst s9;
	s0 =	simm.s32 @!p0 $0x0  }
0x12: {  	s1 =	sld [smem:$0x3F84];
	s0 =	simm.s32 @p0 $0x1  }
0x13: {  	[smem:$0x3F9F] =	sst s0;
	s0 =	simm.s32 @!p1 $0x0  }
0x14: {  	s2 =	sld [smem:$0x3F83];
	s0 =	simm.s32 @p1 $0x1  }
0x15: {  	[smem:$0x3FA0] =	sst s0;
	s0 =	simm.s32 @!p2 $0x0  }
0x16: {  	s3 =	sld [smem:$0x3FDB];
	s0 =	simm.s32 @p2 $0x1  }
0x17: {  	s4 =	simm.s32 $0x1BF5;
	[smem:$0x3FA2] =	sst s0  }
0x18: {  	s0 =	sld [smem:$0x3F85];
	_ =	swait.ge [sflag:s4], $0x0  }
0x19: {  	s7 =	sld [smem:$0x3F86]  }
0x1a: {  	s8 =	sadd.s32 $0xFFFFE003, lr  }
0x1b: {  	s9 =	sadd.s32 $0xFFFFFEF7, lr;
	s5 =	simm.s32 $0xFFFFFFFF;
	p2 =	slt.u32 s8, $0xFFFFF086  }
0x1c: {  	p1 =	slt.u32 s9, $0xF7A;
	s5 =	simm.s32 @!p2 $0x0  }
0x1d: {  	s5 =	simm.s32 @p1 $0x1;
	p0 =	seq.s32 s7, s2  }
0x1e: {  	s7 =	smul.u32 @!p0 $0xF7A, s2;
	p2 =	seq.s32 @!p0 s5, $0x0  }
0x1f: {  	s9 =	smul.u32 $0xF7A, s1;
	s8 =	simm.s32 @!p0 $0x1BF5;
	p2 =	por !p2, p0  }
0x20: {  	[sflag:s8] =	ssyncset.s32 @!p0 $0xFFFFF086;
	s6 =	sadd.s32 @!p0 s3, s7;
	s7 =	simm.s32 @!p0 $0x108  }
0x21: {  	s3 =	sadd.s32 s3, s9;
	s6 =	sadd.s32 @!p0 $0x88, s6;
	s7 =	simm.s32 @p2 $0x1082  }
0x22: {  	[simem:s7], [sflag:s8] =	dma.local @!p0 [hbm:s6], $0xF7A  }
0x23: {  	s9 =	sor.u32 $0xD0000000, s2;
	s6 =	simm.s32 $0x108;
	_ =	swait.ge @!p0 [sflag:s8], $0x0  }
0x24: {  	s3 =	sadd.s32 $0x88, s3;
	s6 =	simm.s32 @!p1 $0x1082;
	[sflag:s4] =	ssyncset.s32 $0xFFFFF086  }
0x25: {  	[simem:s6], [sflag:s4] =	dma.local [hbm:s3], $0xF7A  }
0x26: {  	[smem:$0x3F86] =	sst s1;
	(tag) =	ssettag s2;
	_ =	strace s9  }
0x27: {  	s1 =	sld [smem:$0x3F96]  }
0x28: {  	s2 =	sld [smem:$0x3F97]  }
0x29: {  	s4 =	sld [smem:$0x3F99]  }
0x2a: {  	p0 =	seq.s32 s5, $0x0;
	s5 =	sld [smem:$0x3F9A]  }
0x2b: {  	s6 =	sld [smem:$0x3F9B]  }
0x2c: {  	s7 =	sld [smem:$0x3F9C]  }
0x2d: {  	s3 =	simm.s32 $0x108;
	s8 =	sld [smem:$0x3F9D]  }
0x2e: {  	s3 =	simm.s32 @!p0 $0x1082;
	s9 =	sld [smem:$0x3F9E]  }
0x2f: {  	lr =	sadd.s32 s0, s3;
	s0 =	sld [smem:$0x3F95]  }
0x30: {  	s3 =	sld [smem:$0x3F98]  }
0x31: {  	[smem:$0x3FA1] =	sst s10  }
0x32: {  	s10 =	sld [smem:$0x3F9F];
	_ =	sdelay $0x3  }
0x33: {  	p0 =	seq.s32 s10, $0x1;
	s10 =	sld [smem:$0x3FA1];
	_ =	sdelay $0x3  }
0x34: {  	[smem:$0x3FA1] =	sst s10  }
0x35: {  	s10 =	sld [smem:$0x3FA0];
	_ =	sdelay $0x3  }
0x36: {  	p1 =	seq.s32 s10, $0x1;
	s10 =	sld [smem:$0x3FA1];
	_ =	sdelay $0x3  }
0x37: {  	[smem:$0x3FA1] =	sst s10  }
0x38: {  	s10 =	sld [smem:$0x3FA2]  }
0x39: {  	_ = 	snop;
	(pc) =	sbr.ind lr, $3  }
0x3a: {  	_ = 	snop  }
0x3b: {  	_ = 	snop  }
0x3c: {  	p2 =	seq.s32 s10, $0x1;
	s10 =	sld [smem:$0x3FA1]  }
0x3d: {  	_ =	shalt  }
0x3e: {  	_ =	shalt  }
0x3f: {  	_ =	shalt  }
0x40: {  	_ =	shalt  }
0x41: {  	_ =	shalt  }
0x42: {  	_ =	shalt  }
0x43: {  	_ =	shalt  }
0x44: {  	_ =	shalt  }
0x45: {  	_ =	shalt  }
0x46: {  	_ =	shalt  }
0x47: {  	_ =	shalt  }
0x48: {  	_ =	shalt  }
0x49: {  	_ =	shalt  }
0x4a: {  	_ =	shalt  }
0x4b: {  	_ =	shalt  }
0x4c: {  	_ =	shalt  }
0x4d: {  	_ =	shalt  }
0x4e: {  	_ =	shalt  }
0x4f: {  	_ =	shalt  }
0x50: {  	_ =	shalt  }
0x51: {  	_ =	shalt  }
0x52: {  	_ =	shalt  }
0x53: {  	_ =	shalt  }
0x54: {  	_ =	shalt  }
0x55: {  	_ =	shalt  }
0x56: {  	_ =	shalt  }
0x57: {  	_ =	shalt  }
0x58: {  	_ =	shalt  }
0x59: {  	_ =	shalt  }
0x5a: {  	_ =	shalt  }
0x5b: {  	_ =	shalt  }
0x5c: {  	_ =	shalt  }
0x5d: {  	_ =	shalt  }
0x5e: {  	_ =	shalt  }
0x5f: {  	_ =	shalt  }
0x60: {  	_ =	shalt  }
0x61: {  	_ =	shalt  }
0x62: {  	_ =	shalt  }
0x63: {  	_ =	shalt  }
0x64: {  	_ =	shalt  }
0x65: {  	_ =	shalt  }
0x66: {  	_ =	shalt  }
0x67: {  	_ =	shalt  }
0x68: {  	_ =	shalt  }
0x69: {  	_ =	shalt  }
0x6a: {  	_ =	shalt  }
0x6b: {  	_ =	shalt  }
0x6c: {  	_ =	shalt  }
0x6d: {  	_ =	shalt  }
0x6e: {  	_ =	shalt  }
0x6f: {  	_ =	shalt  }
0x70: {  	_ =	shalt  }
0x71: {  	_ =	shalt  }
0x72: {  	_ =	shalt  }
0x73: {  	_ =	shalt  }
0x74: {  	_ =	shalt  }
0x75: {  	_ =	shalt  }
0x76: {  	_ =	shalt  }
0x77: {  	_ =	shalt  }
0x78: {  	_ =	shalt  }
0x79: {  	_ =	shalt  }
0x7a: {  	_ =	shalt  }
0x7b: {  	_ =	shalt  }
0x7c: {  	_ =	shalt  }
0x7d: {  	_ =	shalt  }
0x7e: {  	_ =	shalt  }
0x7f: {  	_ =	shalt  }
0x80: {  	_ =	shalt  }
0x81: {  	_ =	shalt  }
0x82: {  	_ =	shalt  }
0x83: {  	_ =	shalt  }
0x84: {  	_ =	shalt  }
0x85: {  	_ =	shalt  }
0x86: {  	_ =	shalt  }
0x87: {  	_ =	shalt  }
.Lfunc_end0:
.L_simem_size_0:
called_computation.1_lowered:
.L_overlay_start_0:
0x88: {  	s2 =	sld [smem:$0x3FD9]  }
0x89: {  	s3 =	sld [smem:$0x3FFE];
	_ =	sdelay $0x1  }
0x8a: {  	s1 =	srdreg.scid  }
0x8b: {  	s0 =	sand.u32 $0x1, s1  }
0x8c: {  	s16 =	sshll.u32 s0, $0xA;
	s2 =	sadd.s32 s3, s2  }
0x8d: {  	s2 =	sadd.s32 s2, s16  }
0x8e: {  	[smem:$0x3FAD] =	sst s2  }
0x8f: {  	_ = 	snop  }
0x90: {  	(tm) =	ssettm $0x1  }
0x91: {  	s17 =	sld [smem:$0x3FFB];
	_ =	sdelay $0x3  }
0x92: {  	_ =	strace s17  }
0x93: {  	s2 =	sld [smem:$0x3FFC];
	_ =	sdelay $0x3  }
0x94: {  	_ =	strace s2  }
0x95: {  	s2 =	sld [smem:$0x3FFD];
	_ =	sdelay $0x3  }
0x96: {  	_ =	strace s2  }
0x97: {  	_ =	strace $0x8FFFFFFF  }
0x98: {  	s18 =	sld [smem:$0x3FDB];
	_ =	sdelay $0x1  }
0x99: {  	s19 =	simm.s32 $_scs_section_size  }
0x9a: {  	s4 =	simm.s32 $_size__tile_overlayer_lowered;
	s5 =	simm.s32 $_tile_overlayer_lowered  }
0x9b: {  	s22 =	simm.s32 $0x1BFF;
	s21 =	sshll.u32 s5, $0x1;
	s2 =	sadd.s32 s19, s18  }
0x9c: {  	s6 =	simm.s32 $0x0;
	s20 =	sshll.u32 s4, $0x1;
	s4 =	sadd.s32 s21, s2  }
0x9d: {  	[timem:s6], [sflag:s22] =	dma.local [hbm:s4], s20  }
0x9e: {  	_ =	swait.ge [sflag:s22], s20  }
0x9f: {  	s3 =	ssub.s32 $0x0, s20;
	[sflag:s22] =	ssyncset.done $0x0  }
0xa0: {  	[sflag:s22] =	ssyncadd.s32 s3;
	_ =	sdelay $0x1  }
0xa1: {  	s23 =	simm.s32 $0x1B8B  }
0xa2: {  	_ =	swait.ge [sflag:s23], $0x1  }
0xa3: {  	[sflag:s23] =	ssyncset.done $0x0  }
0xa4: {  	s25 =	simm.s32 $0x1B8E;
	s24 =	sld [smem:$0x3FFE];
	[sflag:s23] =	ssyncadd.s32 $0xFFFFFFFF  }
0xa5: {  	s26 =	simm.s32 $execute0_lowered;
	[smem:$0x3FD2] =	sst s25  }
0xa6: {  	s4 =	sshll.u32 s26, $0x1;
	_ =	strace $0x80000049;
	[dreg:$0x1] =	wrdreg $0xFFFFFFFF  }
0xa7: {  	s28 =	simm.s32 $_size_execute0_lowered;
	s2 =	sadd.s32 s2, s4;
	[dreg:$0x0] =	wrdreg $0x0  }
0xa8: {  	s4 =	sshll.u32 s28, $0x1;
	[dreg:$0x2] =	wrdreg s2  }
0xa9: {  	[dreg:$0x3] =	wrdreg s4  }
0xaa: {  	[dreg:$0x4] =	wrdreg $0xC0  }
0xab: {  	_ =	task [dreg:s6], $0x5FFFF  }
0xac: {  	[dreg:$0x1] =	wrdreg $0xFFFFFFFF  }
0xad: {  	[dreg:$0x0] =	wrdreg $0x60  }
0xae: {  	[dreg:$0x2] =	wrdreg s24  }
0xaf: {  	[dreg:$0x3] =	wrdreg $0x60000  }
0xb0: {  	[dreg:$0x4] =	wrdreg $0x9  }
0xb1: {  	_ =	task.clear_ibuf [dreg:s6], $0x5FFFF;
	_ =	strace $0x90000049  }
0xb2: {  	s29 =	simm.s32 $0x9;
	_ =	strace $0x8000004B  }
0xb3: {  	_ =	swait.ge [sflag:s29], $0x1  }
0xb4: {  	[sflag:s29] =	ssyncadd.s32 $0xFFFFFFFF  }
0xb5: {  	_ =	strace $0x9000004B  }
0xb6: {  	_ =	sfence  }
0xb7: {  	s30 =	sld [smem:$0x0];
	_ =	sdelay $0x2  }
0xb8: {  	s31 =	sshll.u32 s1, $0xD;
	s1 =	sshrl.u32 s1, $0x2  }
0xb9: {  	s3 =	sand.u32 $0x4000, s31;
	s1 =	sadd.s32 s1, s30  }
0xba: {  	s0 =	sor.u32 s3, s0;
	s1 =	sshll.u32 s1, $0x11  }
0xbb: {  	s0 =	sor.u32 s1, s0  }
0xbc: {  	s0 =	sadd.s32 $0x8F2B, s0  }
0xbd: {  	[sflag:s0] =	ssyncadd.remote.s32 $0x1  }
0xbe: {  	_ =	sfence.sel $0xFFFF  }
0xbf: {  	[dreg:$0x0] =	wrdreg $0xFFFFFFFF;
	(pc) =	sbr.abs _section_cstart, $3  }
0xc0: {  	[dreg:$0x1] =	wrdreg $0xFFFFFFFF  }
0xc1: {  	_ =	task.clear_ibuf [dreg:s6], $0x2FFFF;
	_ =	strace $0x9FFFFFFF  }
0xc2: {  	(tm) =	ssettm $0x7FFFFFFF  }
0xc3: {  	_ =	shalt  }
tec
execute0_lowered:
.L_overlay_start_1:
0x0: {  	(tag) =	ssettag $0x1  }
0x1: {  	s10 =	rddreg [dreg:$0x0]  }
0x2: {  	s2 =	rddreg [dreg:$0x1]  }
0x3: {  	s1 =	stileid.u32;
	s5 =	srdreg.scid;
	s3 =	simm.s32 $0x0  }
0x4: {  	s14 =	simm.s32 $0x3800;
	s15 =	simm.s32 $0x1000;
	s16 =	simm.s32 $0x5  }
0x5: {  	s17 =	simm.s32 $0x80;
	s18 =	simm.s32 $0x2000;
	s19 =	simm.s32 $0x1  }
0x6: {  	s20 =	simm.s32 $0x4000;
	s21 =	simm.s32 $0x2;
	s22 =	simm.s32 $0x3  }
0x7: {  	s23 =	simm.s32 $0x4;
	s24 =	simm.s32 $0x0;
	s4 =	smul.u32 $0xA00, s1  }
0x8: {  	s8 =	sand.u32 $0x1, s5;
	s30 =	smul.u32 $0x14000, s1;
	[smem:$0x7FF] =	sst s3  }
0x9: {  	s31 =	sshll.u32 s1, $0x6;
	s6 =	smul.u32 $0x140000, s8;
	_ =	strace $0x8000004A  }
0xa: {  	s7 =	ssub.s32 $0x2, s8;
	s5 =	sor.u32 $0x1C06, s31;
	p0 =	seq.s32 s8, $0x0  }
0xb: {  	s12 =	sadd.s32 s4, s10;
	s4 =	sadd.s32 $0x8CE00, s10;
	s9 =	sshrl.u32 s7, $0x1  }
0xc: {  	s13 =	sadd.s32 s30, s2;
	s14 =	simm.s32 @!p0 $0x17200;
	s6 =	sadd.s32 s30, s6  }
0xd: {  	s9 =	ssub.s32 s7, s9;
	s7 =	sadd.s32 $0x82E00, s12;
	s6 =	sshrl.u32 s6, $0x3  }
0xe: {  	s13 =	sshrl.u32 s13, $0x3;
	s9 =	smax.u32 s9, $0x1;
	s11 =	sadd.s32 s6, s10  }
0xf: {  	s6 =	sadd.s32 $0x78E00, s12;
	s10 =	sadd.s32 s14, s10;
	s14 =	simm.s32 $0x6  }
0x10: {  	s8 =	sadd.s32 $0x90000, s11;
	s11 =	sadd.s32 $0x82F00, s12;
	s12 =	sadd.s32 $0x78F00, s12  }
.LBB2_1:
0x11: {  	[spmem:s13], [sflag:s5] =	dma.local [hbm:s4], $0x2800  }
0x12: {  	_ =	swait.ge [sflag:s14], $0x2800  }
0x13: {  	[sflag:s14] =	ssyncset.done $0x0  }
0x14: {  	[sflag:s14] =	ssyncadd.s32 $0xFFFFD800  }
0x15: {  	[bflag:$0x0] =	sbarrier.arrive $0xFFFF  }
0x16: {  	[tilespmem:s3], [sflag:$0x5] =	stream.linear.gather [hbm4b:s6+s3], $0x800, $0x38;
	[tilespmem:$0x1A000] =	vst v63  }
0x17: {  	_ = 	snop  }
0x18: {  	[tilespmem:s15], [sflag:$0x5] =	stream.linear.gather [hbm4b:s7+s3], $0x800, $0x38;
	[tilespmem:$0x1A000] =	vst v63  }
0x19: {  	_ =	swait.ge [sflag:s16], $0x800  }
0x1a: {  	[sflag:s16] =	ssyncset.done $0x0  }
0x1b: {  	[sflag:s16] =	ssyncadd.s32 $0xFFFFF800  }
0x1c: {  	_ =	swait.ge [sflag:s16], $0x800  }
0x1d: {  	s25 =	smov.u32 s12;
	[sflag:s16] =	ssyncset.done $0x0  }
0x1e: {  	s26 =	smov.u32 s11;
	s28 =	simm.s32 $0x0;
	[sflag:s16] =	ssyncadd.s32 $0xFFFFF800  }
.LBB2_2:
0x1f: {  	s29 =	sand.u32 $0x1, s28;
	p0 =	seq.s32 s28, $0x9  }
0x20: {  	s30 =	sshll.u32 @!p0 s29, $0xB  }
0x21: {  	s0 =	simm.s32 @!p0 $0x0;
	s31 =	sxor.u32 @!p0 $0x800, s30  }
0x22: {  	[tilespmem:s31], [sflag:$0x5] =	stream.linear.gather @!p0 [hbm4b:s25+s0], $0x800, $0x38;
	[tilespmem:$0x1A000] =	vst v63  }
0x23: {  	s30 =	sxor.u32 @!p0 $0x1800, s30  }
0x24: {  	[tilespmem:s30], [sflag:$0x5] =	stream.linear.gather @!p0 [hbm4b:s26+s0], $0x800, $0x38;
	[tilespmem:$0x1A000] =	vst v63  }
0x25: {  	s29 =	sshll.u32 s29, $0xB  }
0x26: {  	[tilespmem:s18], [sflag:$0x1] =	stream.indirect.gather [hbm4b:s10+s17], $0x40, s29, s17, $0xb8;
	[tilespmem:$0x1A000] =	vst v63  }
0x27: {  	_ =	swait.ge [sflag:s19], $0x2000  }
0x28: {  	[sflag:s19] =	ssyncset.done $0x0  }
0x29: {  	s31 =	sor.u32 $0x1000, s29;
	[sflag:s19] =	ssyncadd.s32 $0xFFFFE000  }
0x2a: {  	[spmem:s2] =	stream.indirect.scatter.add.f32 [tilespmem:s18], [sflag:$0x3], $0x40, s31, s17, $0xb8;
	[tilespmem:$0x1A000] =	vst v63  }
0x2b: {  	s30 =	sor.u32 $0x80, s29  }
0x2c: {  	[tilespmem:s20], [sflag:$0x2] =	stream.indirect.gather [hbm4b:s10+s17], $0x40, s30, s17, $0xb8;
	[tilespmem:$0x1A000] =	vst v63  }
0x2d: {  	_ =	swait.ge [sflag:s21], $0x2000  }
0x2e: {  	[sflag:s21] =	ssyncset.done $0x0  }
0x2f: {  	s31 =	sor.u32 $0x1080, s29;
	[sflag:s21] =	ssyncadd.s32 $0xFFFFE000  }
0x30: {  	[spmem:s2] =	stream.indirect.scatter.add.f32 [tilespmem:s20], [sflag:$0x4], $0x40, s31, s17, $0xb8;
	[tilespmem:$0x1A000] =	vst v63  }
0x31: {  	_ =	swait.ge [sflag:s22], $0x2000  }
0x32: {  	[sflag:s22] =	ssyncset.done $0x0  }
0x33: {  	s30 =	sor.u32 $0x100, s29;
	[sflag:s22] =	ssyncadd.s32 $0xFFFFE000  }
0x34: {  	[tilespmem:s18], [sflag:$0x1] =	stream.indirect.gather [hbm4b:s10+s17], $0x40, s30, s17, $0xb8;
	[tilespmem:$0x1A000] =	vst v63  }
0x35: {  	_ =	swait.ge [sflag:s19], $0x2000  }
0x36: {  	[sflag:s19] =	ssyncset.done $0x0  }
0x37: {  	s31 =	sor.u32 $0x1100, s29;
	[sflag:s19] =	ssyncadd.s32 $0xFFFFE000  }
0x38: {  	[spmem:s2] =	stream.indirect.scatter.add.f32 [tilespmem:s18], [sflag:$0x3], $0x40, s31, s17, $0xb8;
	[tilespmem:$0x1A000] =	vst v63  }
0x39: {  	_ =	swait.ge [sflag:s23], $0x2000  }
0x3a: {  	[sflag:s23] =	ssyncset.done $0x0  }
0x3b: {  	s30 =	sor.u32 $0x180, s29;
	[sflag:s23] =	ssyncadd.s32 $0xFFFFE000  }
0x3c: {  	[tilespmem:s20], [sflag:$0x2] =	stream.indirect.gather [hbm4b:s10+s17], $0x40, s30, s17, $0xb8;
	[tilespmem:$0x1A000] =	vst v63  }
0x3d: {  	_ =	swait.ge [sflag:s21], $0x2000  }
0x3e: {  	[sflag:s21] =	ssyncset.done $0x0  }
0x3f: {  	s31 =	sor.u32 $0x1180, s29;
	[sflag:s21] =	ssyncadd.s32 $0xFFFFE000  }
0x40: {  	[spmem:s2] =	stream.indirect.scatter.add.f32 [tilespmem:s20], [sflag:$0x4], $0x40, s31, s17, $0xb8;
	[tilespmem:$0x1A000] =	vst v63  }
0x41: {  	_ =	swait.ge [sflag:s22], $0x2000  }
0x42: {  	[sflag:s22] =	ssyncset.done $0x0  }
0x43: {  	s30 =	sor.u32 $0x200, s29;
	[sflag:s22] =	ssyncadd.s32 $0xFFFFE000  }
0x44: {  	[tilespmem:s18], [sflag:$0x1] =	stream.indirect.gather [hbm4b:s10+s17], $0x40, s30, s17, $0xb8;
	[tilespmem:$0x1A000] =	vst v63  }
0x45: {  	_ =	swait.ge [sflag:s19], $0x2000  }
0x46: {  	[sflag:s19] =	ssyncset.done $0x0  }
0x47: {  	s31 =	sor.u32 $0x1200, s29;
	[sflag:s19] =	ssyncadd.s32 $0xFFFFE000  }
0x48: {  	[spmem:s2] =	stream.indirect.scatter.add.f32 [tilespmem:s18], [sflag:$0x3], $0x40, s31, s17, $0xb8;
	[tilespmem:$0x1A000] =	vst v63  }
0x49: {  	_ =	swait.ge [sflag:s23], $0x2000  }
0x4a: {  	[sflag:s23] =	ssyncset.done $0x0  }
0x4b: {  	s30 =	sor.u32 $0x280, s29;
	[sflag:s23] =	ssyncadd.s32 $0xFFFFE000  }
0x4c: {  	[tilespmem:s20], [sflag:$0x2] =	stream.indirect.gather [hbm4b:s10+s17], $0x40, s30, s17, $0xb8;
	[tilespmem:$0x1A000] =	vst v63  }
0x4d: {  	_ =	swait.ge [sflag:s21], $0x2000  }
0x4e: {  	[sflag:s21] =	ssyncset.done $0x0  }
0x4f: {  	s31 =	sor.u32 $0x1280, s29;
	[sflag:s21] =	ssyncadd.s32 $0xFFFFE000  }
0x50: {  	[spmem:s2] =	stream.indirect.scatter.add.f32 [tilespmem:s20], [sflag:$0x4], $0x40, s31, s17, $0xb8;
	[tilespmem:$0x1A000] =	vst v63  }
0x51: {  	_ =	swait.ge [sflag:s22], $0x2000  }
0x52: {  	[sflag:s22] =	ssyncset.done $0x0  }
0x53: {  	s30 =	sor.u32 $0x300, s29;
	[sflag:s22] =	ssyncadd.s32 $0xFFFFE000  }
0x54: {  	[tilespmem:s18], [sflag:$0x1] =	stream.indirect.gather [hbm4b:s10+s17], $0x40, s30, s17, $0xb8;
	[tilespmem:$0x1A000] =	vst v63  }
0x55: {  	_ =	swait.ge [sflag:s19], $0x2000  }
0x56: {  	[sflag:s19] =	ssyncset.done $0x0  }
0x57: {  	s31 =	sor.u32 $0x1300, s29;
	[sflag:s19] =	ssyncadd.s32 $0xFFFFE000  }
0x58: {  	[spmem:s2] =	stream.indirect.scatter.add.f32 [tilespmem:s18], [sflag:$0x3], $0x40, s31, s17, $0xb8;
	[tilespmem:$0x1A000] =	vst v63  }
0x59: {  	_ =	swait.ge [sflag:s23], $0x2000  }
0x5a: {  	[sflag:s23] =	ssyncset.done $0x0  }
0x5b: {  	s30 =	sor.u32 $0x380, s29;
	[sflag:s23] =	ssyncadd.s32 $0xFFFFE000  }
0x5c: {  	[tilespmem:s20], [sflag:$0x2] =	stream.indirect.gather [hbm4b:s10+s17], $0x40, s30, s17, $0xb8;
	[tilespmem:$0x1A000] =	vst v63  }
0x5d: {  	_ =	swait.ge [sflag:s21], $0x2000  }
0x5e: {  	[sflag:s21] =	ssyncset.done $0x0  }
0x5f: {  	s31 =	sor.u32 $0x1380, s29;
	[sflag:s21] =	ssyncadd.s32 $0xFFFFE000  }
0x60: {  	[spmem:s2] =	stream.indirect.scatter.add.f32 [tilespmem:s20], [sflag:$0x4], $0x40, s31, s17, $0xb8;
	[tilespmem:$0x1A000] =	vst v63  }
0x61: {  	_ =	swait.ge [sflag:s22], $0x2000  }
0x62: {  	[sflag:s22] =	ssyncset.done $0x0  }
0x63: {  	s30 =	sor.u32 $0x400, s29;
	[sflag:s22] =	ssyncadd.s32 $0xFFFFE000  }
0x64: {  	[tilespmem:s18], [sflag:$0x1] =	stream.indirect.gather [hbm4b:s10+s17], $0x40, s30, s17, $0xb8;
	[tilespmem:$0x1A000] =	vst v63  }
0x65: {  	_ =	swait.ge [sflag:s19], $0x2000  }
0x66: {  	[sflag:s19] =	ssyncset.done $0x0  }
0x67: {  	s31 =	sor.u32 $0x1400, s29;
	[sflag:s19] =	ssyncadd.s32 $0xFFFFE000  }
0x68: {  	[spmem:s2] =	stream.indirect.scatter.add.f32 [tilespmem:s18], [sflag:$0x3], $0x40, s31, s17, $0xb8;
	[tilespmem:$0x1A000] =	vst v63  }
0x69: {  	_ =	swait.ge [sflag:s23], $0x2000  }
0x6a: {  	[sflag:s23] =	ssyncset.done $0x0  }
0x6b: {  	s30 =	sor.u32 $0x480, s29;
	[sflag:s23] =	ssyncadd.s32 $0xFFFFE000  }
0x6c: {  	[tilespmem:s20], [sflag:$0x2] =	stream.indirect.gather [hbm4b:s10+s17], $0x40, s30, s17, $0xb8;
	[tilespmem:$0x1A000] =	vst v63  }
0x6d: {  	_ =	swait.ge [sflag:s21], $0x2000  }
0x6e: {  	[sflag:s21] =	ssyncset.done $0x0  }
0x6f: {  	s31 =	sor.u32 $0x1480, s29;
	[sflag:s21] =	ssyncadd.s32 $0xFFFFE000  }
0x70: {  	[spmem:s2] =	stream.indirect.scatter.add.f32 [tilespmem:s20], [sflag:$0x4], $0x40, s31, s17, $0xb8;
	[tilespmem:$0x1A000] =	vst v63  }
0x71: {  	_ =	swait.ge [sflag:s22], $0x2000  }
0x72: {  	[sflag:s22] =	ssyncset.done $0x0  }
0x73: {  	s30 =	sor.u32 $0x500, s29;
	[sflag:s22] =	ssyncadd.s32 $0xFFFFE000  }
0x74: {  	[tilespmem:s18], [sflag:$0x1] =	stream.indirect.gather [hbm4b:s10+s17], $0x40, s30, s17, $0xb8;
	[tilespmem:$0x1A000] =	vst v63  }
0x75: {  	_ =	swait.ge [sflag:s19], $0x2000  }
0x76: {  	[sflag:s19] =	ssyncset.done $0x0  }
0x77: {  	s31 =	sor.u32 $0x1500, s29;
	[sflag:s19] =	ssyncadd.s32 $0xFFFFE000  }
0x78: {  	[spmem:s2] =	stream.indirect.scatter.add.f32 [tilespmem:s18], [sflag:$0x3], $0x40, s31, s17, $0xb8;
	[tilespmem:$0x1A000] =	vst v63  }
0x79: {  	_ =	swait.ge [sflag:s23], $0x2000  }
0x7a: {  	[sflag:s23] =	ssyncset.done $0x0  }
0x7b: {  	s30 =	sor.u32 $0x580, s29;
	[sflag:s23] =	ssyncadd.s32 $0xFFFFE000  }
0x7c: {  	[tilespmem:s20], [sflag:$0x2] =	stream.indirect.gather [hbm4b:s10+s17], $0x40, s30, s17, $0xb8;
	[tilespmem:$0x1A000] =	vst v63  }
0x7d: {  	_ =	swait.ge [sflag:s21], $0x2000  }
0x7e: {  	[sflag:s21] =	ssyncset.done $0x0  }
0x7f: {  	s31 =	sor.u32 $0x1580, s29;
	[sflag:s21] =	ssyncadd.s32 $0xFFFFE000  }
0x80: {  	[spmem:s2] =	stream.indirect.scatter.add.f32 [tilespmem:s20], [sflag:$0x4], $0x40, s31, s17, $0xb8;
	[tilespmem:$0x1A000] =	vst v63  }
0x81: {  	_ =	swait.ge [sflag:s22], $0x2000  }
0x82: {  	[sflag:s22] =	ssyncset.done $0x0  }
0x83: {  	s30 =	sor.u32 $0x600, s29;
	[sflag:s22] =	ssyncadd.s32 $0xFFFFE000  }
0x84: {  	[tilespmem:s18], [sflag:$0x1] =	stream.indirect.gather [hbm4b:s10+s17], $0x40, s30, s17, $0xb8;
	[tilespmem:$0x1A000] =	vst v63  }
0x85: {  	_ =	swait.ge [sflag:s19], $0x2000  }
0x86: {  	[sflag:s19] =	ssyncset.done $0x0  }
0x87: {  	s31 =	sor.u32 $0x1600, s29;
	[sflag:s19] =	ssyncadd.s32 $0xFFFFE000  }
0x88: {  	[spmem:s2] =	stream.indirect.scatter.add.f32 [tilespmem:s18], [sflag:$0x3], $0x40, s31, s17, $0xb8;
	[tilespmem:$0x1A000] =	vst v63  }
0x89: {  	_ =	swait.ge [sflag:s23], $0x2000  }
0x8a: {  	[sflag:s23] =	ssyncset.done $0x0  }
0x8b: {  	s30 =	sor.u32 $0x680, s29;
	[sflag:s23] =	ssyncadd.s32 $0xFFFFE000  }
0x8c: {  	[tilespmem:s20], [sflag:$0x2] =	stream.indirect.gather [hbm4b:s10+s17], $0x40, s30, s17, $0xb8;
	[tilespmem:$0x1A000] =	vst v63  }
0x8d: {  	_ =	swait.ge [sflag:s21], $0x2000  }
0x8e: {  	[sflag:s21] =	ssyncset.done $0x0  }
0x8f: {  	s31 =	sor.u32 $0x1680, s29;
	[sflag:s21] =	ssyncadd.s32 $0xFFFFE000  }
0x90: {  	[spmem:s2] =	stream.indirect.scatter.add.f32 [tilespmem:s20], [sflag:$0x4], $0x40, s31, s17, $0xb8;
	[tilespmem:$0x1A000] =	vst v63  }
0x91: {  	_ =	swait.ge [sflag:s22], $0x2000  }
0x92: {  	[sflag:s22] =	ssyncset.done $0x0  }
0x93: {  	s30 =	sor.u32 $0x700, s29;
	[sflag:s22] =	ssyncadd.s32 $0xFFFFE000  }
0x94: {  	[tilespmem:s18], [sflag:$0x1] =	stream.indirect.gather [hbm4b:s10+s17], $0x40, s30, s17, $0xb8;
	[tilespmem:$0x1A000] =	vst v63  }
0x95: {  	_ =	swait.ge [sflag:s19], $0x2000  }
0x96: {  	[sflag:s19] =	ssyncset.done $0x0  }
0x97: {  	s31 =	sor.u32 $0x1700, s29;
	[sflag:s19] =	ssyncadd.s32 $0xFFFFE000  }
0x98: {  	[spmem:s2] =	stream.indirect.scatter.add.f32 [tilespmem:s18], [sflag:$0x3], $0x40, s31, s17, $0xb8;
	[tilespmem:$0x1A000] =	vst v63  }
0x99: {  	_ =	swait.ge [sflag:s23], $0x2000  }
0x9a: {  	[sflag:s23] =	ssyncset.done $0x0  }
0x9b: {  	s30 =	sor.u32 $0x780, s29;
	[sflag:s23] =	ssyncadd.s32 $0xFFFFE000  }
0x9c: {  	[tilespmem:s20], [sflag:$0x2] =	stream.indirect.gather [hbm4b:s10+s17], $0x40, s30, s17, $0xb8;
	[tilespmem:$0x1A000] =	vst v63  }
0x9d: {  	_ =	swait.ge [sflag:s21], $0x2000  }
0x9e: {  	[sflag:s21] =	ssyncset.done $0x0  }
0x9f: {  	s31 =	sor.u32 $0x1780, s29;
	[sflag:s21] =	ssyncadd.s32 $0xFFFFE000  }
0xa0: {  	[spmem:s2] =	stream.indirect.scatter.add.f32 [tilespmem:s20], [sflag:$0x4], $0x40, s31, s17, $0xb8;
	[tilespmem:$0x1A000] =	vst v63  }
0xa1: {  	_ =	swait.ge [sflag:s22], $0x2000  }
0xa2: {  	[sflag:s22] =	ssyncset.done $0x0  }
0xa3: {  	[sflag:s22] =	ssyncadd.s32 $0xFFFFE000  }
0xa4: {  	_ =	swait.ge [sflag:s23], $0x2000  }
0xa5: {  	s28 =	sadd.s32 $0x1, s28;
	[sflag:s23] =	ssyncset.done $0x0  }
0xa6: {  	p1 =	sne.s32 @!p0 s28, $0xA;
	s0 =	simm.s32 @!p0 $0x5;
	[sflag:s23] =	ssyncadd.s32 $0xFFFFE000  }
0xa7: {  	p1 =	por p0, !p1;
	_ =	swait.ge @!p0 [sflag:s0], $0x800  }
.Ltmp0:
0xa8: {  	[sflag:s0] =	ssyncset.done @!p0 $0x0;
	(pc) =	sbr.rel @!p1 .LBB2_2-.Ltmp0, $4  }
0xa9: {  	[sflag:s0] =	ssyncadd.s32 @!p0 $0xFFFFF800  }
0xaa: {  	_ =	swait.ge @!p0 [sflag:s0], $0x800  }
0xab: {  	[sflag:s0] =	ssyncset.done @!p0 $0x0  }
0xac: {  	s25 =	sadd.s32 @!p0 $0x100, s25;
	s26 =	sadd.s32 @!p0 $0x100, s26;
	[sflag:s0] =	ssyncadd.s32 @!p0 $0xFFFFF800  }
0xad: {  	s24 =	sadd.s32 $0x1, s24  }
0xae: {  	p0 =	sne.s32 s24, s9  }
.Ltmp1:
0xaf: {  	[bflag:$0x0] =	sbarrier.arrive $0xFFFF;
	(pc) =	sbr.rel @p0 .LBB2_1-.Ltmp1, $4  }
0xb0: {  	[hbm:s8], [sflag:s5] =	dma.local [spmem:s13], $0x2800  }
0xb1: {  	_ =	swait.ge [sflag:s14], $0x2800  }
0xb2: {  	[sflag:s14] =	ssyncset.done $0x0  }
0xb3: {  	[sflag:s14] =	ssyncadd.s32 $0xFFFFD800  }
0xb4: {  	_ =	sfence.sel $0x180000  }
0xb5: {  	[bflag:$0x0] =	sbarrier.arrive $0xFFFF  }
0xb6: {  	_ =	strace $0x9000004A  }
0xb7: {  	[bflag:$0x2] =	sbarrier.arrive $0xFFFF  }
0xb8: {  	p0 =	sne.s32 s1, $0x0;
	s0 =	rddreg [dreg:$0x2]  }
0xb9: {  	s0 =	sadd.s32 @!p0 $0x100000, s0  }
0xba: {  	[sflag:s0] =	ssyncadd.tile.s32 @!p0 $0x1;
	_ =	shalt  }
.Lfunc_end2:
_tile_overlayer_lowered:
.L_overlay_start_2:
0xbb: {  	(tag) =	ssettag $0x2  }
0xbc: {  	s0 =	rddreg [dreg:$0x0];
	s2 =	stileid.u32  }
0xbd: {  	s1 =	rddreg [dreg:$0x1];
	p0 =	sne.s32 s2, $0x0  }
0xbe: {  	s3 =	rddreg [dreg:$0x2];
	[bflag:$0x3] =	sbarrier.arrive $0xFFFF;
	s2 =	simm.s32 @!p0 $0x1C06  }
0xbf: {  	[timem:s3], [sflag:s2] =	dma.local @!p0 [hbm:s0], s1  }
0xc0: {  	s0 =	simm.s32 @!p0 $0x6  }
0xc1: {  	_ =	swait.ge @!p0 [sflag:s0], s1  }
0xc2: {  	s1 =	ssub.s32 @!p0 $0x0, s1;
	[sflag:s0] =	ssyncset.done @!p0 $0x0  }
0xc3: {  	[sflag:s0] =	ssyncadd.s32 @!p0 s1  }
0xc4: {  	[bflag:$0x3] =	sbarrier.arrive $0xFFFF  }
0xc5: {  	_ =	shalt  }

// kernel: kernel.8.cloned.1.call-start
scs
__scs_entry_jumppad:
0x0: {  	(pc) =	sbr.rel $0x88, $3  }
0x1: {  	(tag) =	ssettag $0x0;
	lr =	simm.s32 $0x1  }
0x2: {  	[smem:$0x3F86] =	sst lr;
	_ =	strace $0xD0000000  }
0x3: {  	_ = 	snop  }
0x4: {  	_ = 	snop  }
0x5: {  	_ = 	snop  }
0x6: {  	_ = 	snop  }
0x7: {  	_ = 	snop  }
__scs_overlays_trampoline_lowered:
0x8: {  	[smem:$0x3F95] =	sst s0  }
0x9: {  	[smem:$0x3F96] =	sst s1  }
0xa: {  	[smem:$0x3F97] =	sst s2  }
0xb: {  	[smem:$0x3F98] =	sst s3  }
0xc: {  	[smem:$0x3F99] =	sst s4  }
0xd: {  	[smem:$0x3F9A] =	sst s5  }
0xe: {  	[smem:$0x3F9B] =	sst s6  }
0xf: {  	[smem:$0x3F9C] =	sst s7  }
0x10: {  	[smem:$0x3F9D] =	sst s8  }
0x11: {  	[smem:$0x3F9E] =	sst s9;
	s0 =	simm.s32 @!p0 $0x0  }
0x12: {  	s1 =	sld [smem:$0x3F84];
	s0 =	simm.s32 @p0 $0x1  }
0x13: {  	[smem:$0x3F9F] =	sst s0;
	s0 =	simm.s32 @!p1 $0x0  }
0x14: {  	s2 =	sld [smem:$0x3F83];
	s0 =	simm.s32 @p1 $0x1  }
0x15: {  	[smem:$0x3FA0] =	sst s0;
	s0 =	simm.s32 @!p2 $0x0  }
0x16: {  	s3 =	sld [smem:$0x3FDB];
	s0 =	simm.s32 @p2 $0x1  }
0x17: {  	s4 =	simm.s32 $0x1BF5;
	[smem:$0x3FA2] =	sst s0  }
0x18: {  	s0 =	sld [smem:$0x3F85];
	_ =	swait.ge [sflag:s4], $0x0  }
0x19: {  	s7 =	sld [smem:$0x3F86]  }
0x1a: {  	s8 =	sadd.s32 $0xFFFFE003, lr  }
0x1b: {  	s9 =	sadd.s32 $0xFFFFFEF7, lr;
	s5 =	simm.s32 $0xFFFFFFFF;
	p2 =	slt.u32 s8, $0xFFFFF086  }
0x1c: {  	p1 =	slt.u32 s9, $0xF7A;
	s5 =	simm.s32 @!p2 $0x0  }
0x1d: {  	s5 =	simm.s32 @p1 $0x1;
	p0 =	seq.s32 s7, s2  }
0x1e: {  	s7 =	smul.u32 @!p0 $0xF7A, s2;
	p2 =	seq.s32 @!p0 s5, $0x0  }
0x1f: {  	s9 =	smul.u32 $0xF7A, s1;
	s8 =	simm.s32 @!p0 $0x1BF5;
	p2 =	por !p2, p0  }
0x20: {  	[sflag:s8] =	ssyncset.s32 @!p0 $0xFFFFF086;
	s6 =	sadd.s32 @!p0 s3, s7;
	s7 =	simm.s32 @!p0 $0x108  }
0x21: {  	s3 =	sadd.s32 s3, s9;
	s6 =	sadd.s32 @!p0 $0x88, s6;
	s7 =	simm.s32 @p2 $0x1082  }
0x22: {  	[simem:s7], [sflag:s8] =	dma.local @!p0 [hbm:s6], $0xF7A  }
0x23: {  	s9 =	sor.u32 $0xD0000000, s2;
	s6 =	simm.s32 $0x108;
	_ =	swait.ge @!p0 [sflag:s8], $0x0  }
0x24: {  	s3 =	sadd.s32 $0x88, s3;
	s6 =	simm.s32 @!p1 $0x1082;
	[sflag:s4] =	ssyncset.s32 $0xFFFFF086  }
0x25: {  	[simem:s6], [sflag:s4] =	dma.local [hbm:s3], $0xF7A  }
0x26: {  	[smem:$0x3F86] =	sst s1;
	(tag) =	ssettag s2;
	_ =	strace s9  }
0x27: {  	s1 =	sld [smem:$0x3F96]  }
0x28: {  	s2 =	sld [smem:$0x3F97]  }
0x29: {  	s4 =	sld [smem:$0x3F99]  }
0x2a: {  	p0 =	seq.s32 s5, $0x0;
	s5 =	sld [smem:$0x3F9A]  }
0x2b: {  	s6 =	sld [smem:$0x3F9B]  }
0x2c: {  	s7 =	sld [smem:$0x3F9C]  }
0x2d: {  	s3 =	simm.s32 $0x108;
	s8 =	sld [smem:$0x3F9D]  }
0x2e: {  	s3 =	simm.s32 @!p0 $0x1082;
	s9 =	sld [smem:$0x3F9E]  }
0x2f: {  	lr =	sadd.s32 s0, s3;
	s0 =	sld [smem:$0x3F95]  }
0x30: {  	s3 =	sld [smem:$0x3F98]  }
0x31: {  	[smem:$0x3FA1] =	sst s10  }
0x32: {  	s10 =	sld [smem:$0x3F9F];
	_ =	sdelay $0x3  }
0x33: {  	p0 =	seq.s32 s10, $0x1;
	s10 =	sld [smem:$0x3FA1];
	_ =	sdelay $0x3  }
0x34: {  	[smem:$0x3FA1] =	sst s10  }
0x35: {  	s10 =	sld [smem:$0x3FA0];
	_ =	sdelay $0x3  }
0x36: {  	p1 =	seq.s32 s10, $0x1;
	s10 =	sld [smem:$0x3FA1];
	_ =	sdelay $0x3  }
0x37: {  	[smem:$0x3FA1] =	sst s10  }
0x38: {  	s10 =	sld [smem:$0x3FA2]  }
0x39: {  	_ = 	snop;
	(pc) =	sbr.ind lr, $3  }
0x3a: {  	_ = 	snop  }
0x3b: {  	_ = 	snop  }
0x3c: {  	p2 =	seq.s32 s10, $0x1;
	s10 =	sld [smem:$0x3FA1]  }
0x3d: {  	_ =	shalt  }
0x3e: {  	_ =	shalt  }
0x3f: {  	_ =	shalt  }
0x40: {  	_ =	shalt  }
0x41: {  	_ =	shalt  }
0x42: {  	_ =	shalt  }
0x43: {  	_ =	shalt  }
0x44: {  	_ =	shalt  }
0x45: {  	_ =	shalt  }
0x46: {  	_ =	shalt  }
0x47: {  	_ =	shalt  }
0x48: {  	_ =	shalt  }
0x49: {  	_ =	shalt  }
0x4a: {  	_ =	shalt  }
0x4b: {  	_ =	shalt  }
0x4c: {  	_ =	shalt  }
0x4d: {  	_ =	shalt  }
0x4e: {  	_ =	shalt  }
0x4f: {  	_ =	shalt  }
0x50: {  	_ =	shalt  }
0x51: {  	_ =	shalt  }
0x52: {  	_ =	shalt  }
0x53: {  	_ =	shalt  }
0x54: {  	_ =	shalt  }
0x55: {  	_ =	shalt  }
0x56: {  	_ =	shalt  }
0x57: {  	_ =	shalt  }
0x58: {  	_ =	shalt  }
0x59: {  	_ =	shalt  }
0x5a: {  	_ =	shalt  }
0x5b: {  	_ =	shalt  }
0x5c: {  	_ =	shalt  }
0x5d: {  	_ =	shalt  }
0x5e: {  	_ =	shalt  }
0x5f: {  	_ =	shalt  }
0x60: {  	_ =	shalt  }
0x61: {  	_ =	shalt  }
0x62: {  	_ =	shalt  }
0x63: {  	_ =	shalt  }
0x64: {  	_ =	shalt  }
0x65: {  	_ =	shalt  }
0x66: {  	_ =	shalt  }
0x67: {  	_ =	shalt  }
0x68: {  	_ =	shalt  }
0x69: {  	_ =	shalt  }
0x6a: {  	_ =	shalt  }
0x6b: {  	_ =	shalt  }
0x6c: {  	_ =	shalt  }
0x6d: {  	_ =	shalt  }
0x6e: {  	_ =	shalt  }
0x6f: {  	_ =	shalt  }
0x70: {  	_ =	shalt  }
0x71: {  	_ =	shalt  }
0x72: {  	_ =	shalt  }
0x73: {  	_ =	shalt  }
0x74: {  	_ =	shalt  }
0x75: {  	_ =	shalt  }
0x76: {  	_ =	shalt  }
0x77: {  	_ =	shalt  }
0x78: {  	_ =	shalt  }
0x79: {  	_ =	shalt  }
0x7a: {  	_ =	shalt  }
0x7b: {  	_ =	shalt  }
0x7c: {  	_ =	shalt  }
0x7d: {  	_ =	shalt  }
0x7e: {  	_ =	shalt  }
0x7f: {  	_ =	shalt  }
0x80: {  	_ =	shalt  }
0x81: {  	_ =	shalt  }
0x82: {  	_ =	shalt  }
0x83: {  	_ =	shalt  }
0x84: {  	_ =	shalt  }
0x85: {  	_ =	shalt  }
0x86: {  	_ =	shalt  }
0x87: {  	_ =	shalt  }
.Lfunc_end0:
.L_simem_size_0:
called_computation_lowered:
.L_overlay_start_0:
0x88: {  	s2 =	sld [smem:$0x3FD9]  }
0x89: {  	s3 =	sld [smem:$0x3FFE];
	_ =	sdelay $0x1  }
0x8a: {  	s1 =	srdreg.scid  }
0x8b: {  	s0 =	sand.u32 $0x1, s1  }
0x8c: {  	s17 =	sshll.u32 s0, $0xA;
	s2 =	sadd.s32 s3, s2  }
0x8d: {  	s2 =	sadd.s32 s2, s17  }
0x8e: {  	[smem:$0x3FAD] =	sst s2  }
0x8f: {  	_ = 	snop  }
0x90: {  	s2 =	sld [smem:$0x3FD0];
	(tm) =	ssettm $0x1  }
0x91: {  	s18 =	sld [smem:$0x3FFB];
	_ =	sdelay $0x3  }
0x92: {  	_ =	strace s18  }
0x93: {  	s3 =	sld [smem:$0x3FFC];
	_ =	sdelay $0x3  }
0x94: {  	_ =	strace s3  }
0x95: {  	s3 =	sld [smem:$0x3FFD];
	_ =	sdelay $0x3  }
0x96: {  	_ =	strace s3  }
0x97: {  	_ =	strace $0x8FFFFFFF  }
0x98: {  	s19 =	sld [smem:$0x3FDB];
	_ =	sdelay $0x1  }
0x99: {  	s4 =	simm.s32 $_scs_section_size  }
0x9a: {  	s5 =	simm.s32 $_size__tile_overlayer_lowered;
	s6 =	simm.s32 $_tile_overlayer_lowered  }
0x9b: {  	s22 =	simm.s32 $0x1BFF;
	s21 =	sshll.u32 s6, $0x1;
	s3 =	sadd.s32 s4, s19  }
0x9c: {  	s7 =	simm.s32 $0x0;
	s20 =	sshll.u32 s5, $0x1;
	s5 =	sadd.s32 s21, s3  }
0x9d: {  	[timem:s7], [sflag:s22] =	dma.local [hbm:s5], s20  }
0x9e: {  	_ =	swait.ge [sflag:s22], s20  }
0x9f: {  	s4 =	ssub.s32 $0x0, s20;
	[sflag:s22] =	ssyncset.done $0x0  }
0xa0: {  	[sflag:s22] =	ssyncadd.s32 s4;
	_ =	sdelay $0x1  }
0xa1: {  	s23 =	simm.s32 $0x1B8B  }
0xa2: {  	_ =	swait.ge [sflag:s23], $0x1  }
0xa3: {  	[sflag:s23] =	ssyncset.done $0x0  }
0xa4: {  	s25 =	simm.s32 $0x1B8E;
	s24 =	sld [smem:$0x3FFE];
	[sflag:s23] =	ssyncadd.s32 $0xFFFFFFFF  }
0xa5: {  	s26 =	simm.s32 $execute0_lowered;
	[smem:$0x3FD2] =	sst s25  }
0xa6: {  	s5 =	sshll.u32 s26, $0x1;
	_ =	strace $0x80000046;
	[dreg:$0x1] =	wrdreg $0xFFFFFFFF  }
0xa7: {  	s28 =	simm.s32 $_size_execute0_lowered;
	s3 =	sadd.s32 s3, s5;
	[dreg:$0x0] =	wrdreg $0x0  }
0xa8: {  	s5 =	sshll.u32 s28, $0x1;
	[dreg:$0x2] =	wrdreg s3  }
0xa9: {  	[dreg:$0x3] =	wrdreg s5  }
0xaa: {  	[dreg:$0x4] =	wrdreg $0xC0  }
0xab: {  	_ =	task [dreg:s7], $0x5FFFF  }
0xac: {  	[dreg:$0x1] =	wrdreg $0xFFFFFFFF  }
0xad: {  	[dreg:$0x0] =	wrdreg $0x60  }
0xae: {  	[dreg:$0x2] =	wrdreg s24  }
0xaf: {  	[dreg:$0x3] =	wrdreg s2  }
0xb0: {  	[dreg:$0x4] =	wrdreg $0x68000  }
0xb1: {  	[dreg:$0x5] =	wrdreg $0x1A8000  }
0xb2: {  	[dreg:$0x6] =	wrdreg $0x9  }
0xb3: {  	_ =	task.clear_ibuf [dreg:s7], $0x7FFFF;
	_ =	strace $0x90000046  }
0xb4: {  	s29 =	simm.s32 $0x9;
	_ =	strace $0x80000048  }
0xb5: {  	_ =	swait.ge [sflag:s29], $0x1  }
0xb6: {  	[sflag:s29] =	ssyncadd.s32 $0xFFFFFFFF  }
0xb7: {  	_ =	strace $0x90000048  }
0xb8: {  	_ =	sfence  }
0xb9: {  	s30 =	sld [smem:$0x0];
	_ =	sdelay $0x2  }
0xba: {  	s31 =	sshll.u32 s1, $0xD;
	s1 =	sshrl.u32 s1, $0x2  }
0xbb: {  	s3 =	sand.u32 $0x4000, s31;
	s1 =	sadd.s32 s1, s30  }
0xbc: {  	s0 =	sor.u32 s3, s0;
	s1 =	sshll.u32 s1, $0x11  }
0xbd: {  	s0 =	sor.u32 s1, s0  }
0xbe: {  	s0 =	sadd.s32 $0x8F2B, s0  }
0xbf: {  	[sflag:s0] =	ssyncadd.remote.s32 $0x1  }
0xc0: {  	_ =	sfence.sel $0xFFFF  }
0xc1: {  	[dreg:$0x0] =	wrdreg $0xFFFFFFFF;
	(pc) =	sbr.abs _section_cstart, $3  }
0xc2: {  	[dreg:$0x1] =	wrdreg $0xFFFFFFFF  }
0xc3: {  	_ =	task.clear_ibuf [dreg:s7], $0x2FFFF;
	_ =	strace $0x9FFFFFFF  }
0xc4: {  	(tm) =	ssettm $0x7FFFFFFF  }
0xc5: {  	_ =	shalt  }
tec
execute0_lowered:
.L_overlay_start_1:
0x0: {  	(tag) =	ssettag $0x1  }
0x1: {  	s0 =	rddreg [dreg:$0x0]  }
0x2: {  	s2 =	rddreg [dreg:$0x2]  }
0x3: {  	s4 =	rddreg [dreg:$0x3];
	s1 =	simm.s32 $0x0;
	s13 =	stileid.u32  }
0x4: {  	s3 =	srdreg.scid;
	s28 =	simm.s32 $0x1;
	s29 =	simm.s32 $0x3  }
0x5: {  	s30 =	simm.s32 $0x4;
	s31 =	simm.s32 $0x4000;
	s18 =	smul.u32 $0xA00, s13  }
0x6: {  	[smem:$0x7FF] =	sst s1;
	s3 =	sand.u32 $0x1, s3;
	s5 =	smul.u32 $0x14000, s13  }
0x7: {  	s12 =	sadd.s32 $0x51A00, s0;
	s7 =	sadd.s32 $0x65400, s0;
	s8 =	sadd.s32 $0x8CE00, s0  }
0x8: {  	s19 =	smul.u32 $0x5000, s13;
	s9 =	sadd.s32 $0x8F600, s0;
	s23 =	sshll.u32 s13, $0x6  }
0x9: {  	_ =	strace $0x80000047;
	s6 =	smul.u32 $0x140000, s3;
	[dreg:$0x5] =	wrdreg s8  }
0xa: {  	[dreg:$0x6] =	wrdreg s9;
	s20 =	ssub.s32 $0x2, s3;
	p0 =	seq.s32 s3, $0x0  }
0xb: {  	s16 =	smov.u32 s7;
	s1 =	sadd.s32 s18, s0;
	s10 =	sshrl.u32 s19, $0x3  }
0xc: {  	s11 =	sshrl.u32 s20, $0x1;
	s21 =	sadd.s32 s5, s2;
	s16 =	smov.u32 @p0 s12  }
0xd: {  	p0 =	sne.s32 s3, $0x0;
	s3 =	simm.s32 $0x0;
	s6 =	sadd.s32 s5, s6  }
0xe: {  	s9 =	ssub.s32 s20, s11;
	s5 =	sshrl.u32 s5, $0x2;
	s24 =	sadd.s32 $0x78E00, s1  }
0xf: {  	s25 =	sadd.s32 $0x82E00, s1;
	s22 =	sadd.s32 $0x78F00, s1;
	s20 =	simm.s32 $0x7  }
0x10: {  	s6 =	sshrl.u32 s6, $0x3;
	s17 =	sadd.s32 s5, s4;
	[dreg:$0x7] =	wrdreg s24  }
0x11: {  	[dreg:$0x8] =	wrdreg s25;
	s15 =	smax.u32 s9, $0x1;
	s6 =	sadd.s32 s6, s0  }
0x12: {  	s5 =	sadd.s32 $0x82F00, s1;
	s0 =	sadd.s32 s10, s0;
	s26 =	sadd.s32 $0x90000, s6  }
0x13: {  	s24 =	simm.s32 $0x80;
	s0 =	sadd.s32 $0xE0000, s0;
	[dreg:$0x9] =	wrdreg s26  }
0x14: {  	s10 =	sor.u32 $0x1C07, s23;
	s23 =	simm.s32 $0x6;
	[dreg:$0xa] =	wrdreg s0  }
0x15: {  	s0 =	sadd.s32 s19, s4;
	s19 =	sshrl.u32 s21, $0x3;
	s21 =	sshrl.u32 @!p0 s17, $0x3  }
0x16: {  	s26 =	simm.s32 $0x2000;
	s25 =	sshrl.u32 @!p0 s0, $0x3;
	s0 =	simm.s32 $0x2  }
.LBB2_1:
0x17: {  	s1 =	rddreg [dreg:$0x5]  }
0x18: {  	[spmem:s19], [sflag:s10] =	dma.local [hbm:s1], $0x2800  }
0x19: {  	_ =	swait.ge [sflag:s20], $0x2800  }
0x1a: {  	[sflag:s20] =	ssyncset.done $0x0  }
0x1b: {  	s6 =	simm.s32 @!p0 $0x7;
	s1 =	rddreg [dreg:$0x6];
	[sflag:s20] =	ssyncadd.s32 $0xFFFFD800  }
0x1c: {  	[spmem:s21], [sflag:s10] =	dma.local @!p0 [hbm:s1], $0xA00  }
0x1d: {  	_ =	swait.ge @!p0 [sflag:s6], $0xA00  }
0x1e: {  	[sflag:s6] =	ssyncset.done @!p0 $0x0  }
0x1f: {  	[sflag:s6] =	ssyncadd.s32 @!p0 $0xFFFFF600  }
0x20: {  	s8 =	simm.s32 @!p0 $0x0;
	s1 =	simm.s32 @!p0 $0x6000;
	s9 =	rddreg [dreg:$0x1]  }
0x21: {  	[tilespmem:s1], [sflag:$0x7] =	stream.linear.gather @!p0 [hbm4b:s9+s8], $0x800, $0x38;
	[tilespmem:$0x1F800] =	vst v63  }
0x22: {  	_ =	swait.ge @!p0 [sflag:s6], $0x800  }
0x23: {  	[sflag:s6] =	ssyncset.done @!p0 $0x0  }
0x24: {  	[sflag:s6] =	ssyncadd.s32 @!p0 $0xFFFFF800  }
0x25: {  	[bflag:$0x0] =	sbarrier.arrive $0xFFFF  }
0x26: {  	s13 =	simm.s32 $0x0;
	s14 =	rddreg [dreg:$0x7]  }
0x27: {  	[tilespmem:s13], [sflag:$0x6] =	stream.linear.gather [hbm4b:s14+s13], $0x800, $0x38;
	[tilespmem:$0x1F800] =	vst v63  }
0x28: {  	s18 =	simm.s32 $0x1000;
	s17 =	rddreg [dreg:$0x8]  }
0x29: {  	[tilespmem:s18], [sflag:$0x6] =	stream.linear.gather [hbm4b:s17+s13], $0x800, $0x38;
	[tilespmem:$0x1F800] =	vst v63  }
0x2a: {  	_ =	swait.ge [sflag:s23], $0x800  }
0x2b: {  	[sflag:s23] =	ssyncset.done $0x0  }
0x2c: {  	[sflag:s23] =	ssyncadd.s32 $0xFFFFF800  }
0x2d: {  	_ =	swait.ge [sflag:s23], $0x800  }
0x2e: {  	s8 =	simm.s32 $0x0;
	[sflag:s23] =	ssyncset.done $0x0  }
0x2f: {  	s18 =	smov.u32 s22;
	s17 =	smov.u32 s5;
	[sflag:s23] =	ssyncadd.s32 $0xFFFFF800  }
.LBB2_2:
0x30: {  	s6 =	sand.u32 $0x1, s8;
	p1 =	seq.s32 s8, $0x9  }
0x31: {  	s9 =	sshll.u32 @!p1 s6, $0xB  }
0x32: {  	s13 =	simm.s32 @!p1 $0x0;
	s11 =	sxor.u32 @!p1 $0x800, s9  }
0x33: {  	[tilespmem:s11], [sflag:$0x6] =	stream.linear.gather @!p1 [hbm4b:s18+s13], $0x800, $0x38;
	[tilespmem:$0x1F800] =	vst v63  }
0x34: {  	s9 =	sxor.u32 @!p1 $0x1800, s9  }
0x35: {  	[tilespmem:s9], [sflag:$0x6] =	stream.linear.gather @!p1 [hbm4b:s17+s13], $0x800, $0x38;
	[tilespmem:$0x1F800] =	vst v63  }
0x36: {  	s9 =	sshll.u32 s6, $0xB  }
0x37: {  	[tilespmem:s26], [sflag:$0x1] =	stream.indirect.gather [hbm4b:s16+s24], $0x40, s9, s24, $0xb8;
	[tilespmem:$0x1F800] =	vst v63  }
0x38: {  	_ =	swait.ge [sflag:s28], $0x2000  }
0x39: {  	[sflag:s28] =	ssyncset.done $0x0  }
0x3a: {  	s6 =	sor.u32 $0x1000, s9;
	[sflag:s28] =	ssyncadd.s32 $0xFFFFE000  }
0x3b: {  	[spmem:s2] =	stream.indirect.scatter.add.f32 [tilespmem:s26], [sflag:$0x3], $0x40, s6, s24, $0xb8;
	[tilespmem:$0x1F800] =	vst v63  }
0x3c: {  	s14 =	simm.s32 @p0 $0x4000;
	s13 =	simm.s32 @p0 $0x80;
	s11 =	sadd.s32 @p0 $0x80, s9  }
0x3d: {  	[tilespmem:s14], [sflag:$0x2] =	stream.indirect.gather @p0 [hbm4b:s7+s13], $0x40, s11, s13, $0xb8;
	[tilespmem:$0x1F800] =	vst v63  }
0x3e: {  	s11 =	simm.s32 @p0 $0x2  }
0x3f: {  	_ =	swait.ge @p0 [sflag:s11], $0x2000  }
0x40: {  	[sflag:s11] =	ssyncset.done @p0 $0x0  }
0x41: {  	[sflag:s11] =	ssyncadd.s32 @p0 $0xFFFFE000;
	s11 =	sadd.s32 @p0 $0x1080, s9  }
0x42: {  	[spmem:s2] =	stream.indirect.scatter.add.f32 @p0 [tilespmem:s14], [sflag:$0x4], $0x40, s11, s13, $0xb8;
	[tilespmem:$0x1F800] =	vst v63  }
0x43: {  	s11 =	simm.s32 @!p0 $0x80  }
0x44: {  	[spmem:s4] =	stream.indirect.scatter.add.f32 @!p0 [tilespmem:s1], [sflag:$0x5], $0x10, s6, s11, $0xb8;
	[tilespmem:$0x1F800] =	vst v63  }
0x45: {  	s13 =	simm.s32 @!p0 $0x4000;
	s6 =	sadd.s32 @!p0 $0x80, s9  }
0x46: {  	[tilespmem:s13], [sflag:$0x2] =	stream.indirect.gather @!p0 [hbm4b:s12+s11], $0x40, s6, s11, $0xb8;
	[tilespmem:$0x1F800] =	vst v63  }
0x47: {  	s6 =	simm.s32 @!p0 $0x2  }
0x48: {  	_ =	swait.ge @!p0 [sflag:s6], $0x2000  }
0x49: {  	[sflag:s6] =	ssyncset.done @!p0 $0x0  }
0x4a: {  	[sflag:s6] =	ssyncadd.s32 @!p0 $0xFFFFE000;
	s6 =	sadd.s32 @!p0 $0x1080, s9  }
0x4b: {  	[spmem:s2] =	stream.indirect.scatter.add.f32 @!p0 [tilespmem:s13], [sflag:$0x4], $0x40, s6, s11, $0xb8;
	[tilespmem:$0x1F800] =	vst v63  }
0x4c: {  	_ = 	snop  }
0x4d: {  	[spmem:s4] =	stream.indirect.scatter.add.f32 @!p0 [tilespmem:s1], [sflag:$0x5], $0x10, s6, s11, $0xb8;
	[tilespmem:$0x1F800] =	vst v63  }
0x4e: {  	_ =	swait.ge [sflag:s29], $0x2000  }
0x4f: {  	s6 =	smov.u32 s12;
	[sflag:s29] =	ssyncset.done $0x0  }
0x50: {  	s14 =	sadd.s32 $0x100, s9;
	s6 =	smov.u32 @p0 s7;
	[sflag:s29] =	ssyncadd.s32 $0xFFFFE000  }
0x51: {  	[tilespmem:s26], [sflag:$0x1] =	stream.indirect.gather [hbm4b:s6+s24], $0x40, s14, s24, $0xb8;
	[tilespmem:$0x1F800] =	vst v63  }
0x52: {  	_ =	swait.ge [sflag:s28], $0x2000  }
0x53: {  	[sflag:s28] =	ssyncset.done $0x0  }
0x54: {  	s13 =	sadd.s32 $0x1100, s9;
	[sflag:s28] =	ssyncadd.s32 $0xFFFFE000  }
0x55: {  	[spmem:s2] =	stream.indirect.scatter.add.f32 [tilespmem:s26], [sflag:$0x3], $0x40, s13, s24, $0xb8;
	[tilespmem:$0x1F800] =	vst v63  }
0x56: {  	_ = 	snop  }
0x57: {  	[spmem:s4] =	stream.indirect.scatter.add.f32 @!p0 [tilespmem:s1], [sflag:$0x5], $0x10, s13, s11, $0xb8;
	[tilespmem:$0x1F800] =	vst v63  }
0x58: {  	_ =	swait.ge [sflag:s30], $0x2000  }
0x59: {  	[sflag:s30] =	ssyncset.done $0x0  }
0x5a: {  	s14 =	sadd.s32 $0x180, s9;
	[sflag:s30] =	ssyncadd.s32 $0xFFFFE000  }
0x5b: {  	[tilespmem:s31], [sflag:$0x2] =	stream.indirect.gather [hbm4b:s6+s24], $0x40, s14, s24, $0xb8;
	[tilespmem:$0x1F800] =	vst v63  }
0x5c: {  	_ =	swait.ge [sflag:s0], $0x2000  }
0x5d: {  	[sflag:s0] =	ssyncset.done $0x0  }
0x5e: {  	s13 =	sadd.s32 $0x1180, s9;
	[sflag:s0] =	ssyncadd.s32 $0xFFFFE000  }
0x5f: {  	[spmem:s2] =	stream.indirect.scatter.add.f32 [tilespmem:s31], [sflag:$0x4], $0x40, s13, s24, $0xb8;
	[tilespmem:$0x1F800] =	vst v63  }
0x60: {  	_ = 	snop  }
0x61: {  	[spmem:s4] =	stream.indirect.scatter.add.f32 @!p0 [tilespmem:s1], [sflag:$0x5], $0x10, s13, s11, $0xb8;
	[tilespmem:$0x1F800] =	vst v63  }
0x62: {  	_ =	swait.ge [sflag:s29], $0x2000  }
0x63: {  	[sflag:s29] =	ssyncset.done $0x0  }
0x64: {  	s14 =	sadd.s32 $0x200, s9;
	[sflag:s29] =	ssyncadd.s32 $0xFFFFE000  }
0x65: {  	[tilespmem:s26], [sflag:$0x1] =	stream.indirect.gather [hbm4b:s6+s24], $0x40, s14, s24, $0xb8;
	[tilespmem:$0x1F800] =	vst v63  }
0x66: {  	_ =	swait.ge [sflag:s28], $0x2000  }
0x67: {  	[sflag:s28] =	ssyncset.done $0x0  }
0x68: {  	s13 =	sadd.s32 $0x1200, s9;
	[sflag:s28] =	ssyncadd.s32 $0xFFFFE000  }
0x69: {  	[spmem:s2] =	stream.indirect.scatter.add.f32 [tilespmem:s26], [sflag:$0x3], $0x40, s13, s24, $0xb8;
	[tilespmem:$0x1F800] =	vst v63  }
0x6a: {  	_ = 	snop  }
0x6b: {  	[spmem:s4] =	stream.indirect.scatter.add.f32 @!p0 [tilespmem:s1], [sflag:$0x5], $0x10, s13, s11, $0xb8;
	[tilespmem:$0x1F800] =	vst v63  }
0x6c: {  	_ =	swait.ge [sflag:s30], $0x2000  }
0x6d: {  	[sflag:s30] =	ssyncset.done $0x0  }
0x6e: {  	s14 =	sadd.s32 $0x280, s9;
	[sflag:s30] =	ssyncadd.s32 $0xFFFFE000  }
0x6f: {  	[tilespmem:s31], [sflag:$0x2] =	stream.indirect.gather [hbm4b:s6+s24], $0x40, s14, s24, $0xb8;
	[tilespmem:$0x1F800] =	vst v63  }
0x70: {  	_ =	swait.ge [sflag:s0], $0x2000  }
0x71: {  	[sflag:s0] =	ssyncset.done $0x0  }
0x72: {  	s13 =	sadd.s32 $0x1280, s9;
	[sflag:s0] =	ssyncadd.s32 $0xFFFFE000  }
0x73: {  	[spmem:s2] =	stream.indirect.scatter.add.f32 [tilespmem:s31], [sflag:$0x4], $0x40, s13, s24, $0xb8;
	[tilespmem:$0x1F800] =	vst v63  }
0x74: {  	_ = 	snop  }
0x75: {  	[spmem:s4] =	stream.indirect.scatter.add.f32 @!p0 [tilespmem:s1], [sflag:$0x5], $0x10, s13, s11, $0xb8;
	[tilespmem:$0x1F800] =	vst v63  }
0x76: {  	_ =	swait.ge [sflag:s29], $0x2000  }
0x77: {  	[sflag:s29] =	ssyncset.done $0x0  }
0x78: {  	s14 =	sadd.s32 $0x300, s9;
	[sflag:s29] =	ssyncadd.s32 $0xFFFFE000  }
0x79: {  	[tilespmem:s26], [sflag:$0x1] =	stream.indirect.gather [hbm4b:s6+s24], $0x40, s14, s24, $0xb8;
	[tilespmem:$0x1F800] =	vst v63  }
0x7a: {  	_ =	swait.ge [sflag:s28], $0x2000  }
0x7b: {  	[sflag:s28] =	ssyncset.done $0x0  }
0x7c: {  	s13 =	sadd.s32 $0x1300, s9;
	[sflag:s28] =	ssyncadd.s32 $0xFFFFE000  }
0x7d: {  	[spmem:s2] =	stream.indirect.scatter.add.f32 [tilespmem:s26], [sflag:$0x3], $0x40, s13, s24, $0xb8;
	[tilespmem:$0x1F800] =	vst v63  }
0x7e: {  	_ = 	snop  }
0x7f: {  	[spmem:s4] =	stream.indirect.scatter.add.f32 @!p0 [tilespmem:s1], [sflag:$0x5], $0x10, s13, s11, $0xb8;
	[tilespmem:$0x1F800] =	vst v63  }
0x80: {  	_ =	swait.ge [sflag:s30], $0x2000  }
0x81: {  	[sflag:s30] =	ssyncset.done $0x0  }
0x82: {  	s14 =	sadd.s32 $0x380, s9;
	[sflag:s30] =	ssyncadd.s32 $0xFFFFE000  }
0x83: {  	[tilespmem:s31], [sflag:$0x2] =	stream.indirect.gather [hbm4b:s6+s24], $0x40, s14, s24, $0xb8;
	[tilespmem:$0x1F800] =	vst v63  }
0x84: {  	_ =	swait.ge [sflag:s0], $0x2000  }
0x85: {  	[sflag:s0] =	ssyncset.done $0x0  }
0x86: {  	s13 =	sadd.s32 $0x1380, s9;
	[sflag:s0] =	ssyncadd.s32 $0xFFFFE000  }
0x87: {  	[spmem:s2] =	stream.indirect.scatter.add.f32 [tilespmem:s31], [sflag:$0x4], $0x40, s13, s24, $0xb8;
	[tilespmem:$0x1F800] =	vst v63  }
0x88: {  	_ = 	snop  }
0x89: {  	[spmem:s4] =	stream.indirect.scatter.add.f32 @!p0 [tilespmem:s1], [sflag:$0x5], $0x10, s13, s11, $0xb8;
	[tilespmem:$0x1F800] =	vst v63  }
0x8a: {  	_ =	swait.ge [sflag:s29], $0x2000  }
0x8b: {  	[sflag:s29] =	ssyncset.done $0x0  }
0x8c: {  	s14 =	sadd.s32 $0x400, s9;
	[sflag:s29] =	ssyncadd.s32 $0xFFFFE000  }
0x8d: {  	[tilespmem:s26], [sflag:$0x1] =	stream.indirect.gather [hbm4b:s6+s24], $0x40, s14, s24, $0xb8;
	[tilespmem:$0x1F800] =	vst v63  }
0x8e: {  	_ =	swait.ge [sflag:s28], $0x2000  }
0x8f: {  	[sflag:s28] =	ssyncset.done $0x0  }
0x90: {  	s13 =	sadd.s32 $0x1400, s9;
	[sflag:s28] =	ssyncadd.s32 $0xFFFFE000  }
0x91: {  	[spmem:s2] =	stream.indirect.scatter.add.f32 [tilespmem:s26], [sflag:$0x3], $0x40, s13, s24, $0xb8;
	[tilespmem:$0x1F800] =	vst v63  }
0x92: {  	_ = 	snop  }
0x93: {  	[spmem:s4] =	stream.indirect.scatter.add.f32 @!p0 [tilespmem:s1], [sflag:$0x5], $0x10, s13, s11, $0xb8;
	[tilespmem:$0x1F800] =	vst v63  }
0x94: {  	_ =	swait.ge [sflag:s30], $0x2000  }
0x95: {  	[sflag:s30] =	ssyncset.done $0x0  }
0x96: {  	s14 =	sadd.s32 $0x480, s9;
	[sflag:s30] =	ssyncadd.s32 $0xFFFFE000  }
0x97: {  	[tilespmem:s31], [sflag:$0x2] =	stream.indirect.gather [hbm4b:s6+s24], $0x40, s14, s24, $0xb8;
	[tilespmem:$0x1F800] =	vst v63  }
0x98: {  	_ =	swait.ge [sflag:s0], $0x2000  }
0x99: {  	[sflag:s0] =	ssyncset.done $0x0  }
0x9a: {  	s13 =	sadd.s32 $0x1480, s9;
	[sflag:s0] =	ssyncadd.s32 $0xFFFFE000  }
0x9b: {  	[spmem:s2] =	stream.indirect.scatter.add.f32 [tilespmem:s31], [sflag:$0x4], $0x40, s13, s24, $0xb8;
	[tilespmem:$0x1F800] =	vst v63  }
0x9c: {  	_ = 	snop  }
0x9d: {  	[spmem:s4] =	stream.indirect.scatter.add.f32 @!p0 [tilespmem:s1], [sflag:$0x5], $0x10, s13, s11, $0xb8;
	[tilespmem:$0x1F800] =	vst v63  }
0x9e: {  	_ =	swait.ge [sflag:s29], $0x2000  }
0x9f: {  	[sflag:s29] =	ssyncset.done $0x0  }
0xa0: {  	s14 =	sadd.s32 $0x500, s9;
	[sflag:s29] =	ssyncadd.s32 $0xFFFFE000  }
0xa1: {  	[tilespmem:s26], [sflag:$0x1] =	stream.indirect.gather [hbm4b:s6+s24], $0x40, s14, s24, $0xb8;
	[tilespmem:$0x1F800] =	vst v63  }
0xa2: {  	_ =	swait.ge [sflag:s28], $0x2000  }
0xa3: {  	[sflag:s28] =	ssyncset.done $0x0  }
0xa4: {  	s13 =	sadd.s32 $0x1500, s9;
	[sflag:s28] =	ssyncadd.s32 $0xFFFFE000  }
0xa5: {  	[spmem:s2] =	stream.indirect.scatter.add.f32 [tilespmem:s26], [sflag:$0x3], $0x40, s13, s24, $0xb8;
	[tilespmem:$0x1F800] =	vst v63  }
0xa6: {  	_ = 	snop  }
0xa7: {  	[spmem:s4] =	stream.indirect.scatter.add.f32 @!p0 [tilespmem:s1], [sflag:$0x5], $0x10, s13, s11, $0xb8;
	[tilespmem:$0x1F800] =	vst v63  }
0xa8: {  	_ =	swait.ge [sflag:s30], $0x2000  }
0xa9: {  	[sflag:s30] =	ssyncset.done $0x0  }
0xaa: {  	s14 =	sadd.s32 $0x580, s9;
	[sflag:s30] =	ssyncadd.s32 $0xFFFFE000  }
0xab: {  	[tilespmem:s31], [sflag:$0x2] =	stream.indirect.gather [hbm4b:s6+s24], $0x40, s14, s24, $0xb8;
	[tilespmem:$0x1F800] =	vst v63  }
0xac: {  	_ =	swait.ge [sflag:s0], $0x2000  }
0xad: {  	[sflag:s0] =	ssyncset.done $0x0  }
0xae: {  	s13 =	sadd.s32 $0x1580, s9;
	[sflag:s0] =	ssyncadd.s32 $0xFFFFE000  }
0xaf: {  	[spmem:s2] =	stream.indirect.scatter.add.f32 [tilespmem:s31], [sflag:$0x4], $0x40, s13, s24, $0xb8;
	[tilespmem:$0x1F800] =	vst v63  }
0xb0: {  	_ = 	snop  }
0xb1: {  	[spmem:s4] =	stream.indirect.scatter.add.f32 @!p0 [tilespmem:s1], [sflag:$0x5], $0x10, s13, s11, $0xb8;
	[tilespmem:$0x1F800] =	vst v63  }
0xb2: {  	_ =	swait.ge [sflag:s29], $0x2000  }
0xb3: {  	[sflag:s29] =	ssyncset.done $0x0  }
0xb4: {  	s14 =	sadd.s32 $0x600, s9;
	[sflag:s29] =	ssyncadd.s32 $0xFFFFE000  }
0xb5: {  	[tilespmem:s26], [sflag:$0x1] =	stream.indirect.gather [hbm4b:s6+s24], $0x40, s14, s24, $0xb8;
	[tilespmem:$0x1F800] =	vst v63  }
0xb6: {  	_ =	swait.ge [sflag:s28], $0x2000  }
0xb7: {  	[sflag:s28] =	ssyncset.done $0x0  }
0xb8: {  	s13 =	sadd.s32 $0x1600, s9;
	[sflag:s28] =	ssyncadd.s32 $0xFFFFE000  }
0xb9: {  	[spmem:s2] =	stream.indirect.scatter.add.f32 [tilespmem:s26], [sflag:$0x3], $0x40, s13, s24, $0xb8;
	[tilespmem:$0x1F800] =	vst v63  }
0xba: {  	_ = 	snop  }
0xbb: {  	[spmem:s4] =	stream.indirect.scatter.add.f32 @!p0 [tilespmem:s1], [sflag:$0x5], $0x10, s13, s11, $0xb8;
	[tilespmem:$0x1F800] =	vst v63  }
0xbc: {  	_ =	swait.ge [sflag:s30], $0x2000  }
0xbd: {  	[sflag:s30] =	ssyncset.done $0x0  }
0xbe: {  	s14 =	sadd.s32 $0x680, s9;
	[sflag:s30] =	ssyncadd.s32 $0xFFFFE000  }
0xbf: {  	[tilespmem:s31], [sflag:$0x2] =	stream.indirect.gather [hbm4b:s6+s24], $0x40, s14, s24, $0xb8;
	[tilespmem:$0x1F800] =	vst v63  }
0xc0: {  	_ =	swait.ge [sflag:s0], $0x2000  }
0xc1: {  	[sflag:s0] =	ssyncset.done $0x0  }
0xc2: {  	s13 =	sadd.s32 $0x1680, s9;
	[sflag:s0] =	ssyncadd.s32 $0xFFFFE000  }
0xc3: {  	[spmem:s2] =	stream.indirect.scatter.add.f32 [tilespmem:s31], [sflag:$0x4], $0x40, s13, s24, $0xb8;
	[tilespmem:$0x1F800] =	vst v63  }
0xc4: {  	_ = 	snop  }
0xc5: {  	[spmem:s4] =	stream.indirect.scatter.add.f32 @!p0 [tilespmem:s1], [sflag:$0x5], $0x10, s13, s11, $0xb8;
	[tilespmem:$0x1F800] =	vst v63  }
0xc6: {  	_ =	swait.ge [sflag:s29], $0x2000  }
0xc7: {  	[sflag:s29] =	ssyncset.done $0x0  }
0xc8: {  	s14 =	sadd.s32 $0x700, s9;
	[sflag:s29] =	ssyncadd.s32 $0xFFFFE000  }
0xc9: {  	[tilespmem:s26], [sflag:$0x1] =	stream.indirect.gather [hbm4b:s6+s24], $0x40, s14, s24, $0xb8;
	[tilespmem:$0x1F800] =	vst v63  }
0xca: {  	_ =	swait.ge [sflag:s28], $0x2000  }
0xcb: {  	[sflag:s28] =	ssyncset.done $0x0  }
0xcc: {  	s13 =	sadd.s32 $0x1700, s9;
	[sflag:s28] =	ssyncadd.s32 $0xFFFFE000  }
0xcd: {  	[spmem:s2] =	stream.indirect.scatter.add.f32 [tilespmem:s26], [sflag:$0x3], $0x40, s13, s24, $0xb8;
	[tilespmem:$0x1F800] =	vst v63  }
0xce: {  	_ = 	snop  }
0xcf: {  	[spmem:s4] =	stream.indirect.scatter.add.f32 @!p0 [tilespmem:s1], [sflag:$0x5], $0x10, s13, s11, $0xb8;
	[tilespmem:$0x1F800] =	vst v63  }
0xd0: {  	_ =	swait.ge [sflag:s30], $0x2000  }
0xd1: {  	[sflag:s30] =	ssyncset.done $0x0  }
0xd2: {  	s14 =	sadd.s32 $0x780, s9;
	[sflag:s30] =	ssyncadd.s32 $0xFFFFE000  }
0xd3: {  	[tilespmem:s31], [sflag:$0x2] =	stream.indirect.gather [hbm4b:s6+s24], $0x40, s14, s24, $0xb8;
	[tilespmem:$0x1F800] =	vst v63  }
0xd4: {  	_ =	swait.ge [sflag:s0], $0x2000  }
0xd5: {  	[sflag:s0] =	ssyncset.done $0x0  }
0xd6: {  	s6 =	sadd.s32 $0x1780, s9;
	s9 =	simm.s32 @p0 $0x3;
	[sflag:s0] =	ssyncadd.s32 $0xFFFFE000  }
0xd7: {  	[spmem:s2] =	stream.indirect.scatter.add.f32 [tilespmem:s31], [sflag:$0x4], $0x40, s6, s24, $0xb8;
	[tilespmem:$0x1F800] =	vst v63  }
0xd8: {  	_ =	swait.ge @p0 [sflag:s9], $0x2000  }
0xd9: {  	[sflag:s9] =	ssyncset.done @p0 $0x0  }
0xda: {  	[sflag:s9] =	ssyncadd.s32 @p0 $0xFFFFE000;
	s9 =	simm.s32 @p0 $0x4  }
0xdb: {  	_ =	swait.ge @p0 [sflag:s9], $0x2000  }
0xdc: {  	[sflag:s9] =	ssyncset.done @p0 $0x0  }
0xdd: {  	[sflag:s9] =	ssyncadd.s32 @p0 $0xFFFFE000  }
0xde: {  	[spmem:s4] =	stream.indirect.scatter.add.f32 @!p0 [tilespmem:s1], [sflag:$0x5], $0x10, s6, s11, $0xb8;
	[tilespmem:$0x1F800] =	vst v63  }
0xdf: {  	s6 =	simm.s32 @!p0 $0x3  }
0xe0: {  	_ =	swait.ge @!p0 [sflag:s6], $0x2000  }
0xe1: {  	[sflag:s6] =	ssyncset.done @!p0 $0x0  }
0xe2: {  	[sflag:s6] =	ssyncadd.s32 @!p0 $0xFFFFE000;
	s6 =	simm.s32 @!p0 $0x4  }
0xe3: {  	_ =	swait.ge @!p0 [sflag:s6], $0x2000  }
0xe4: {  	[sflag:s6] =	ssyncset.done @!p0 $0x0  }
0xe5: {  	[sflag:s6] =	ssyncadd.s32 @!p0 $0xFFFFE000;
	s6 =	simm.s32 @!p0 $0x5  }
0xe6: {  	_ =	swait.ge @!p0 [sflag:s6], $0x800  }
0xe7: {  	[sflag:s6] =	ssyncset.done @!p0 $0x0  }
0xe8: {  	[sflag:s6] =	ssyncadd.s32 @!p0 $0xFFFFF800  }
0xe9: {  	_ =	swait.ge @!p0 [sflag:s6], $0x800  }
0xea: {  	[sflag:s6] =	ssyncset.done @!p0 $0x0  }
0xeb: {  	[sflag:s6] =	ssyncadd.s32 @!p0 $0xFFFFF800  }
0xec: {  	_ =	swait.ge @!p0 [sflag:s6], $0x800  }
0xed: {  	[sflag:s6] =	ssyncset.done @!p0 $0x0  }
0xee: {  	[sflag:s6] =	ssyncadd.s32 @!p0 $0xFFFFF800  }
0xef: {  	_ =	swait.ge @!p0 [sflag:s6], $0x800  }
0xf0: {  	[sflag:s6] =	ssyncset.done @!p0 $0x0  }
0xf1: {  	[sflag:s6] =	ssyncadd.s32 @!p0 $0xFFFFF800  }
0xf2: {  	_ =	swait.ge @!p0 [sflag:s6], $0x800  }
0xf3: {  	[sflag:s6] =	ssyncset.done @!p0 $0x0  }
0xf4: {  	[sflag:s6] =	ssyncadd.s32 @!p0 $0xFFFFF800  }
0xf5: {  	_ =	swait.ge @!p0 [sflag:s6], $0x800  }
0xf6: {  	[sflag:s6] =	ssyncset.done @!p0 $0x0  }
0xf7: {  	[sflag:s6] =	ssyncadd.s32 @!p0 $0xFFFFF800  }
0xf8: {  	_ =	swait.ge @!p0 [sflag:s6], $0x800  }
0xf9: {  	[sflag:s6] =	ssyncset.done @!p0 $0x0  }
0xfa: {  	[sflag:s6] =	ssyncadd.s32 @!p0 $0xFFFFF800  }
0xfb: {  	_ =	swait.ge @!p0 [sflag:s6], $0x800  }
0xfc: {  	[sflag:s6] =	ssyncset.done @!p0 $0x0  }
0xfd: {  	[sflag:s6] =	ssyncadd.s32 @!p0 $0xFFFFF800  }
0xfe: {  	_ =	swait.ge @!p0 [sflag:s6], $0x800  }
0xff: {  	[sflag:s6] =	ssyncset.done @!p0 $0x0  }
0x100: {  	[sflag:s6] =	ssyncadd.s32 @!p0 $0xFFFFF800  }
0x101: {  	_ =	swait.ge @!p0 [sflag:s6], $0x800  }
0x102: {  	[sflag:s6] =	ssyncset.done @!p0 $0x0  }
0x103: {  	[sflag:s6] =	ssyncadd.s32 @!p0 $0xFFFFF800  }
0x104: {  	_ =	swait.ge @!p0 [sflag:s6], $0x800  }
0x105: {  	[sflag:s6] =	ssyncset.done @!p0 $0x0  }
0x106: {  	[sflag:s6] =	ssyncadd.s32 @!p0 $0xFFFFF800  }
0x107: {  	_ =	swait.ge @!p0 [sflag:s6], $0x800  }
0x108: {  	[sflag:s6] =	ssyncset.done @!p0 $0x0  }
0x109: {  	[sflag:s6] =	ssyncadd.s32 @!p0 $0xFFFFF800  }
0x10a: {  	_ =	swait.ge @!p0 [sflag:s6], $0x800  }
0x10b: {  	[sflag:s6] =	ssyncset.done @!p0 $0x0  }
0x10c: {  	[sflag:s6] =	ssyncadd.s32 @!p0 $0xFFFFF800  }
0x10d: {  	_ =	swait.ge @!p0 [sflag:s6], $0x800  }
0x10e: {  	[sflag:s6] =	ssyncset.done @!p0 $0x0  }
0x10f: {  	[sflag:s6] =	ssyncadd.s32 @!p0 $0xFFFFF800  }
0x110: {  	_ =	swait.ge @!p0 [sflag:s6], $0x800  }
0x111: {  	[sflag:s6] =	ssyncset.done @!p0 $0x0  }
0x112: {  	[sflag:s6] =	ssyncadd.s32 @!p0 $0xFFFFF800  }
0x113: {  	_ =	swait.ge @!p0 [sflag:s6], $0x800  }
0x114: {  	s8 =	sadd.s32 $0x1, s8;
	[sflag:s6] =	ssyncset.done @!p0 $0x0  }
0x115: {  	p2 =	sne.s32 @!p1 s8, $0xA;
	[sflag:s6] =	ssyncadd.s32 @!p0 $0xFFFFF800;
	s6 =	simm.s32 @!p1 $0x6  }
0x116: {  	p2 =	por p1, !p2;
	_ =	swait.ge @!p1 [sflag:s6], $0x800  }
.Ltmp0:
0x117: {  	[sflag:s6] =	ssyncset.done @!p1 $0x0;
	(pc) =	sbr.rel @!p2 .LBB2_2-.Ltmp0, $4  }
0x118: {  	[sflag:s6] =	ssyncadd.s32 @!p1 $0xFFFFF800  }
0x119: {  	_ =	swait.ge @!p1 [sflag:s6], $0x800  }
0x11a: {  	[sflag:s6] =	ssyncset.done @!p1 $0x0  }
0x11b: {  	s18 =	sadd.s32 @!p1 $0x100, s18;
	s17 =	sadd.s32 @!p1 $0x100, s17;
	[sflag:s6] =	ssyncadd.s32 @!p1 $0xFFFFF800  }
0x11c: {  	[bflag:$0x0] =	sbarrier.arrive $0xFFFF  }
0x11d: {  	s1 =	rddreg [dreg:$0x9]  }
0x11e: {  	[hbm:s1], [sflag:s10] =	dma.local [spmem:s19], $0x2800  }
0x11f: {  	_ =	swait.ge [sflag:s20], $0x2800  }
0x120: {  	s3 =	sadd.s32 $0x1, s3;
	[sflag:s20] =	ssyncset.done $0x0  }
0x121: {  	p1 =	sne.s32 s3, s15;
	s1 =	rddreg [dreg:$0xa];
	[sflag:s20] =	ssyncadd.s32 $0xFFFFD800  }
0x122: {  	[hbm:s1], [sflag:s10] =	dma.local @!p0 [spmem:s25], $0xA00  }
.Ltmp1:
0x123: {  	_ = 	snop;
	(pc) =	sbr.rel @p1 .LBB2_1-.Ltmp1, $4  }
0x124: {  	s1 =	simm.s32 @!p0 $0x7  }
0x125: {  	_ =	swait.ge @!p0 [sflag:s1], $0xA00  }
0x126: {  	[sflag:s1] =	ssyncset.done @!p0 $0x0  }
0x127: {  	[sflag:s1] =	ssyncadd.s32 @!p0 $0xFFFFF600  }
0x128: {  	_ =	sfence.sel $0x180000  }
0x129: {  	[bflag:$0x0] =	sbarrier.arrive $0xFFFF  }
0x12a: {  	_ =	strace $0x90000047  }
0x12b: {  	s0 =	stileid.u32;
	[bflag:$0x2] =	sbarrier.arrive $0xFFFF  }
0x12c: {  	p0 =	sne.s32 s0, $0x0;
	s0 =	rddreg [dreg:$0x4]  }
0x12d: {  	s0 =	sadd.s32 @!p0 $0x100000, s0  }
0x12e: {  	[sflag:s0] =	ssyncadd.tile.s32 @!p0 $0x1;
	_ =	shalt  }
.Lfunc_end2:
_tile_overlayer_lowered:
.L_overlay_start_2:
0x12f: {  	(tag) =	ssettag $0x2  }
0x130: {  	s0 =	rddreg [dreg:$0x0];
	s2 =	stileid.u32  }
0x131: {  	s1 =	rddreg [dreg:$0x1];
	p0 =	sne.s32 s2, $0x0  }
0x132: {  	s3 =	rddreg [dreg:$0x2];
	[bflag:$0x3] =	sbarrier.arrive $0xFFFF;
	s2 =	simm.s32 @!p0 $0x1C07  }
0x133: {  	[timem:s3], [sflag:s2] =	dma.local @!p0 [hbm:s0], s1  }
0x134: {  	s0 =	simm.s32 @!p0 $0x7  }
0x135: {  	_ =	swait.ge @!p0 [sflag:s0], s1  }
0x136: {  	s1 =	ssub.s32 @!p0 $0x0, s1;
	[sflag:s0] =	ssyncset.done @!p0 $0x0  }
0x137: {  	[sflag:s0] =	ssyncadd.s32 @!p0 s1  }
0x138: {  	[bflag:$0x3] =	sbarrier.arrive $0xFFFF  }
0x139: {  	_ =	shalt  }

</sc_bundles>
